<compile_context>
chip_gen: v7x
topology: tpu7x:2x2x1
jax: 0.10.2.dev20260603
libtpu: 0.0.44.dev20260713+nightly
codegen_flags: <defaults>
</compile_context>

<pallas_src>
import jax
import jax.numpy as jnp
from jax import lax
from jax.experimental import pallas as pl
from jax.experimental.pallas import tpu as pltpu
from jax.experimental.pallas import tpu_sc as plsc

VOCAB = 1000000
B = 16384
M = 100

NC = 2
NS = 16
NW = NC * NS
BPW = B // NW
TBL_PAD = VOCAB + 16
CHUNK = 62504
CM = 10
NCHUNK = M // CM
CW = CM * BPW
SR = CW


def _sc_kernel(idx_hbm, w_hbm, out_hbm, idx_a, idx_b, vals_a, vals_b,
               out_v, zrow_v, table_sh, isem, gsem):
    c = lax.axis_index("c")
    s = lax.axis_index("s")
    wid = c * NS + s
    b0 = wid * BPW

    ibufs = (idx_a, idx_b)
    vbufs = (vals_a, vals_b)

    def stage_idx(k, buf):
        return [
            pltpu.async_copy(
                idx_hbm.at[pl.ds((k * CM + i) * B + b0, BPW)],
                buf.at[pl.ds(i * BPW, BPW)], isem)
            for i in range(CM)
        ]

    descs = {0: stage_idx(0, idx_a)}

    base = s * CHUNK

    @pl.when(s < NS - 1)
    def _():
        for off in range(0, CHUNK, SR):
            n = min(SR, CHUNK - off)
            pltpu.sync_copy(w_hbm.at[pl.ds(base + off, n)],
                            vals_a.at[pl.ds(0, n)])
            pltpu.sync_copy(vals_a.at[pl.ds(0, n)],
                            table_sh.at[pl.ds(base + off, n)])

    @pl.when(s == NS - 1)
    def _():
        last = (NS - 1) * CHUNK
        rem = VOCAB - last
        for off in range(0, rem, SR):
            n = min(SR, rem - off)
            pltpu.sync_copy(w_hbm.at[pl.ds(last + off, n)],
                            vals_a.at[pl.ds(0, n)])
            pltpu.sync_copy(vals_a.at[pl.ds(0, n)],
                            table_sh.at[pl.ds(last + off, n)])

    @pl.when(s == 0)
    def _():
        zrow_v[...] = jnp.zeros((16,), jnp.float32)
        pltpu.sync_copy(zrow_v, table_sh.at[pl.ds(VOCAB, 16)])

    plsc.subcore_barrier()

    def gather(k):
        return pltpu.async_copy(
            table_sh.at[ibufs[k % 2]], vbufs[k % 2], gsem)

    for d in descs[0]:
        d.wait()
    cps = {0: gather(0)}
    descs[1] = stage_idx(1, idx_b)

    for k in range(NCHUNK):
        buf = vbufs[k % 2]
        cps[k].wait()
        if k + 1 < NCHUNK:
            for d in descs[k + 1]:
                d.wait()
            cps[k + 1] = gather(k + 1)
            if k + 2 < NCHUNK:
                descs[k + 2] = stage_idx(k + 2, ibufs[k % 2])

        def body(g, _):
            gbase = pl.multiple_of(g * 16, 16)
            acc = buf[pl.ds(gbase, 16)]
            for mi in range(1, CM):
                acc = acc + buf[pl.ds(mi * BPW + gbase, 16)]
            if k == 0:
                out_v[pl.ds(gbase, 16)] = acc
            else:
                out_v[pl.ds(gbase, 16)] = out_v[pl.ds(gbase, 16)] + acc
            return 0

        lax.fori_loop(0, BPW // 16, body, 0)

    pltpu.sync_copy(out_v, out_hbm.at[pl.ds(b0, BPW)])


@jax.jit
def kernel(inputs, W):
    idx_mm = inputs.T.reshape(M * B)
    w_flat = jnp.pad(W, ((0, 447), (0, 0))).reshape(7816, 128).reshape(1000448)

    run = pl.kernel(
        _sc_kernel,
        out_type=jax.ShapeDtypeStruct((B,), jnp.float32),
        mesh=plsc.VectorSubcoreMesh(core_axis_name="c", subcore_axis_name="s",
                                    num_cores=NC, num_subcores=NS),
        scratch_types=[
            pltpu.VMEM((CW,), jnp.int32),
            pltpu.VMEM((CW,), jnp.int32),
            pltpu.VMEM((CW,), jnp.float32),
            pltpu.VMEM((CW,), jnp.float32),
            pltpu.VMEM((BPW,), jnp.float32),
            pltpu.VMEM((16,), jnp.float32),
            pltpu.VMEM_SHARED((TBL_PAD,), jnp.float32),
            pltpu.SemaphoreType.DMA,
            pltpu.SemaphoreType.DMA,
        ],
    )
    out = run(idx_mm, w_flat)
    return out.reshape(B, 1)

# --- scband reference (transcript-rebuilt; emitter-appended) ---
"""Pipeline reference for scband-sparse-linear-38817914421602 (READ-ONLY COPY).

The authoritative reference and input builder live on the scoring server;
editing this copy changes nothing except your own understanding.
"""

import jax, jax.numpy as jnp
import numpy as np

VOCAB = 1000000
B = 16384
M = 100


def setup_inputs(seed: int = 0) -> dict:
    key = jax.random.key(seed)
    k1, k2 = jax.random.split(key)
    # indices in [0, VOCAB]; index == VOCAB acts as the padding/mask id
    inputs = jax.random.randint(k1, (B, M), 0, VOCAB + 1, dtype=jnp.int32)
    # linear weights embedding table: (vocabulary_size + 1, 1)
    W = jax.random.normal(k2, (VOCAB + 1, 1), dtype=jnp.float32) * 0.01
    return {"inputs": inputs, "W": W}


def reference(inputs, W):
    # Embedding lookup: [B, M, 1]
    emb = jnp.take(W, inputs, axis=0)
    # MaskEmbedding(input_dim=VOCAB): outputs 1.0 for valid ids (< VOCAB),
    # 0.0 for the padding id (== VOCAB)
    mask = (inputs < VOCAB).astype(W.dtype)[..., None]
    # Sum of selected linear weights per example: [B, 1]
    return jnp.sum(emb * mask, axis=1)

if __name__ == "__main__":
    import jax
    _d = setup_inputs()
    print(jax.jit(kernel)(*tuple(_d.values())))

</pallas_src>

<mosaic_0001>
#map = affine_map<(d0, d1) -> (0)>
module attributes {stable_mosaic.version = 14 : i64} {
  func.func @_sc_kernel(%arg0: i32, %arg1: i32, %arg2: memref<1638400xi32, #tpu.memory_space<hbm>>, %arg3: memref<1000448xf32, #tpu.memory_space<hbm>>, %arg4: memref<16384xf32, #tpu.memory_space<hbm>>, %arg5: memref<5120xi32, #tpu.memory_space<vmem>>, %arg6: memref<5120xi32, #tpu.memory_space<vmem>>, %arg7: memref<5120xf32, #tpu.memory_space<vmem>>, %arg8: memref<5120xf32, #tpu.memory_space<vmem>>, %arg9: memref<512xf32, #tpu.memory_space<vmem>>, %arg10: memref<16xf32, #tpu.memory_space<vmem>>, %arg11: memref<1000016xf32, #tpu.memory_space<vmem_shared>>, %arg12: memref<!tpu.dma_semaphore, #tpu.memory_space<semaphore_mem>>, %arg13: memref<!tpu.dma_semaphore, #tpu.memory_space<semaphore_mem>>) attributes {dimension_semantics = [#tpu.dimension_semantics<core_parallel>, #tpu.dimension_semantics<subcore_parallel>], iteration_bounds = array<i64: 2, 16>, scalar_prefetch = 0 : i64, scratch_operands = 9 : i64, tpu.core_type = #tpu.core_type<sc_vector_subcore>, window_params = [{transform_indices = #map}, {transform_indices = #map}, {transform_indices = #map}]} {
    %mul3A = arith.constant 16 : i32
    %mul3A_0 = arith.muli %arg0, %mul3A : i32
    %add3A = arith.addi %mul3A_0, %arg1 : i32
    %mul3A_1 = arith.constant 512 : i32
    %mul3A_2 = arith.muli %add3A, %mul3A_1 : i32
    %add3A_3 = arith.constant 0 : i32
    %add3A_4 = arith.addi %add3A_3, %mul3A_2 : i32
    %dma_start3A = arith.constant 0 : i32
    %dma_start3A_5 = tpu.memref_slice %arg5[%dma_start3A] : memref<5120xi32, #tpu.memory_space<vmem>> -> memref<512xi32, #tpu.memory_space<vmem>>
    %dma_start3A_6 = tpu.memref_slice %arg2[%add3A_4] : memref<1638400xi32, #tpu.memory_space<hbm>> -> memref<512xi32, #tpu.memory_space<hbm>>
    %dma_start3A_7 = arith.constant 0 : i32
    %dma_start3A_8 = tpu.memref_slice %arg5[%dma_start3A_7] : memref<5120xi32, #tpu.memory_space<vmem>> -> memref<512xi32, #tpu.memory_space<vmem>>
    %dma_start3A_9 = tpu.memref_slice %arg2[%add3A_4] : memref<1638400xi32, #tpu.memory_space<hbm>> -> memref<512xi32, #tpu.memory_space<hbm>>
    tpu.enqueue_dma source(%dma_start3A_9 : memref<512xi32, #tpu.memory_space<hbm>>) target(%dma_start3A_8 : memref<512xi32, #tpu.memory_space<vmem>>) target_semaphore(%arg12 : memref<!tpu.dma_semaphore, #tpu.memory_space<semaphore_mem>>)
    %add3A_10 = arith.constant 16384 : i32
    %add3A_11 = arith.addi %add3A_10, %mul3A_2 : i32
    %dma_start3A_12 = arith.constant 512 : i32
    %dma_start3A_13 = tpu.memref_slice %arg5[%dma_start3A_12] : memref<5120xi32, #tpu.memory_space<vmem>> -> memref<512xi32, #tpu.memory_space<vmem>>
    %dma_start3A_14 = tpu.memref_slice %arg2[%add3A_11] : memref<1638400xi32, #tpu.memory_space<hbm>> -> memref<512xi32, #tpu.memory_space<hbm>>
    %dma_start3A_15 = arith.constant 512 : i32
    %dma_start3A_16 = tpu.memref_slice %arg5[%dma_start3A_15] : memref<5120xi32, #tpu.memory_space<vmem>> -> memref<512xi32, #tpu.memory_space<vmem>>
    %dma_start3A_17 = tpu.memref_slice %arg2[%add3A_11] : memref<1638400xi32, #tpu.memory_space<hbm>> -> memref<512xi32, #tpu.memory_space<hbm>>
    tpu.enqueue_dma source(%dma_start3A_17 : memref<512xi32, #tpu.memory_space<hbm>>) target(%dma_start3A_16 : memref<512xi32, #tpu.memory_space<vmem>>) target_semaphore(%arg12 : memref<!tpu.dma_semaphore, #tpu.memory_space<semaphore_mem>>)
    %add3A_18 = arith.constant 32768 : i32
    %add3A_19 = arith.addi %add3A_18, %mul3A_2 : i32
    %dma_start3A_20 = arith.constant 1024 : i32
    %dma_start3A_21 = tpu.memref_slice %arg5[%dma_start3A_20] : memref<5120xi32, #tpu.memory_space<vmem>> -> memref<512xi32, #tpu.memory_space<vmem>>
    %dma_start3A_22 = tpu.memref_slice %arg2[%add3A_19] : memref<1638400xi32, #tpu.memory_space<hbm>> -> memref<512xi32, #tpu.memory_space<hbm>>
    %dma_start3A_23 = arith.constant 1024 : i32
    %dma_start3A_24 = tpu.memref_slice %arg5[%dma_start3A_23] : memref<5120xi32, #tpu.memory_space<vmem>> -> memref<512xi32, #tpu.memory_space<vmem>>
    %dma_start3A_25 = tpu.memref_slice %arg2[%add3A_19] : memref<1638400xi32, #tpu.memory_space<hbm>> -> memref<512xi32, #tpu.memory_space<hbm>>
    tpu.enqueue_dma source(%dma_start3A_25 : memref<512xi32, #tpu.memory_space<hbm>>) target(%dma_start3A_24 : memref<512xi32, #tpu.memory_space<vmem>>) target_semaphore(%arg12 : memref<!tpu.dma_semaphore, #tpu.memory_space<semaphore_mem>>)
    %add3A_26 = arith.constant 49152 : i32
    %add3A_27 = arith.addi %add3A_26, %mul3A_2 : i32
    %dma_start3A_28 = arith.constant 1536 : i32
    %dma_start3A_29 = tpu.memref_slice %arg5[%dma_start3A_28] : memref<5120xi32, #tpu.memory_space<vmem>> -> memref<512xi32, #tpu.memory_space<vmem>>
    %dma_start3A_30 = tpu.memref_slice %arg2[%add3A_27] : memref<1638400xi32, #tpu.memory_space<hbm>> -> memref<512xi32, #tpu.memory_space<hbm>>
    %dma_start3A_31 = arith.constant 1536 : i32
    %dma_start3A_32 = tpu.memref_slice %arg5[%dma_start3A_31] : memref<5120xi32, #tpu.memory_space<vmem>> -> memref<512xi32, #tpu.memory_space<vmem>>
    %dma_start3A_33 = tpu.memref_slice %arg2[%add3A_27] : memref<1638400xi32, #tpu.memory_space<hbm>> -> memref<512xi32, #tpu.memory_space<hbm>>
    tpu.enqueue_dma source(%dma_start3A_33 : memref<512xi32, #tpu.memory_space<hbm>>) target(%dma_start3A_32 : memref<512xi32, #tpu.memory_space<vmem>>) target_semaphore(%arg12 : memref<!tpu.dma_semaphore, #tpu.memory_space<semaphore_mem>>)
    %add3A_34 = arith.constant 65536 : i32
    %add3A_35 = arith.addi %add3A_34, %mul3A_2 : i32
    %dma_start3A_36 = arith.constant 2048 : i32
    %dma_start3A_37 = tpu.memref_slice %arg5[%dma_start3A_36] : memref<5120xi32, #tpu.memory_space<vmem>> -> memref<512xi32, #tpu.memory_space<vmem>>
    %dma_start3A_38 = tpu.memref_slice %arg2[%add3A_35] : memref<1638400xi32, #tpu.memory_space<hbm>> -> memref<512xi32, #tpu.memory_space<hbm>>
    %dma_start3A_39 = arith.constant 2048 : i32
    %dma_start3A_40 = tpu.memref_slice %arg5[%dma_start3A_39] : memref<5120xi32, #tpu.memory_space<vmem>> -> memref<512xi32, #tpu.memory_space<vmem>>
    %dma_start3A_41 = tpu.memref_slice %arg2[%add3A_35] : memref<1638400xi32, #tpu.memory_space<hbm>> -> memref<512xi32, #tpu.memory_space<hbm>>
    tpu.enqueue_dma source(%dma_start3A_41 : memref<512xi32, #tpu.memory_space<hbm>>) target(%dma_start3A_40 : memref<512xi32, #tpu.memory_space<vmem>>) target_semaphore(%arg12 : memref<!tpu.dma_semaphore, #tpu.memory_space<semaphore_mem>>)
    %add3A_42 = arith.constant 81920 : i32
    %add3A_43 = arith.addi %add3A_42, %mul3A_2 : i32
    %dma_start3A_44 = arith.constant 2560 : i32
    %dma_start3A_45 = tpu.memref_slice %arg5[%dma_start3A_44] : memref<5120xi32, #tpu.memory_space<vmem>> -> memref<512xi32, #tpu.memory_space<vmem>>
    %dma_start3A_46 = tpu.memref_slice %arg2[%add3A_43] : memref<1638400xi32, #tpu.memory_space<hbm>> -> memref<512xi32, #tpu.memory_space<hbm>>
    %dma_start3A_47 = arith.constant 2560 : i32
    %dma_start3A_48 = tpu.memref_slice %arg5[%dma_start3A_47] : memref<5120xi32, #tpu.memory_space<vmem>> -> memref<512xi32, #tpu.memory_space<vmem>>
    %dma_start3A_49 = tpu.memref_slice %arg2[%add3A_43] : memref<1638400xi32, #tpu.memory_space<hbm>> -> memref<512xi32, #tpu.memory_space<hbm>>
    tpu.enqueue_dma source(%dma_start3A_49 : memref<512xi32, #tpu.memory_space<hbm>>) target(%dma_start3A_48 : memref<512xi32, #tpu.memory_space<vmem>>) target_semaphore(%arg12 : memref<!tpu.dma_semaphore, #tpu.memory_space<semaphore_mem>>)
    %add3A_50 = arith.constant 98304 : i32
    %add3A_51 = arith.addi %add3A_50, %mul3A_2 : i32
    %dma_start3A_52 = arith.constant 3072 : i32
    %dma_start3A_53 = tpu.memref_slice %arg5[%dma_start3A_52] : memref<5120xi32, #tpu.memory_space<vmem>> -> memref<512xi32, #tpu.memory_space<vmem>>
    %dma_start3A_54 = tpu.memref_slice %arg2[%add3A_51] : memref<1638400xi32, #tpu.memory_space<hbm>> -> memref<512xi32, #tpu.memory_space<hbm>>
    %dma_start3A_55 = arith.constant 3072 : i32
    %dma_start3A_56 = tpu.memref_slice %arg5[%dma_start3A_55] : memref<5120xi32, #tpu.memory_space<vmem>> -> memref<512xi32, #tpu.memory_space<vmem>>
    %dma_start3A_57 = tpu.memref_slice %arg2[%add3A_51] : memref<1638400xi32, #tpu.memory_space<hbm>> -> memref<512xi32, #tpu.memory_space<hbm>>
    tpu.enqueue_dma source(%dma_start3A_57 : memref<512xi32, #tpu.memory_space<hbm>>) target(%dma_start3A_56 : memref<512xi32, #tpu.memory_space<vmem>>) target_semaphore(%arg12 : memref<!tpu.dma_semaphore, #tpu.memory_space<semaphore_mem>>)
    %add3A_58 = arith.constant 114688 : i32
    %add3A_59 = arith.addi %add3A_58, %mul3A_2 : i32
    %dma_start3A_60 = arith.constant 3584 : i32
    %dma_start3A_61 = tpu.memref_slice %arg5[%dma_start3A_60] : memref<5120xi32, #tpu.memory_space<vmem>> -> memref<512xi32, #tpu.memory_space<vmem>>
    %dma_start3A_62 = tpu.memref_slice %arg2[%add3A_59] : memref<1638400xi32, #tpu.memory_space<hbm>> -> memref<512xi32, #tpu.memory_space<hbm>>
    %dma_start3A_63 = arith.constant 3584 : i32
    %dma_start3A_64 = tpu.memref_slice %arg5[%dma_start3A_63] : memref<5120xi32, #tpu.memory_space<vmem>> -> memref<512xi32, #tpu.memory_space<vmem>>
    %dma_start3A_65 = tpu.memref_slice %arg2[%add3A_59] : memref<1638400xi32, #tpu.memory_space<hbm>> -> memref<512xi32, #tpu.memory_space<hbm>>
    tpu.enqueue_dma source(%dma_start3A_65 : memref<512xi32, #tpu.memory_space<hbm>>) target(%dma_start3A_64 : memref<512xi32, #tpu.memory_space<vmem>>) target_semaphore(%arg12 : memref<!tpu.dma_semaphore, #tpu.memory_space<semaphore_mem>>)
    %add3A_66 = arith.constant 131072 : i32
    %add3A_67 = arith.addi %add3A_66, %mul3A_2 : i32
    %dma_start3A_68 = arith.constant 4096 : i32
    %dma_start3A_69 = tpu.memref_slice %arg5[%dma_start3A_68] : memref<5120xi32, #tpu.memory_space<vmem>> -> memref<512xi32, #tpu.memory_space<vmem>>
    %dma_start3A_70 = tpu.memref_slice %arg2[%add3A_67] : memref<1638400xi32, #tpu.memory_space<hbm>> -> memref<512xi32, #tpu.memory_space<hbm>>
    %dma_start3A_71 = arith.constant 4096 : i32
    %dma_start3A_72 = tpu.memref_slice %arg5[%dma_start3A_71] : memref<5120xi32, #tpu.memory_space<vmem>> -> memref<512xi32, #tpu.memory_space<vmem>>
    %dma_start3A_73 = tpu.memref_slice %arg2[%add3A_67] : memref<1638400xi32, #tpu.memory_space<hbm>> -> memref<512xi32, #tpu.memory_space<hbm>>
    tpu.enqueue_dma source(%dma_start3A_73 : memref<512xi32, #tpu.memory_space<hbm>>) target(%dma_start3A_72 : memref<512xi32, #tpu.memory_space<vmem>>) target_semaphore(%arg12 : memref<!tpu.dma_semaphore, #tpu.memory_space<semaphore_mem>>)
    %add3A_74 = arith.constant 147456 : i32
    %add3A_75 = arith.addi %add3A_74, %mul3A_2 : i32
    %dma_start3A_76 = arith.constant 4608 : i32
    %dma_start3A_77 = tpu.memref_slice %arg5[%dma_start3A_76] : memref<5120xi32, #tpu.memory_space<vmem>> -> memref<512xi32, #tpu.memory_space<vmem>>
    %dma_start3A_78 = tpu.memref_slice %arg2[%add3A_75] : memref<1638400xi32, #tpu.memory_space<hbm>> -> memref<512xi32, #tpu.memory_space<hbm>>
    %dma_start3A_79 = arith.constant 4608 : i32
    %dma_start3A_80 = tpu.memref_slice %arg5[%dma_start3A_79] : memref<5120xi32, #tpu.memory_space<vmem>> -> memref<512xi32, #tpu.memory_space<vmem>>
    %dma_start3A_81 = tpu.memref_slice %arg2[%add3A_75] : memref<1638400xi32, #tpu.memory_space<hbm>> -> memref<512xi32, #tpu.memory_space<hbm>>
    tpu.enqueue_dma source(%dma_start3A_81 : memref<512xi32, #tpu.memory_space<hbm>>) target(%dma_start3A_80 : memref<512xi32, #tpu.memory_space<vmem>>) target_semaphore(%arg12 : memref<!tpu.dma_semaphore, #tpu.memory_space<semaphore_mem>>)
    %mul3A_82 = arith.constant 62504 : i32
    %mul3A_83 = arith.muli %arg1, %mul3A_82 : i32
    %lt3A = arith.constant 15 : i32
    %lt3A_84 = arith.cmpi slt, %arg1, %lt3A : i32
    %convert_element_type3A = arith.extui %lt3A_84 : i1 to i32
    %cond3A = arith.constant 0 : i32
    %cond3A_85 = arith.cmpi ne, %convert_element_type3A, %cond3A : i32
    scf.if %cond3A_85 {
      %add3A_1523 = arith.constant 0 : i32
      %add3A_1524 = arith.addi %mul3A_83, %add3A_1523 : i32
      "tpu.region"() ({
        %run_scoped3A = tpu.sem_alloc : memref<!tpu.dma_semaphore, #tpu.memory_space<semaphore_mem>>
        %dma_start3A_1575 = arith.constant 0 : i32
        %dma_start3A_1576 = tpu.memref_slice %arg7[%dma_start3A_1575] : memref<5120xf32, #tpu.memory_space<vmem>> -> memref<5120xf32, #tpu.memory_space<vmem>>
        %dma_start3A_1577 = tpu.memref_slice %arg3[%add3A_1524] : memref<1000448xf32, #tpu.memory_space<hbm>> -> memref<5120xf32, #tpu.memory_space<hbm>>
        %dma_start3A_1578 = arith.constant 0 : i32
        %dma_start3A_1579 = tpu.memref_slice %arg7[%dma_start3A_1578] : memref<5120xf32, #tpu.memory_space<vmem>> -> memref<5120xf32, #tpu.memory_space<vmem>>
        %dma_start3A_1580 = tpu.memref_slice %arg3[%add3A_1524] : memref<1000448xf32, #tpu.memory_space<hbm>> -> memref<5120xf32, #tpu.memory_space<hbm>>
        tpu.enqueue_dma source(%dma_start3A_1580 : memref<5120xf32, #tpu.memory_space<hbm>>) target(%dma_start3A_1579 : memref<5120xf32, #tpu.memory_space<vmem>>) target_semaphore(%run_scoped3A : memref<!tpu.dma_semaphore, #tpu.memory_space<semaphore_mem>>)
        %dma_wait3A_1581 = arith.constant 0 : i32
        %dma_wait3A_1582 = tpu.memref_slice %arg7[%dma_wait3A_1581] : memref<5120xf32, #tpu.memory_space<vmem>> -> memref<5120xf32, #tpu.memory_space<vmem>>
        %dma_wait3A_1583 = tpu.memref_slice %arg3[%add3A_1524] : memref<1000448xf32, #tpu.memory_space<hbm>> -> memref<5120xf32, #tpu.memory_space<hbm>>
        %dma_wait3A_1584 = arith.constant 0 : i32
        %dma_wait3A_1585 = tpu.memref_slice %arg7[%dma_wait3A_1584] : memref<5120xf32, #tpu.memory_space<vmem>> -> memref<5120xf32, #tpu.memory_space<vmem>>
        %dma_wait3A_1586 = tpu.memref_slice %arg3[%add3A_1524] : memref<1000448xf32, #tpu.memory_space<hbm>> -> memref<5120xf32, #tpu.memory_space<hbm>>
        tpu.wait_dma2 semaphore(%run_scoped3A : memref<!tpu.dma_semaphore, #tpu.memory_space<semaphore_mem>>) src(%dma_wait3A_1586 : memref<5120xf32, #tpu.memory_space<hbm>>) dst(%dma_wait3A_1585 : memref<5120xf32, #tpu.memory_space<vmem>>)
        tpu.yield
      }) : () -> ()
      %add3A_1525 = arith.constant 0 : i32
      %add3A_1526 = arith.addi %mul3A_83, %add3A_1525 : i32
      "tpu.region"() ({
        %run_scoped3A = tpu.sem_alloc : memref<!tpu.dma_semaphore, #tpu.memory_space<semaphore_mem>>
        %dma_start3A_1575 = arith.constant 0 : i32
        %dma_start3A_1576 = tpu.memref_slice %arg7[%dma_start3A_1575] : memref<5120xf32, #tpu.memory_space<vmem>> -> memref<5120xf32, #tpu.memory_space<vmem>>
        %dma_start3A_1577 = tpu.memref_slice %arg11[%add3A_1526] : memref<1000016xf32, #tpu.memory_space<vmem_shared>> -> memref<5120xf32, #tpu.memory_space<vmem_shared>>
        %dma_start3A_1578 = tpu.memref_slice %arg11[%add3A_1526] : memref<1000016xf32, #tpu.memory_space<vmem_shared>> -> memref<5120xf32, #tpu.memory_space<vmem_shared>>
        %dma_start3A_1579 = arith.constant 0 : i32
        %dma_start3A_1580 = tpu.memref_slice %arg7[%dma_start3A_1579] : memref<5120xf32, #tpu.memory_space<vmem>> -> memref<5120xf32, #tpu.memory_space<vmem>>
        tpu.enqueue_dma source(%dma_start3A_1580 : memref<5120xf32, #tpu.memory_space<vmem>>) target(%dma_start3A_1578 : memref<5120xf32, #tpu.memory_space<vmem_shared>>) target_semaphore(%run_scoped3A : memref<!tpu.dma_semaphore, #tpu.memory_space<semaphore_mem>>)
        %dma_wait3A_1581 = arith.constant 0 : i32
        %dma_wait3A_1582 = tpu.memref_slice %arg7[%dma_wait3A_1581] : memref<5120xf32, #tpu.memory_space<vmem>> -> memref<5120xf32, #tpu.memory_space<vmem>>
        %dma_wait3A_1583 = tpu.memref_slice %arg11[%add3A_1526] : memref<1000016xf32, #tpu.memory_space<vmem_shared>> -> memref<5120xf32, #tpu.memory_space<vmem_shared>>
        %dma_wait3A_1584 = tpu.memref_slice %arg11[%add3A_1526] : memref<1000016xf32, #tpu.memory_space<vmem_shared>> -> memref<5120xf32, #tpu.memory_space<vmem_shared>>
        %dma_wait3A_1585 = arith.constant 0 : i32
        %dma_wait3A_1586 = tpu.memref_slice %arg7[%dma_wait3A_1585] : memref<5120xf32, #tpu.memory_space<vmem>> -> memref<5120xf32, #tpu.memory_space<vmem>>
        tpu.wait_dma2 semaphore(%run_scoped3A : memref<!tpu.dma_semaphore, #tpu.memory_space<semaphore_mem>>) src(%dma_wait3A_1586 : memref<5120xf32, #tpu.memory_space<vmem>>) dst(%dma_wait3A_1584 : memref<5120xf32, #tpu.memory_space<vmem_shared>>)
        tpu.yield
      }) : () -> ()
      %add3A_1527 = arith.constant 5120 : i32
      %add3A_1528 = arith.addi %mul3A_83, %add3A_1527 : i32
      "tpu.region"() ({
        %run_scoped3A = tpu.sem_alloc : memref<!tpu.dma_semaphore, #tpu.memory_space<semaphore_mem>>
        %dma_start3A_1575 = arith.constant 0 : i32
        %dma_start3A_1576 = tpu.memref_slice %arg7[%dma_start3A_1575] : memref<5120xf32, #tpu.memory_space<vmem>> -> memref<5120xf32, #tpu.memory_space<vmem>>
        %dma_start3A_1577 = tpu.memref_slice %arg3[%add3A_1528] : memref<1000448xf32, #tpu.memory_space<hbm>> -> memref<5120xf32, #tpu.memory_space<hbm>>
        %dma_start3A_1578 = arith.constant 0 : i32
        %dma_start3A_1579 = tpu.memref_slice %arg7[%dma_start3A_1578] : memref<5120xf32, #tpu.memory_space<vmem>> -> memref<5120xf32, #tpu.memory_space<vmem>>
        %dma_start3A_1580 = tpu.memref_slice %arg3[%add3A_1528] : memref<1000448xf32, #tpu.memory_space<hbm>> -> memref<5120xf32, #tpu.memory_space<hbm>>
        tpu.enqueue_dma source(%dma_start3A_1580 : memref<5120xf32, #tpu.memory_space<hbm>>) target(%dma_start3A_1579 : memref<5120xf32, #tpu.memory_space<vmem>>) target_semaphore(%run_scoped3A : memref<!tpu.dma_semaphore, #tpu.memory_space<semaphore_mem>>)
        %dma_wait3A_1581 = arith.constant 0 : i32
        %dma_wait3A_1582 = tpu.memref_slice %arg7[%dma_wait3A_1581] : memref<5120xf32, #tpu.memory_space<vmem>> -> memref<5120xf32, #tpu.memory_space<vmem>>
        %dma_wait3A_1583 = tpu.memref_slice %arg3[%add3A_1528] : memref<1000448xf32, #tpu.memory_space<hbm>> -> memref<5120xf32, #tpu.memory_space<hbm>>
        %dma_wait3A_1584 = arith.constant 0 : i32
        %dma_wait3A_1585 = tpu.memref_slice %arg7[%dma_wait3A_1584] : memref<5120xf32, #tpu.memory_space<vmem>> -> memref<5120xf32, #tpu.memory_space<vmem>>
        %dma_wait3A_1586 = tpu.memref_slice %arg3[%add3A_1528] : memref<1000448xf32, #tpu.memory_space<hbm>> -> memref<5120xf32, #tpu.memory_space<hbm>>
        tpu.wait_dma2 semaphore(%run_scoped3A : memref<!tpu.dma_semaphore, #tpu.memory_space<semaphore_mem>>) src(%dma_wait3A_1586 : memref<5120xf32, #tpu.memory_space<hbm>>) dst(%dma_wait3A_1585 : memref<5120xf32, #tpu.memory_space<vmem>>)
        tpu.yield
      }) : () -> ()
      %add3A_1529 = arith.constant 5120 : i32
      %add3A_1530 = arith.addi %mul3A_83, %add3A_1529 : i32
      "tpu.region"() ({
        %run_scoped3A = tpu.sem_alloc : memref<!tpu.dma_semaphore, #tpu.memory_space<semaphore_mem>>
        %dma_start3A_1575 = arith.constant 0 : i32
        %dma_start3A_1576 = tpu.memref_slice %arg7[%dma_start3A_1575] : memref<5120xf32, #tpu.memory_space<vmem>> -> memref<5120xf32, #tpu.memory_space<vmem>>
        %dma_start3A_1577 = tpu.memref_slice %arg11[%add3A_1530] : memref<1000016xf32, #tpu.memory_space<vmem_shared>> -> memref<5120xf32, #tpu.memory_space<vmem_shared>>
        %dma_start3A_1578 = tpu.memref_slice %arg11[%add3A_1530] : memref<1000016xf32, #tpu.memory_space<vmem_shared>> -> memref<5120xf32, #tpu.memory_space<vmem_shared>>
        %dma_start3A_1579 = arith.constant 0 : i32
        %dma_start3A_1580 = tpu.memref_slice %arg7[%dma_start3A_1579] : memref<5120xf32, #tpu.memory_space<vmem>> -> memref<5120xf32, #tpu.memory_space<vmem>>
        tpu.enqueue_dma source(%dma_start3A_1580 : memref<5120xf32, #tpu.memory_space<vmem>>) target(%dma_start3A_1578 : memref<5120xf32, #tpu.memory_space<vmem_shared>>) target_semaphore(%run_scoped3A : memref<!tpu.dma_semaphore, #tpu.memory_space<semaphore_mem>>)
        %dma_wait3A_1581 = arith.constant 0 : i32
        %dma_wait3A_1582 = tpu.memref_slice %arg7[%dma_wait3A_1581] : memref<5120xf32, #tpu.memory_space<vmem>> -> memref<5120xf32, #tpu.memory_space<vmem>>
        %dma_wait3A_1583 = tpu.memref_slice %arg11[%add3A_1530] : memref<1000016xf32, #tpu.memory_space<vmem_shared>> -> memref<5120xf32, #tpu.memory_space<vmem_shared>>
        %dma_wait3A_1584 = tpu.memref_slice %arg11[%add3A_1530] : memref<1000016xf32, #tpu.memory_space<vmem_shared>> -> memref<5120xf32, #tpu.memory_space<vmem_shared>>
        %dma_wait3A_1585 = arith.constant 0 : i32
        %dma_wait3A_1586 = tpu.memref_slice %arg7[%dma_wait3A_1585] : memref<5120xf32, #tpu.memory_space<vmem>> -> memref<5120xf32, #tpu.memory_space<vmem>>
        tpu.wait_dma2 semaphore(%run_scoped3A : memref<!tpu.dma_semaphore, #tpu.memory_space<semaphore_mem>>) src(%dma_wait3A_1586 : memref<5120xf32, #tpu.memory_space<vmem>>) dst(%dma_wait3A_1584 : memref<5120xf32, #tpu.memory_space<vmem_shared>>)
        tpu.yield
      }) : () -> ()
      %add3A_1531 = arith.constant 10240 : i32
      %add3A_1532 = arith.addi %mul3A_83, %add3A_1531 : i32
      "tpu.region"() ({
        %run_scoped3A = tpu.sem_alloc : memref<!tpu.dma_semaphore, #tpu.memory_space<semaphore_mem>>
        %dma_start3A_1575 = arith.constant 0 : i32
        %dma_start3A_1576 = tpu.memref_slice %arg7[%dma_start3A_1575] : memref<5120xf32, #tpu.memory_space<vmem>> -> memref<5120xf32, #tpu.memory_space<vmem>>
        %dma_start3A_1577 = tpu.memref_slice %arg3[%add3A_1532] : memref<1000448xf32, #tpu.memory_space<hbm>> -> memref<5120xf32, #tpu.memory_space<hbm>>
        %dma_start3A_1578 = arith.constant 0 : i32
        %dma_start3A_1579 = tpu.memref_slice %arg7[%dma_start3A_1578] : memref<5120xf32, #tpu.memory_space<vmem>> -> memref<5120xf32, #tpu.memory_space<vmem>>
        %dma_start3A_1580 = tpu.memref_slice %arg3[%add3A_1532] : memref<1000448xf32, #tpu.memory_space<hbm>> -> memref<5120xf32, #tpu.memory_space<hbm>>
        tpu.enqueue_dma source(%dma_start3A_1580 : memref<5120xf32, #tpu.memory_space<hbm>>) target(%dma_start3A_1579 : memref<5120xf32, #tpu.memory_space<vmem>>) target_semaphore(%run_scoped3A : memref<!tpu.dma_semaphore, #tpu.memory_space<semaphore_mem>>)
        %dma_wait3A_1581 = arith.constant 0 : i32
        %dma_wait3A_1582 = tpu.memref_slice %arg7[%dma_wait3A_1581] : memref<5120xf32, #tpu.memory_space<vmem>> -> memref<5120xf32, #tpu.memory_space<vmem>>
        %dma_wait3A_1583 = tpu.memref_slice %arg3[%add3A_1532] : memref<1000448xf32, #tpu.memory_space<hbm>> -> memref<5120xf32, #tpu.memory_space<hbm>>
        %dma_wait3A_1584 = arith.constant 0 : i32
        %dma_wait3A_1585 = tpu.memref_slice %arg7[%dma_wait3A_1584] : memref<5120xf32, #tpu.memory_space<vmem>> -> memref<5120xf32, #tpu.memory_space<vmem>>
        %dma_wait3A_1586 = tpu.memref_slice %arg3[%add3A_1532] : memref<1000448xf32, #tpu.memory_space<hbm>> -> memref<5120xf32, #tpu.memory_space<hbm>>
        tpu.wait_dma2 semaphore(%run_scoped3A : memref<!tpu.dma_semaphore, #tpu.memory_space<semaphore_mem>>) src(%dma_wait3A_1586 : memref<5120xf32, #tpu.memory_space<hbm>>) dst(%dma_wait3A_1585 : memref<5120xf32, #tpu.memory_space<vmem>>)
        tpu.yield
      }) : () -> ()
      %add3A_1533 = arith.constant 10240 : i32
      %add3A_1534 = arith.addi %mul3A_83, %add3A_1533 : i32
      "tpu.region"() ({
        %run_scoped3A = tpu.sem_alloc : memref<!tpu.dma_semaphore, #tpu.memory_space<semaphore_mem>>
        %dma_start3A_1575 = arith.constant 0 : i32
        %dma_start3A_1576 = tpu.memref_slice %arg7[%dma_start3A_1575] : memref<5120xf32, #tpu.memory_space<vmem>> -> memref<5120xf32, #tpu.memory_space<vmem>>
        %dma_start3A_1577 = tpu.memref_slice %arg11[%add3A_1534] : memref<1000016xf32, #tpu.memory_space<vmem_shared>> -> memref<5120xf32, #tpu.memory_space<vmem_shared>>
        %dma_start3A_1578 = tpu.memref_slice %arg11[%add3A_1534] : memref<1000016xf32, #tpu.memory_space<vmem_shared>> -> memref<5120xf32, #tpu.memory_space<vmem_shared>>
        %dma_start3A_1579 = arith.constant 0 : i32
        %dma_start3A_1580 = tpu.memref_slice %arg7[%dma_start3A_1579] : memref<5120xf32, #tpu.memory_space<vmem>> -> memref<5120xf32, #tpu.memory_space<vmem>>
        tpu.enqueue_dma source(%dma_start3A_1580 : memref<5120xf32, #tpu.memory_space<vmem>>) target(%dma_start3A_1578 : memref<5120xf32, #tpu.memory_space<vmem_shared>>) target_semaphore(%run_scoped3A : memref<!tpu.dma_semaphore, #tpu.memory_space<semaphore_mem>>)
        %dma_wait3A_1581 = arith.constant 0 : i32
        %dma_wait3A_1582 = tpu.memref_slice %arg7[%dma_wait3A_1581] : memref<5120xf32, #tpu.memory_space<vmem>> -> memref<5120xf32, #tpu.memory_space<vmem>>
        %dma_wait3A_1583 = tpu.memref_slice %arg11[%add3A_1534] : memref<1000016xf32, #tpu.memory_space<vmem_shared>> -> memref<5120xf32, #tpu.memory_space<vmem_shared>>
        %dma_wait3A_1584 = tpu.memref_slice %arg11[%add3A_1534] : memref<1000016xf32, #tpu.memory_space<vmem_shared>> -> memref<5120xf32, #tpu.memory_space<vmem_shared>>
        %dma_wait3A_1585 = arith.constant 0 : i32
        %dma_wait3A_1586 = tpu.memref_slice %arg7[%dma_wait3A_1585] : memref<5120xf32, #tpu.memory_space<vmem>> -> memref<5120xf32, #tpu.memory_space<vmem>>
        tpu.wait_dma2 semaphore(%run_scoped3A : memref<!tpu.dma_semaphore, #tpu.memory_space<semaphore_mem>>) src(%dma_wait3A_1586 : memref<5120xf32, #tpu.memory_space<vmem>>) dst(%dma_wait3A_1584 : memref<5120xf32, #tpu.memory_space<vmem_shared>>)
        tpu.yield
      }) : () -> ()
      %add3A_1535 = arith.constant 15360 : i32
      %add3A_1536 = arith.addi %mul3A_83, %add3A_1535 : i32
      "tpu.region"() ({
        %run_scoped3A = tpu.sem_alloc : memref<!tpu.dma_semaphore, #tpu.memory_space<semaphore_mem>>
        %dma_start3A_1575 = arith.constant 0 : i32
        %dma_start3A_1576 = tpu.memref_slice %arg7[%dma_start3A_1575] : memref<5120xf32, #tpu.memory_space<vmem>> -> memref<5120xf32, #tpu.memory_space<vmem>>
        %dma_start3A_1577 = tpu.memref_slice %arg3[%add3A_1536] : memref<1000448xf32, #tpu.memory_space<hbm>> -> memref<5120xf32, #tpu.memory_space<hbm>>
        %dma_start3A_1578 = arith.constant 0 : i32
        %dma_start3A_1579 = tpu.memref_slice %arg7[%dma_start3A_1578] : memref<5120xf32, #tpu.memory_space<vmem>> -> memref<5120xf32, #tpu.memory_space<vmem>>
        %dma_start3A_1580 = tpu.memref_slice %arg3[%add3A_1536] : memref<1000448xf32, #tpu.memory_space<hbm>> -> memref<5120xf32, #tpu.memory_space<hbm>>
        tpu.enqueue_dma source(%dma_start3A_1580 : memref<5120xf32, #tpu.memory_space<hbm>>) target(%dma_start3A_1579 : memref<5120xf32, #tpu.memory_space<vmem>>) target_semaphore(%run_scoped3A : memref<!tpu.dma_semaphore, #tpu.memory_space<semaphore_mem>>)
        %dma_wait3A_1581 = arith.constant 0 : i32
        %dma_wait3A_1582 = tpu.memref_slice %arg7[%dma_wait3A_1581] : memref<5120xf32, #tpu.memory_space<vmem>> -> memref<5120xf32, #tpu.memory_space<vmem>>
        %dma_wait3A_1583 = tpu.memref_slice %arg3[%add3A_1536] : memref<1000448xf32, #tpu.memory_space<hbm>> -> memref<5120xf32, #tpu.memory_space<hbm>>
        %dma_wait3A_1584 = arith.constant 0 : i32
        %dma_wait3A_1585 = tpu.memref_slice %arg7[%dma_wait3A_1584] : memref<5120xf32, #tpu.memory_space<vmem>> -> memref<5120xf32, #tpu.memory_space<vmem>>
        %dma_wait3A_1586 = tpu.memref_slice %arg3[%add3A_1536] : memref<1000448xf32, #tpu.memory_space<hbm>> -> memref<5120xf32, #tpu.memory_space<hbm>>
        tpu.wait_dma2 semaphore(%run_scoped3A : memref<!tpu.dma_semaphore, #tpu.memory_space<semaphore_mem>>) src(%dma_wait3A_1586 : memref<5120xf32, #tpu.memory_space<hbm>>) dst(%dma_wait3A_1585 : memref<5120xf32, #tpu.memory_space<vmem>>)
        tpu.yield
      }) : () -> ()
      %add3A_1537 = arith.constant 15360 : i32
      %add3A_1538 = arith.addi %mul3A_83, %add3A_1537 : i32
      "tpu.region"() ({
        %run_scoped3A = tpu.sem_alloc : memref<!tpu.dma_semaphore, #tpu.memory_space<semaphore_mem>>
        %dma_start3A_1575 = arith.constant 0 : i32
        %dma_start3A_1576 = tpu.memref_slice %arg7[%dma_start3A_1575] : memref<5120xf32, #tpu.memory_space<vmem>> -> memref<5120xf32, #tpu.memory_space<vmem>>
        %dma_start3A_1577 = tpu.memref_slice %arg11[%add3A_1538] : memref<1000016xf32, #tpu.memory_space<vmem_shared>> -> memref<5120xf32, #tpu.memory_space<vmem_shared>>
        %dma_start3A_1578 = tpu.memref_slice %arg11[%add3A_1538] : memref<1000016xf32, #tpu.memory_space<vmem_shared>> -> memref<5120xf32, #tpu.memory_space<vmem_shared>>
        %dma_start3A_1579 = arith.constant 0 : i32
        %dma_start3A_1580 = tpu.memref_slice %arg7[%dma_start3A_1579] : memref<5120xf32, #tpu.memory_space<vmem>> -> memref<5120xf32, #tpu.memory_space<vmem>>
        tpu.enqueue_dma source(%dma_start3A_1580 : memref<5120xf32, #tpu.memory_space<vmem>>) target(%dma_start3A_1578 : memref<5120xf32, #tpu.memory_space<vmem_shared>>) target_semaphore(%run_scoped3A : memref<!tpu.dma_semaphore, #tpu.memory_space<semaphore_mem>>)
        %dma_wait3A_1581 = arith.constant 0 : i32
        %dma_wait3A_1582 = tpu.memref_slice %arg7[%dma_wait3A_1581] : memref<5120xf32, #tpu.memory_space<vmem>> -> memref<5120xf32, #tpu.memory_space<vmem>>
        %dma_wait3A_1583 = tpu.memref_slice %arg11[%add3A_1538] : memref<1000016xf32, #tpu.memory_space<vmem_shared>> -> memref<5120xf32, #tpu.memory_space<vmem_shared>>
        %dma_wait3A_1584 = tpu.memref_slice %arg11[%add3A_1538] : memref<1000016xf32, #tpu.memory_space<vmem_shared>> -> memref<5120xf32, #tpu.memory_space<vmem_shared>>
        %dma_wait3A_1585 = arith.constant 0 : i32
        %dma_wait3A_1586 = tpu.memref_slice %arg7[%dma_wait3A_1585] : memref<5120xf32, #tpu.memory_space<vmem>> -> memref<5120xf32, #tpu.memory_space<vmem>>
        tpu.wait_dma2 semaphore(%run_scoped3A : memref<!tpu.dma_semaphore, #tpu.memory_space<semaphore_mem>>) src(%dma_wait3A_1586 : memref<5120xf32, #tpu.memory_space<vmem>>) dst(%dma_wait3A_1584 : memref<5120xf32, #tpu.memory_space<vmem_shared>>)
        tpu.yield
      }) : () -> ()
      %add3A_1539 = arith.constant 20480 : i32
      %add3A_1540 = arith.addi %mul3A_83, %add3A_1539 : i32
      "tpu.region"() ({
        %run_scoped3A = tpu.sem_alloc : memref<!tpu.dma_semaphore, #tpu.memory_space<semaphore_mem>>
        %dma_start3A_1575 = arith.constant 0 : i32
        %dma_start3A_1576 = tpu.memref_slice %arg7[%dma_start3A_1575] : memref<5120xf32, #tpu.memory_space<vmem>> -> memref<5120xf32, #tpu.memory_space<vmem>>
        %dma_start3A_1577 = tpu.memref_slice %arg3[%add3A_1540] : memref<1000448xf32, #tpu.memory_space<hbm>> -> memref<5120xf32, #tpu.memory_space<hbm>>
        %dma_start3A_1578 = arith.constant 0 : i32
        %dma_start3A_1579 = tpu.memref_slice %arg7[%dma_start3A_1578] : memref<5120xf32, #tpu.memory_space<vmem>> -> memref<5120xf32, #tpu.memory_space<vmem>>
        %dma_start3A_1580 = tpu.memref_slice %arg3[%add3A_1540] : memref<1000448xf32, #tpu.memory_space<hbm>> -> memref<5120xf32, #tpu.memory_space<hbm>>
        tpu.enqueue_dma source(%dma_start3A_1580 : memref<5120xf32, #tpu.memory_space<hbm>>) target(%dma_start3A_1579 : memref<5120xf32, #tpu.memory_space<vmem>>) target_semaphore(%run_scoped3A : memref<!tpu.dma_semaphore, #tpu.memory_space<semaphore_mem>>)
        %dma_wait3A_1581 = arith.constant 0 : i32
        %dma_wait3A_1582 = tpu.memref_slice %arg7[%dma_wait3A_1581] : memref<5120xf32, #tpu.memory_space<vmem>> -> memref<5120xf32, #tpu.memory_space<vmem>>
        %dma_wait3A_1583 = tpu.memref_slice %arg3[%add3A_1540] : memref<1000448xf32, #tpu.memory_space<hbm>> -> memref<5120xf32, #tpu.memory_space<hbm>>
        %dma_wait3A_1584 = arith.constant 0 : i32
        %dma_wait3A_1585 = tpu.memref_slice %arg7[%dma_wait3A_1584] : memref<5120xf32, #tpu.memory_space<vmem>> -> memref<5120xf32, #tpu.memory_space<vmem>>
        %dma_wait3A_1586 = tpu.memref_slice %arg3[%add3A_1540] : memref<1000448xf32, #tpu.memory_space<hbm>> -> memref<5120xf32, #tpu.memory_space<hbm>>
        tpu.wait_dma2 semaphore(%run_scoped3A : memref<!tpu.dma_semaphore, #tpu.memory_space<semaphore_mem>>) src(%dma_wait3A_1586 : memref<5120xf32, #tpu.memory_space<hbm>>) dst(%dma_wait3A_1585 : memref<5120xf32, #tpu.memory_space<vmem>>)
        tpu.yield
      }) : () -> ()
      %add3A_1541 = arith.constant 20480 : i32
      %add3A_1542 = arith.addi %mul3A_83, %add3A_1541 : i32
      "tpu.region"() ({
        %run_scoped3A = tpu.sem_alloc : memref<!tpu.dma_semaphore, #tpu.memory_space<semaphore_mem>>
        %dma_start3A_1575 = arith.constant 0 : i32
        %dma_start3A_1576 = tpu.memref_slice %arg7[%dma_start3A_1575] : memref<5120xf32, #tpu.memory_space<vmem>> -> memref<5120xf32, #tpu.memory_space<vmem>>
        %dma_start3A_1577 = tpu.memref_slice %arg11[%add3A_1542] : memref<1000016xf32, #tpu.memory_space<vmem_shared>> -> memref<5120xf32, #tpu.memory_space<vmem_shared>>
        %dma_start3A_1578 = tpu.memref_slice %arg11[%add3A_1542] : memref<1000016xf32, #tpu.memory_space<vmem_shared>> -> memref<5120xf32, #tpu.memory_space<vmem_shared>>
        %dma_start3A_1579 = arith.constant 0 : i32
        %dma_start3A_1580 = tpu.memref_slice %arg7[%dma_start3A_1579] : memref<5120xf32, #tpu.memory_space<vmem>> -> memref<5120xf32, #tpu.memory_space<vmem>>
        tpu.enqueue_dma source(%dma_start3A_1580 : memref<5120xf32, #tpu.memory_space<vmem>>) target(%dma_start3A_1578 : memref<5120xf32, #tpu.memory_space<vmem_shared>>) target_semaphore(%run_scoped3A : memref<!tpu.dma_semaphore, #tpu.memory_space<semaphore_mem>>)
        %dma_wait3A_1581 = arith.constant 0 : i32
        %dma_wait3A_1582 = tpu.memref_slice %arg7[%dma_wait3A_1581] : memref<5120xf32, #tpu.memory_space<vmem>> -> memref<5120xf32, #tpu.memory_space<vmem>>
        %dma_wait3A_1583 = tpu.memref_slice %arg11[%add3A_1542] : memref<1000016xf32, #tpu.memory_space<vmem_shared>> -> memref<5120xf32, #tpu.memory_space<vmem_shared>>
        %dma_wait3A_1584 = tpu.memref_slice %arg11[%add3A_1542] : memref<1000016xf32, #tpu.memory_space<vmem_shared>> -> memref<5120xf32, #tpu.memory_space<vmem_shared>>
        %dma_wait3A_1585 = arith.constant 0 : i32
        %dma_wait3A_1586 = tpu.memref_slice %arg7[%dma_wait3A_1585] : memref<5120xf32, #tpu.memory_space<vmem>> -> memref<5120xf32, #tpu.memory_space<vmem>>
        tpu.wait_dma2 semaphore(%run_scoped3A : memref<!tpu.dma_semaphore, #tpu.memory_space<semaphore_mem>>) src(%dma_wait3A_1586 : memref<5120xf32, #tpu.memory_space<vmem>>) dst(%dma_wait3A_1584 : memref<5120xf32, #tpu.memory_space<vmem_shared>>)
        tpu.yield
      }) : () -> ()
      %add3A_1543 = arith.constant 25600 : i32
      %add3A_1544 = arith.addi %mul3A_83, %add3A_1543 : i32
      "tpu.region"() ({
        %run_scoped3A = tpu.sem_alloc : memref<!tpu.dma_semaphore, #tpu.memory_space<semaphore_mem>>
        %dma_start3A_1575 = arith.constant 0 : i32
        %dma_start3A_1576 = tpu.memref_slice %arg7[%dma_start3A_1575] : memref<5120xf32, #tpu.memory_space<vmem>> -> memref<5120xf32, #tpu.memory_space<vmem>>
        %dma_start3A_1577 = tpu.memref_slice %arg3[%add3A_1544] : memref<1000448xf32, #tpu.memory_space<hbm>> -> memref<5120xf32, #tpu.memory_space<hbm>>
        %dma_start3A_1578 = arith.constant 0 : i32
        %dma_start3A_1579 = tpu.memref_slice %arg7[%dma_start3A_1578] : memref<5120xf32, #tpu.memory_space<vmem>> -> memref<5120xf32, #tpu.memory_space<vmem>>
        %dma_start3A_1580 = tpu.memref_slice %arg3[%add3A_1544] : memref<1000448xf32, #tpu.memory_space<hbm>> -> memref<5120xf32, #tpu.memory_space<hbm>>
        tpu.enqueue_dma source(%dma_start3A_1580 : memref<5120xf32, #tpu.memory_space<hbm>>) target(%dma_start3A_1579 : memref<5120xf32, #tpu.memory_space<vmem>>) target_semaphore(%run_scoped3A : memref<!tpu.dma_semaphore, #tpu.memory_space<semaphore_mem>>)
        %dma_wait3A_1581 = arith.constant 0 : i32
        %dma_wait3A_1582 = tpu.memref_slice %arg7[%dma_wait3A_1581] : memref<5120xf32, #tpu.memory_space<vmem>> -> memref<5120xf32, #tpu.memory_space<vmem>>
        %dma_wait3A_1583 = tpu.memref_slice %arg3[%add3A_1544] : memref<1000448xf32, #tpu.memory_space<hbm>> -> memref<5120xf32, #tpu.memory_space<hbm>>
        %dma_wait3A_1584 = arith.constant 0 : i32
        %dma_wait3A_1585 = tpu.memref_slice %arg7[%dma_wait3A_1584] : memref<5120xf32, #tpu.memory_space<vmem>> -> memref<5120xf32, #tpu.memory_space<vmem>>
        %dma_wait3A_1586 = tpu.memref_slice %arg3[%add3A_1544] : memref<1000448xf32, #tpu.memory_space<hbm>> -> memref<5120xf32, #tpu.memory_space<hbm>>
        tpu.wait_dma2 semaphore(%run_scoped3A : memref<!tpu.dma_semaphore, #tpu.memory_space<semaphore_mem>>) src(%dma_wait3A_1586 : memref<5120xf32, #tpu.memory_space<hbm>>) dst(%dma_wait3A_1585 : memref<5120xf32, #tpu.memory_space<vmem>>)
        tpu.yield
      }) : () -> ()
      %add3A_1545 = arith.constant 25600 : i32
      %add3A_1546 = arith.addi %mul3A_83, %add3A_1545 : i32
      "tpu.region"() ({
        %run_scoped3A = tpu.sem_alloc : memref<!tpu.dma_semaphore, #tpu.memory_space<semaphore_mem>>
        %dma_start3A_1575 = arith.constant 0 : i32
        %dma_start3A_1576 = tpu.memref_slice %arg7[%dma_start3A_1575] : memref<5120xf32, #tpu.memory_space<vmem>> -> memref<5120xf32, #tpu.memory_space<vmem>>
        %dma_start3A_1577 = tpu.memref_slice %arg11[%add3A_1546] : memref<1000016xf32, #tpu.memory_space<vmem_shared>> -> memref<5120xf32, #tpu.memory_space<vmem_shared>>
        %dma_start3A_1578 = tpu.memref_slice %arg11[%add3A_1546] : memref<1000016xf32, #tpu.memory_space<vmem_shared>> -> memref<5120xf32, #tpu.memory_space<vmem_shared>>
        %dma_start3A_1579 = arith.constant 0 : i32
        %dma_start3A_1580 = tpu.memref_slice %arg7[%dma_start3A_1579] : memref<5120xf32, #tpu.memory_space<vmem>> -> memref<5120xf32, #tpu.memory_space<vmem>>
        tpu.enqueue_dma source(%dma_start3A_1580 : memref<5120xf32, #tpu.memory_space<vmem>>) target(%dma_start3A_1578 : memref<5120xf32, #tpu.memory_space<vmem_shared>>) target_semaphore(%run_scoped3A : memref<!tpu.dma_semaphore, #tpu.memory_space<semaphore_mem>>)
        %dma_wait3A_1581 = arith.constant 0 : i32
        %dma_wait3A_1582 = tpu.memref_slice %arg7[%dma_wait3A_1581] : memref<5120xf32, #tpu.memory_space<vmem>> -> memref<5120xf32, #tpu.memory_space<vmem>>
        %dma_wait3A_1583 = tpu.memref_slice %arg11[%add3A_1546] : memref<1000016xf32, #tpu.memory_space<vmem_shared>> -> memref<5120xf32, #tpu.memory_space<vmem_shared>>
        %dma_wait3A_1584 = tpu.memref_slice %arg11[%add3A_1546] : memref<1000016xf32, #tpu.memory_space<vmem_shared>> -> memref<5120xf32, #tpu.memory_space<vmem_shared>>
        %dma_wait3A_1585 = arith.constant 0 : i32
        %dma_wait3A_1586 = tpu.memref_slice %arg7[%dma_wait3A_1585] : memref<5120xf32, #tpu.memory_space<vmem>> -> memref<5120xf32, #tpu.memory_space<vmem>>
        tpu.wait_dma2 semaphore(%run_scoped3A : memref<!tpu.dma_semaphore, #tpu.memory_space<semaphore_mem>>) src(%dma_wait3A_1586 : memref<5120xf32, #tpu.memory_space<vmem>>) dst(%dma_wait3A_1584 : memref<5120xf32, #tpu.memory_space<vmem_shared>>)
        tpu.yield
      }) : () -> ()
      %add3A_1547 = arith.constant 30720 : i32
      %add3A_1548 = arith.addi %mul3A_83, %add3A_1547 : i32
      "tpu.region"() ({
        %run_scoped3A = tpu.sem_alloc : memref<!tpu.dma_semaphore, #tpu.memory_space<semaphore_mem>>
        %dma_start3A_1575 = arith.constant 0 : i32
        %dma_start3A_1576 = tpu.memref_slice %arg7[%dma_start3A_1575] : memref<5120xf32, #tpu.memory_space<vmem>> -> memref<5120xf32, #tpu.memory_space<vmem>>
        %dma_start3A_1577 = tpu.memref_slice %arg3[%add3A_1548] : memref<1000448xf32, #tpu.memory_space<hbm>> -> memref<5120xf32, #tpu.memory_space<hbm>>
        %dma_start3A_1578 = arith.constant 0 : i32
        %dma_start3A_1579 = tpu.memref_slice %arg7[%dma_start3A_1578] : memref<5120xf32, #tpu.memory_space<vmem>> -> memref<5120xf32, #tpu.memory_space<vmem>>
        %dma_start3A_1580 = tpu.memref_slice %arg3[%add3A_1548] : memref<1000448xf32, #tpu.memory_space<hbm>> -> memref<5120xf32, #tpu.memory_space<hbm>>
        tpu.enqueue_dma source(%dma_start3A_1580 : memref<5120xf32, #tpu.memory_space<hbm>>) target(%dma_start3A_1579 : memref<5120xf32, #tpu.memory_space<vmem>>) target_semaphore(%run_scoped3A : memref<!tpu.dma_semaphore, #tpu.memory_space<semaphore_mem>>)
        %dma_wait3A_1581 = arith.constant 0 : i32
        %dma_wait3A_1582 = tpu.memref_slice %arg7[%dma_wait3A_1581] : memref<5120xf32, #tpu.memory_space<vmem>> -> memref<5120xf32, #tpu.memory_space<vmem>>
        %dma_wait3A_1583 = tpu.memref_slice %arg3[%add3A_1548] : memref<1000448xf32, #tpu.memory_space<hbm>> -> memref<5120xf32, #tpu.memory_space<hbm>>
        %dma_wait3A_1584 = arith.constant 0 : i32
        %dma_wait3A_1585 = tpu.memref_slice %arg7[%dma_wait3A_1584] : memref<5120xf32, #tpu.memory_space<vmem>> -> memref<5120xf32, #tpu.memory_space<vmem>>
        %dma_wait3A_1586 = tpu.memref_slice %arg3[%add3A_1548] : memref<1000448xf32, #tpu.memory_space<hbm>> -> memref<5120xf32, #tpu.memory_space<hbm>>
        tpu.wait_dma2 semaphore(%run_scoped3A : memref<!tpu.dma_semaphore, #tpu.memory_space<semaphore_mem>>) src(%dma_wait3A_1586 : memref<5120xf32, #tpu.memory_space<hbm>>) dst(%dma_wait3A_1585 : memref<5120xf32, #tpu.memory_space<vmem>>)
        tpu.yield
      }) : () -> ()
      %add3A_1549 = arith.constant 30720 : i32
      %add3A_1550 = arith.addi %mul3A_83, %add3A_1549 : i32
      "tpu.region"() ({
        %run_scoped3A = tpu.sem_alloc : memref<!tpu.dma_semaphore, #tpu.memory_space<semaphore_mem>>
        %dma_start3A_1575 = arith.constant 0 : i32
        %dma_start3A_1576 = tpu.memref_slice %arg7[%dma_start3A_1575] : memref<5120xf32, #tpu.memory_space<vmem>> -> memref<5120xf32, #tpu.memory_space<vmem>>
        %dma_start3A_1577 = tpu.memref_slice %arg11[%add3A_1550] : memref<1000016xf32, #tpu.memory_space<vmem_shared>> -> memref<5120xf32, #tpu.memory_space<vmem_shared>>
        %dma_start3A_1578 = tpu.memref_slice %arg11[%add3A_1550] : memref<1000016xf32, #tpu.memory_space<vmem_shared>> -> memref<5120xf32, #tpu.memory_space<vmem_shared>>
        %dma_start3A_1579 = arith.constant 0 : i32
        %dma_start3A_1580 = tpu.memref_slice %arg7[%dma_start3A_1579] : memref<5120xf32, #tpu.memory_space<vmem>> -> memref<5120xf32, #tpu.memory_space<vmem>>
        tpu.enqueue_dma source(%dma_start3A_1580 : memref<5120xf32, #tpu.memory_space<vmem>>) target(%dma_start3A_1578 : memref<5120xf32, #tpu.memory_space<vmem_shared>>) target_semaphore(%run_scoped3A : memref<!tpu.dma_semaphore, #tpu.memory_space<semaphore_mem>>)
        %dma_wait3A_1581 = arith.constant 0 : i32
        %dma_wait3A_1582 = tpu.memref_slice %arg7[%dma_wait3A_1581] : memref<5120xf32, #tpu.memory_space<vmem>> -> memref<5120xf32, #tpu.memory_space<vmem>>
        %dma_wait3A_1583 = tpu.memref_slice %arg11[%add3A_1550] : memref<1000016xf32, #tpu.memory_space<vmem_shared>> -> memref<5120xf32, #tpu.memory_space<vmem_shared>>
        %dma_wait3A_1584 = tpu.memref_slice %arg11[%add3A_1550] : memref<1000016xf32, #tpu.memory_space<vmem_shared>> -> memref<5120xf32, #tpu.memory_space<vmem_shared>>
        %dma_wait3A_1585 = arith.constant 0 : i32
        %dma_wait3A_1586 = tpu.memref_slice %arg7[%dma_wait3A_1585] : memref<5120xf32, #tpu.memory_space<vmem>> -> memref<5120xf32, #tpu.memory_space<vmem>>
        tpu.wait_dma2 semaphore(%run_scoped3A : memref<!tpu.dma_semaphore, #tpu.memory_space<semaphore_mem>>) src(%dma_wait3A_1586 : memref<5120xf32, #tpu.memory_space<vmem>>) dst(%dma_wait3A_1584 : memref<5120xf32, #tpu.memory_space<vmem_shared>>)
        tpu.yield
      }) : () -> ()
      %add3A_1551 = arith.constant 35840 : i32
      %add3A_1552 = arith.addi %mul3A_83, %add3A_1551 : i32
      "tpu.region"() ({
        %run_scoped3A = tpu.sem_alloc : memref<!tpu.dma_semaphore, #tpu.memory_space<semaphore_mem>>
        %dma_start3A_1575 = arith.constant 0 : i32
        %dma_start3A_1576 = tpu.memref_slice %arg7[%dma_start3A_1575] : memref<5120xf32, #tpu.memory_space<vmem>> -> memref<5120xf32, #tpu.memory_space<vmem>>
        %dma_start3A_1577 = tpu.memref_slice %arg3[%add3A_1552] : memref<1000448xf32, #tpu.memory_space<hbm>> -> memref<5120xf32, #tpu.memory_space<hbm>>
        %dma_start3A_1578 = arith.constant 0 : i32
        %dma_start3A_1579 = tpu.memref_slice %arg7[%dma_start3A_1578] : memref<5120xf32, #tpu.memory_space<vmem>> -> memref<5120xf32, #tpu.memory_space<vmem>>
        %dma_start3A_1580 = tpu.memref_slice %arg3[%add3A_1552] : memref<1000448xf32, #tpu.memory_space<hbm>> -> memref<5120xf32, #tpu.memory_space<hbm>>
        tpu.enqueue_dma source(%dma_start3A_1580 : memref<5120xf32, #tpu.memory_space<hbm>>) target(%dma_start3A_1579 : memref<5120xf32, #tpu.memory_space<vmem>>) target_semaphore(%run_scoped3A : memref<!tpu.dma_semaphore, #tpu.memory_space<semaphore_mem>>)
        %dma_wait3A_1581 = arith.constant 0 : i32
        %dma_wait3A_1582 = tpu.memref_slice %arg7[%dma_wait3A_1581] : memref<5120xf32, #tpu.memory_space<vmem>> -> memref<5120xf32, #tpu.memory_space<vmem>>
        %dma_wait3A_1583 = tpu.memref_slice %arg3[%add3A_1552] : memref<1000448xf32, #tpu.memory_space<hbm>> -> memref<5120xf32, #tpu.memory_space<hbm>>
        %dma_wait3A_1584 = arith.constant 0 : i32
        %dma_wait3A_1585 = tpu.memref_slice %arg7[%dma_wait3A_1584] : memref<5120xf32, #tpu.memory_space<vmem>> -> memref<5120xf32, #tpu.memory_space<vmem>>
        %dma_wait3A_1586 = tpu.memref_slice %arg3[%add3A_1552] : memref<1000448xf32, #tpu.memory_space<hbm>> -> memref<5120xf32, #tpu.memory_space<hbm>>
        tpu.wait_dma2 semaphore(%run_scoped3A : memref<!tpu.dma_semaphore, #tpu.memory_space<semaphore_mem>>) src(%dma_wait3A_1586 : memref<5120xf32, #tpu.memory_space<hbm>>) dst(%dma_wait3A_1585 : memref<5120xf32, #tpu.memory_space<vmem>>)
        tpu.yield
      }) : () -> ()
      %add3A_1553 = arith.constant 35840 : i32
      %add3A_1554 = arith.addi %mul3A_83, %add3A_1553 : i32
      "tpu.region"() ({
        %run_scoped3A = tpu.sem_alloc : memref<!tpu.dma_semaphore, #tpu.memory_space<semaphore_mem>>
        %dma_start3A_1575 = arith.constant 0 : i32
        %dma_start3A_1576 = tpu.memref_slice %arg7[%dma_start3A_1575] : memref<5120xf32, #tpu.memory_space<vmem>> -> memref<5120xf32, #tpu.memory_space<vmem>>
        %dma_start3A_1577 = tpu.memref_slice %arg11[%add3A_1554] : memref<1000016xf32, #tpu.memory_space<vmem_shared>> -> memref<5120xf32, #tpu.memory_space<vmem_shared>>
        %dma_start3A_1578 = tpu.memref_slice %arg11[%add3A_1554] : memref<1000016xf32, #tpu.memory_space<vmem_shared>> -> memref<5120xf32, #tpu.memory_space<vmem_shared>>
        %dma_start3A_1579 = arith.constant 0 : i32
        %dma_start3A_1580 = tpu.memref_slice %arg7[%dma_start3A_1579] : memref<5120xf32, #tpu.memory_space<vmem>> -> memref<5120xf32, #tpu.memory_space<vmem>>
        tpu.enqueue_dma source(%dma_start3A_1580 : memref<5120xf32, #tpu.memory_space<vmem>>) target(%dma_start3A_1578 : memref<5120xf32, #tpu.memory_space<vmem_shared>>) target_semaphore(%run_scoped3A : memref<!tpu.dma_semaphore, #tpu.memory_space<semaphore_mem>>)
        %dma_wait3A_1581 = arith.constant 0 : i32
        %dma_wait3A_1582 = tpu.memref_slice %arg7[%dma_wait3A_1581] : memref<5120xf32, #tpu.memory_space<vmem>> -> memref<5120xf32, #tpu.memory_space<vmem>>
        %dma_wait3A_1583 = tpu.memref_slice %arg11[%add3A_1554] : memref<1000016xf32, #tpu.memory_space<vmem_shared>> -> memref<5120xf32, #tpu.memory_space<vmem_shared>>
        %dma_wait3A_1584 = tpu.memref_slice %arg11[%add3A_1554] : memref<1000016xf32, #tpu.memory_space<vmem_shared>> -> memref<5120xf32, #tpu.memory_space<vmem_shared>>
        %dma_wait3A_1585 = arith.constant 0 : i32
        %dma_wait3A_1586 = tpu.memref_slice %arg7[%dma_wait3A_1585] : memref<5120xf32, #tpu.memory_space<vmem>> -> memref<5120xf32, #tpu.memory_space<vmem>>
        tpu.wait_dma2 semaphore(%run_scoped3A : memref<!tpu.dma_semaphore, #tpu.memory_space<semaphore_mem>>) src(%dma_wait3A_1586 : memref<5120xf32, #tpu.memory_space<vmem>>) dst(%dma_wait3A_1584 : memref<5120xf32, #tpu.memory_space<vmem_shared>>)
        tpu.yield
      }) : () -> ()
      %add3A_1555 = arith.constant 40960 : i32
      %add3A_1556 = arith.addi %mul3A_83, %add3A_1555 : i32
      "tpu.region"() ({
        %run_scoped3A = tpu.sem_alloc : memref<!tpu.dma_semaphore, #tpu.memory_space<semaphore_mem>>
        %dma_start3A_1575 = arith.constant 0 : i32
        %dma_start3A_1576 = tpu.memref_slice %arg7[%dma_start3A_1575] : memref<5120xf32, #tpu.memory_space<vmem>> -> memref<5120xf32, #tpu.memory_space<vmem>>
        %dma_start3A_1577 = tpu.memref_slice %arg3[%add3A_1556] : memref<1000448xf32, #tpu.memory_space<hbm>> -> memref<5120xf32, #tpu.memory_space<hbm>>
        %dma_start3A_1578 = arith.constant 0 : i32
        %dma_start3A_1579 = tpu.memref_slice %arg7[%dma_start3A_1578] : memref<5120xf32, #tpu.memory_space<vmem>> -> memref<5120xf32, #tpu.memory_space<vmem>>
        %dma_start3A_1580 = tpu.memref_slice %arg3[%add3A_1556] : memref<1000448xf32, #tpu.memory_space<hbm>> -> memref<5120xf32, #tpu.memory_space<hbm>>
        tpu.enqueue_dma source(%dma_start3A_1580 : memref<5120xf32, #tpu.memory_space<hbm>>) target(%dma_start3A_1579 : memref<5120xf32, #tpu.memory_space<vmem>>) target_semaphore(%run_scoped3A : memref<!tpu.dma_semaphore, #tpu.memory_space<semaphore_mem>>)
        %dma_wait3A_1581 = arith.constant 0 : i32
        %dma_wait3A_1582 = tpu.memref_slice %arg7[%dma_wait3A_1581] : memref<5120xf32, #tpu.memory_space<vmem>> -> memref<5120xf32, #tpu.memory_space<vmem>>
        %dma_wait3A_1583 = tpu.memref_slice %arg3[%add3A_1556] : memref<1000448xf32, #tpu.memory_space<hbm>> -> memref<5120xf32, #tpu.memory_space<hbm>>
        %dma_wait3A_1584 = arith.constant 0 : i32
        %dma_wait3A_1585 = tpu.memref_slice %arg7[%dma_wait3A_1584] : memref<5120xf32, #tpu.memory_space<vmem>> -> memref<5120xf32, #tpu.memory_space<vmem>>
        %dma_wait3A_1586 = tpu.memref_slice %arg3[%add3A_1556] : memref<1000448xf32, #tpu.memory_space<hbm>> -> memref<5120xf32, #tpu.memory_space<hbm>>
        tpu.wait_dma2 semaphore(%run_scoped3A : memref<!tpu.dma_semaphore, #tpu.memory_space<semaphore_mem>>) src(%dma_wait3A_1586 : memref<5120xf32, #tpu.memory_space<hbm>>) dst(%dma_wait3A_1585 : memref<5120xf32, #tpu.memory_space<vmem>>)
        tpu.yield
      }) : () -> ()
      %add3A_1557 = arith.constant 40960 : i32
      %add3A_1558 = arith.addi %mul3A_83, %add3A_1557 : i32
      "tpu.region"() ({
        %run_scoped3A = tpu.sem_alloc : memref<!tpu.dma_semaphore, #tpu.memory_space<semaphore_mem>>
        %dma_start3A_1575 = arith.constant 0 : i32
        %dma_start3A_1576 = tpu.memref_slice %arg7[%dma_start3A_1575] : memref<5120xf32, #tpu.memory_space<vmem>> -> memref<5120xf32, #tpu.memory_space<vmem>>
        %dma_start3A_1577 = tpu.memref_slice %arg11[%add3A_1558] : memref<1000016xf32, #tpu.memory_space<vmem_shared>> -> memref<5120xf32, #tpu.memory_space<vmem_shared>>
        %dma_start3A_1578 = tpu.memref_slice %arg11[%add3A_1558] : memref<1000016xf32, #tpu.memory_space<vmem_shared>> -> memref<5120xf32, #tpu.memory_space<vmem_shared>>
        %dma_start3A_1579 = arith.constant 0 : i32
        %dma_start3A_1580 = tpu.memref_slice %arg7[%dma_start3A_1579] : memref<5120xf32, #tpu.memory_space<vmem>> -> memref<5120xf32, #tpu.memory_space<vmem>>
        tpu.enqueue_dma source(%dma_start3A_1580 : memref<5120xf32, #tpu.memory_space<vmem>>) target(%dma_start3A_1578 : memref<5120xf32, #tpu.memory_space<vmem_shared>>) target_semaphore(%run_scoped3A : memref<!tpu.dma_semaphore, #tpu.memory_space<semaphore_mem>>)
        %dma_wait3A_1581 = arith.constant 0 : i32
        %dma_wait3A_1582 = tpu.memref_slice %arg7[%dma_wait3A_1581] : memref<5120xf32, #tpu.memory_space<vmem>> -> memref<5120xf32, #tpu.memory_space<vmem>>
        %dma_wait3A_1583 = tpu.memref_slice %arg11[%add3A_1558] : memref<1000016xf32, #tpu.memory_space<vmem_shared>> -> memref<5120xf32, #tpu.memory_space<vmem_shared>>
        %dma_wait3A_1584 = tpu.memref_slice %arg11[%add3A_1558] : memref<1000016xf32, #tpu.memory_space<vmem_shared>> -> memref<5120xf32, #tpu.memory_space<vmem_shared>>
        %dma_wait3A_1585 = arith.constant 0 : i32
        %dma_wait3A_1586 = tpu.memref_slice %arg7[%dma_wait3A_1585] : memref<5120xf32, #tpu.memory_space<vmem>> -> memref<5120xf32, #tpu.memory_space<vmem>>
        tpu.wait_dma2 semaphore(%run_scoped3A : memref<!tpu.dma_semaphore, #tpu.memory_space<semaphore_mem>>) src(%dma_wait3A_1586 : memref<5120xf32, #tpu.memory_space<vmem>>) dst(%dma_wait3A_1584 : memref<5120xf32, #tpu.memory_space<vmem_shared>>)
        tpu.yield
      }) : () -> ()
      %add3A_1559 = arith.constant 46080 : i32
      %add3A_1560 = arith.addi %mul3A_83, %add3A_1559 : i32
      "tpu.region"() ({
        %run_scoped3A = tpu.sem_alloc : memref<!tpu.dma_semaphore, #tpu.memory_space<semaphore_mem>>
        %dma_start3A_1575 = arith.constant 0 : i32
        %dma_start3A_1576 = tpu.memref_slice %arg7[%dma_start3A_1575] : memref<5120xf32, #tpu.memory_space<vmem>> -> memref<5120xf32, #tpu.memory_space<vmem>>
        %dma_start3A_1577 = tpu.memref_slice %arg3[%add3A_1560] : memref<1000448xf32, #tpu.memory_space<hbm>> -> memref<5120xf32, #tpu.memory_space<hbm>>
        %dma_start3A_1578 = arith.constant 0 : i32
        %dma_start3A_1579 = tpu.memref_slice %arg7[%dma_start3A_1578] : memref<5120xf32, #tpu.memory_space<vmem>> -> memref<5120xf32, #tpu.memory_space<vmem>>
        %dma_start3A_1580 = tpu.memref_slice %arg3[%add3A_1560] : memref<1000448xf32, #tpu.memory_space<hbm>> -> memref<5120xf32, #tpu.memory_space<hbm>>
        tpu.enqueue_dma source(%dma_start3A_1580 : memref<5120xf32, #tpu.memory_space<hbm>>) target(%dma_start3A_1579 : memref<5120xf32, #tpu.memory_space<vmem>>) target_semaphore(%run_scoped3A : memref<!tpu.dma_semaphore, #tpu.memory_space<semaphore_mem>>)
        %dma_wait3A_1581 = arith.constant 0 : i32
        %dma_wait3A_1582 = tpu.memref_slice %arg7[%dma_wait3A_1581] : memref<5120xf32, #tpu.memory_space<vmem>> -> memref<5120xf32, #tpu.memory_space<vmem>>
        %dma_wait3A_1583 = tpu.memref_slice %arg3[%add3A_1560] : memref<1000448xf32, #tpu.memory_space<hbm>> -> memref<5120xf32, #tpu.memory_space<hbm>>
        %dma_wait3A_1584 = arith.constant 0 : i32
        %dma_wait3A_1585 = tpu.memref_slice %arg7[%dma_wait3A_1584] : memref<5120xf32, #tpu.memory_space<vmem>> -> memref<5120xf32, #tpu.memory_space<vmem>>
        %dma_wait3A_1586 = tpu.memref_slice %arg3[%add3A_1560] : memref<1000448xf32, #tpu.memory_space<hbm>> -> memref<5120xf32, #tpu.memory_space<hbm>>
        tpu.wait_dma2 semaphore(%run_scoped3A : memref<!tpu.dma_semaphore, #tpu.memory_space<semaphore_mem>>) src(%dma_wait3A_1586 : memref<5120xf32, #tpu.memory_space<hbm>>) dst(%dma_wait3A_1585 : memref<5120xf32, #tpu.memory_space<vmem>>)
        tpu.yield
      }) : () -> ()
      %add3A_1561 = arith.constant 46080 : i32
      %add3A_1562 = arith.addi %mul3A_83, %add3A_1561 : i32
      "tpu.region"() ({
        %run_scoped3A = tpu.sem_alloc : memref<!tpu.dma_semaphore, #tpu.memory_space<semaphore_mem>>
        %dma_start3A_1575 = arith.constant 0 : i32
        %dma_start3A_1576 = tpu.memref_slice %arg7[%dma_start3A_1575] : memref<5120xf32, #tpu.memory_space<vmem>> -> memref<5120xf32, #tpu.memory_space<vmem>>
        %dma_start3A_1577 = tpu.memref_slice %arg11[%add3A_1562] : memref<1000016xf32, #tpu.memory_space<vmem_shared>> -> memref<5120xf32, #tpu.memory_space<vmem_shared>>
        %dma_start3A_1578 = tpu.memref_slice %arg11[%add3A_1562] : memref<1000016xf32, #tpu.memory_space<vmem_shared>> -> memref<5120xf32, #tpu.memory_space<vmem_shared>>
        %dma_start3A_1579 = arith.constant 0 : i32
        %dma_start3A_1580 = tpu.memref_slice %arg7[%dma_start3A_1579] : memref<5120xf32, #tpu.memory_space<vmem>> -> memref<5120xf32, #tpu.memory_space<vmem>>
        tpu.enqueue_dma source(%dma_start3A_1580 : memref<5120xf32, #tpu.memory_space<vmem>>) target(%dma_start3A_1578 : memref<5120xf32, #tpu.memory_space<vmem_shared>>) target_semaphore(%run_scoped3A : memref<!tpu.dma_semaphore, #tpu.memory_space<semaphore_mem>>)
        %dma_wait3A_1581 = arith.constant 0 : i32
        %dma_wait3A_1582 = tpu.memref_slice %arg7[%dma_wait3A_1581] : memref<5120xf32, #tpu.memory_space<vmem>> -> memref<5120xf32, #tpu.memory_space<vmem>>
        %dma_wait3A_1583 = tpu.memref_slice %arg11[%add3A_1562] : memref<1000016xf32, #tpu.memory_space<vmem_shared>> -> memref<5120xf32, #tpu.memory_space<vmem_shared>>
        %dma_wait3A_1584 = tpu.memref_slice %arg11[%add3A_1562] : memref<1000016xf32, #tpu.memory_space<vmem_shared>> -> memref<5120xf32, #tpu.memory_space<vmem_shared>>
        %dma_wait3A_1585 = arith.constant 0 : i32
        %dma_wait3A_1586 = tpu.memref_slice %arg7[%dma_wait3A_1585] : memref<5120xf32, #tpu.memory_space<vmem>> -> memref<5120xf32, #tpu.memory_space<vmem>>
        tpu.wait_dma2 semaphore(%run_scoped3A : memref<!tpu.dma_semaphore, #tpu.memory_space<semaphore_mem>>) src(%dma_wait3A_1586 : memref<5120xf32, #tpu.memory_space<vmem>>) dst(%dma_wait3A_1584 : memref<5120xf32, #tpu.memory_space<vmem_shared>>)
        tpu.yield
      }) : () -> ()
      %add3A_1563 = arith.constant 51200 : i32
      %add3A_1564 = arith.addi %mul3A_83, %add3A_1563 : i32
      "tpu.region"() ({
        %run_scoped3A = tpu.sem_alloc : memref<!tpu.dma_semaphore, #tpu.memory_space<semaphore_mem>>
        %dma_start3A_1575 = arith.constant 0 : i32
        %dma_start3A_1576 = tpu.memref_slice %arg7[%dma_start3A_1575] : memref<5120xf32, #tpu.memory_space<vmem>> -> memref<5120xf32, #tpu.memory_space<vmem>>
        %dma_start3A_1577 = tpu.memref_slice %arg3[%add3A_1564] : memref<1000448xf32, #tpu.memory_space<hbm>> -> memref<5120xf32, #tpu.memory_space<hbm>>
        %dma_start3A_1578 = arith.constant 0 : i32
        %dma_start3A_1579 = tpu.memref_slice %arg7[%dma_start3A_1578] : memref<5120xf32, #tpu.memory_space<vmem>> -> memref<5120xf32, #tpu.memory_space<vmem>>
        %dma_start3A_1580 = tpu.memref_slice %arg3[%add3A_1564] : memref<1000448xf32, #tpu.memory_space<hbm>> -> memref<5120xf32, #tpu.memory_space<hbm>>
        tpu.enqueue_dma source(%dma_start3A_1580 : memref<5120xf32, #tpu.memory_space<hbm>>) target(%dma_start3A_1579 : memref<5120xf32, #tpu.memory_space<vmem>>) target_semaphore(%run_scoped3A : memref<!tpu.dma_semaphore, #tpu.memory_space<semaphore_mem>>)
        %dma_wait3A_1581 = arith.constant 0 : i32
        %dma_wait3A_1582 = tpu.memref_slice %arg7[%dma_wait3A_1581] : memref<5120xf32, #tpu.memory_space<vmem>> -> memref<5120xf32, #tpu.memory_space<vmem>>
        %dma_wait3A_1583 = tpu.memref_slice %arg3[%add3A_1564] : memref<1000448xf32, #tpu.memory_space<hbm>> -> memref<5120xf32, #tpu.memory_space<hbm>>
        %dma_wait3A_1584 = arith.constant 0 : i32
        %dma_wait3A_1585 = tpu.memref_slice %arg7[%dma_wait3A_1584] : memref<5120xf32, #tpu.memory_space<vmem>> -> memref<5120xf32, #tpu.memory_space<vmem>>
        %dma_wait3A_1586 = tpu.memref_slice %arg3[%add3A_1564] : memref<1000448xf32, #tpu.memory_space<hbm>> -> memref<5120xf32, #tpu.memory_space<hbm>>
        tpu.wait_dma2 semaphore(%run_scoped3A : memref<!tpu.dma_semaphore, #tpu.memory_space<semaphore_mem>>) src(%dma_wait3A_1586 : memref<5120xf32, #tpu.memory_space<hbm>>) dst(%dma_wait3A_1585 : memref<5120xf32, #tpu.memory_space<vmem>>)
        tpu.yield
      }) : () -> ()
      %add3A_1565 = arith.constant 51200 : i32
      %add3A_1566 = arith.addi %mul3A_83, %add3A_1565 : i32
      "tpu.region"() ({
        %run_scoped3A = tpu.sem_alloc : memref<!tpu.dma_semaphore, #tpu.memory_space<semaphore_mem>>
        %dma_start3A_1575 = arith.constant 0 : i32
        %dma_start3A_1576 = tpu.memref_slice %arg7[%dma_start3A_1575] : memref<5120xf32, #tpu.memory_space<vmem>> -> memref<5120xf32, #tpu.memory_space<vmem>>
        %dma_start3A_1577 = tpu.memref_slice %arg11[%add3A_1566] : memref<1000016xf32, #tpu.memory_space<vmem_shared>> -> memref<5120xf32, #tpu.memory_space<vmem_shared>>
        %dma_start3A_1578 = tpu.memref_slice %arg11[%add3A_1566] : memref<1000016xf32, #tpu.memory_space<vmem_shared>> -> memref<5120xf32, #tpu.memory_space<vmem_shared>>
        %dma_start3A_1579 = arith.constant 0 : i32
        %dma_start3A_1580 = tpu.memref_slice %arg7[%dma_start3A_1579] : memref<5120xf32, #tpu.memory_space<vmem>> -> memref<5120xf32, #tpu.memory_space<vmem>>
        tpu.enqueue_dma source(%dma_start3A_1580 : memref<5120xf32, #tpu.memory_space<vmem>>) target(%dma_start3A_1578 : memref<5120xf32, #tpu.memory_space<vmem_shared>>) target_semaphore(%run_scoped3A : memref<!tpu.dma_semaphore, #tpu.memory_space<semaphore_mem>>)
        %dma_wait3A_1581 = arith.constant 0 : i32
        %dma_wait3A_1582 = tpu.memref_slice %arg7[%dma_wait3A_1581] : memref<5120xf32, #tpu.memory_space<vmem>> -> memref<5120xf32, #tpu.memory_space<vmem>>
        %dma_wait3A_1583 = tpu.memref_slice %arg11[%add3A_1566] : memref<1000016xf32, #tpu.memory_space<vmem_shared>> -> memref<5120xf32, #tpu.memory_space<vmem_shared>>
        %dma_wait3A_1584 = tpu.memref_slice %arg11[%add3A_1566] : memref<1000016xf32, #tpu.memory_space<vmem_shared>> -> memref<5120xf32, #tpu.memory_space<vmem_shared>>
        %dma_wait3A_1585 = arith.constant 0 : i32
        %dma_wait3A_1586 = tpu.memref_slice %arg7[%dma_wait3A_1585] : memref<5120xf32, #tpu.memory_space<vmem>> -> memref<5120xf32, #tpu.memory_space<vmem>>
        tpu.wait_dma2 semaphore(%run_scoped3A : memref<!tpu.dma_semaphore, #tpu.memory_space<semaphore_mem>>) src(%dma_wait3A_1586 : memref<5120xf32, #tpu.memory_space<vmem>>) dst(%dma_wait3A_1584 : memref<5120xf32, #tpu.memory_space<vmem_shared>>)
        tpu.yield
      }) : () -> ()
      %add3A_1567 = arith.constant 56320 : i32
      %add3A_1568 = arith.addi %mul3A_83, %add3A_1567 : i32
      "tpu.region"() ({
        %run_scoped3A = tpu.sem_alloc : memref<!tpu.dma_semaphore, #tpu.memory_space<semaphore_mem>>
        %dma_start3A_1575 = arith.constant 0 : i32
        %dma_start3A_1576 = tpu.memref_slice %arg7[%dma_start3A_1575] : memref<5120xf32, #tpu.memory_space<vmem>> -> memref<5120xf32, #tpu.memory_space<vmem>>
        %dma_start3A_1577 = tpu.memref_slice %arg3[%add3A_1568] : memref<1000448xf32, #tpu.memory_space<hbm>> -> memref<5120xf32, #tpu.memory_space<hbm>>
        %dma_start3A_1578 = arith.constant 0 : i32
        %dma_start3A_1579 = tpu.memref_slice %arg7[%dma_start3A_1578] : memref<5120xf32, #tpu.memory_space<vmem>> -> memref<5120xf32, #tpu.memory_space<vmem>>
        %dma_start3A_1580 = tpu.memref_slice %arg3[%add3A_1568] : memref<1000448xf32, #tpu.memory_space<hbm>> -> memref<5120xf32, #tpu.memory_space<hbm>>
        tpu.enqueue_dma source(%dma_start3A_1580 : memref<5120xf32, #tpu.memory_space<hbm>>) target(%dma_start3A_1579 : memref<5120xf32, #tpu.memory_space<vmem>>) target_semaphore(%run_scoped3A : memref<!tpu.dma_semaphore, #tpu.memory_space<semaphore_mem>>)
        %dma_wait3A_1581 = arith.constant 0 : i32
        %dma_wait3A_1582 = tpu.memref_slice %arg7[%dma_wait3A_1581] : memref<5120xf32, #tpu.memory_space<vmem>> -> memref<5120xf32, #tpu.memory_space<vmem>>
        %dma_wait3A_1583 = tpu.memref_slice %arg3[%add3A_1568] : memref<1000448xf32, #tpu.memory_space<hbm>> -> memref<5120xf32, #tpu.memory_space<hbm>>
        %dma_wait3A_1584 = arith.constant 0 : i32
        %dma_wait3A_1585 = tpu.memref_slice %arg7[%dma_wait3A_1584] : memref<5120xf32, #tpu.memory_space<vmem>> -> memref<5120xf32, #tpu.memory_space<vmem>>
        %dma_wait3A_1586 = tpu.memref_slice %arg3[%add3A_1568] : memref<1000448xf32, #tpu.memory_space<hbm>> -> memref<5120xf32, #tpu.memory_space<hbm>>
        tpu.wait_dma2 semaphore(%run_scoped3A : memref<!tpu.dma_semaphore, #tpu.memory_space<semaphore_mem>>) src(%dma_wait3A_1586 : memref<5120xf32, #tpu.memory_space<hbm>>) dst(%dma_wait3A_1585 : memref<5120xf32, #tpu.memory_space<vmem>>)
        tpu.yield
      }) : () -> ()
      %add3A_1569 = arith.constant 56320 : i32
      %add3A_1570 = arith.addi %mul3A_83, %add3A_1569 : i32
      "tpu.region"() ({
        %run_scoped3A = tpu.sem_alloc : memref<!tpu.dma_semaphore, #tpu.memory_space<semaphore_mem>>
        %dma_start3A_1575 = arith.constant 0 : i32
        %dma_start3A_1576 = tpu.memref_slice %arg7[%dma_start3A_1575] : memref<5120xf32, #tpu.memory_space<vmem>> -> memref<5120xf32, #tpu.memory_space<vmem>>
        %dma_start3A_1577 = tpu.memref_slice %arg11[%add3A_1570] : memref<1000016xf32, #tpu.memory_space<vmem_shared>> -> memref<5120xf32, #tpu.memory_space<vmem_shared>>
        %dma_start3A_1578 = tpu.memref_slice %arg11[%add3A_1570] : memref<1000016xf32, #tpu.memory_space<vmem_shared>> -> memref<5120xf32, #tpu.memory_space<vmem_shared>>
        %dma_start3A_1579 = arith.constant 0 : i32
        %dma_start3A_1580 = tpu.memref_slice %arg7[%dma_start3A_1579] : memref<5120xf32, #tpu.memory_space<vmem>> -> memref<5120xf32, #tpu.memory_space<vmem>>
        tpu.enqueue_dma source(%dma_start3A_1580 : memref<5120xf32, #tpu.memory_space<vmem>>) target(%dma_start3A_1578 : memref<5120xf32, #tpu.memory_space<vmem_shared>>) target_semaphore(%run_scoped3A : memref<!tpu.dma_semaphore, #tpu.memory_space<semaphore_mem>>)
        %dma_wait3A_1581 = arith.constant 0 : i32
        %dma_wait3A_1582 = tpu.memref_slice %arg7[%dma_wait3A_1581] : memref<5120xf32, #tpu.memory_space<vmem>> -> memref<5120xf32, #tpu.memory_space<vmem>>
        %dma_wait3A_1583 = tpu.memref_slice %arg11[%add3A_1570] : memref<1000016xf32, #tpu.memory_space<vmem_shared>> -> memref<5120xf32, #tpu.memory_space<vmem_shared>>
        %dma_wait3A_1584 = tpu.memref_slice %arg11[%add3A_1570] : memref<1000016xf32, #tpu.memory_space<vmem_shared>> -> memref<5120xf32, #tpu.memory_space<vmem_shared>>
        %dma_wait3A_1585 = arith.constant 0 : i32
        %dma_wait3A_1586 = tpu.memref_slice %arg7[%dma_wait3A_1585] : memref<5120xf32, #tpu.memory_space<vmem>> -> memref<5120xf32, #tpu.memory_space<vmem>>
        tpu.wait_dma2 semaphore(%run_scoped3A : memref<!tpu.dma_semaphore, #tpu.memory_space<semaphore_mem>>) src(%dma_wait3A_1586 : memref<5120xf32, #tpu.memory_space<vmem>>) dst(%dma_wait3A_1584 : memref<5120xf32, #tpu.memory_space<vmem_shared>>)
        tpu.yield
      }) : () -> ()
      %add3A_1571 = arith.constant 61440 : i32
      %add3A_1572 = arith.addi %mul3A_83, %add3A_1571 : i32
      "tpu.region"() ({
        %run_scoped3A = tpu.sem_alloc : memref<!tpu.dma_semaphore, #tpu.memory_space<semaphore_mem>>
        %dma_start3A_1575 = arith.constant 0 : i32
        %dma_start3A_1576 = tpu.memref_slice %arg7[%dma_start3A_1575] : memref<5120xf32, #tpu.memory_space<vmem>> -> memref<1064xf32, #tpu.memory_space<vmem>>
        %dma_start3A_1577 = tpu.memref_slice %arg3[%add3A_1572] : memref<1000448xf32, #tpu.memory_space<hbm>> -> memref<1064xf32, #tpu.memory_space<hbm>>
        %dma_start3A_1578 = arith.constant 0 : i32
        %dma_start3A_1579 = tpu.memref_slice %arg7[%dma_start3A_1578] : memref<5120xf32, #tpu.memory_space<vmem>> -> memref<1064xf32, #tpu.memory_space<vmem>>
        %dma_start3A_1580 = tpu.memref_slice %arg3[%add3A_1572] : memref<1000448xf32, #tpu.memory_space<hbm>> -> memref<1064xf32, #tpu.memory_space<hbm>>
        tpu.enqueue_dma source(%dma_start3A_1580 : memref<1064xf32, #tpu.memory_space<hbm>>) target(%dma_start3A_1579 : memref<1064xf32, #tpu.memory_space<vmem>>) target_semaphore(%run_scoped3A : memref<!tpu.dma_semaphore, #tpu.memory_space<semaphore_mem>>)
        %dma_wait3A_1581 = arith.constant 0 : i32
        %dma_wait3A_1582 = tpu.memref_slice %arg7[%dma_wait3A_1581] : memref<5120xf32, #tpu.memory_space<vmem>> -> memref<1064xf32, #tpu.memory_space<vmem>>
        %dma_wait3A_1583 = tpu.memref_slice %arg3[%add3A_1572] : memref<1000448xf32, #tpu.memory_space<hbm>> -> memref<1064xf32, #tpu.memory_space<hbm>>
        %dma_wait3A_1584 = arith.constant 0 : i32
        %dma_wait3A_1585 = tpu.memref_slice %arg7[%dma_wait3A_1584] : memref<5120xf32, #tpu.memory_space<vmem>> -> memref<1064xf32, #tpu.memory_space<vmem>>
        %dma_wait3A_1586 = tpu.memref_slice %arg3[%add3A_1572] : memref<1000448xf32, #tpu.memory_space<hbm>> -> memref<1064xf32, #tpu.memory_space<hbm>>
        tpu.wait_dma2 semaphore(%run_scoped3A : memref<!tpu.dma_semaphore, #tpu.memory_space<semaphore_mem>>) src(%dma_wait3A_1586 : memref<1064xf32, #tpu.memory_space<hbm>>) dst(%dma_wait3A_1585 : memref<1064xf32, #tpu.memory_space<vmem>>)
        tpu.yield
      }) : () -> ()
      %add3A_1573 = arith.constant 61440 : i32
      %add3A_1574 = arith.addi %mul3A_83, %add3A_1573 : i32
      "tpu.region"() ({
        %run_scoped3A = tpu.sem_alloc : memref<!tpu.dma_semaphore, #tpu.memory_space<semaphore_mem>>
        %dma_start3A_1575 = arith.constant 0 : i32
        %dma_start3A_1576 = tpu.memref_slice %arg7[%dma_start3A_1575] : memref<5120xf32, #tpu.memory_space<vmem>> -> memref<1064xf32, #tpu.memory_space<vmem>>
        %dma_start3A_1577 = tpu.memref_slice %arg11[%add3A_1574] : memref<1000016xf32, #tpu.memory_space<vmem_shared>> -> memref<1064xf32, #tpu.memory_space<vmem_shared>>
        %dma_start3A_1578 = tpu.memref_slice %arg11[%add3A_1574] : memref<1000016xf32, #tpu.memory_space<vmem_shared>> -> memref<1064xf32, #tpu.memory_space<vmem_shared>>
        %dma_start3A_1579 = arith.constant 0 : i32
        %dma_start3A_1580 = tpu.memref_slice %arg7[%dma_start3A_1579] : memref<5120xf32, #tpu.memory_space<vmem>> -> memref<1064xf32, #tpu.memory_space<vmem>>
        tpu.enqueue_dma source(%dma_start3A_1580 : memref<1064xf32, #tpu.memory_space<vmem>>) target(%dma_start3A_1578 : memref<1064xf32, #tpu.memory_space<vmem_shared>>) target_semaphore(%run_scoped3A : memref<!tpu.dma_semaphore, #tpu.memory_space<semaphore_mem>>)
        %dma_wait3A_1581 = arith.constant 0 : i32
        %dma_wait3A_1582 = tpu.memref_slice %arg7[%dma_wait3A_1581] : memref<5120xf32, #tpu.memory_space<vmem>> -> memref<1064xf32, #tpu.memory_space<vmem>>
        %dma_wait3A_1583 = tpu.memref_slice %arg11[%add3A_1574] : memref<1000016xf32, #tpu.memory_space<vmem_shared>> -> memref<1064xf32, #tpu.memory_space<vmem_shared>>
        %dma_wait3A_1584 = tpu.memref_slice %arg11[%add3A_1574] : memref<1000016xf32, #tpu.memory_space<vmem_shared>> -> memref<1064xf32, #tpu.memory_space<vmem_shared>>
        %dma_wait3A_1585 = arith.constant 0 : i32
        %dma_wait3A_1586 = tpu.memref_slice %arg7[%dma_wait3A_1585] : memref<5120xf32, #tpu.memory_space<vmem>> -> memref<1064xf32, #tpu.memory_space<vmem>>
        tpu.wait_dma2 semaphore(%run_scoped3A : memref<!tpu.dma_semaphore, #tpu.memory_space<semaphore_mem>>) src(%dma_wait3A_1586 : memref<1064xf32, #tpu.memory_space<vmem>>) dst(%dma_wait3A_1584 : memref<1064xf32, #tpu.memory_space<vmem_shared>>)
        tpu.yield
      }) : () -> ()
    } else {
    }
    %eq3A = arith.constant 15 : i32
    %eq3A_86 = arith.cmpi eq, %arg1, %eq3A : i32
    %convert_element_type3A_87 = arith.extui %eq3A_86 : i1 to i32
    %cond3A_88 = arith.constant 0 : i32
    %cond3A_89 = arith.cmpi ne, %convert_element_type3A_87, %cond3A_88 : i32
    scf.if %cond3A_89 {
      "tpu.region"() ({
        %run_scoped3A = tpu.sem_alloc : memref<!tpu.dma_semaphore, #tpu.memory_space<semaphore_mem>>
        %dma_start3A_1523 = arith.constant 0 : i32
        %dma_start3A_1524 = tpu.memref_slice %arg7[%dma_start3A_1523] : memref<5120xf32, #tpu.memory_space<vmem>> -> memref<5120xf32, #tpu.memory_space<vmem>>
        %dma_start3A_1525 = arith.constant 937560 : i32
        %dma_start3A_1526 = tpu.memref_slice %arg3[%dma_start3A_1525] : memref<1000448xf32, #tpu.memory_space<hbm>> -> memref<5120xf32, #tpu.memory_space<hbm>>
        %dma_start3A_1527 = arith.constant 0 : i32
        %dma_start3A_1528 = tpu.memref_slice %arg7[%dma_start3A_1527] : memref<5120xf32, #tpu.memory_space<vmem>> -> memref<5120xf32, #tpu.memory_space<vmem>>
        %dma_start3A_1529 = arith.constant 937560 : i32
        %dma_start3A_1530 = tpu.memref_slice %arg3[%dma_start3A_1529] : memref<1000448xf32, #tpu.memory_space<hbm>> -> memref<5120xf32, #tpu.memory_space<hbm>>
        tpu.enqueue_dma source(%dma_start3A_1530 : memref<5120xf32, #tpu.memory_space<hbm>>) target(%dma_start3A_1528 : memref<5120xf32, #tpu.memory_space<vmem>>) target_semaphore(%run_scoped3A : memref<!tpu.dma_semaphore, #tpu.memory_space<semaphore_mem>>)
        %dma_wait3A_1531 = arith.constant 0 : i32
        %dma_wait3A_1532 = tpu.memref_slice %arg7[%dma_wait3A_1531] : memref<5120xf32, #tpu.memory_space<vmem>> -> memref<5120xf32, #tpu.memory_space<vmem>>
        %dma_wait3A_1533 = arith.constant 937560 : i32
        %dma_wait3A_1534 = tpu.memref_slice %arg3[%dma_wait3A_1533] : memref<1000448xf32, #tpu.memory_space<hbm>> -> memref<5120xf32, #tpu.memory_space<hbm>>
        %dma_wait3A_1535 = arith.constant 0 : i32
        %dma_wait3A_1536 = tpu.memref_slice %arg7[%dma_wait3A_1535] : memref<5120xf32, #tpu.memory_space<vmem>> -> memref<5120xf32, #tpu.memory_space<vmem>>
        %dma_wait3A_1537 = arith.constant 937560 : i32
        %dma_wait3A_1538 = tpu.memref_slice %arg3[%dma_wait3A_1537] : memref<1000448xf32, #tpu.memory_space<hbm>> -> memref<5120xf32, #tpu.memory_space<hbm>>
        tpu.wait_dma2 semaphore(%run_scoped3A : memref<!tpu.dma_semaphore, #tpu.memory_space<semaphore_mem>>) src(%dma_wait3A_1538 : memref<5120xf32, #tpu.memory_space<hbm>>) dst(%dma_wait3A_1536 : memref<5120xf32, #tpu.memory_space<vmem>>)
        tpu.yield
      }) : () -> ()
      "tpu.region"() ({
        %run_scoped3A = tpu.sem_alloc : memref<!tpu.dma_semaphore, #tpu.memory_space<semaphore_mem>>
        %dma_start3A_1523 = arith.constant 0 : i32
        %dma_start3A_1524 = tpu.memref_slice %arg7[%dma_start3A_1523] : memref<5120xf32, #tpu.memory_space<vmem>> -> memref<5120xf32, #tpu.memory_space<vmem>>
        %dma_start3A_1525 = arith.constant 937560 : i32
        %dma_start3A_1526 = tpu.memref_slice %arg11[%dma_start3A_1525] : memref<1000016xf32, #tpu.memory_space<vmem_shared>> -> memref<5120xf32, #tpu.memory_space<vmem_shared>>
        %dma_start3A_1527 = arith.constant 937560 : i32
        %dma_start3A_1528 = tpu.memref_slice %arg11[%dma_start3A_1527] : memref<1000016xf32, #tpu.memory_space<vmem_shared>> -> memref<5120xf32, #tpu.memory_space<vmem_shared>>
        %dma_start3A_1529 = arith.constant 0 : i32
        %dma_start3A_1530 = tpu.memref_slice %arg7[%dma_start3A_1529] : memref<5120xf32, #tpu.memory_space<vmem>> -> memref<5120xf32, #tpu.memory_space<vmem>>
        tpu.enqueue_dma source(%dma_start3A_1530 : memref<5120xf32, #tpu.memory_space<vmem>>) target(%dma_start3A_1528 : memref<5120xf32, #tpu.memory_space<vmem_shared>>) target_semaphore(%run_scoped3A : memref<!tpu.dma_semaphore, #tpu.memory_space<semaphore_mem>>)
        %dma_wait3A_1531 = arith.constant 0 : i32
        %dma_wait3A_1532 = tpu.memref_slice %arg7[%dma_wait3A_1531] : memref<5120xf32, #tpu.memory_space<vmem>> -> memref<5120xf32, #tpu.memory_space<vmem>>
        %dma_wait3A_1533 = arith.constant 937560 : i32
        %dma_wait3A_1534 = tpu.memref_slice %arg11[%dma_wait3A_1533] : memref<1000016xf32, #tpu.memory_space<vmem_shared>> -> memref<5120xf32, #tpu.memory_space<vmem_shared>>
        %dma_wait3A_1535 = arith.constant 937560 : i32
        %dma_wait3A_1536 = tpu.memref_slice %arg11[%dma_wait3A_1535] : memref<1000016xf32, #tpu.memory_space<vmem_shared>> -> memref<5120xf32, #tpu.memory_space<vmem_shared>>
        %dma_wait3A_1537 = arith.constant 0 : i32
        %dma_wait3A_1538 = tpu.memref_slice %arg7[%dma_wait3A_1537] : memref<5120xf32, #tpu.memory_space<vmem>> -> memref<5120xf32, #tpu.memory_space<vmem>>
        tpu.wait_dma2 semaphore(%run_scoped3A : memref<!tpu.dma_semaphore, #tpu.memory_space<semaphore_mem>>) src(%dma_wait3A_1538 : memref<5120xf32, #tpu.memory_space<vmem>>) dst(%dma_wait3A_1536 : memref<5120xf32, #tpu.memory_space<vmem_shared>>)
        tpu.yield
      }) : () -> ()
      "tpu.region"() ({
        %run_scoped3A = tpu.sem_alloc : memref<!tpu.dma_semaphore, #tpu.memory_space<semaphore_mem>>
        %dma_start3A_1523 = arith.constant 0 : i32
        %dma_start3A_1524 = tpu.memref_slice %arg7[%dma_start3A_1523] : memref<5120xf32, #tpu.memory_space<vmem>> -> memref<5120xf32, #tpu.memory_space<vmem>>
        %dma_start3A_1525 = arith.constant 942680 : i32
        %dma_start3A_1526 = tpu.memref_slice %arg3[%dma_start3A_1525] : memref<1000448xf32, #tpu.memory_space<hbm>> -> memref<5120xf32, #tpu.memory_space<hbm>>
        %dma_start3A_1527 = arith.constant 0 : i32
        %dma_start3A_1528 = tpu.memref_slice %arg7[%dma_start3A_1527] : memref<5120xf32, #tpu.memory_space<vmem>> -> memref<5120xf32, #tpu.memory_space<vmem>>
        %dma_start3A_1529 = arith.constant 942680 : i32
        %dma_start3A_1530 = tpu.memref_slice %arg3[%dma_start3A_1529] : memref<1000448xf32, #tpu.memory_space<hbm>> -> memref<5120xf32, #tpu.memory_space<hbm>>
        tpu.enqueue_dma source(%dma_start3A_1530 : memref<5120xf32, #tpu.memory_space<hbm>>) target(%dma_start3A_1528 : memref<5120xf32, #tpu.memory_space<vmem>>) target_semaphore(%run_scoped3A : memref<!tpu.dma_semaphore, #tpu.memory_space<semaphore_mem>>)
        %dma_wait3A_1531 = arith.constant 0 : i32
        %dma_wait3A_1532 = tpu.memref_slice %arg7[%dma_wait3A_1531] : memref<5120xf32, #tpu.memory_space<vmem>> -> memref<5120xf32, #tpu.memory_space<vmem>>
        %dma_wait3A_1533 = arith.constant 942680 : i32
        %dma_wait3A_1534 = tpu.memref_slice %arg3[%dma_wait3A_1533] : memref<1000448xf32, #tpu.memory_space<hbm>> -> memref<5120xf32, #tpu.memory_space<hbm>>
        %dma_wait3A_1535 = arith.constant 0 : i32
        %dma_wait3A_1536 = tpu.memref_slice %arg7[%dma_wait3A_1535] : memref<5120xf32, #tpu.memory_space<vmem>> -> memref<5120xf32, #tpu.memory_space<vmem>>
        %dma_wait3A_1537 = arith.constant 942680 : i32
        %dma_wait3A_1538 = tpu.memref_slice %arg3[%dma_wait3A_1537] : memref<1000448xf32, #tpu.memory_space<hbm>> -> memref<5120xf32, #tpu.memory_space<hbm>>
        tpu.wait_dma2 semaphore(%run_scoped3A : memref<!tpu.dma_semaphore, #tpu.memory_space<semaphore_mem>>) src(%dma_wait3A_1538 : memref<5120xf32, #tpu.memory_space<hbm>>) dst(%dma_wait3A_1536 : memref<5120xf32, #tpu.memory_space<vmem>>)
        tpu.yield
      }) : () -> ()
      "tpu.region"() ({
        %run_scoped3A = tpu.sem_alloc : memref<!tpu.dma_semaphore, #tpu.memory_space<semaphore_mem>>
        %dma_start3A_1523 = arith.constant 0 : i32
        %dma_start3A_1524 = tpu.memref_slice %arg7[%dma_start3A_1523] : memref<5120xf32, #tpu.memory_space<vmem>> -> memref<5120xf32, #tpu.memory_space<vmem>>
        %dma_start3A_1525 = arith.constant 942680 : i32
        %dma_start3A_1526 = tpu.memref_slice %arg11[%dma_start3A_1525] : memref<1000016xf32, #tpu.memory_space<vmem_shared>> -> memref<5120xf32, #tpu.memory_space<vmem_shared>>
        %dma_start3A_1527 = arith.constant 942680 : i32
        %dma_start3A_1528 = tpu.memref_slice %arg11[%dma_start3A_1527] : memref<1000016xf32, #tpu.memory_space<vmem_shared>> -> memref<5120xf32, #tpu.memory_space<vmem_shared>>
        %dma_start3A_1529 = arith.constant 0 : i32
        %dma_start3A_1530 = tpu.memref_slice %arg7[%dma_start3A_1529] : memref<5120xf32, #tpu.memory_space<vmem>> -> memref<5120xf32, #tpu.memory_space<vmem>>
        tpu.enqueue_dma source(%dma_start3A_1530 : memref<5120xf32, #tpu.memory_space<vmem>>) target(%dma_start3A_1528 : memref<5120xf32, #tpu.memory_space<vmem_shared>>) target_semaphore(%run_scoped3A : memref<!tpu.dma_semaphore, #tpu.memory_space<semaphore_mem>>)
        %dma_wait3A_1531 = arith.constant 0 : i32
        %dma_wait3A_1532 = tpu.memref_slice %arg7[%dma_wait3A_1531] : memref<5120xf32, #tpu.memory_space<vmem>> -> memref<5120xf32, #tpu.memory_space<vmem>>
        %dma_wait3A_1533 = arith.constant 942680 : i32
        %dma_wait3A_1534 = tpu.memref_slice %arg11[%dma_wait3A_1533] : memref<1000016xf32, #tpu.memory_space<vmem_shared>> -> memref<5120xf32, #tpu.memory_space<vmem_shared>>
        %dma_wait3A_1535 = arith.constant 942680 : i32
        %dma_wait3A_1536 = tpu.memref_slice %arg11[%dma_wait3A_1535] : memref<1000016xf32, #tpu.memory_space<vmem_shared>> -> memref<5120xf32, #tpu.memory_space<vmem_shared>>
        %dma_wait3A_1537 = arith.constant 0 : i32
        %dma_wait3A_1538 = tpu.memref_slice %arg7[%dma_wait3A_1537] : memref<5120xf32, #tpu.memory_space<vmem>> -> memref<5120xf32, #tpu.memory_space<vmem>>
        tpu.wait_dma2 semaphore(%run_scoped3A : memref<!tpu.dma_semaphore, #tpu.memory_space<semaphore_mem>>) src(%dma_wait3A_1538 : memref<5120xf32, #tpu.memory_space<vmem>>) dst(%dma_wait3A_1536 : memref<5120xf32, #tpu.memory_space<vmem_shared>>)
        tpu.yield
      }) : () -> ()
      "tpu.region"() ({
        %run_scoped3A = tpu.sem_alloc : memref<!tpu.dma_semaphore, #tpu.memory_space<semaphore_mem>>
        %dma_start3A_1523 = arith.constant 0 : i32
        %dma_start3A_1524 = tpu.memref_slice %arg7[%dma_start3A_1523] : memref<5120xf32, #tpu.memory_space<vmem>> -> memref<5120xf32, #tpu.memory_space<vmem>>
        %dma_start3A_1525 = arith.constant 947800 : i32
        %dma_start3A_1526 = tpu.memref_slice %arg3[%dma_start3A_1525] : memref<1000448xf32, #tpu.memory_space<hbm>> -> memref<5120xf32, #tpu.memory_space<hbm>>
        %dma_start3A_1527 = arith.constant 0 : i32
        %dma_start3A_1528 = tpu.memref_slice %arg7[%dma_start3A_1527] : memref<5120xf32, #tpu.memory_space<vmem>> -> memref<5120xf32, #tpu.memory_space<vmem>>
        %dma_start3A_1529 = arith.constant 947800 : i32
        %dma_start3A_1530 = tpu.memref_slice %arg3[%dma_start3A_1529] : memref<1000448xf32, #tpu.memory_space<hbm>> -> memref<5120xf32, #tpu.memory_space<hbm>>
        tpu.enqueue_dma source(%dma_start3A_1530 : memref<5120xf32, #tpu.memory_space<hbm>>) target(%dma_start3A_1528 : memref<5120xf32, #tpu.memory_space<vmem>>) target_semaphore(%run_scoped3A : memref<!tpu.dma_semaphore, #tpu.memory_space<semaphore_mem>>)
        %dma_wait3A_1531 = arith.constant 0 : i32
        %dma_wait3A_1532 = tpu.memref_slice %arg7[%dma_wait3A_1531] : memref<5120xf32, #tpu.memory_space<vmem>> -> memref<5120xf32, #tpu.memory_space<vmem>>
        %dma_wait3A_1533 = arith.constant 947800 : i32
        %dma_wait3A_1534 = tpu.memref_slice %arg3[%dma_wait3A_1533] : memref<1000448xf32, #tpu.memory_space<hbm>> -> memref<5120xf32, #tpu.memory_space<hbm>>
        %dma_wait3A_1535 = arith.constant 0 : i32
        %dma_wait3A_1536 = tpu.memref_slice %arg7[%dma_wait3A_1535] : memref<5120xf32, #tpu.memory_space<vmem>> -> memref<5120xf32, #tpu.memory_space<vmem>>
        %dma_wait3A_1537 = arith.constant 947800 : i32
        %dma_wait3A_1538 = tpu.memref_slice %arg3[%dma_wait3A_1537] : memref<1000448xf32, #tpu.memory_space<hbm>> -> memref<5120xf32, #tpu.memory_space<hbm>>
        tpu.wait_dma2 semaphore(%run_scoped3A : memref<!tpu.dma_semaphore, #tpu.memory_space<semaphore_mem>>) src(%dma_wait3A_1538 : memref<5120xf32, #tpu.memory_space<hbm>>) dst(%dma_wait3A_1536 : memref<5120xf32, #tpu.memory_space<vmem>>)
        tpu.yield
      }) : () -> ()
      "tpu.region"() ({
        %run_scoped3A = tpu.sem_alloc : memref<!tpu.dma_semaphore, #tpu.memory_space<semaphore_mem>>
        %dma_start3A_1523 = arith.constant 0 : i32
        %dma_start3A_1524 = tpu.memref_slice %arg7[%dma_start3A_1523] : memref<5120xf32, #tpu.memory_space<vmem>> -> memref<5120xf32, #tpu.memory_space<vmem>>
        %dma_start3A_1525 = arith.constant 947800 : i32
        %dma_start3A_1526 = tpu.memref_slice %arg11[%dma_start3A_1525] : memref<1000016xf32, #tpu.memory_space<vmem_shared>> -> memref<5120xf32, #tpu.memory_space<vmem_shared>>
        %dma_start3A_1527 = arith.constant 947800 : i32
        %dma_start3A_1528 = tpu.memref_slice %arg11[%dma_start3A_1527] : memref<1000016xf32, #tpu.memory_space<vmem_shared>> -> memref<5120xf32, #tpu.memory_space<vmem_shared>>
        %dma_start3A_1529 = arith.constant 0 : i32
        %dma_start3A_1530 = tpu.memref_slice %arg7[%dma_start3A_1529] : memref<5120xf32, #tpu.memory_space<vmem>> -> memref<5120xf32, #tpu.memory_space<vmem>>
        tpu.enqueue_dma source(%dma_start3A_1530 : memref<5120xf32, #tpu.memory_space<vmem>>) target(%dma_start3A_1528 : memref<5120xf32, #tpu.memory_space<vmem_shared>>) target_semaphore(%run_scoped3A : memref<!tpu.dma_semaphore, #tpu.memory_space<semaphore_mem>>)
        %dma_wait3A_1531 = arith.constant 0 : i32
        %dma_wait3A_1532 = tpu.memref_slice %arg7[%dma_wait3A_1531] : memref<5120xf32, #tpu.memory_space<vmem>> -> memref<5120xf32, #tpu.memory_space<vmem>>
        %dma_wait3A_1533 = arith.constant 947800 : i32
        %dma_wait3A_1534 = tpu.memref_slice %arg11[%dma_wait3A_1533] : memref<1000016xf32, #tpu.memory_space<vmem_shared>> -> memref<5120xf32, #tpu.memory_space<vmem_shared>>
        %dma_wait3A_1535 = arith.constant 947800 : i32
        %dma_wait3A_1536 = tpu.memref_slice %arg11[%dma_wait3A_1535] : memref<1000016xf32, #tpu.memory_space<vmem_shared>> -> memref<5120xf32, #tpu.memory_space<vmem_shared>>
        %dma_wait3A_1537 = arith.constant 0 : i32
        %dma_wait3A_1538 = tpu.memref_slice %arg7[%dma_wait3A_1537] : memref<5120xf32, #tpu.memory_space<vmem>> -> memref<5120xf32, #tpu.memory_space<vmem>>
        tpu.wait_dma2 semaphore(%run_scoped3A : memref<!tpu.dma_semaphore, #tpu.memory_space<semaphore_mem>>) src(%dma_wait3A_1538 : memref<5120xf32, #tpu.memory_space<vmem>>) dst(%dma_wait3A_1536 : memref<5120xf32, #tpu.memory_space<vmem_shared>>)
        tpu.yield
      }) : () -> ()
      "tpu.region"() ({
        %run_scoped3A = tpu.sem_alloc : memref<!tpu.dma_semaphore, #tpu.memory_space<semaphore_mem>>
        %dma_start3A_1523 = arith.constant 0 : i32
        %dma_start3A_1524 = tpu.memref_slice %arg7[%dma_start3A_1523] : memref<5120xf32, #tpu.memory_space<vmem>> -> memref<5120xf32, #tpu.memory_space<vmem>>
        %dma_start3A_1525 = arith.constant 952920 : i32
        %dma_start3A_1526 = tpu.memref_slice %arg3[%dma_start3A_1525] : memref<1000448xf32, #tpu.memory_space<hbm>> -> memref<5120xf32, #tpu.memory_space<hbm>>
        %dma_start3A_1527 = arith.constant 0 : i32
        %dma_start3A_1528 = tpu.memref_slice %arg7[%dma_start3A_1527] : memref<5120xf32, #tpu.memory_space<vmem>> -> memref<5120xf32, #tpu.memory_space<vmem>>
        %dma_start3A_1529 = arith.constant 952920 : i32
        %dma_start3A_1530 = tpu.memref_slice %arg3[%dma_start3A_1529] : memref<1000448xf32, #tpu.memory_space<hbm>> -> memref<5120xf32, #tpu.memory_space<hbm>>
        tpu.enqueue_dma source(%dma_start3A_1530 : memref<5120xf32, #tpu.memory_space<hbm>>) target(%dma_start3A_1528 : memref<5120xf32, #tpu.memory_space<vmem>>) target_semaphore(%run_scoped3A : memref<!tpu.dma_semaphore, #tpu.memory_space<semaphore_mem>>)
        %dma_wait3A_1531 = arith.constant 0 : i32
        %dma_wait3A_1532 = tpu.memref_slice %arg7[%dma_wait3A_1531] : memref<5120xf32, #tpu.memory_space<vmem>> -> memref<5120xf32, #tpu.memory_space<vmem>>
        %dma_wait3A_1533 = arith.constant 952920 : i32
        %dma_wait3A_1534 = tpu.memref_slice %arg3[%dma_wait3A_1533] : memref<1000448xf32, #tpu.memory_space<hbm>> -> memref<5120xf32, #tpu.memory_space<hbm>>
        %dma_wait3A_1535 = arith.constant 0 : i32
        %dma_wait3A_1536 = tpu.memref_slice %arg7[%dma_wait3A_1535] : memref<5120xf32, #tpu.memory_space<vmem>> -> memref<5120xf32, #tpu.memory_space<vmem>>
        %dma_wait3A_1537 = arith.constant 952920 : i32
        %dma_wait3A_1538 = tpu.memref_slice %arg3[%dma_wait3A_1537] : memref<1000448xf32, #tpu.memory_space<hbm>> -> memref<5120xf32, #tpu.memory_space<hbm>>
        tpu.wait_dma2 semaphore(%run_scoped3A : memref<!tpu.dma_semaphore, #tpu.memory_space<semaphore_mem>>) src(%dma_wait3A_1538 : memref<5120xf32, #tpu.memory_space<hbm>>) dst(%dma_wait3A_1536 : memref<5120xf32, #tpu.memory_space<vmem>>)
        tpu.yield
      }) : () -> ()
      "tpu.region"() ({
        %run_scoped3A = tpu.sem_alloc : memref<!tpu.dma_semaphore, #tpu.memory_space<semaphore_mem>>
        %dma_start3A_1523 = arith.constant 0 : i32
        %dma_start3A_1524 = tpu.memref_slice %arg7[%dma_start3A_1523] : memref<5120xf32, #tpu.memory_space<vmem>> -> memref<5120xf32, #tpu.memory_space<vmem>>
        %dma_start3A_1525 = arith.constant 952920 : i32
        %dma_start3A_1526 = tpu.memref_slice %arg11[%dma_start3A_1525] : memref<1000016xf32, #tpu.memory_space<vmem_shared>> -> memref<5120xf32, #tpu.memory_space<vmem_shared>>
        %dma_start3A_1527 = arith.constant 952920 : i32
        %dma_start3A_1528 = tpu.memref_slice %arg11[%dma_start3A_1527] : memref<1000016xf32, #tpu.memory_space<vmem_shared>> -> memref<5120xf32, #tpu.memory_space<vmem_shared>>
        %dma_start3A_1529 = arith.constant 0 : i32
        %dma_start3A_1530 = tpu.memref_slice %arg7[%dma_start3A_1529] : memref<5120xf32, #tpu.memory_space<vmem>> -> memref<5120xf32, #tpu.memory_space<vmem>>
        tpu.enqueue_dma source(%dma_start3A_1530 : memref<5120xf32, #tpu.memory_space<vmem>>) target(%dma_start3A_1528 : memref<5120xf32, #tpu.memory_space<vmem_shared>>) target_semaphore(%run_scoped3A : memref<!tpu.dma_semaphore, #tpu.memory_space<semaphore_mem>>)
        %dma_wait3A_1531 = arith.constant 0 : i32
        %dma_wait3A_1532 = tpu.memref_slice %arg7[%dma_wait3A_1531] : memref<5120xf32, #tpu.memory_space<vmem>> -> memref<5120xf32, #tpu.memory_space<vmem>>
        %dma_wait3A_1533 = arith.constant 952920 : i32
        %dma_wait3A_1534 = tpu.memref_slice %arg11[%dma_wait3A_1533] : memref<1000016xf32, #tpu.memory_space<vmem_shared>> -> memref<5120xf32, #tpu.memory_space<vmem_shared>>
        %dma_wait3A_1535 = arith.constant 952920 : i32
        %dma_wait3A_1536 = tpu.memref_slice %arg11[%dma_wait3A_1535] : memref<1000016xf32, #tpu.memory_space<vmem_shared>> -> memref<5120xf32, #tpu.memory_space<vmem_shared>>
        %dma_wait3A_1537 = arith.constant 0 : i32
        %dma_wait3A_1538 = tpu.memref_slice %arg7[%dma_wait3A_1537] : memref<5120xf32, #tpu.memory_space<vmem>> -> memref<5120xf32, #tpu.memory_space<vmem>>
        tpu.wait_dma2 semaphore(%run_scoped3A : memref<!tpu.dma_semaphore, #tpu.memory_space<semaphore_mem>>) src(%dma_wait3A_1538 : memref<5120xf32, #tpu.memory_space<vmem>>) dst(%dma_wait3A_1536 : memref<5120xf32, #tpu.memory_space<vmem_shared>>)
        tpu.yield
      }) : () -> ()
      "tpu.region"() ({
        %run_scoped3A = tpu.sem_alloc : memref<!tpu.dma_semaphore, #tpu.memory_space<semaphore_mem>>
        %dma_start3A_1523 = arith.constant 0 : i32
        %dma_start3A_1524 = tpu.memref_slice %arg7[%dma_start3A_1523] : memref<5120xf32, #tpu.memory_space<vmem>> -> memref<5120xf32, #tpu.memory_space<vmem>>
        %dma_start3A_1525 = arith.constant 958040 : i32
        %dma_start3A_1526 = tpu.memref_slice %arg3[%dma_start3A_1525] : memref<1000448xf32, #tpu.memory_space<hbm>> -> memref<5120xf32, #tpu.memory_space<hbm>>
        %dma_start3A_1527 = arith.constant 0 : i32
        %dma_start3A_1528 = tpu.memref_slice %arg7[%dma_start3A_1527] : memref<5120xf32, #tpu.memory_space<vmem>> -> memref<5120xf32, #tpu.memory_space<vmem>>
        %dma_start3A_1529 = arith.constant 958040 : i32
        %dma_start3A_1530 = tpu.memref_slice %arg3[%dma_start3A_1529] : memref<1000448xf32, #tpu.memory_space<hbm>> -> memref<5120xf32, #tpu.memory_space<hbm>>
        tpu.enqueue_dma source(%dma_start3A_1530 : memref<5120xf32, #tpu.memory_space<hbm>>) target(%dma_start3A_1528 : memref<5120xf32, #tpu.memory_space<vmem>>) target_semaphore(%run_scoped3A : memref<!tpu.dma_semaphore, #tpu.memory_space<semaphore_mem>>)
        %dma_wait3A_1531 = arith.constant 0 : i32
        %dma_wait3A_1532 = tpu.memref_slice %arg7[%dma_wait3A_1531] : memref<5120xf32, #tpu.memory_space<vmem>> -> memref<5120xf32, #tpu.memory_space<vmem>>
        %dma_wait3A_1533 = arith.constant 958040 : i32
        %dma_wait3A_1534 = tpu.memref_slice %arg3[%dma_wait3A_1533] : memref<1000448xf32, #tpu.memory_space<hbm>> -> memref<5120xf32, #tpu.memory_space<hbm>>
        %dma_wait3A_1535 = arith.constant 0 : i32
        %dma_wait3A_1536 = tpu.memref_slice %arg7[%dma_wait3A_1535] : memref<5120xf32, #tpu.memory_space<vmem>> -> memref<5120xf32, #tpu.memory_space<vmem>>
        %dma_wait3A_1537 = arith.constant 958040 : i32
        %dma_wait3A_1538 = tpu.memref_slice %arg3[%dma_wait3A_1537] : memref<1000448xf32, #tpu.memory_space<hbm>> -> memref<5120xf32, #tpu.memory_space<hbm>>
        tpu.wait_dma2 semaphore(%run_scoped3A : memref<!tpu.dma_semaphore, #tpu.memory_space<semaphore_mem>>) src(%dma_wait3A_1538 : memref<5120xf32, #tpu.memory_space<hbm>>) dst(%dma_wait3A_1536 : memref<5120xf32, #tpu.memory_space<vmem>>)
        tpu.yield
      }) : () -> ()
      "tpu.region"() ({
        %run_scoped3A = tpu.sem_alloc : memref<!tpu.dma_semaphore, #tpu.memory_space<semaphore_mem>>
        %dma_start3A_1523 = arith.constant 0 : i32
        %dma_start3A_1524 = tpu.memref_slice %arg7[%dma_start3A_1523] : memref<5120xf32, #tpu.memory_space<vmem>> -> memref<5120xf32, #tpu.memory_space<vmem>>
        %dma_start3A_1525 = arith.constant 958040 : i32
        %dma_start3A_1526 = tpu.memref_slice %arg11[%dma_start3A_1525] : memref<1000016xf32, #tpu.memory_space<vmem_shared>> -> memref<5120xf32, #tpu.memory_space<vmem_shared>>
        %dma_start3A_1527 = arith.constant 958040 : i32
        %dma_start3A_1528 = tpu.memref_slice %arg11[%dma_start3A_1527] : memref<1000016xf32, #tpu.memory_space<vmem_shared>> -> memref<5120xf32, #tpu.memory_space<vmem_shared>>
        %dma_start3A_1529 = arith.constant 0 : i32
        %dma_start3A_1530 = tpu.memref_slice %arg7[%dma_start3A_1529] : memref<5120xf32, #tpu.memory_space<vmem>> -> memref<5120xf32, #tpu.memory_space<vmem>>
        tpu.enqueue_dma source(%dma_start3A_1530 : memref<5120xf32, #tpu.memory_space<vmem>>) target(%dma_start3A_1528 : memref<5120xf32, #tpu.memory_space<vmem_shared>>) target_semaphore(%run_scoped3A : memref<!tpu.dma_semaphore, #tpu.memory_space<semaphore_mem>>)
        %dma_wait3A_1531 = arith.constant 0 : i32
        %dma_wait3A_1532 = tpu.memref_slice %arg7[%dma_wait3A_1531] : memref<5120xf32, #tpu.memory_space<vmem>> -> memref<5120xf32, #tpu.memory_space<vmem>>
        %dma_wait3A_1533 = arith.constant 958040 : i32
        %dma_wait3A_1534 = tpu.memref_slice %arg11[%dma_wait3A_1533] : memref<1000016xf32, #tpu.memory_space<vmem_shared>> -> memref<5120xf32, #tpu.memory_space<vmem_shared>>
        %dma_wait3A_1535 = arith.constant 958040 : i32
        %dma_wait3A_1536 = tpu.memref_slice %arg11[%dma_wait3A_1535] : memref<1000016xf32, #tpu.memory_space<vmem_shared>> -> memref<5120xf32, #tpu.memory_space<vmem_shared>>
        %dma_wait3A_1537 = arith.constant 0 : i32
        %dma_wait3A_1538 = tpu.memref_slice %arg7[%dma_wait3A_1537] : memref<5120xf32, #tpu.memory_space<vmem>> -> memref<5120xf32, #tpu.memory_space<vmem>>
        tpu.wait_dma2 semaphore(%run_scoped3A : memref<!tpu.dma_semaphore, #tpu.memory_space<semaphore_mem>>) src(%dma_wait3A_1538 : memref<5120xf32, #tpu.memory_space<vmem>>) dst(%dma_wait3A_1536 : memref<5120xf32, #tpu.memory_space<vmem_shared>>)
        tpu.yield
      }) : () -> ()
      "tpu.region"() ({
        %run_scoped3A = tpu.sem_alloc : memref<!tpu.dma_semaphore, #tpu.memory_space<semaphore_mem>>
        %dma_start3A_1523 = arith.constant 0 : i32
        %dma_start3A_1524 = tpu.memref_slice %arg7[%dma_start3A_1523] : memref<5120xf32, #tpu.memory_space<vmem>> -> memref<5120xf32, #tpu.memory_space<vmem>>
        %dma_start3A_1525 = arith.constant 963160 : i32
        %dma_start3A_1526 = tpu.memref_slice %arg3[%dma_start3A_1525] : memref<1000448xf32, #tpu.memory_space<hbm>> -> memref<5120xf32, #tpu.memory_space<hbm>>
        %dma_start3A_1527 = arith.constant 0 : i32
        %dma_start3A_1528 = tpu.memref_slice %arg7[%dma_start3A_1527] : memref<5120xf32, #tpu.memory_space<vmem>> -> memref<5120xf32, #tpu.memory_space<vmem>>
        %dma_start3A_1529 = arith.constant 963160 : i32
        %dma_start3A_1530 = tpu.memref_slice %arg3[%dma_start3A_1529] : memref<1000448xf32, #tpu.memory_space<hbm>> -> memref<5120xf32, #tpu.memory_space<hbm>>
        tpu.enqueue_dma source(%dma_start3A_1530 : memref<5120xf32, #tpu.memory_space<hbm>>) target(%dma_start3A_1528 : memref<5120xf32, #tpu.memory_space<vmem>>) target_semaphore(%run_scoped3A : memref<!tpu.dma_semaphore, #tpu.memory_space<semaphore_mem>>)
        %dma_wait3A_1531 = arith.constant 0 : i32
        %dma_wait3A_1532 = tpu.memref_slice %arg7[%dma_wait3A_1531] : memref<5120xf32, #tpu.memory_space<vmem>> -> memref<5120xf32, #tpu.memory_space<vmem>>
        %dma_wait3A_1533 = arith.constant 963160 : i32
        %dma_wait3A_1534 = tpu.memref_slice %arg3[%dma_wait3A_1533] : memref<1000448xf32, #tpu.memory_space<hbm>> -> memref<5120xf32, #tpu.memory_space<hbm>>
        %dma_wait3A_1535 = arith.constant 0 : i32
        %dma_wait3A_1536 = tpu.memref_slice %arg7[%dma_wait3A_1535] : memref<5120xf32, #tpu.memory_space<vmem>> -> memref<5120xf32, #tpu.memory_space<vmem>>
        %dma_wait3A_1537 = arith.constant 963160 : i32
        %dma_wait3A_1538 = tpu.memref_slice %arg3[%dma_wait3A_1537] : memref<1000448xf32, #tpu.memory_space<hbm>> -> memref<5120xf32, #tpu.memory_space<hbm>>
        tpu.wait_dma2 semaphore(%run_scoped3A : memref<!tpu.dma_semaphore, #tpu.memory_space<semaphore_mem>>) src(%dma_wait3A_1538 : memref<5120xf32, #tpu.memory_space<hbm>>) dst(%dma_wait3A_1536 : memref<5120xf32, #tpu.memory_space<vmem>>)
        tpu.yield
      }) : () -> ()
      "tpu.region"() ({
        %run_scoped3A = tpu.sem_alloc : memref<!tpu.dma_semaphore, #tpu.memory_space<semaphore_mem>>
        %dma_start3A_1523 = arith.constant 0 : i32
        %dma_start3A_1524 = tpu.memref_slice %arg7[%dma_start3A_1523] : memref<5120xf32, #tpu.memory_space<vmem>> -> memref<5120xf32, #tpu.memory_space<vmem>>
        %dma_start3A_1525 = arith.constant 963160 : i32
        %dma_start3A_1526 = tpu.memref_slice %arg11[%dma_start3A_1525] : memref<1000016xf32, #tpu.memory_space<vmem_shared>> -> memref<5120xf32, #tpu.memory_space<vmem_shared>>
        %dma_start3A_1527 = arith.constant 963160 : i32
        %dma_start3A_1528 = tpu.memref_slice %arg11[%dma_start3A_1527] : memref<1000016xf32, #tpu.memory_space<vmem_shared>> -> memref<5120xf32, #tpu.memory_space<vmem_shared>>
        %dma_start3A_1529 = arith.constant 0 : i32
        %dma_start3A_1530 = tpu.memref_slice %arg7[%dma_start3A_1529] : memref<5120xf32, #tpu.memory_space<vmem>> -> memref<5120xf32, #tpu.memory_space<vmem>>
        tpu.enqueue_dma source(%dma_start3A_1530 : memref<5120xf32, #tpu.memory_space<vmem>>) target(%dma_start3A_1528 : memref<5120xf32, #tpu.memory_space<vmem_shared>>) target_semaphore(%run_scoped3A : memref<!tpu.dma_semaphore, #tpu.memory_space<semaphore_mem>>)
        %dma_wait3A_1531 = arith.constant 0 : i32
        %dma_wait3A_1532 = tpu.memref_slice %arg7[%dma_wait3A_1531] : memref<5120xf32, #tpu.memory_space<vmem>> -> memref<5120xf32, #tpu.memory_space<vmem>>
        %dma_wait3A_1533 = arith.constant 963160 : i32
        %dma_wait3A_1534 = tpu.memref_slice %arg11[%dma_wait3A_1533] : memref<1000016xf32, #tpu.memory_space<vmem_shared>> -> memref<5120xf32, #tpu.memory_space<vmem_shared>>
        %dma_wait3A_1535 = arith.constant 963160 : i32
        %dma_wait3A_1536 = tpu.memref_slice %arg11[%dma_wait3A_1535] : memref<1000016xf32, #tpu.memory_space<vmem_shared>> -> memref<5120xf32, #tpu.memory_space<vmem_shared>>
        %dma_wait3A_1537 = arith.constant 0 : i32
        %dma_wait3A_1538 = tpu.memref_slice %arg7[%dma_wait3A_1537] : memref<5120xf32, #tpu.memory_space<vmem>> -> memref<5120xf32, #tpu.memory_space<vmem>>
        tpu.wait_dma2 semaphore(%run_scoped3A : memref<!tpu.dma_semaphore, #tpu.memory_space<semaphore_mem>>) src(%dma_wait3A_1538 : memref<5120xf32, #tpu.memory_space<vmem>>) dst(%dma_wait3A_1536 : memref<5120xf32, #tpu.memory_space<vmem_shared>>)
        tpu.yield
      }) : () -> ()
      "tpu.region"() ({
        %run_scoped3A = tpu.sem_alloc : memref<!tpu.dma_semaphore, #tpu.memory_space<semaphore_mem>>
        %dma_start3A_1523 = arith.constant 0 : i32
        %dma_start3A_1524 = tpu.memref_slice %arg7[%dma_start3A_1523] : memref<5120xf32, #tpu.memory_space<vmem>> -> memref<5120xf32, #tpu.memory_space<vmem>>
        %dma_start3A_1525 = arith.constant 968280 : i32
        %dma_start3A_1526 = tpu.memref_slice %arg3[%dma_start3A_1525] : memref<1000448xf32, #tpu.memory_space<hbm>> -> memref<5120xf32, #tpu.memory_space<hbm>>
        %dma_start3A_1527 = arith.constant 0 : i32
        %dma_start3A_1528 = tpu.memref_slice %arg7[%dma_start3A_1527] : memref<5120xf32, #tpu.memory_space<vmem>> -> memref<5120xf32, #tpu.memory_space<vmem>>
        %dma_start3A_1529 = arith.constant 968280 : i32
        %dma_start3A_1530 = tpu.memref_slice %arg3[%dma_start3A_1529] : memref<1000448xf32, #tpu.memory_space<hbm>> -> memref<5120xf32, #tpu.memory_space<hbm>>
        tpu.enqueue_dma source(%dma_start3A_1530 : memref<5120xf32, #tpu.memory_space<hbm>>) target(%dma_start3A_1528 : memref<5120xf32, #tpu.memory_space<vmem>>) target_semaphore(%run_scoped3A : memref<!tpu.dma_semaphore, #tpu.memory_space<semaphore_mem>>)
        %dma_wait3A_1531 = arith.constant 0 : i32
        %dma_wait3A_1532 = tpu.memref_slice %arg7[%dma_wait3A_1531] : memref<5120xf32, #tpu.memory_space<vmem>> -> memref<5120xf32, #tpu.memory_space<vmem>>
        %dma_wait3A_1533 = arith.constant 968280 : i32
        %dma_wait3A_1534 = tpu.memref_slice %arg3[%dma_wait3A_1533] : memref<1000448xf32, #tpu.memory_space<hbm>> -> memref<5120xf32, #tpu.memory_space<hbm>>
        %dma_wait3A_1535 = arith.constant 0 : i32
        %dma_wait3A_1536 = tpu.memref_slice %arg7[%dma_wait3A_1535] : memref<5120xf32, #tpu.memory_space<vmem>> -> memref<5120xf32, #tpu.memory_space<vmem>>
        %dma_wait3A_1537 = arith.constant 968280 : i32
        %dma_wait3A_1538 = tpu.memref_slice %arg3[%dma_wait3A_1537] : memref<1000448xf32, #tpu.memory_space<hbm>> -> memref<5120xf32, #tpu.memory_space<hbm>>
        tpu.wait_dma2 semaphore(%run_scoped3A : memref<!tpu.dma_semaphore, #tpu.memory_space<semaphore_mem>>) src(%dma_wait3A_1538 : memref<5120xf32, #tpu.memory_space<hbm>>) dst(%dma_wait3A_1536 : memref<5120xf32, #tpu.memory_space<vmem>>)
        tpu.yield
      }) : () -> ()
      "tpu.region"() ({
        %run_scoped3A = tpu.sem_alloc : memref<!tpu.dma_semaphore, #tpu.memory_space<semaphore_mem>>
        %dma_start3A_1523 = arith.constant 0 : i32
        %dma_start3A_1524 = tpu.memref_slice %arg7[%dma_start3A_1523] : memref<5120xf32, #tpu.memory_space<vmem>> -> memref<5120xf32, #tpu.memory_space<vmem>>
        %dma_start3A_1525 = arith.constant 968280 : i32
        %dma_start3A_1526 = tpu.memref_slice %arg11[%dma_start3A_1525] : memref<1000016xf32, #tpu.memory_space<vmem_shared>> -> memref<5120xf32, #tpu.memory_space<vmem_shared>>
        %dma_start3A_1527 = arith.constant 968280 : i32
        %dma_start3A_1528 = tpu.memref_slice %arg11[%dma_start3A_1527] : memref<1000016xf32, #tpu.memory_space<vmem_shared>> -> memref<5120xf32, #tpu.memory_space<vmem_shared>>
        %dma_start3A_1529 = arith.constant 0 : i32
        %dma_start3A_1530 = tpu.memref_slice %arg7[%dma_start3A_1529] : memref<5120xf32, #tpu.memory_space<vmem>> -> memref<5120xf32, #tpu.memory_space<vmem>>
        tpu.enqueue_dma source(%dma_start3A_1530 : memref<5120xf32, #tpu.memory_space<vmem>>) target(%dma_start3A_1528 : memref<5120xf32, #tpu.memory_space<vmem_shared>>) target_semaphore(%run_scoped3A : memref<!tpu.dma_semaphore, #tpu.memory_space<semaphore_mem>>)
        %dma_wait3A_1531 = arith.constant 0 : i32
        %dma_wait3A_1532 = tpu.memref_slice %arg7[%dma_wait3A_1531] : memref<5120xf32, #tpu.memory_space<vmem>> -> memref<5120xf32, #tpu.memory_space<vmem>>
        %dma_wait3A_1533 = arith.constant 968280 : i32
        %dma_wait3A_1534 = tpu.memref_slice %arg11[%dma_wait3A_1533] : memref<1000016xf32, #tpu.memory_space<vmem_shared>> -> memref<5120xf32, #tpu.memory_space<vmem_shared>>
        %dma_wait3A_1535 = arith.constant 968280 : i32
        %dma_wait3A_1536 = tpu.memref_slice %arg11[%dma_wait3A_1535] : memref<1000016xf32, #tpu.memory_space<vmem_shared>> -> memref<5120xf32, #tpu.memory_space<vmem_shared>>
        %dma_wait3A_1537 = arith.constant 0 : i32
        %dma_wait3A_1538 = tpu.memref_slice %arg7[%dma_wait3A_1537] : memref<5120xf32, #tpu.memory_space<vmem>> -> memref<5120xf32, #tpu.memory_space<vmem>>
        tpu.wait_dma2 semaphore(%run_scoped3A : memref<!tpu.dma_semaphore, #tpu.memory_space<semaphore_mem>>) src(%dma_wait3A_1538 : memref<5120xf32, #tpu.memory_space<vmem>>) dst(%dma_wait3A_1536 : memref<5120xf32, #tpu.memory_space<vmem_shared>>)
        tpu.yield
      }) : () -> ()
      "tpu.region"() ({
        %run_scoped3A = tpu.sem_alloc : memref<!tpu.dma_semaphore, #tpu.memory_space<semaphore_mem>>
        %dma_start3A_1523 = arith.constant 0 : i32
        %dma_start3A_1524 = tpu.memref_slice %arg7[%dma_start3A_1523] : memref<5120xf32, #tpu.memory_space<vmem>> -> memref<5120xf32, #tpu.memory_space<vmem>>
        %dma_start3A_1525 = arith.constant 973400 : i32
        %dma_start3A_1526 = tpu.memref_slice %arg3[%dma_start3A_1525] : memref<1000448xf32, #tpu.memory_space<hbm>> -> memref<5120xf32, #tpu.memory_space<hbm>>
        %dma_start3A_1527 = arith.constant 0 : i32
        %dma_start3A_1528 = tpu.memref_slice %arg7[%dma_start3A_1527] : memref<5120xf32, #tpu.memory_space<vmem>> -> memref<5120xf32, #tpu.memory_space<vmem>>
        %dma_start3A_1529 = arith.constant 973400 : i32
        %dma_start3A_1530 = tpu.memref_slice %arg3[%dma_start3A_1529] : memref<1000448xf32, #tpu.memory_space<hbm>> -> memref<5120xf32, #tpu.memory_space<hbm>>
        tpu.enqueue_dma source(%dma_start3A_1530 : memref<5120xf32, #tpu.memory_space<hbm>>) target(%dma_start3A_1528 : memref<5120xf32, #tpu.memory_space<vmem>>) target_semaphore(%run_scoped3A : memref<!tpu.dma_semaphore, #tpu.memory_space<semaphore_mem>>)
        %dma_wait3A_1531 = arith.constant 0 : i32
        %dma_wait3A_1532 = tpu.memref_slice %arg7[%dma_wait3A_1531] : memref<5120xf32, #tpu.memory_space<vmem>> -> memref<5120xf32, #tpu.memory_space<vmem>>
        %dma_wait3A_1533 = arith.constant 973400 : i32
        %dma_wait3A_1534 = tpu.memref_slice %arg3[%dma_wait3A_1533] : memref<1000448xf32, #tpu.memory_space<hbm>> -> memref<5120xf32, #tpu.memory_space<hbm>>
        %dma_wait3A_1535 = arith.constant 0 : i32
        %dma_wait3A_1536 = tpu.memref_slice %arg7[%dma_wait3A_1535] : memref<5120xf32, #tpu.memory_space<vmem>> -> memref<5120xf32, #tpu.memory_space<vmem>>
        %dma_wait3A_1537 = arith.constant 973400 : i32
        %dma_wait3A_1538 = tpu.memref_slice %arg3[%dma_wait3A_1537] : memref<1000448xf32, #tpu.memory_space<hbm>> -> memref<5120xf32, #tpu.memory_space<hbm>>
        tpu.wait_dma2 semaphore(%run_scoped3A : memref<!tpu.dma_semaphore, #tpu.memory_space<semaphore_mem>>) src(%dma_wait3A_1538 : memref<5120xf32, #tpu.memory_space<hbm>>) dst(%dma_wait3A_1536 : memref<5120xf32, #tpu.memory_space<vmem>>)
        tpu.yield
      }) : () -> ()
      "tpu.region"() ({
        %run_scoped3A = tpu.sem_alloc : memref<!tpu.dma_semaphore, #tpu.memory_space<semaphore_mem>>
        %dma_start3A_1523 = arith.constant 0 : i32
        %dma_start3A_1524 = tpu.memref_slice %arg7[%dma_start3A_1523] : memref<5120xf32, #tpu.memory_space<vmem>> -> memref<5120xf32, #tpu.memory_space<vmem>>
        %dma_start3A_1525 = arith.constant 973400 : i32
        %dma_start3A_1526 = tpu.memref_slice %arg11[%dma_start3A_1525] : memref<1000016xf32, #tpu.memory_space<vmem_shared>> -> memref<5120xf32, #tpu.memory_space<vmem_shared>>
        %dma_start3A_1527 = arith.constant 973400 : i32
        %dma_start3A_1528 = tpu.memref_slice %arg11[%dma_start3A_1527] : memref<1000016xf32, #tpu.memory_space<vmem_shared>> -> memref<5120xf32, #tpu.memory_space<vmem_shared>>
        %dma_start3A_1529 = arith.constant 0 : i32
        %dma_start3A_1530 = tpu.memref_slice %arg7[%dma_start3A_1529] : memref<5120xf32, #tpu.memory_space<vmem>> -> memref<5120xf32, #tpu.memory_space<vmem>>
        tpu.enqueue_dma source(%dma_start3A_1530 : memref<5120xf32, #tpu.memory_space<vmem>>) target(%dma_start3A_1528 : memref<5120xf32, #tpu.memory_space<vmem_shared>>) target_semaphore(%run_scoped3A : memref<!tpu.dma_semaphore, #tpu.memory_space<semaphore_mem>>)
        %dma_wait3A_1531 = arith.constant 0 : i32
        %dma_wait3A_1532 = tpu.memref_slice %arg7[%dma_wait3A_1531] : memref<5120xf32, #tpu.memory_space<vmem>> -> memref<5120xf32, #tpu.memory_space<vmem>>
        %dma_wait3A_1533 = arith.constant 973400 : i32
        %dma_wait3A_1534 = tpu.memref_slice %arg11[%dma_wait3A_1533] : memref<1000016xf32, #tpu.memory_space<vmem_shared>> -> memref<5120xf32, #tpu.memory_space<vmem_shared>>
        %dma_wait3A_1535 = arith.constant 973400 : i32
        %dma_wait3A_1536 = tpu.memref_slice %arg11[%dma_wait3A_1535] : memref<1000016xf32, #tpu.memory_space<vmem_shared>> -> memref<5120xf32, #tpu.memory_space<vmem_shared>>
        %dma_wait3A_1537 = arith.constant 0 : i32
        %dma_wait3A_1538 = tpu.memref_slice %arg7[%dma_wait3A_1537] : memref<5120xf32, #tpu.memory_space<vmem>> -> memref<5120xf32, #tpu.memory_space<vmem>>
        tpu.wait_dma2 semaphore(%run_scoped3A : memref<!tpu.dma_semaphore, #tpu.memory_space<semaphore_mem>>) src(%dma_wait3A_1538 : memref<5120xf32, #tpu.memory_space<vmem>>) dst(%dma_wait3A_1536 : memref<5120xf32, #tpu.memory_space<vmem_shared>>)
        tpu.yield
      }) : () -> ()
      "tpu.region"() ({
        %run_scoped3A = tpu.sem_alloc : memref<!tpu.dma_semaphore, #tpu.memory_space<semaphore_mem>>
        %dma_start3A_1523 = arith.constant 0 : i32
        %dma_start3A_1524 = tpu.memref_slice %arg7[%dma_start3A_1523] : memref<5120xf32, #tpu.memory_space<vmem>> -> memref<5120xf32, #tpu.memory_space<vmem>>
        %dma_start3A_1525 = arith.constant 978520 : i32
        %dma_start3A_1526 = tpu.memref_slice %arg3[%dma_start3A_1525] : memref<1000448xf32, #tpu.memory_space<hbm>> -> memref<5120xf32, #tpu.memory_space<hbm>>
        %dma_start3A_1527 = arith.constant 0 : i32
        %dma_start3A_1528 = tpu.memref_slice %arg7[%dma_start3A_1527] : memref<5120xf32, #tpu.memory_space<vmem>> -> memref<5120xf32, #tpu.memory_space<vmem>>
        %dma_start3A_1529 = arith.constant 978520 : i32
        %dma_start3A_1530 = tpu.memref_slice %arg3[%dma_start3A_1529] : memref<1000448xf32, #tpu.memory_space<hbm>> -> memref<5120xf32, #tpu.memory_space<hbm>>
        tpu.enqueue_dma source(%dma_start3A_1530 : memref<5120xf32, #tpu.memory_space<hbm>>) target(%dma_start3A_1528 : memref<5120xf32, #tpu.memory_space<vmem>>) target_semaphore(%run_scoped3A : memref<!tpu.dma_semaphore, #tpu.memory_space<semaphore_mem>>)
        %dma_wait3A_1531 = arith.constant 0 : i32
        %dma_wait3A_1532 = tpu.memref_slice %arg7[%dma_wait3A_1531] : memref<5120xf32, #tpu.memory_space<vmem>> -> memref<5120xf32, #tpu.memory_space<vmem>>
        %dma_wait3A_1533 = arith.constant 978520 : i32
        %dma_wait3A_1534 = tpu.memref_slice %arg3[%dma_wait3A_1533] : memref<1000448xf32, #tpu.memory_space<hbm>> -> memref<5120xf32, #tpu.memory_space<hbm>>
        %dma_wait3A_1535 = arith.constant 0 : i32
        %dma_wait3A_1536 = tpu.memref_slice %arg7[%dma_wait3A_1535] : memref<5120xf32, #tpu.memory_space<vmem>> -> memref<5120xf32, #tpu.memory_space<vmem>>
        %dma_wait3A_1537 = arith.constant 978520 : i32
        %dma_wait3A_1538 = tpu.memref_slice %arg3[%dma_wait3A_1537] : memref<1000448xf32, #tpu.memory_space<hbm>> -> memref<5120xf32, #tpu.memory_space<hbm>>
        tpu.wait_dma2 semaphore(%run_scoped3A : memref<!tpu.dma_semaphore, #tpu.memory_space<semaphore_mem>>) src(%dma_wait3A_1538 : memref<5120xf32, #tpu.memory_space<hbm>>) dst(%dma_wait3A_1536 : memref<5120xf32, #tpu.memory_space<vmem>>)
        tpu.yield
      }) : () -> ()
      "tpu.region"() ({
        %run_scoped3A = tpu.sem_alloc : memref<!tpu.dma_semaphore, #tpu.memory_space<semaphore_mem>>
        %dma_start3A_1523 = arith.constant 0 : i32
        %dma_start3A_1524 = tpu.memref_slice %arg7[%dma_start3A_1523] : memref<5120xf32, #tpu.memory_space<vmem>> -> memref<5120xf32, #tpu.memory_space<vmem>>
        %dma_start3A_1525 = arith.constant 978520 : i32
        %dma_start3A_1526 = tpu.memref_slice %arg11[%dma_start3A_1525] : memref<1000016xf32, #tpu.memory_space<vmem_shared>> -> memref<5120xf32, #tpu.memory_space<vmem_shared>>
        %dma_start3A_1527 = arith.constant 978520 : i32
        %dma_start3A_1528 = tpu.memref_slice %arg11[%dma_start3A_1527] : memref<1000016xf32, #tpu.memory_space<vmem_shared>> -> memref<5120xf32, #tpu.memory_space<vmem_shared>>
        %dma_start3A_1529 = arith.constant 0 : i32
        %dma_start3A_1530 = tpu.memref_slice %arg7[%dma_start3A_1529] : memref<5120xf32, #tpu.memory_space<vmem>> -> memref<5120xf32, #tpu.memory_space<vmem>>
        tpu.enqueue_dma source(%dma_start3A_1530 : memref<5120xf32, #tpu.memory_space<vmem>>) target(%dma_start3A_1528 : memref<5120xf32, #tpu.memory_space<vmem_shared>>) target_semaphore(%run_scoped3A : memref<!tpu.dma_semaphore, #tpu.memory_space<semaphore_mem>>)
        %dma_wait3A_1531 = arith.constant 0 : i32
        %dma_wait3A_1532 = tpu.memref_slice %arg7[%dma_wait3A_1531] : memref<5120xf32, #tpu.memory_space<vmem>> -> memref<5120xf32, #tpu.memory_space<vmem>>
        %dma_wait3A_1533 = arith.constant 978520 : i32
        %dma_wait3A_1534 = tpu.memref_slice %arg11[%dma_wait3A_1533] : memref<1000016xf32, #tpu.memory_space<vmem_shared>> -> memref<5120xf32, #tpu.memory_space<vmem_shared>>
        %dma_wait3A_1535 = arith.constant 978520 : i32
        %dma_wait3A_1536 = tpu.memref_slice %arg11[%dma_wait3A_1535] : memref<1000016xf32, #tpu.memory_space<vmem_shared>> -> memref<5120xf32, #tpu.memory_space<vmem_shared>>
        %dma_wait3A_1537 = arith.constant 0 : i32
        %dma_wait3A_1538 = tpu.memref_slice %arg7[%dma_wait3A_1537] : memref<5120xf32, #tpu.memory_space<vmem>> -> memref<5120xf32, #tpu.memory_space<vmem>>
        tpu.wait_dma2 semaphore(%run_scoped3A : memref<!tpu.dma_semaphore, #tpu.memory_space<semaphore_mem>>) src(%dma_wait3A_1538 : memref<5120xf32, #tpu.memory_space<vmem>>) dst(%dma_wait3A_1536 : memref<5120xf32, #tpu.memory_space<vmem_shared>>)
        tpu.yield
      }) : () -> ()
      "tpu.region"() ({
        %run_scoped3A = tpu.sem_alloc : memref<!tpu.dma_semaphore, #tpu.memory_space<semaphore_mem>>
        %dma_start3A_1523 = arith.constant 0 : i32
        %dma_start3A_1524 = tpu.memref_slice %arg7[%dma_start3A_1523] : memref<5120xf32, #tpu.memory_space<vmem>> -> memref<5120xf32, #tpu.memory_space<vmem>>
        %dma_start3A_1525 = arith.constant 983640 : i32
        %dma_start3A_1526 = tpu.memref_slice %arg3[%dma_start3A_1525] : memref<1000448xf32, #tpu.memory_space<hbm>> -> memref<5120xf32, #tpu.memory_space<hbm>>
        %dma_start3A_1527 = arith.constant 0 : i32
        %dma_start3A_1528 = tpu.memref_slice %arg7[%dma_start3A_1527] : memref<5120xf32, #tpu.memory_space<vmem>> -> memref<5120xf32, #tpu.memory_space<vmem>>
        %dma_start3A_1529 = arith.constant 983640 : i32
        %dma_start3A_1530 = tpu.memref_slice %arg3[%dma_start3A_1529] : memref<1000448xf32, #tpu.memory_space<hbm>> -> memref<5120xf32, #tpu.memory_space<hbm>>
        tpu.enqueue_dma source(%dma_start3A_1530 : memref<5120xf32, #tpu.memory_space<hbm>>) target(%dma_start3A_1528 : memref<5120xf32, #tpu.memory_space<vmem>>) target_semaphore(%run_scoped3A : memref<!tpu.dma_semaphore, #tpu.memory_space<semaphore_mem>>)
        %dma_wait3A_1531 = arith.constant 0 : i32
        %dma_wait3A_1532 = tpu.memref_slice %arg7[%dma_wait3A_1531] : memref<5120xf32, #tpu.memory_space<vmem>> -> memref<5120xf32, #tpu.memory_space<vmem>>
        %dma_wait3A_1533 = arith.constant 983640 : i32
        %dma_wait3A_1534 = tpu.memref_slice %arg3[%dma_wait3A_1533] : memref<1000448xf32, #tpu.memory_space<hbm>> -> memref<5120xf32, #tpu.memory_space<hbm>>
        %dma_wait3A_1535 = arith.constant 0 : i32
        %dma_wait3A_1536 = tpu.memref_slice %arg7[%dma_wait3A_1535] : memref<5120xf32, #tpu.memory_space<vmem>> -> memref<5120xf32, #tpu.memory_space<vmem>>
        %dma_wait3A_1537 = arith.constant 983640 : i32
        %dma_wait3A_1538 = tpu.memref_slice %arg3[%dma_wait3A_1537] : memref<1000448xf32, #tpu.memory_space<hbm>> -> memref<5120xf32, #tpu.memory_space<hbm>>
        tpu.wait_dma2 semaphore(%run_scoped3A : memref<!tpu.dma_semaphore, #tpu.memory_space<semaphore_mem>>) src(%dma_wait3A_1538 : memref<5120xf32, #tpu.memory_space<hbm>>) dst(%dma_wait3A_1536 : memref<5120xf32, #tpu.memory_space<vmem>>)
        tpu.yield
      }) : () -> ()
      "tpu.region"() ({
        %run_scoped3A = tpu.sem_alloc : memref<!tpu.dma_semaphore, #tpu.memory_space<semaphore_mem>>
        %dma_start3A_1523 = arith.constant 0 : i32
        %dma_start3A_1524 = tpu.memref_slice %arg7[%dma_start3A_1523] : memref<5120xf32, #tpu.memory_space<vmem>> -> memref<5120xf32, #tpu.memory_space<vmem>>
        %dma_start3A_1525 = arith.constant 983640 : i32
        %dma_start3A_1526 = tpu.memref_slice %arg11[%dma_start3A_1525] : memref<1000016xf32, #tpu.memory_space<vmem_shared>> -> memref<5120xf32, #tpu.memory_space<vmem_shared>>
        %dma_start3A_1527 = arith.constant 983640 : i32
        %dma_start3A_1528 = tpu.memref_slice %arg11[%dma_start3A_1527] : memref<1000016xf32, #tpu.memory_space<vmem_shared>> -> memref<5120xf32, #tpu.memory_space<vmem_shared>>
        %dma_start3A_1529 = arith.constant 0 : i32
        %dma_start3A_1530 = tpu.memref_slice %arg7[%dma_start3A_1529] : memref<5120xf32, #tpu.memory_space<vmem>> -> memref<5120xf32, #tpu.memory_space<vmem>>
        tpu.enqueue_dma source(%dma_start3A_1530 : memref<5120xf32, #tpu.memory_space<vmem>>) target(%dma_start3A_1528 : memref<5120xf32, #tpu.memory_space<vmem_shared>>) target_semaphore(%run_scoped3A : memref<!tpu.dma_semaphore, #tpu.memory_space<semaphore_mem>>)
        %dma_wait3A_1531 = arith.constant 0 : i32
        %dma_wait3A_1532 = tpu.memref_slice %arg7[%dma_wait3A_1531] : memref<5120xf32, #tpu.memory_space<vmem>> -> memref<5120xf32, #tpu.memory_space<vmem>>
        %dma_wait3A_1533 = arith.constant 983640 : i32
        %dma_wait3A_1534 = tpu.memref_slice %arg11[%dma_wait3A_1533] : memref<1000016xf32, #tpu.memory_space<vmem_shared>> -> memref<5120xf32, #tpu.memory_space<vmem_shared>>
        %dma_wait3A_1535 = arith.constant 983640 : i32
        %dma_wait3A_1536 = tpu.memref_slice %arg11[%dma_wait3A_1535] : memref<1000016xf32, #tpu.memory_space<vmem_shared>> -> memref<5120xf32, #tpu.memory_space<vmem_shared>>
        %dma_wait3A_1537 = arith.constant 0 : i32
        %dma_wait3A_1538 = tpu.memref_slice %arg7[%dma_wait3A_1537] : memref<5120xf32, #tpu.memory_space<vmem>> -> memref<5120xf32, #tpu.memory_space<vmem>>
        tpu.wait_dma2 semaphore(%run_scoped3A : memref<!tpu.dma_semaphore, #tpu.memory_space<semaphore_mem>>) src(%dma_wait3A_1538 : memref<5120xf32, #tpu.memory_space<vmem>>) dst(%dma_wait3A_1536 : memref<5120xf32, #tpu.memory_space<vmem_shared>>)
        tpu.yield
      }) : () -> ()
      "tpu.region"() ({
        %run_scoped3A = tpu.sem_alloc : memref<!tpu.dma_semaphore, #tpu.memory_space<semaphore_mem>>
        %dma_start3A_1523 = arith.constant 0 : i32
        %dma_start3A_1524 = tpu.memref_slice %arg7[%dma_start3A_1523] : memref<5120xf32, #tpu.memory_space<vmem>> -> memref<5120xf32, #tpu.memory_space<vmem>>
        %dma_start3A_1525 = arith.constant 988760 : i32
        %dma_start3A_1526 = tpu.memref_slice %arg3[%dma_start3A_1525] : memref<1000448xf32, #tpu.memory_space<hbm>> -> memref<5120xf32, #tpu.memory_space<hbm>>
        %dma_start3A_1527 = arith.constant 0 : i32
        %dma_start3A_1528 = tpu.memref_slice %arg7[%dma_start3A_1527] : memref<5120xf32, #tpu.memory_space<vmem>> -> memref<5120xf32, #tpu.memory_space<vmem>>
        %dma_start3A_1529 = arith.constant 988760 : i32
        %dma_start3A_1530 = tpu.memref_slice %arg3[%dma_start3A_1529] : memref<1000448xf32, #tpu.memory_space<hbm>> -> memref<5120xf32, #tpu.memory_space<hbm>>
        tpu.enqueue_dma source(%dma_start3A_1530 : memref<5120xf32, #tpu.memory_space<hbm>>) target(%dma_start3A_1528 : memref<5120xf32, #tpu.memory_space<vmem>>) target_semaphore(%run_scoped3A : memref<!tpu.dma_semaphore, #tpu.memory_space<semaphore_mem>>)
        %dma_wait3A_1531 = arith.constant 0 : i32
        %dma_wait3A_1532 = tpu.memref_slice %arg7[%dma_wait3A_1531] : memref<5120xf32, #tpu.memory_space<vmem>> -> memref<5120xf32, #tpu.memory_space<vmem>>
        %dma_wait3A_1533 = arith.constant 988760 : i32
        %dma_wait3A_1534 = tpu.memref_slice %arg3[%dma_wait3A_1533] : memref<1000448xf32, #tpu.memory_space<hbm>> -> memref<5120xf32, #tpu.memory_space<hbm>>
        %dma_wait3A_1535 = arith.constant 0 : i32
        %dma_wait3A_1536 = tpu.memref_slice %arg7[%dma_wait3A_1535] : memref<5120xf32, #tpu.memory_space<vmem>> -> memref<5120xf32, #tpu.memory_space<vmem>>
        %dma_wait3A_1537 = arith.constant 988760 : i32
        %dma_wait3A_1538 = tpu.memref_slice %arg3[%dma_wait3A_1537] : memref<1000448xf32, #tpu.memory_space<hbm>> -> memref<5120xf32, #tpu.memory_space<hbm>>
        tpu.wait_dma2 semaphore(%run_scoped3A : memref<!tpu.dma_semaphore, #tpu.memory_space<semaphore_mem>>) src(%dma_wait3A_1538 : memref<5120xf32, #tpu.memory_space<hbm>>) dst(%dma_wait3A_1536 : memref<5120xf32, #tpu.memory_space<vmem>>)
        tpu.yield
      }) : () -> ()
      "tpu.region"() ({
        %run_scoped3A = tpu.sem_alloc : memref<!tpu.dma_semaphore, #tpu.memory_space<semaphore_mem>>
        %dma_start3A_1523 = arith.constant 0 : i32
        %dma_start3A_1524 = tpu.memref_slice %arg7[%dma_start3A_1523] : memref<5120xf32, #tpu.memory_space<vmem>> -> memref<5120xf32, #tpu.memory_space<vmem>>
        %dma_start3A_1525 = arith.constant 988760 : i32
        %dma_start3A_1526 = tpu.memref_slice %arg11[%dma_start3A_1525] : memref<1000016xf32, #tpu.memory_space<vmem_shared>> -> memref<5120xf32, #tpu.memory_space<vmem_shared>>
        %dma_start3A_1527 = arith.constant 988760 : i32
        %dma_start3A_1528 = tpu.memref_slice %arg11[%dma_start3A_1527] : memref<1000016xf32, #tpu.memory_space<vmem_shared>> -> memref<5120xf32, #tpu.memory_space<vmem_shared>>
        %dma_start3A_1529 = arith.constant 0 : i32
        %dma_start3A_1530 = tpu.memref_slice %arg7[%dma_start3A_1529] : memref<5120xf32, #tpu.memory_space<vmem>> -> memref<5120xf32, #tpu.memory_space<vmem>>
        tpu.enqueue_dma source(%dma_start3A_1530 : memref<5120xf32, #tpu.memory_space<vmem>>) target(%dma_start3A_1528 : memref<5120xf32, #tpu.memory_space<vmem_shared>>) target_semaphore(%run_scoped3A : memref<!tpu.dma_semaphore, #tpu.memory_space<semaphore_mem>>)
        %dma_wait3A_1531 = arith.constant 0 : i32
        %dma_wait3A_1532 = tpu.memref_slice %arg7[%dma_wait3A_1531] : memref<5120xf32, #tpu.memory_space<vmem>> -> memref<5120xf32, #tpu.memory_space<vmem>>
        %dma_wait3A_1533 = arith.constant 988760 : i32
        %dma_wait3A_1534 = tpu.memref_slice %arg11[%dma_wait3A_1533] : memref<1000016xf32, #tpu.memory_space<vmem_shared>> -> memref<5120xf32, #tpu.memory_space<vmem_shared>>
        %dma_wait3A_1535 = arith.constant 988760 : i32
        %dma_wait3A_1536 = tpu.memref_slice %arg11[%dma_wait3A_1535] : memref<1000016xf32, #tpu.memory_space<vmem_shared>> -> memref<5120xf32, #tpu.memory_space<vmem_shared>>
        %dma_wait3A_1537 = arith.constant 0 : i32
        %dma_wait3A_1538 = tpu.memref_slice %arg7[%dma_wait3A_1537] : memref<5120xf32, #tpu.memory_space<vmem>> -> memref<5120xf32, #tpu.memory_space<vmem>>
        tpu.wait_dma2 semaphore(%run_scoped3A : memref<!tpu.dma_semaphore, #tpu.memory_space<semaphore_mem>>) src(%dma_wait3A_1538 : memref<5120xf32, #tpu.memory_space<vmem>>) dst(%dma_wait3A_1536 : memref<5120xf32, #tpu.memory_space<vmem_shared>>)
        tpu.yield
      }) : () -> ()
      "tpu.region"() ({
        %run_scoped3A = tpu.sem_alloc : memref<!tpu.dma_semaphore, #tpu.memory_space<semaphore_mem>>
        %dma_start3A_1523 = arith.constant 0 : i32
        %dma_start3A_1524 = tpu.memref_slice %arg7[%dma_start3A_1523] : memref<5120xf32, #tpu.memory_space<vmem>> -> memref<5120xf32, #tpu.memory_space<vmem>>
        %dma_start3A_1525 = arith.constant 993880 : i32
        %dma_start3A_1526 = tpu.memref_slice %arg3[%dma_start3A_1525] : memref<1000448xf32, #tpu.memory_space<hbm>> -> memref<5120xf32, #tpu.memory_space<hbm>>
        %dma_start3A_1527 = arith.constant 0 : i32
        %dma_start3A_1528 = tpu.memref_slice %arg7[%dma_start3A_1527] : memref<5120xf32, #tpu.memory_space<vmem>> -> memref<5120xf32, #tpu.memory_space<vmem>>
        %dma_start3A_1529 = arith.constant 993880 : i32
        %dma_start3A_1530 = tpu.memref_slice %arg3[%dma_start3A_1529] : memref<1000448xf32, #tpu.memory_space<hbm>> -> memref<5120xf32, #tpu.memory_space<hbm>>
        tpu.enqueue_dma source(%dma_start3A_1530 : memref<5120xf32, #tpu.memory_space<hbm>>) target(%dma_start3A_1528 : memref<5120xf32, #tpu.memory_space<vmem>>) target_semaphore(%run_scoped3A : memref<!tpu.dma_semaphore, #tpu.memory_space<semaphore_mem>>)
        %dma_wait3A_1531 = arith.constant 0 : i32
        %dma_wait3A_1532 = tpu.memref_slice %arg7[%dma_wait3A_1531] : memref<5120xf32, #tpu.memory_space<vmem>> -> memref<5120xf32, #tpu.memory_space<vmem>>
        %dma_wait3A_1533 = arith.constant 993880 : i32
        %dma_wait3A_1534 = tpu.memref_slice %arg3[%dma_wait3A_1533] : memref<1000448xf32, #tpu.memory_space<hbm>> -> memref<5120xf32, #tpu.memory_space<hbm>>
        %dma_wait3A_1535 = arith.constant 0 : i32
        %dma_wait3A_1536 = tpu.memref_slice %arg7[%dma_wait3A_1535] : memref<5120xf32, #tpu.memory_space<vmem>> -> memref<5120xf32, #tpu.memory_space<vmem>>
        %dma_wait3A_1537 = arith.constant 993880 : i32
        %dma_wait3A_1538 = tpu.memref_slice %arg3[%dma_wait3A_1537] : memref<1000448xf32, #tpu.memory_space<hbm>> -> memref<5120xf32, #tpu.memory_space<hbm>>
        tpu.wait_dma2 semaphore(%run_scoped3A : memref<!tpu.dma_semaphore, #tpu.memory_space<semaphore_mem>>) src(%dma_wait3A_1538 : memref<5120xf32, #tpu.memory_space<hbm>>) dst(%dma_wait3A_1536 : memref<5120xf32, #tpu.memory_space<vmem>>)
        tpu.yield
      }) : () -> ()
      "tpu.region"() ({
        %run_scoped3A = tpu.sem_alloc : memref<!tpu.dma_semaphore, #tpu.memory_space<semaphore_mem>>
        %dma_start3A_1523 = arith.constant 0 : i32
        %dma_start3A_1524 = tpu.memref_slice %arg7[%dma_start3A_1523] : memref<5120xf32, #tpu.memory_space<vmem>> -> memref<5120xf32, #tpu.memory_space<vmem>>
        %dma_start3A_1525 = arith.constant 993880 : i32
        %dma_start3A_1526 = tpu.memref_slice %arg11[%dma_start3A_1525] : memref<1000016xf32, #tpu.memory_space<vmem_shared>> -> memref<5120xf32, #tpu.memory_space<vmem_shared>>
        %dma_start3A_1527 = arith.constant 993880 : i32
        %dma_start3A_1528 = tpu.memref_slice %arg11[%dma_start3A_1527] : memref<1000016xf32, #tpu.memory_space<vmem_shared>> -> memref<5120xf32, #tpu.memory_space<vmem_shared>>
        %dma_start3A_1529 = arith.constant 0 : i32
        %dma_start3A_1530 = tpu.memref_slice %arg7[%dma_start3A_1529] : memref<5120xf32, #tpu.memory_space<vmem>> -> memref<5120xf32, #tpu.memory_space<vmem>>
        tpu.enqueue_dma source(%dma_start3A_1530 : memref<5120xf32, #tpu.memory_space<vmem>>) target(%dma_start3A_1528 : memref<5120xf32, #tpu.memory_space<vmem_shared>>) target_semaphore(%run_scoped3A : memref<!tpu.dma_semaphore, #tpu.memory_space<semaphore_mem>>)
        %dma_wait3A_1531 = arith.constant 0 : i32
        %dma_wait3A_1532 = tpu.memref_slice %arg7[%dma_wait3A_1531] : memref<5120xf32, #tpu.memory_space<vmem>> -> memref<5120xf32, #tpu.memory_space<vmem>>
        %dma_wait3A_1533 = arith.constant 993880 : i32
        %dma_wait3A_1534 = tpu.memref_slice %arg11[%dma_wait3A_1533] : memref<1000016xf32, #tpu.memory_space<vmem_shared>> -> memref<5120xf32, #tpu.memory_space<vmem_shared>>
        %dma_wait3A_1535 = arith.constant 993880 : i32
        %dma_wait3A_1536 = tpu.memref_slice %arg11[%dma_wait3A_1535] : memref<1000016xf32, #tpu.memory_space<vmem_shared>> -> memref<5120xf32, #tpu.memory_space<vmem_shared>>
        %dma_wait3A_1537 = arith.constant 0 : i32
        %dma_wait3A_1538 = tpu.memref_slice %arg7[%dma_wait3A_1537] : memref<5120xf32, #tpu.memory_space<vmem>> -> memref<5120xf32, #tpu.memory_space<vmem>>
        tpu.wait_dma2 semaphore(%run_scoped3A : memref<!tpu.dma_semaphore, #tpu.memory_space<semaphore_mem>>) src(%dma_wait3A_1538 : memref<5120xf32, #tpu.memory_space<vmem>>) dst(%dma_wait3A_1536 : memref<5120xf32, #tpu.memory_space<vmem_shared>>)
        tpu.yield
      }) : () -> ()
      "tpu.region"() ({
        %run_scoped3A = tpu.sem_alloc : memref<!tpu.dma_semaphore, #tpu.memory_space<semaphore_mem>>
        %dma_start3A_1523 = arith.constant 0 : i32
        %dma_start3A_1524 = tpu.memref_slice %arg7[%dma_start3A_1523] : memref<5120xf32, #tpu.memory_space<vmem>> -> memref<1000xf32, #tpu.memory_space<vmem>>
        %dma_start3A_1525 = arith.constant 999000 : i32
        %dma_start3A_1526 = tpu.memref_slice %arg3[%dma_start3A_1525] : memref<1000448xf32, #tpu.memory_space<hbm>> -> memref<1000xf32, #tpu.memory_space<hbm>>
        %dma_start3A_1527 = arith.constant 0 : i32
        %dma_start3A_1528 = tpu.memref_slice %arg7[%dma_start3A_1527] : memref<5120xf32, #tpu.memory_space<vmem>> -> memref<1000xf32, #tpu.memory_space<vmem>>
        %dma_start3A_1529 = arith.constant 999000 : i32
        %dma_start3A_1530 = tpu.memref_slice %arg3[%dma_start3A_1529] : memref<1000448xf32, #tpu.memory_space<hbm>> -> memref<1000xf32, #tpu.memory_space<hbm>>
        tpu.enqueue_dma source(%dma_start3A_1530 : memref<1000xf32, #tpu.memory_space<hbm>>) target(%dma_start3A_1528 : memref<1000xf32, #tpu.memory_space<vmem>>) target_semaphore(%run_scoped3A : memref<!tpu.dma_semaphore, #tpu.memory_space<semaphore_mem>>)
        %dma_wait3A_1531 = arith.constant 0 : i32
        %dma_wait3A_1532 = tpu.memref_slice %arg7[%dma_wait3A_1531] : memref<5120xf32, #tpu.memory_space<vmem>> -> memref<1000xf32, #tpu.memory_space<vmem>>
        %dma_wait3A_1533 = arith.constant 999000 : i32
        %dma_wait3A_1534 = tpu.memref_slice %arg3[%dma_wait3A_1533] : memref<1000448xf32, #tpu.memory_space<hbm>> -> memref<1000xf32, #tpu.memory_space<hbm>>
        %dma_wait3A_1535 = arith.constant 0 : i32
        %dma_wait3A_1536 = tpu.memref_slice %arg7[%dma_wait3A_1535] : memref<5120xf32, #tpu.memory_space<vmem>> -> memref<1000xf32, #tpu.memory_space<vmem>>
        %dma_wait3A_1537 = arith.constant 999000 : i32
        %dma_wait3A_1538 = tpu.memref_slice %arg3[%dma_wait3A_1537] : memref<1000448xf32, #tpu.memory_space<hbm>> -> memref<1000xf32, #tpu.memory_space<hbm>>
        tpu.wait_dma2 semaphore(%run_scoped3A : memref<!tpu.dma_semaphore, #tpu.memory_space<semaphore_mem>>) src(%dma_wait3A_1538 : memref<1000xf32, #tpu.memory_space<hbm>>) dst(%dma_wait3A_1536 : memref<1000xf32, #tpu.memory_space<vmem>>)
        tpu.yield
      }) : () -> ()
      "tpu.region"() ({
        %run_scoped3A = tpu.sem_alloc : memref<!tpu.dma_semaphore, #tpu.memory_space<semaphore_mem>>
        %dma_start3A_1523 = arith.constant 0 : i32
        %dma_start3A_1524 = tpu.memref_slice %arg7[%dma_start3A_1523] : memref<5120xf32, #tpu.memory_space<vmem>> -> memref<1000xf32, #tpu.memory_space<vmem>>
        %dma_start3A_1525 = arith.constant 999000 : i32
        %dma_start3A_1526 = tpu.memref_slice %arg11[%dma_start3A_1525] : memref<1000016xf32, #tpu.memory_space<vmem_shared>> -> memref<1000xf32, #tpu.memory_space<vmem_shared>>
        %dma_start3A_1527 = arith.constant 999000 : i32
        %dma_start3A_1528 = tpu.memref_slice %arg11[%dma_start3A_1527] : memref<1000016xf32, #tpu.memory_space<vmem_shared>> -> memref<1000xf32, #tpu.memory_space<vmem_shared>>
        %dma_start3A_1529 = arith.constant 0 : i32
        %dma_start3A_1530 = tpu.memref_slice %arg7[%dma_start3A_1529] : memref<5120xf32, #tpu.memory_space<vmem>> -> memref<1000xf32, #tpu.memory_space<vmem>>
        tpu.enqueue_dma source(%dma_start3A_1530 : memref<1000xf32, #tpu.memory_space<vmem>>) target(%dma_start3A_1528 : memref<1000xf32, #tpu.memory_space<vmem_shared>>) target_semaphore(%run_scoped3A : memref<!tpu.dma_semaphore, #tpu.memory_space<semaphore_mem>>)
        %dma_wait3A_1531 = arith.constant 0 : i32
        %dma_wait3A_1532 = tpu.memref_slice %arg7[%dma_wait3A_1531] : memref<5120xf32, #tpu.memory_space<vmem>> -> memref<1000xf32, #tpu.memory_space<vmem>>
        %dma_wait3A_1533 = arith.constant 999000 : i32
        %dma_wait3A_1534 = tpu.memref_slice %arg11[%dma_wait3A_1533] : memref<1000016xf32, #tpu.memory_space<vmem_shared>> -> memref<1000xf32, #tpu.memory_space<vmem_shared>>
        %dma_wait3A_1535 = arith.constant 999000 : i32
        %dma_wait3A_1536 = tpu.memref_slice %arg11[%dma_wait3A_1535] : memref<1000016xf32, #tpu.memory_space<vmem_shared>> -> memref<1000xf32, #tpu.memory_space<vmem_shared>>
        %dma_wait3A_1537 = arith.constant 0 : i32
        %dma_wait3A_1538 = tpu.memref_slice %arg7[%dma_wait3A_1537] : memref<5120xf32, #tpu.memory_space<vmem>> -> memref<1000xf32, #tpu.memory_space<vmem>>
        tpu.wait_dma2 semaphore(%run_scoped3A : memref<!tpu.dma_semaphore, #tpu.memory_space<semaphore_mem>>) src(%dma_wait3A_1538 : memref<1000xf32, #tpu.memory_space<vmem>>) dst(%dma_wait3A_1536 : memref<1000xf32, #tpu.memory_space<vmem_shared>>)
        tpu.yield
      }) : () -> ()
    } else {
    }
    %eq3A_90 = arith.constant 0 : i32
    %eq3A_91 = arith.cmpi eq, %arg1, %eq3A_90 : i32
    %convert_element_type3A_92 = arith.extui %eq3A_91 : i1 to i32
    %cond3A_93 = arith.constant 0 : i32
    %cond3A_94 = arith.cmpi ne, %convert_element_type3A_92, %cond3A_93 : i32
    scf.if %cond3A_94 {
      %broadcast_in_dim3A = arith.constant 0.000000e+00 : f32
      %broadcast_in_dim3A_1523 = vector.broadcast %broadcast_in_dim3A : f32 to vector<16xf32>
      %swap3A = arith.constant 0 : index
      %swap3A_1524 = tpu.vector_load %arg10[%swap3A] {strides = array<i32>} : memref<16xf32, #tpu.memory_space<vmem>>, vector<16xf32>,
      %swap3A_1525 = vector.shape_cast %swap3A_1524 : vector<16xf32> to vector<16xf32>
      %swap3A_1526 = vector.shape_cast %broadcast_in_dim3A_1523 : vector<16xf32> to vector<16xf32>
      tpu.vector_store %arg10[%swap3A], %swap3A_1526 {strides = array<i32>} : memref<16xf32, #tpu.memory_space<vmem>>, vector<16xf32>,
      "tpu.region"() ({
        %run_scoped3A = tpu.sem_alloc : memref<!tpu.dma_semaphore, #tpu.memory_space<semaphore_mem>>
        %dma_start3A_1527 = arith.constant 1000000 : i32
        %dma_start3A_1528 = tpu.memref_slice %arg11[%dma_start3A_1527] : memref<1000016xf32, #tpu.memory_space<vmem_shared>> -> memref<16xf32, #tpu.memory_space<vmem_shared>>
        %dma_start3A_1529 = arith.constant 1000000 : i32
        %dma_start3A_1530 = tpu.memref_slice %arg11[%dma_start3A_1529] : memref<1000016xf32, #tpu.memory_space<vmem_shared>> -> memref<16xf32, #tpu.memory_space<vmem_shared>>
        tpu.enqueue_dma source(%arg10 : memref<16xf32, #tpu.memory_space<vmem>>) target(%dma_start3A_1530 : memref<16xf32, #tpu.memory_space<vmem_shared>>) target_semaphore(%run_scoped3A : memref<!tpu.dma_semaphore, #tpu.memory_space<semaphore_mem>>)
        %dma_wait3A_1531 = arith.constant 1000000 : i32
        %dma_wait3A_1532 = tpu.memref_slice %arg11[%dma_wait3A_1531] : memref<1000016xf32, #tpu.memory_space<vmem_shared>> -> memref<16xf32, #tpu.memory_space<vmem_shared>>
        %dma_wait3A_1533 = arith.constant 1000000 : i32
        %dma_wait3A_1534 = tpu.memref_slice %arg11[%dma_wait3A_1533] : memref<1000016xf32, #tpu.memory_space<vmem_shared>> -> memref<16xf32, #tpu.memory_space<vmem_shared>>
        tpu.wait_dma2 semaphore(%run_scoped3A : memref<!tpu.dma_semaphore, #tpu.memory_space<semaphore_mem>>) src(%arg10 : memref<16xf32, #tpu.memory_space<vmem>>) dst(%dma_wait3A_1534 : memref<16xf32, #tpu.memory_space<vmem_shared>>)
        tpu.yield
      }) : () -> ()
    } else {
    }
    %barrier3A = arith.constant 0 : index
    tpu.barrier barrier_id(%barrier3A)
    %dma_wait3A = arith.constant 0 : i32
    %dma_wait3A_95 = tpu.memref_slice %arg5[%dma_wait3A] : memref<5120xi32, #tpu.memory_space<vmem>> -> memref<512xi32, #tpu.memory_space<vmem>>
    %dma_wait3A_96 = tpu.memref_slice %arg2[%add3A_4] : memref<1638400xi32, #tpu.memory_space<hbm>> -> memref<512xi32, #tpu.memory_space<hbm>>
    %dma_wait3A_97 = arith.constant 0 : i32
    %dma_wait3A_98 = tpu.memref_slice %arg5[%dma_wait3A_97] : memref<5120xi32, #tpu.memory_space<vmem>> -> memref<512xi32, #tpu.memory_space<vmem>>
    %dma_wait3A_99 = tpu.memref_slice %arg2[%add3A_4] : memref<1638400xi32, #tpu.memory_space<hbm>> -> memref<512xi32, #tpu.memory_space<hbm>>
    tpu.wait_dma2 semaphore(%arg12 : memref<!tpu.dma_semaphore, #tpu.memory_space<semaphore_mem>>) src(%dma_wait3A_99 : memref<512xi32, #tpu.memory_space<hbm>>) dst(%dma_wait3A_98 : memref<512xi32, #tpu.memory_space<vmem>>)
    %dma_wait3A_100 = arith.constant 512 : i32
    %dma_wait3A_101 = tpu.memref_slice %arg5[%dma_wait3A_100] : memref<5120xi32, #tpu.memory_space<vmem>> -> memref<512xi32, #tpu.memory_space<vmem>>
    %dma_wait3A_102 = tpu.memref_slice %arg2[%add3A_11] : memref<1638400xi32, #tpu.memory_space<hbm>> -> memref<512xi32, #tpu.memory_space<hbm>>
    %dma_wait3A_103 = arith.constant 512 : i32
    %dma_wait3A_104 = tpu.memref_slice %arg5[%dma_wait3A_103] : memref<5120xi32, #tpu.memory_space<vmem>> -> memref<512xi32, #tpu.memory_space<vmem>>
    %dma_wait3A_105 = tpu.memref_slice %arg2[%add3A_11] : memref<1638400xi32, #tpu.memory_space<hbm>> -> memref<512xi32, #tpu.memory_space<hbm>>
    tpu.wait_dma2 semaphore(%arg12 : memref<!tpu.dma_semaphore, #tpu.memory_space<semaphore_mem>>) src(%dma_wait3A_105 : memref<512xi32, #tpu.memory_space<hbm>>) dst(%dma_wait3A_104 : memref<512xi32, #tpu.memory_space<vmem>>)
    %dma_wait3A_106 = arith.constant 1024 : i32
    %dma_wait3A_107 = tpu.memref_slice %arg5[%dma_wait3A_106] : memref<5120xi32, #tpu.memory_space<vmem>> -> memref<512xi32, #tpu.memory_space<vmem>>
    %dma_wait3A_108 = tpu.memref_slice %arg2[%add3A_19] : memref<1638400xi32, #tpu.memory_space<hbm>> -> memref<512xi32, #tpu.memory_space<hbm>>
    %dma_wait3A_109 = arith.constant 1024 : i32
    %dma_wait3A_110 = tpu.memref_slice %arg5[%dma_wait3A_109] : memref<5120xi32, #tpu.memory_space<vmem>> -> memref<512xi32, #tpu.memory_space<vmem>>
    %dma_wait3A_111 = tpu.memref_slice %arg2[%add3A_19] : memref<1638400xi32, #tpu.memory_space<hbm>> -> memref<512xi32, #tpu.memory_space<hbm>>
    tpu.wait_dma2 semaphore(%arg12 : memref<!tpu.dma_semaphore, #tpu.memory_space<semaphore_mem>>) src(%dma_wait3A_111 : memref<512xi32, #tpu.memory_space<hbm>>) dst(%dma_wait3A_110 : memref<512xi32, #tpu.memory_space<vmem>>)
    %dma_wait3A_112 = arith.constant 1536 : i32
    %dma_wait3A_113 = tpu.memref_slice %arg5[%dma_wait3A_112] : memref<5120xi32, #tpu.memory_space<vmem>> -> memref<512xi32, #tpu.memory_space<vmem>>
    %dma_wait3A_114 = tpu.memref_slice %arg2[%add3A_27] : memref<1638400xi32, #tpu.memory_space<hbm>> -> memref<512xi32, #tpu.memory_space<hbm>>
    %dma_wait3A_115 = arith.constant 1536 : i32
    %dma_wait3A_116 = tpu.memref_slice %arg5[%dma_wait3A_115] : memref<5120xi32, #tpu.memory_space<vmem>> -> memref<512xi32, #tpu.memory_space<vmem>>
    %dma_wait3A_117 = tpu.memref_slice %arg2[%add3A_27] : memref<1638400xi32, #tpu.memory_space<hbm>> -> memref<512xi32, #tpu.memory_space<hbm>>
    tpu.wait_dma2 semaphore(%arg12 : memref<!tpu.dma_semaphore, #tpu.memory_space<semaphore_mem>>) src(%dma_wait3A_117 : memref<512xi32, #tpu.memory_space<hbm>>) dst(%dma_wait3A_116 : memref<512xi32, #tpu.memory_space<vmem>>)
    %dma_wait3A_118 = arith.constant 2048 : i32
    %dma_wait3A_119 = tpu.memref_slice %arg5[%dma_wait3A_118] : memref<5120xi32, #tpu.memory_space<vmem>> -> memref<512xi32, #tpu.memory_space<vmem>>
    %dma_wait3A_120 = tpu.memref_slice %arg2[%add3A_35] : memref<1638400xi32, #tpu.memory_space<hbm>> -> memref<512xi32, #tpu.memory_space<hbm>>
    %dma_wait3A_121 = arith.constant 2048 : i32
    %dma_wait3A_122 = tpu.memref_slice %arg5[%dma_wait3A_121] : memref<5120xi32, #tpu.memory_space<vmem>> -> memref<512xi32, #tpu.memory_space<vmem>>
    %dma_wait3A_123 = tpu.memref_slice %arg2[%add3A_35] : memref<1638400xi32, #tpu.memory_space<hbm>> -> memref<512xi32, #tpu.memory_space<hbm>>
    tpu.wait_dma2 semaphore(%arg12 : memref<!tpu.dma_semaphore, #tpu.memory_space<semaphore_mem>>) src(%dma_wait3A_123 : memref<512xi32, #tpu.memory_space<hbm>>) dst(%dma_wait3A_122 : memref<512xi32, #tpu.memory_space<vmem>>)
    %dma_wait3A_124 = arith.constant 2560 : i32
    %dma_wait3A_125 = tpu.memref_slice %arg5[%dma_wait3A_124] : memref<5120xi32, #tpu.memory_space<vmem>> -> memref<512xi32, #tpu.memory_space<vmem>>
    %dma_wait3A_126 = tpu.memref_slice %arg2[%add3A_43] : memref<1638400xi32, #tpu.memory_space<hbm>> -> memref<512xi32, #tpu.memory_space<hbm>>
    %dma_wait3A_127 = arith.constant 2560 : i32
    %dma_wait3A_128 = tpu.memref_slice %arg5[%dma_wait3A_127] : memref<5120xi32, #tpu.memory_space<vmem>> -> memref<512xi32, #tpu.memory_space<vmem>>
    %dma_wait3A_129 = tpu.memref_slice %arg2[%add3A_43] : memref<1638400xi32, #tpu.memory_space<hbm>> -> memref<512xi32, #tpu.memory_space<hbm>>
    tpu.wait_dma2 semaphore(%arg12 : memref<!tpu.dma_semaphore, #tpu.memory_space<semaphore_mem>>) src(%dma_wait3A_129 : memref<512xi32, #tpu.memory_space<hbm>>) dst(%dma_wait3A_128 : memref<512xi32, #tpu.memory_space<vmem>>)
    %dma_wait3A_130 = arith.constant 3072 : i32
    %dma_wait3A_131 = tpu.memref_slice %arg5[%dma_wait3A_130] : memref<5120xi32, #tpu.memory_space<vmem>> -> memref<512xi32, #tpu.memory_space<vmem>>
    %dma_wait3A_132 = tpu.memref_slice %arg2[%add3A_51] : memref<1638400xi32, #tpu.memory_space<hbm>> -> memref<512xi32, #tpu.memory_space<hbm>>
    %dma_wait3A_133 = arith.constant 3072 : i32
    %dma_wait3A_134 = tpu.memref_slice %arg5[%dma_wait3A_133] : memref<5120xi32, #tpu.memory_space<vmem>> -> memref<512xi32, #tpu.memory_space<vmem>>
    %dma_wait3A_135 = tpu.memref_slice %arg2[%add3A_51] : memref<1638400xi32, #tpu.memory_space<hbm>> -> memref<512xi32, #tpu.memory_space<hbm>>
    tpu.wait_dma2 semaphore(%arg12 : memref<!tpu.dma_semaphore, #tpu.memory_space<semaphore_mem>>) src(%dma_wait3A_135 : memref<512xi32, #tpu.memory_space<hbm>>) dst(%dma_wait3A_134 : memref<512xi32, #tpu.memory_space<vmem>>)
    %dma_wait3A_136 = arith.constant 3584 : i32
    %dma_wait3A_137 = tpu.memref_slice %arg5[%dma_wait3A_136] : memref<5120xi32, #tpu.memory_space<vmem>> -> memref<512xi32, #tpu.memory_space<vmem>>
    %dma_wait3A_138 = tpu.memref_slice %arg2[%add3A_59] : memref<1638400xi32, #tpu.memory_space<hbm>> -> memref<512xi32, #tpu.memory_space<hbm>>
    %dma_wait3A_139 = arith.constant 3584 : i32
    %dma_wait3A_140 = tpu.memref_slice %arg5[%dma_wait3A_139] : memref<5120xi32, #tpu.memory_space<vmem>> -> memref<512xi32, #tpu.memory_space<vmem>>
    %dma_wait3A_141 = tpu.memref_slice %arg2[%add3A_59] : memref<1638400xi32, #tpu.memory_space<hbm>> -> memref<512xi32, #tpu.memory_space<hbm>>
    tpu.wait_dma2 semaphore(%arg12 : memref<!tpu.dma_semaphore, #tpu.memory_space<semaphore_mem>>) src(%dma_wait3A_141 : memref<512xi32, #tpu.memory_space<hbm>>) dst(%dma_wait3A_140 : memref<512xi32, #tpu.memory_space<vmem>>)
    %dma_wait3A_142 = arith.constant 4096 : i32
    %dma_wait3A_143 = tpu.memref_slice %arg5[%dma_wait3A_142] : memref<5120xi32, #tpu.memory_space<vmem>> -> memref<512xi32, #tpu.memory_space<vmem>>
    %dma_wait3A_144 = tpu.memref_slice %arg2[%add3A_67] : memref<1638400xi32, #tpu.memory_space<hbm>> -> memref<512xi32, #tpu.memory_space<hbm>>
    %dma_wait3A_145 = arith.constant 4096 : i32
    %dma_wait3A_146 = tpu.memref_slice %arg5[%dma_wait3A_145] : memref<5120xi32, #tpu.memory_space<vmem>> -> memref<512xi32, #tpu.memory_space<vmem>>
    %dma_wait3A_147 = tpu.memref_slice %arg2[%add3A_67] : memref<1638400xi32, #tpu.memory_space<hbm>> -> memref<512xi32, #tpu.memory_space<hbm>>
    tpu.wait_dma2 semaphore(%arg12 : memref<!tpu.dma_semaphore, #tpu.memory_space<semaphore_mem>>) src(%dma_wait3A_147 : memref<512xi32, #tpu.memory_space<hbm>>) dst(%dma_wait3A_146 : memref<512xi32, #tpu.memory_space<vmem>>)
    %dma_wait3A_148 = arith.constant 4608 : i32
    %dma_wait3A_149 = tpu.memref_slice %arg5[%dma_wait3A_148] : memref<5120xi32, #tpu.memory_space<vmem>> -> memref<512xi32, #tpu.memory_space<vmem>>
    %dma_wait3A_150 = tpu.memref_slice %arg2[%add3A_75] : memref<1638400xi32, #tpu.memory_space<hbm>> -> memref<512xi32, #tpu.memory_space<hbm>>
    %dma_wait3A_151 = arith.constant 4608 : i32
    %dma_wait3A_152 = tpu.memref_slice %arg5[%dma_wait3A_151] : memref<5120xi32, #tpu.memory_space<vmem>> -> memref<512xi32, #tpu.memory_space<vmem>>
    %dma_wait3A_153 = tpu.memref_slice %arg2[%add3A_75] : memref<1638400xi32, #tpu.memory_space<hbm>> -> memref<512xi32, #tpu.memory_space<hbm>>
    tpu.wait_dma2 semaphore(%arg12 : memref<!tpu.dma_semaphore, #tpu.memory_space<semaphore_mem>>) src(%dma_wait3A_153 : memref<512xi32, #tpu.memory_space<hbm>>) dst(%dma_wait3A_152 : memref<512xi32, #tpu.memory_space<vmem>>)
    %dma_start3A_154 = arith.constant 0 : i32
    %dma_start3A_155 = tpu.memref_slice %arg11[%dma_start3A_154] : memref<1000016xf32, #tpu.memory_space<vmem_shared>> -> memref<1000016xf32, #tpu.memory_space<vmem_shared>>
    tpu.enqueue_indirect_dma source(%dma_start3A_155 : memref<1000016xf32, #tpu.memory_space<vmem_shared>>) target(%arg7 : memref<5120xf32, #tpu.memory_space<vmem>>) offsets(%arg5 : memref<5120xi32, #tpu.memory_space<vmem>>) semaphore(%arg13 : memref<!tpu.dma_semaphore, #tpu.memory_space<semaphore_mem>>)
    %add3A_156 = arith.constant 163840 : i32
    %add3A_157 = arith.addi %add3A_156, %mul3A_2 : i32
    %dma_start3A_158 = arith.constant 0 : i32
    %dma_start3A_159 = tpu.memref_slice %arg6[%dma_start3A_158] : memref<5120xi32, #tpu.memory_space<vmem>> -> memref<512xi32, #tpu.memory_space<vmem>>
    %dma_start3A_160 = tpu.memref_slice %arg2[%add3A_157] : memref<1638400xi32, #tpu.memory_space<hbm>> -> memref<512xi32, #tpu.memory_space<hbm>>
    %dma_start3A_161 = arith.constant 0 : i32
    %dma_start3A_162 = tpu.memref_slice %arg6[%dma_start3A_161] : memref<5120xi32, #tpu.memory_space<vmem>> -> memref<512xi32, #tpu.memory_space<vmem>>
    %dma_start3A_163 = tpu.memref_slice %arg2[%add3A_157] : memref<1638400xi32, #tpu.memory_space<hbm>> -> memref<512xi32, #tpu.memory_space<hbm>>
    tpu.enqueue_dma source(%dma_start3A_163 : memref<512xi32, #tpu.memory_space<hbm>>) target(%dma_start3A_162 : memref<512xi32, #tpu.memory_space<vmem>>) target_semaphore(%arg12 : memref<!tpu.dma_semaphore, #tpu.memory_space<semaphore_mem>>)
    %add3A_164 = arith.constant 180224 : i32
    %add3A_165 = arith.addi %add3A_164, %mul3A_2 : i32
    %dma_start3A_166 = arith.constant 512 : i32
    %dma_start3A_167 = tpu.memref_slice %arg6[%dma_start3A_166] : memref<5120xi32, #tpu.memory_space<vmem>> -> memref<512xi32, #tpu.memory_space<vmem>>
    %dma_start3A_168 = tpu.memref_slice %arg2[%add3A_165] : memref<1638400xi32, #tpu.memory_space<hbm>> -> memref<512xi32, #tpu.memory_space<hbm>>
    %dma_start3A_169 = arith.constant 512 : i32
    %dma_start3A_170 = tpu.memref_slice %arg6[%dma_start3A_169] : memref<5120xi32, #tpu.memory_space<vmem>> -> memref<512xi32, #tpu.memory_space<vmem>>
    %dma_start3A_171 = tpu.memref_slice %arg2[%add3A_165] : memref<1638400xi32, #tpu.memory_space<hbm>> -> memref<512xi32, #tpu.memory_space<hbm>>
    tpu.enqueue_dma source(%dma_start3A_171 : memref<512xi32, #tpu.memory_space<hbm>>) target(%dma_start3A_170 : memref<512xi32, #tpu.memory_space<vmem>>) target_semaphore(%arg12 : memref<!tpu.dma_semaphore, #tpu.memory_space<semaphore_mem>>)
    %add3A_172 = arith.constant 196608 : i32
    %add3A_173 = arith.addi %add3A_172, %mul3A_2 : i32
    %dma_start3A_174 = arith.constant 1024 : i32
    %dma_start3A_175 = tpu.memref_slice %arg6[%dma_start3A_174] : memref<5120xi32, #tpu.memory_space<vmem>> -> memref<512xi32, #tpu.memory_space<vmem>>
    %dma_start3A_176 = tpu.memref_slice %arg2[%add3A_173] : memref<1638400xi32, #tpu.memory_space<hbm>> -> memref<512xi32, #tpu.memory_space<hbm>>
    %dma_start3A_177 = arith.constant 1024 : i32
    %dma_start3A_178 = tpu.memref_slice %arg6[%dma_start3A_177] : memref<5120xi32, #tpu.memory_space<vmem>> -> memref<512xi32, #tpu.memory_space<vmem>>
    %dma_start3A_179 = tpu.memref_slice %arg2[%add3A_173] : memref<1638400xi32, #tpu.memory_space<hbm>> -> memref<512xi32, #tpu.memory_space<hbm>>
    tpu.enqueue_dma source(%dma_start3A_179 : memref<512xi32, #tpu.memory_space<hbm>>) target(%dma_start3A_178 : memref<512xi32, #tpu.memory_space<vmem>>) target_semaphore(%arg12 : memref<!tpu.dma_semaphore, #tpu.memory_space<semaphore_mem>>)
    %add3A_180 = arith.constant 212992 : i32
    %add3A_181 = arith.addi %add3A_180, %mul3A_2 : i32
    %dma_start3A_182 = arith.constant 1536 : i32
    %dma_start3A_183 = tpu.memref_slice %arg6[%dma_start3A_182] : memref<5120xi32, #tpu.memory_space<vmem>> -> memref<512xi32, #tpu.memory_space<vmem>>
    %dma_start3A_184 = tpu.memref_slice %arg2[%add3A_181] : memref<1638400xi32, #tpu.memory_space<hbm>> -> memref<512xi32, #tpu.memory_space<hbm>>
    %dma_start3A_185 = arith.constant 1536 : i32
    %dma_start3A_186 = tpu.memref_slice %arg6[%dma_start3A_185] : memref<5120xi32, #tpu.memory_space<vmem>> -> memref<512xi32, #tpu.memory_space<vmem>>
    %dma_start3A_187 = tpu.memref_slice %arg2[%add3A_181] : memref<1638400xi32, #tpu.memory_space<hbm>> -> memref<512xi32, #tpu.memory_space<hbm>>
    tpu.enqueue_dma source(%dma_start3A_187 : memref<512xi32, #tpu.memory_space<hbm>>) target(%dma_start3A_186 : memref<512xi32, #tpu.memory_space<vmem>>) target_semaphore(%arg12 : memref<!tpu.dma_semaphore, #tpu.memory_space<semaphore_mem>>)
    %add3A_188 = arith.constant 229376 : i32
    %add3A_189 = arith.addi %add3A_188, %mul3A_2 : i32
    %dma_start3A_190 = arith.constant 2048 : i32
    %dma_start3A_191 = tpu.memref_slice %arg6[%dma_start3A_190] : memref<5120xi32, #tpu.memory_space<vmem>> -> memref<512xi32, #tpu.memory_space<vmem>>
    %dma_start3A_192 = tpu.memref_slice %arg2[%add3A_189] : memref<1638400xi32, #tpu.memory_space<hbm>> -> memref<512xi32, #tpu.memory_space<hbm>>
    %dma_start3A_193 = arith.constant 2048 : i32
    %dma_start3A_194 = tpu.memref_slice %arg6[%dma_start3A_193] : memref<5120xi32, #tpu.memory_space<vmem>> -> memref<512xi32, #tpu.memory_space<vmem>>
    %dma_start3A_195 = tpu.memref_slice %arg2[%add3A_189] : memref<1638400xi32, #tpu.memory_space<hbm>> -> memref<512xi32, #tpu.memory_space<hbm>>
    tpu.enqueue_dma source(%dma_start3A_195 : memref<512xi32, #tpu.memory_space<hbm>>) target(%dma_start3A_194 : memref<512xi32, #tpu.memory_space<vmem>>) target_semaphore(%arg12 : memref<!tpu.dma_semaphore, #tpu.memory_space<semaphore_mem>>)
    %add3A_196 = arith.constant 245760 : i32
    %add3A_197 = arith.addi %add3A_196, %mul3A_2 : i32
    %dma_start3A_198 = arith.constant 2560 : i32
    %dma_start3A_199 = tpu.memref_slice %arg6[%dma_start3A_198] : memref<5120xi32, #tpu.memory_space<vmem>> -> memref<512xi32, #tpu.memory_space<vmem>>
    %dma_start3A_200 = tpu.memref_slice %arg2[%add3A_197] : memref<1638400xi32, #tpu.memory_space<hbm>> -> memref<512xi32, #tpu.memory_space<hbm>>
    %dma_start3A_201 = arith.constant 2560 : i32
    %dma_start3A_202 = tpu.memref_slice %arg6[%dma_start3A_201] : memref<5120xi32, #tpu.memory_space<vmem>> -> memref<512xi32, #tpu.memory_space<vmem>>
    %dma_start3A_203 = tpu.memref_slice %arg2[%add3A_197] : memref<1638400xi32, #tpu.memory_space<hbm>> -> memref<512xi32, #tpu.memory_space<hbm>>
    tpu.enqueue_dma source(%dma_start3A_203 : memref<512xi32, #tpu.memory_space<hbm>>) target(%dma_start3A_202 : memref<512xi32, #tpu.memory_space<vmem>>) target_semaphore(%arg12 : memref<!tpu.dma_semaphore, #tpu.memory_space<semaphore_mem>>)
    %add3A_204 = arith.constant 262144 : i32
    %add3A_205 = arith.addi %add3A_204, %mul3A_2 : i32
    %dma_start3A_206 = arith.constant 3072 : i32
    %dma_start3A_207 = tpu.memref_slice %arg6[%dma_start3A_206] : memref<5120xi32, #tpu.memory_space<vmem>> -> memref<512xi32, #tpu.memory_space<vmem>>
    %dma_start3A_208 = tpu.memref_slice %arg2[%add3A_205] : memref<1638400xi32, #tpu.memory_space<hbm>> -> memref<512xi32, #tpu.memory_space<hbm>>
    %dma_start3A_209 = arith.constant 3072 : i32
    %dma_start3A_210 = tpu.memref_slice %arg6[%dma_start3A_209] : memref<5120xi32, #tpu.memory_space<vmem>> -> memref<512xi32, #tpu.memory_space<vmem>>
    %dma_start3A_211 = tpu.memref_slice %arg2[%add3A_205] : memref<1638400xi32, #tpu.memory_space<hbm>> -> memref<512xi32, #tpu.memory_space<hbm>>
    tpu.enqueue_dma source(%dma_start3A_211 : memref<512xi32, #tpu.memory_space<hbm>>) target(%dma_start3A_210 : memref<512xi32, #tpu.memory_space<vmem>>) target_semaphore(%arg12 : memref<!tpu.dma_semaphore, #tpu.memory_space<semaphore_mem>>)
    %add3A_212 = arith.constant 278528 : i32
    %add3A_213 = arith.addi %add3A_212, %mul3A_2 : i32
    %dma_start3A_214 = arith.constant 3584 : i32
    %dma_start3A_215 = tpu.memref_slice %arg6[%dma_start3A_214] : memref<5120xi32, #tpu.memory_space<vmem>> -> memref<512xi32, #tpu.memory_space<vmem>>
    %dma_start3A_216 = tpu.memref_slice %arg2[%add3A_213] : memref<1638400xi32, #tpu.memory_space<hbm>> -> memref<512xi32, #tpu.memory_space<hbm>>
    %dma_start3A_217 = arith.constant 3584 : i32
    %dma_start3A_218 = tpu.memref_slice %arg6[%dma_start3A_217] : memref<5120xi32, #tpu.memory_space<vmem>> -> memref<512xi32, #tpu.memory_space<vmem>>
    %dma_start3A_219 = tpu.memref_slice %arg2[%add3A_213] : memref<1638400xi32, #tpu.memory_space<hbm>> -> memref<512xi32, #tpu.memory_space<hbm>>
    tpu.enqueue_dma source(%dma_start3A_219 : memref<512xi32, #tpu.memory_space<hbm>>) target(%dma_start3A_218 : memref<512xi32, #tpu.memory_space<vmem>>) target_semaphore(%arg12 : memref<!tpu.dma_semaphore, #tpu.memory_space<semaphore_mem>>)
    %add3A_220 = arith.constant 294912 : i32
    %add3A_221 = arith.addi %add3A_220, %mul3A_2 : i32
    %dma_start3A_222 = arith.constant 4096 : i32
    %dma_start3A_223 = tpu.memref_slice %arg6[%dma_start3A_222] : memref<5120xi32, #tpu.memory_space<vmem>> -> memref<512xi32, #tpu.memory_space<vmem>>
    %dma_start3A_224 = tpu.memref_slice %arg2[%add3A_221] : memref<1638400xi32, #tpu.memory_space<hbm>> -> memref<512xi32, #tpu.memory_space<hbm>>
    %dma_start3A_225 = arith.constant 4096 : i32
    %dma_start3A_226 = tpu.memref_slice %arg6[%dma_start3A_225] : memref<5120xi32, #tpu.memory_space<vmem>> -> memref<512xi32, #tpu.memory_space<vmem>>
    %dma_start3A_227 = tpu.memref_slice %arg2[%add3A_221] : memref<1638400xi32, #tpu.memory_space<hbm>> -> memref<512xi32, #tpu.memory_space<hbm>>
    tpu.enqueue_dma source(%dma_start3A_227 : memref<512xi32, #tpu.memory_space<hbm>>) target(%dma_start3A_226 : memref<512xi32, #tpu.memory_space<vmem>>) target_semaphore(%arg12 : memref<!tpu.dma_semaphore, #tpu.memory_space<semaphore_mem>>)
    %add3A_228 = arith.constant 311296 : i32
    %add3A_229 = arith.addi %add3A_228, %mul3A_2 : i32
    %dma_start3A_230 = arith.constant 4608 : i32
    %dma_start3A_231 = tpu.memref_slice %arg6[%dma_start3A_230] : memref<5120xi32, #tpu.memory_space<vmem>> -> memref<512xi32, #tpu.memory_space<vmem>>
    %dma_start3A_232 = tpu.memref_slice %arg2[%add3A_229] : memref<1638400xi32, #tpu.memory_space<hbm>> -> memref<512xi32, #tpu.memory_space<hbm>>
    %dma_start3A_233 = arith.constant 4608 : i32
    %dma_start3A_234 = tpu.memref_slice %arg6[%dma_start3A_233] : memref<5120xi32, #tpu.memory_space<vmem>> -> memref<512xi32, #tpu.memory_space<vmem>>
    %dma_start3A_235 = tpu.memref_slice %arg2[%add3A_229] : memref<1638400xi32, #tpu.memory_space<hbm>> -> memref<512xi32, #tpu.memory_space<hbm>>
    tpu.enqueue_dma source(%dma_start3A_235 : memref<512xi32, #tpu.memory_space<hbm>>) target(%dma_start3A_234 : memref<512xi32, #tpu.memory_space<vmem>>) target_semaphore(%arg12 : memref<!tpu.dma_semaphore, #tpu.memory_space<semaphore_mem>>)
    %dma_wait3A_236 = arith.constant 0 : i32
    %dma_wait3A_237 = tpu.memref_slice %arg11[%dma_wait3A_236] : memref<1000016xf32, #tpu.memory_space<vmem_shared>> -> memref<1000016xf32, #tpu.memory_space<vmem_shared>>
    tpu.wait_indirect_dma semaphore(%arg13 : memref<!tpu.dma_semaphore, #tpu.memory_space<semaphore_mem>>) src(%dma_wait3A_237 : memref<1000016xf32, #tpu.memory_space<vmem_shared>>) dst(%arg7 : memref<5120xf32, #tpu.memory_space<vmem>>)
    %dma_wait3A_238 = arith.constant 0 : i32
    %dma_wait3A_239 = tpu.memref_slice %arg6[%dma_wait3A_238] : memref<5120xi32, #tpu.memory_space<vmem>> -> memref<512xi32, #tpu.memory_space<vmem>>
    %dma_wait3A_240 = tpu.memref_slice %arg2[%add3A_157] : memref<1638400xi32, #tpu.memory_space<hbm>> -> memref<512xi32, #tpu.memory_space<hbm>>
    %dma_wait3A_241 = arith.constant 0 : i32
    %dma_wait3A_242 = tpu.memref_slice %arg6[%dma_wait3A_241] : memref<5120xi32, #tpu.memory_space<vmem>> -> memref<512xi32, #tpu.memory_space<vmem>>
    %dma_wait3A_243 = tpu.memref_slice %arg2[%add3A_157] : memref<1638400xi32, #tpu.memory_space<hbm>> -> memref<512xi32, #tpu.memory_space<hbm>>
    tpu.wait_dma2 semaphore(%arg12 : memref<!tpu.dma_semaphore, #tpu.memory_space<semaphore_mem>>) src(%dma_wait3A_243 : memref<512xi32, #tpu.memory_space<hbm>>) dst(%dma_wait3A_242 : memref<512xi32, #tpu.memory_space<vmem>>)
    %dma_wait3A_244 = arith.constant 512 : i32
    %dma_wait3A_245 = tpu.memref_slice %arg6[%dma_wait3A_244] : memref<5120xi32, #tpu.memory_space<vmem>> -> memref<512xi32, #tpu.memory_space<vmem>>
    %dma_wait3A_246 = tpu.memref_slice %arg2[%add3A_165] : memref<1638400xi32, #tpu.memory_space<hbm>> -> memref<512xi32, #tpu.memory_space<hbm>>
    %dma_wait3A_247 = arith.constant 512 : i32
    %dma_wait3A_248 = tpu.memref_slice %arg6[%dma_wait3A_247] : memref<5120xi32, #tpu.memory_space<vmem>> -> memref<512xi32, #tpu.memory_space<vmem>>
    %dma_wait3A_249 = tpu.memref_slice %arg2[%add3A_165] : memref<1638400xi32, #tpu.memory_space<hbm>> -> memref<512xi32, #tpu.memory_space<hbm>>
    tpu.wait_dma2 semaphore(%arg12 : memref<!tpu.dma_semaphore, #tpu.memory_space<semaphore_mem>>) src(%dma_wait3A_249 : memref<512xi32, #tpu.memory_space<hbm>>) dst(%dma_wait3A_248 : memref<512xi32, #tpu.memory_space<vmem>>)
    %dma_wait3A_250 = arith.constant 1024 : i32
    %dma_wait3A_251 = tpu.memref_slice %arg6[%dma_wait3A_250] : memref<5120xi32, #tpu.memory_space<vmem>> -> memref<512xi32, #tpu.memory_space<vmem>>
    %dma_wait3A_252 = tpu.memref_slice %arg2[%add3A_173] : memref<1638400xi32, #tpu.memory_space<hbm>> -> memref<512xi32, #tpu.memory_space<hbm>>
    %dma_wait3A_253 = arith.constant 1024 : i32
    %dma_wait3A_254 = tpu.memref_slice %arg6[%dma_wait3A_253] : memref<5120xi32, #tpu.memory_space<vmem>> -> memref<512xi32, #tpu.memory_space<vmem>>
    %dma_wait3A_255 = tpu.memref_slice %arg2[%add3A_173] : memref<1638400xi32, #tpu.memory_space<hbm>> -> memref<512xi32, #tpu.memory_space<hbm>>
    tpu.wait_dma2 semaphore(%arg12 : memref<!tpu.dma_semaphore, #tpu.memory_space<semaphore_mem>>) src(%dma_wait3A_255 : memref<512xi32, #tpu.memory_space<hbm>>) dst(%dma_wait3A_254 : memref<512xi32, #tpu.memory_space<vmem>>)
    %dma_wait3A_256 = arith.constant 1536 : i32
    %dma_wait3A_257 = tpu.memref_slice %arg6[%dma_wait3A_256] : memref<5120xi32, #tpu.memory_space<vmem>> -> memref<512xi32, #tpu.memory_space<vmem>>
    %dma_wait3A_258 = tpu.memref_slice %arg2[%add3A_181] : memref<1638400xi32, #tpu.memory_space<hbm>> -> memref<512xi32, #tpu.memory_space<hbm>>
    %dma_wait3A_259 = arith.constant 1536 : i32
    %dma_wait3A_260 = tpu.memref_slice %arg6[%dma_wait3A_259] : memref<5120xi32, #tpu.memory_space<vmem>> -> memref<512xi32, #tpu.memory_space<vmem>>
    %dma_wait3A_261 = tpu.memref_slice %arg2[%add3A_181] : memref<1638400xi32, #tpu.memory_space<hbm>> -> memref<512xi32, #tpu.memory_space<hbm>>
    tpu.wait_dma2 semaphore(%arg12 : memref<!tpu.dma_semaphore, #tpu.memory_space<semaphore_mem>>) src(%dma_wait3A_261 : memref<512xi32, #tpu.memory_space<hbm>>) dst(%dma_wait3A_260 : memref<512xi32, #tpu.memory_space<vmem>>)
    %dma_wait3A_262 = arith.constant 2048 : i32
    %dma_wait3A_263 = tpu.memref_slice %arg6[%dma_wait3A_262] : memref<5120xi32, #tpu.memory_space<vmem>> -> memref<512xi32, #tpu.memory_space<vmem>>
    %dma_wait3A_264 = tpu.memref_slice %arg2[%add3A_189] : memref<1638400xi32, #tpu.memory_space<hbm>> -> memref<512xi32, #tpu.memory_space<hbm>>
    %dma_wait3A_265 = arith.constant 2048 : i32
    %dma_wait3A_266 = tpu.memref_slice %arg6[%dma_wait3A_265] : memref<5120xi32, #tpu.memory_space<vmem>> -> memref<512xi32, #tpu.memory_space<vmem>>
    %dma_wait3A_267 = tpu.memref_slice %arg2[%add3A_189] : memref<1638400xi32, #tpu.memory_space<hbm>> -> memref<512xi32, #tpu.memory_space<hbm>>
    tpu.wait_dma2 semaphore(%arg12 : memref<!tpu.dma_semaphore, #tpu.memory_space<semaphore_mem>>) src(%dma_wait3A_267 : memref<512xi32, #tpu.memory_space<hbm>>) dst(%dma_wait3A_266 : memref<512xi32, #tpu.memory_space<vmem>>)
    %dma_wait3A_268 = arith.constant 2560 : i32
    %dma_wait3A_269 = tpu.memref_slice %arg6[%dma_wait3A_268] : memref<5120xi32, #tpu.memory_space<vmem>> -> memref<512xi32, #tpu.memory_space<vmem>>
    %dma_wait3A_270 = tpu.memref_slice %arg2[%add3A_197] : memref<1638400xi32, #tpu.memory_space<hbm>> -> memref<512xi32, #tpu.memory_space<hbm>>
    %dma_wait3A_271 = arith.constant 2560 : i32
    %dma_wait3A_272 = tpu.memref_slice %arg6[%dma_wait3A_271] : memref<5120xi32, #tpu.memory_space<vmem>> -> memref<512xi32, #tpu.memory_space<vmem>>
    %dma_wait3A_273 = tpu.memref_slice %arg2[%add3A_197] : memref<1638400xi32, #tpu.memory_space<hbm>> -> memref<512xi32, #tpu.memory_space<hbm>>
    tpu.wait_dma2 semaphore(%arg12 : memref<!tpu.dma_semaphore, #tpu.memory_space<semaphore_mem>>) src(%dma_wait3A_273 : memref<512xi32, #tpu.memory_space<hbm>>) dst(%dma_wait3A_272 : memref<512xi32, #tpu.memory_space<vmem>>)
    %dma_wait3A_274 = arith.constant 3072 : i32
    %dma_wait3A_275 = tpu.memref_slice %arg6[%dma_wait3A_274] : memref<5120xi32, #tpu.memory_space<vmem>> -> memref<512xi32, #tpu.memory_space<vmem>>
    %dma_wait3A_276 = tpu.memref_slice %arg2[%add3A_205] : memref<1638400xi32, #tpu.memory_space<hbm>> -> memref<512xi32, #tpu.memory_space<hbm>>
    %dma_wait3A_277 = arith.constant 3072 : i32
    %dma_wait3A_278 = tpu.memref_slice %arg6[%dma_wait3A_277] : memref<5120xi32, #tpu.memory_space<vmem>> -> memref<512xi32, #tpu.memory_space<vmem>>
    %dma_wait3A_279 = tpu.memref_slice %arg2[%add3A_205] : memref<1638400xi32, #tpu.memory_space<hbm>> -> memref<512xi32, #tpu.memory_space<hbm>>
    tpu.wait_dma2 semaphore(%arg12 : memref<!tpu.dma_semaphore, #tpu.memory_space<semaphore_mem>>) src(%dma_wait3A_279 : memref<512xi32, #tpu.memory_space<hbm>>) dst(%dma_wait3A_278 : memref<512xi32, #tpu.memory_space<vmem>>)
    %dma_wait3A_280 = arith.constant 3584 : i32
    %dma_wait3A_281 = tpu.memref_slice %arg6[%dma_wait3A_280] : memref<5120xi32, #tpu.memory_space<vmem>> -> memref<512xi32, #tpu.memory_space<vmem>>
    %dma_wait3A_282 = tpu.memref_slice %arg2[%add3A_213] : memref<1638400xi32, #tpu.memory_space<hbm>> -> memref<512xi32, #tpu.memory_space<hbm>>
    %dma_wait3A_283 = arith.constant 3584 : i32
    %dma_wait3A_284 = tpu.memref_slice %arg6[%dma_wait3A_283] : memref<5120xi32, #tpu.memory_space<vmem>> -> memref<512xi32, #tpu.memory_space<vmem>>
    %dma_wait3A_285 = tpu.memref_slice %arg2[%add3A_213] : memref<1638400xi32, #tpu.memory_space<hbm>> -> memref<512xi32, #tpu.memory_space<hbm>>
    tpu.wait_dma2 semaphore(%arg12 : memref<!tpu.dma_semaphore, #tpu.memory_space<semaphore_mem>>) src(%dma_wait3A_285 : memref<512xi32, #tpu.memory_space<hbm>>) dst(%dma_wait3A_284 : memref<512xi32, #tpu.memory_space<vmem>>)
    %dma_wait3A_286 = arith.constant 4096 : i32
    %dma_wait3A_287 = tpu.memref_slice %arg6[%dma_wait3A_286] : memref<5120xi32, #tpu.memory_space<vmem>> -> memref<512xi32, #tpu.memory_space<vmem>>
    %dma_wait3A_288 = tpu.memref_slice %arg2[%add3A_221] : memref<1638400xi32, #tpu.memory_space<hbm>> -> memref<512xi32, #tpu.memory_space<hbm>>
    %dma_wait3A_289 = arith.constant 4096 : i32
    %dma_wait3A_290 = tpu.memref_slice %arg6[%dma_wait3A_289] : memref<5120xi32, #tpu.memory_space<vmem>> -> memref<512xi32, #tpu.memory_space<vmem>>
    %dma_wait3A_291 = tpu.memref_slice %arg2[%add3A_221] : memref<1638400xi32, #tpu.memory_space<hbm>> -> memref<512xi32, #tpu.memory_space<hbm>>
    tpu.wait_dma2 semaphore(%arg12 : memref<!tpu.dma_semaphore, #tpu.memory_space<semaphore_mem>>) src(%dma_wait3A_291 : memref<512xi32, #tpu.memory_space<hbm>>) dst(%dma_wait3A_290 : memref<512xi32, #tpu.memory_space<vmem>>)
    %dma_wait3A_292 = arith.constant 4608 : i32
    %dma_wait3A_293 = tpu.memref_slice %arg6[%dma_wait3A_292] : memref<5120xi32, #tpu.memory_space<vmem>> -> memref<512xi32, #tpu.memory_space<vmem>>
    %dma_wait3A_294 = tpu.memref_slice %arg2[%add3A_229] : memref<1638400xi32, #tpu.memory_space<hbm>> -> memref<512xi32, #tpu.memory_space<hbm>>
    %dma_wait3A_295 = arith.constant 4608 : i32
    %dma_wait3A_296 = tpu.memref_slice %arg6[%dma_wait3A_295] : memref<5120xi32, #tpu.memory_space<vmem>> -> memref<512xi32, #tpu.memory_space<vmem>>
    %dma_wait3A_297 = tpu.memref_slice %arg2[%add3A_229] : memref<1638400xi32, #tpu.memory_space<hbm>> -> memref<512xi32, #tpu.memory_space<hbm>>
    tpu.wait_dma2 semaphore(%arg12 : memref<!tpu.dma_semaphore, #tpu.memory_space<semaphore_mem>>) src(%dma_wait3A_297 : memref<512xi32, #tpu.memory_space<hbm>>) dst(%dma_wait3A_296 : memref<512xi32, #tpu.memory_space<vmem>>)
    %dma_start3A_298 = arith.constant 0 : i32
    %dma_start3A_299 = tpu.memref_slice %arg11[%dma_start3A_298] : memref<1000016xf32, #tpu.memory_space<vmem_shared>> -> memref<1000016xf32, #tpu.memory_space<vmem_shared>>
    tpu.enqueue_indirect_dma source(%dma_start3A_299 : memref<1000016xf32, #tpu.memory_space<vmem_shared>>) target(%arg8 : memref<5120xf32, #tpu.memory_space<vmem>>) offsets(%arg6 : memref<5120xi32, #tpu.memory_space<vmem>>) semaphore(%arg13 : memref<!tpu.dma_semaphore, #tpu.memory_space<semaphore_mem>>)
    %add3A_300 = arith.constant 327680 : i32
    %add3A_301 = arith.addi %add3A_300, %mul3A_2 : i32
    %dma_start3A_302 = arith.constant 0 : i32
    %dma_start3A_303 = tpu.memref_slice %arg5[%dma_start3A_302] : memref<5120xi32, #tpu.memory_space<vmem>> -> memref<512xi32, #tpu.memory_space<vmem>>
    %dma_start3A_304 = tpu.memref_slice %arg2[%add3A_301] : memref<1638400xi32, #tpu.memory_space<hbm>> -> memref<512xi32, #tpu.memory_space<hbm>>
    %dma_start3A_305 = arith.constant 0 : i32
    %dma_start3A_306 = tpu.memref_slice %arg5[%dma_start3A_305] : memref<5120xi32, #tpu.memory_space<vmem>> -> memref<512xi32, #tpu.memory_space<vmem>>
    %dma_start3A_307 = tpu.memref_slice %arg2[%add3A_301] : memref<1638400xi32, #tpu.memory_space<hbm>> -> memref<512xi32, #tpu.memory_space<hbm>>
    tpu.enqueue_dma source(%dma_start3A_307 : memref<512xi32, #tpu.memory_space<hbm>>) target(%dma_start3A_306 : memref<512xi32, #tpu.memory_space<vmem>>) target_semaphore(%arg12 : memref<!tpu.dma_semaphore, #tpu.memory_space<semaphore_mem>>)
    %add3A_308 = arith.constant 344064 : i32
    %add3A_309 = arith.addi %add3A_308, %mul3A_2 : i32
    %dma_start3A_310 = arith.constant 512 : i32
    %dma_start3A_311 = tpu.memref_slice %arg5[%dma_start3A_310] : memref<5120xi32, #tpu.memory_space<vmem>> -> memref<512xi32, #tpu.memory_space<vmem>>
    %dma_start3A_312 = tpu.memref_slice %arg2[%add3A_309] : memref<1638400xi32, #tpu.memory_space<hbm>> -> memref<512xi32, #tpu.memory_space<hbm>>
    %dma_start3A_313 = arith.constant 512 : i32
    %dma_start3A_314 = tpu.memref_slice %arg5[%dma_start3A_313] : memref<5120xi32, #tpu.memory_space<vmem>> -> memref<512xi32, #tpu.memory_space<vmem>>
    %dma_start3A_315 = tpu.memref_slice %arg2[%add3A_309] : memref<1638400xi32, #tpu.memory_space<hbm>> -> memref<512xi32, #tpu.memory_space<hbm>>
    tpu.enqueue_dma source(%dma_start3A_315 : memref<512xi32, #tpu.memory_space<hbm>>) target(%dma_start3A_314 : memref<512xi32, #tpu.memory_space<vmem>>) target_semaphore(%arg12 : memref<!tpu.dma_semaphore, #tpu.memory_space<semaphore_mem>>)
    %add3A_316 = arith.constant 360448 : i32
    %add3A_317 = arith.addi %add3A_316, %mul3A_2 : i32
    %dma_start3A_318 = arith.constant 1024 : i32
    %dma_start3A_319 = tpu.memref_slice %arg5[%dma_start3A_318] : memref<5120xi32, #tpu.memory_space<vmem>> -> memref<512xi32, #tpu.memory_space<vmem>>
    %dma_start3A_320 = tpu.memref_slice %arg2[%add3A_317] : memref<1638400xi32, #tpu.memory_space<hbm>> -> memref<512xi32, #tpu.memory_space<hbm>>
    %dma_start3A_321 = arith.constant 1024 : i32
    %dma_start3A_322 = tpu.memref_slice %arg5[%dma_start3A_321] : memref<5120xi32, #tpu.memory_space<vmem>> -> memref<512xi32, #tpu.memory_space<vmem>>
    %dma_start3A_323 = tpu.memref_slice %arg2[%add3A_317] : memref<1638400xi32, #tpu.memory_space<hbm>> -> memref<512xi32, #tpu.memory_space<hbm>>
    tpu.enqueue_dma source(%dma_start3A_323 : memref<512xi32, #tpu.memory_space<hbm>>) target(%dma_start3A_322 : memref<512xi32, #tpu.memory_space<vmem>>) target_semaphore(%arg12 : memref<!tpu.dma_semaphore, #tpu.memory_space<semaphore_mem>>)
    %add3A_324 = arith.constant 376832 : i32
    %add3A_325 = arith.addi %add3A_324, %mul3A_2 : i32
    %dma_start3A_326 = arith.constant 1536 : i32
    %dma_start3A_327 = tpu.memref_slice %arg5[%dma_start3A_326] : memref<5120xi32, #tpu.memory_space<vmem>> -> memref<512xi32, #tpu.memory_space<vmem>>
    %dma_start3A_328 = tpu.memref_slice %arg2[%add3A_325] : memref<1638400xi32, #tpu.memory_space<hbm>> -> memref<512xi32, #tpu.memory_space<hbm>>
    %dma_start3A_329 = arith.constant 1536 : i32
    %dma_start3A_330 = tpu.memref_slice %arg5[%dma_start3A_329] : memref<5120xi32, #tpu.memory_space<vmem>> -> memref<512xi32, #tpu.memory_space<vmem>>
    %dma_start3A_331 = tpu.memref_slice %arg2[%add3A_325] : memref<1638400xi32, #tpu.memory_space<hbm>> -> memref<512xi32, #tpu.memory_space<hbm>>
    tpu.enqueue_dma source(%dma_start3A_331 : memref<512xi32, #tpu.memory_space<hbm>>) target(%dma_start3A_330 : memref<512xi32, #tpu.memory_space<vmem>>) target_semaphore(%arg12 : memref<!tpu.dma_semaphore, #tpu.memory_space<semaphore_mem>>)
    %add3A_332 = arith.constant 393216 : i32
    %add3A_333 = arith.addi %add3A_332, %mul3A_2 : i32
    %dma_start3A_334 = arith.constant 2048 : i32
    %dma_start3A_335 = tpu.memref_slice %arg5[%dma_start3A_334] : memref<5120xi32, #tpu.memory_space<vmem>> -> memref<512xi32, #tpu.memory_space<vmem>>
    %dma_start3A_336 = tpu.memref_slice %arg2[%add3A_333] : memref<1638400xi32, #tpu.memory_space<hbm>> -> memref<512xi32, #tpu.memory_space<hbm>>
    %dma_start3A_337 = arith.constant 2048 : i32
    %dma_start3A_338 = tpu.memref_slice %arg5[%dma_start3A_337] : memref<5120xi32, #tpu.memory_space<vmem>> -> memref<512xi32, #tpu.memory_space<vmem>>
    %dma_start3A_339 = tpu.memref_slice %arg2[%add3A_333] : memref<1638400xi32, #tpu.memory_space<hbm>> -> memref<512xi32, #tpu.memory_space<hbm>>
    tpu.enqueue_dma source(%dma_start3A_339 : memref<512xi32, #tpu.memory_space<hbm>>) target(%dma_start3A_338 : memref<512xi32, #tpu.memory_space<vmem>>) target_semaphore(%arg12 : memref<!tpu.dma_semaphore, #tpu.memory_space<semaphore_mem>>)
    %add3A_340 = arith.constant 409600 : i32
    %add3A_341 = arith.addi %add3A_340, %mul3A_2 : i32
    %dma_start3A_342 = arith.constant 2560 : i32
    %dma_start3A_343 = tpu.memref_slice %arg5[%dma_start3A_342] : memref<5120xi32, #tpu.memory_space<vmem>> -> memref<512xi32, #tpu.memory_space<vmem>>
    %dma_start3A_344 = tpu.memref_slice %arg2[%add3A_341] : memref<1638400xi32, #tpu.memory_space<hbm>> -> memref<512xi32, #tpu.memory_space<hbm>>
    %dma_start3A_345 = arith.constant 2560 : i32
    %dma_start3A_346 = tpu.memref_slice %arg5[%dma_start3A_345] : memref<5120xi32, #tpu.memory_space<vmem>> -> memref<512xi32, #tpu.memory_space<vmem>>
    %dma_start3A_347 = tpu.memref_slice %arg2[%add3A_341] : memref<1638400xi32, #tpu.memory_space<hbm>> -> memref<512xi32, #tpu.memory_space<hbm>>
    tpu.enqueue_dma source(%dma_start3A_347 : memref<512xi32, #tpu.memory_space<hbm>>) target(%dma_start3A_346 : memref<512xi32, #tpu.memory_space<vmem>>) target_semaphore(%arg12 : memref<!tpu.dma_semaphore, #tpu.memory_space<semaphore_mem>>)
    %add3A_348 = arith.constant 425984 : i32
    %add3A_349 = arith.addi %add3A_348, %mul3A_2 : i32
    %dma_start3A_350 = arith.constant 3072 : i32
    %dma_start3A_351 = tpu.memref_slice %arg5[%dma_start3A_350] : memref<5120xi32, #tpu.memory_space<vmem>> -> memref<512xi32, #tpu.memory_space<vmem>>
    %dma_start3A_352 = tpu.memref_slice %arg2[%add3A_349] : memref<1638400xi32, #tpu.memory_space<hbm>> -> memref<512xi32, #tpu.memory_space<hbm>>
    %dma_start3A_353 = arith.constant 3072 : i32
    %dma_start3A_354 = tpu.memref_slice %arg5[%dma_start3A_353] : memref<5120xi32, #tpu.memory_space<vmem>> -> memref<512xi32, #tpu.memory_space<vmem>>
    %dma_start3A_355 = tpu.memref_slice %arg2[%add3A_349] : memref<1638400xi32, #tpu.memory_space<hbm>> -> memref<512xi32, #tpu.memory_space<hbm>>
    tpu.enqueue_dma source(%dma_start3A_355 : memref<512xi32, #tpu.memory_space<hbm>>) target(%dma_start3A_354 : memref<512xi32, #tpu.memory_space<vmem>>) target_semaphore(%arg12 : memref<!tpu.dma_semaphore, #tpu.memory_space<semaphore_mem>>)
    %add3A_356 = arith.constant 442368 : i32
    %add3A_357 = arith.addi %add3A_356, %mul3A_2 : i32
    %dma_start3A_358 = arith.constant 3584 : i32
    %dma_start3A_359 = tpu.memref_slice %arg5[%dma_start3A_358] : memref<5120xi32, #tpu.memory_space<vmem>> -> memref<512xi32, #tpu.memory_space<vmem>>
    %dma_start3A_360 = tpu.memref_slice %arg2[%add3A_357] : memref<1638400xi32, #tpu.memory_space<hbm>> -> memref<512xi32, #tpu.memory_space<hbm>>
    %dma_start3A_361 = arith.constant 3584 : i32
    %dma_start3A_362 = tpu.memref_slice %arg5[%dma_start3A_361] : memref<5120xi32, #tpu.memory_space<vmem>> -> memref<512xi32, #tpu.memory_space<vmem>>
    %dma_start3A_363 = tpu.memref_slice %arg2[%add3A_357] : memref<1638400xi32, #tpu.memory_space<hbm>> -> memref<512xi32, #tpu.memory_space<hbm>>
    tpu.enqueue_dma source(%dma_start3A_363 : memref<512xi32, #tpu.memory_space<hbm>>) target(%dma_start3A_362 : memref<512xi32, #tpu.memory_space<vmem>>) target_semaphore(%arg12 : memref<!tpu.dma_semaphore, #tpu.memory_space<semaphore_mem>>)
    %add3A_364 = arith.constant 458752 : i32
    %add3A_365 = arith.addi %add3A_364, %mul3A_2 : i32
    %dma_start3A_366 = arith.constant 4096 : i32
    %dma_start3A_367 = tpu.memref_slice %arg5[%dma_start3A_366] : memref<5120xi32, #tpu.memory_space<vmem>> -> memref<512xi32, #tpu.memory_space<vmem>>
    %dma_start3A_368 = tpu.memref_slice %arg2[%add3A_365] : memref<1638400xi32, #tpu.memory_space<hbm>> -> memref<512xi32, #tpu.memory_space<hbm>>
    %dma_start3A_369 = arith.constant 4096 : i32
    %dma_start3A_370 = tpu.memref_slice %arg5[%dma_start3A_369] : memref<5120xi32, #tpu.memory_space<vmem>> -> memref<512xi32, #tpu.memory_space<vmem>>
    %dma_start3A_371 = tpu.memref_slice %arg2[%add3A_365] : memref<1638400xi32, #tpu.memory_space<hbm>> -> memref<512xi32, #tpu.memory_space<hbm>>
    tpu.enqueue_dma source(%dma_start3A_371 : memref<512xi32, #tpu.memory_space<hbm>>) target(%dma_start3A_370 : memref<512xi32, #tpu.memory_space<vmem>>) target_semaphore(%arg12 : memref<!tpu.dma_semaphore, #tpu.memory_space<semaphore_mem>>)
    %add3A_372 = arith.constant 475136 : i32
    %add3A_373 = arith.addi %add3A_372, %mul3A_2 : i32
    %dma_start3A_374 = arith.constant 4608 : i32
    %dma_start3A_375 = tpu.memref_slice %arg5[%dma_start3A_374] : memref<5120xi32, #tpu.memory_space<vmem>> -> memref<512xi32, #tpu.memory_space<vmem>>
    %dma_start3A_376 = tpu.memref_slice %arg2[%add3A_373] : memref<1638400xi32, #tpu.memory_space<hbm>> -> memref<512xi32, #tpu.memory_space<hbm>>
    %dma_start3A_377 = arith.constant 4608 : i32
    %dma_start3A_378 = tpu.memref_slice %arg5[%dma_start3A_377] : memref<5120xi32, #tpu.memory_space<vmem>> -> memref<512xi32, #tpu.memory_space<vmem>>
    %dma_start3A_379 = tpu.memref_slice %arg2[%add3A_373] : memref<1638400xi32, #tpu.memory_space<hbm>> -> memref<512xi32, #tpu.memory_space<hbm>>
    tpu.enqueue_dma source(%dma_start3A_379 : memref<512xi32, #tpu.memory_space<hbm>>) target(%dma_start3A_378 : memref<512xi32, #tpu.memory_space<vmem>>) target_semaphore(%arg12 : memref<!tpu.dma_semaphore, #tpu.memory_space<semaphore_mem>>)
    %scan3A = arith.constant 0 : i32
    %scan3A_380 = arith.constant 0 : i32
    %scan3A_381 = arith.constant 32 : i32
    %scan3A_382 = arith.addi %scan3A_380, %scan3A_381 : i32
    %scan3A_383 = arith.constant 1 : i32
    %scan3A_384 = scf.for %scan3A_1523 = %scan3A_380 to %scan3A_382 step %scan3A_383 iter_args(%scan3A_1524 = %scan3A) -> (i32)  : i32 {
      %mul3A_1525 = arith.constant 16 : i32
      %mul3A_1526 = arith.muli %scan3A_1523, %mul3A_1525 : i32
      %multiple_of3A = tpu.assume_multiple %mul3A_1526, 16 : i32
      %get3A = arith.index_cast %multiple_of3A : i32 to index
      %get3A_1527 = tpu.vector_load %arg7[%get3A] {strides = array<i32>} : memref<5120xf32, #tpu.memory_space<vmem>>, vector<16xf32>,
      %get3A_1528 = vector.shape_cast %get3A_1527 : vector<16xf32> to vector<16xf32>
      %add3A_1529 = arith.constant 512 : i32
      %add3A_1530 = arith.addi %add3A_1529, %multiple_of3A : i32
      %get3A_1531 = arith.index_cast %add3A_1530 : i32 to index
      %get3A_1532 = tpu.vector_load %arg7[%get3A_1531] {strides = array<i32>} : memref<5120xf32, #tpu.memory_space<vmem>>, vector<16xf32>,
      %get3A_1533 = vector.shape_cast %get3A_1532 : vector<16xf32> to vector<16xf32>
      %add3A_1534 = arith.addf %get3A_1528, %get3A_1533 : vector<16xf32>
      %add3A_1535 = arith.constant 1024 : i32
      %add3A_1536 = arith.addi %add3A_1535, %multiple_of3A : i32
      %get3A_1537 = arith.index_cast %add3A_1536 : i32 to index
      %get3A_1538 = tpu.vector_load %arg7[%get3A_1537] {strides = array<i32>} : memref<5120xf32, #tpu.memory_space<vmem>>, vector<16xf32>,
      %get3A_1539 = vector.shape_cast %get3A_1538 : vector<16xf32> to vector<16xf32>
      %add3A_1540 = arith.addf %add3A_1534, %get3A_1539 : vector<16xf32>
      %add3A_1541 = arith.constant 1536 : i32
      %add3A_1542 = arith.addi %add3A_1541, %multiple_of3A : i32
      %get3A_1543 = arith.index_cast %add3A_1542 : i32 to index
      %get3A_1544 = tpu.vector_load %arg7[%get3A_1543] {strides = array<i32>} : memref<5120xf32, #tpu.memory_space<vmem>>, vector<16xf32>,
      %get3A_1545 = vector.shape_cast %get3A_1544 : vector<16xf32> to vector<16xf32>
      %add3A_1546 = arith.addf %add3A_1540, %get3A_1545 : vector<16xf32>
      %add3A_1547 = arith.constant 2048 : i32
      %add3A_1548 = arith.addi %add3A_1547, %multiple_of3A : i32
      %get3A_1549 = arith.index_cast %add3A_1548 : i32 to index
      %get3A_1550 = tpu.vector_load %arg7[%get3A_1549] {strides = array<i32>} : memref<5120xf32, #tpu.memory_space<vmem>>, vector<16xf32>,
      %get3A_1551 = vector.shape_cast %get3A_1550 : vector<16xf32> to vector<16xf32>
      %add3A_1552 = arith.addf %add3A_1546, %get3A_1551 : vector<16xf32>
      %add3A_1553 = arith.constant 2560 : i32
      %add3A_1554 = arith.addi %add3A_1553, %multiple_of3A : i32
      %get3A_1555 = arith.index_cast %add3A_1554 : i32 to index
      %get3A_1556 = tpu.vector_load %arg7[%get3A_1555] {strides = array<i32>} : memref<5120xf32, #tpu.memory_space<vmem>>, vector<16xf32>,
      %get3A_1557 = vector.shape_cast %get3A_1556 : vector<16xf32> to vector<16xf32>
      %add3A_1558 = arith.addf %add3A_1552, %get3A_1557 : vector<16xf32>
      %add3A_1559 = arith.constant 3072 : i32
      %add3A_1560 = arith.addi %add3A_1559, %multiple_of3A : i32
      %get3A_1561 = arith.index_cast %add3A_1560 : i32 to index
      %get3A_1562 = tpu.vector_load %arg7[%get3A_1561] {strides = array<i32>} : memref<5120xf32, #tpu.memory_space<vmem>>, vector<16xf32>,
      %get3A_1563 = vector.shape_cast %get3A_1562 : vector<16xf32> to vector<16xf32>
      %add3A_1564 = arith.addf %add3A_1558, %get3A_1563 : vector<16xf32>
      %add3A_1565 = arith.constant 3584 : i32
      %add3A_1566 = arith.addi %add3A_1565, %multiple_of3A : i32
      %get3A_1567 = arith.index_cast %add3A_1566 : i32 to index
      %get3A_1568 = tpu.vector_load %arg7[%get3A_1567] {strides = array<i32>} : memref<5120xf32, #tpu.memory_space<vmem>>, vector<16xf32>,
      %get3A_1569 = vector.shape_cast %get3A_1568 : vector<16xf32> to vector<16xf32>
      %add3A_1570 = arith.addf %add3A_1564, %get3A_1569 : vector<16xf32>
      %add3A_1571 = arith.constant 4096 : i32
      %add3A_1572 = arith.addi %add3A_1571, %multiple_of3A : i32
      %get3A_1573 = arith.index_cast %add3A_1572 : i32 to index
      %get3A_1574 = tpu.vector_load %arg7[%get3A_1573] {strides = array<i32>} : memref<5120xf32, #tpu.memory_space<vmem>>, vector<16xf32>,
      %get3A_1575 = vector.shape_cast %get3A_1574 : vector<16xf32> to vector<16xf32>
      %add3A_1576 = arith.addf %add3A_1570, %get3A_1575 : vector<16xf32>
      %add3A_1577 = arith.constant 4608 : i32
      %add3A_1578 = arith.addi %add3A_1577, %multiple_of3A : i32
      %get3A_1579 = arith.index_cast %add3A_1578 : i32 to index
      %get3A_1580 = tpu.vector_load %arg7[%get3A_1579] {strides = array<i32>} : memref<5120xf32, #tpu.memory_space<vmem>>, vector<16xf32>,
      %get3A_1581 = vector.shape_cast %get3A_1580 : vector<16xf32> to vector<16xf32>
      %add3A_1582 = arith.addf %add3A_1576, %get3A_1581 : vector<16xf32>
      %swap3A = arith.index_cast %multiple_of3A : i32 to index
      %swap3A_1583 = tpu.vector_load %arg9[%swap3A] {strides = array<i32>} : memref<512xf32, #tpu.memory_space<vmem>>, vector<16xf32>,
      %swap3A_1584 = vector.shape_cast %swap3A_1583 : vector<16xf32> to vector<16xf32>
      %swap3A_1585 = vector.shape_cast %add3A_1582 : vector<16xf32> to vector<16xf32>
      tpu.vector_store %arg9[%swap3A], %swap3A_1585 {strides = array<i32>} : memref<512xf32, #tpu.memory_space<vmem>>, vector<16xf32>,
      %scan3A_1586 = arith.constant 0 : i32
      scf.yield %scan3A_1586 : i32
    }
    %scan3A_385 = arith.constant 32 : i32
    %dma_wait3A_386 = arith.constant 0 : i32
    %dma_wait3A_387 = tpu.memref_slice %arg11[%dma_wait3A_386] : memref<1000016xf32, #tpu.memory_space<vmem_shared>> -> memref<1000016xf32, #tpu.memory_space<vmem_shared>>
    tpu.wait_indirect_dma semaphore(%arg13 : memref<!tpu.dma_semaphore, #tpu.memory_space<semaphore_mem>>) src(%dma_wait3A_387 : memref<1000016xf32, #tpu.memory_space<vmem_shared>>) dst(%arg8 : memref<5120xf32, #tpu.memory_space<vmem>>)
    %dma_wait3A_388 = arith.constant 0 : i32
    %dma_wait3A_389 = tpu.memref_slice %arg5[%dma_wait3A_388] : memref<5120xi32, #tpu.memory_space<vmem>> -> memref<512xi32, #tpu.memory_space<vmem>>
    %dma_wait3A_390 = tpu.memref_slice %arg2[%add3A_301] : memref<1638400xi32, #tpu.memory_space<hbm>> -> memref<512xi32, #tpu.memory_space<hbm>>
    %dma_wait3A_391 = arith.constant 0 : i32
    %dma_wait3A_392 = tpu.memref_slice %arg5[%dma_wait3A_391] : memref<5120xi32, #tpu.memory_space<vmem>> -> memref<512xi32, #tpu.memory_space<vmem>>
    %dma_wait3A_393 = tpu.memref_slice %arg2[%add3A_301] : memref<1638400xi32, #tpu.memory_space<hbm>> -> memref<512xi32, #tpu.memory_space<hbm>>
    tpu.wait_dma2 semaphore(%arg12 : memref<!tpu.dma_semaphore, #tpu.memory_space<semaphore_mem>>) src(%dma_wait3A_393 : memref<512xi32, #tpu.memory_space<hbm>>) dst(%dma_wait3A_392 : memref<512xi32, #tpu.memory_space<vmem>>)
    %dma_wait3A_394 = arith.constant 512 : i32
    %dma_wait3A_395 = tpu.memref_slice %arg5[%dma_wait3A_394] : memref<5120xi32, #tpu.memory_space<vmem>> -> memref<512xi32, #tpu.memory_space<vmem>>
    %dma_wait3A_396 = tpu.memref_slice %arg2[%add3A_309] : memref<1638400xi32, #tpu.memory_space<hbm>> -> memref<512xi32, #tpu.memory_space<hbm>>
    %dma_wait3A_397 = arith.constant 512 : i32
    %dma_wait3A_398 = tpu.memref_slice %arg5[%dma_wait3A_397] : memref<5120xi32, #tpu.memory_space<vmem>> -> memref<512xi32, #tpu.memory_space<vmem>>
    %dma_wait3A_399 = tpu.memref_slice %arg2[%add3A_309] : memref<1638400xi32, #tpu.memory_space<hbm>> -> memref<512xi32, #tpu.memory_space<hbm>>
    tpu.wait_dma2 semaphore(%arg12 : memref<!tpu.dma_semaphore, #tpu.memory_space<semaphore_mem>>) src(%dma_wait3A_399 : memref<512xi32, #tpu.memory_space<hbm>>) dst(%dma_wait3A_398 : memref<512xi32, #tpu.memory_space<vmem>>)
    %dma_wait3A_400 = arith.constant 1024 : i32
    %dma_wait3A_401 = tpu.memref_slice %arg5[%dma_wait3A_400] : memref<5120xi32, #tpu.memory_space<vmem>> -> memref<512xi32, #tpu.memory_space<vmem>>
    %dma_wait3A_402 = tpu.memref_slice %arg2[%add3A_317] : memref<1638400xi32, #tpu.memory_space<hbm>> -> memref<512xi32, #tpu.memory_space<hbm>>
    %dma_wait3A_403 = arith.constant 1024 : i32
    %dma_wait3A_404 = tpu.memref_slice %arg5[%dma_wait3A_403] : memref<5120xi32, #tpu.memory_space<vmem>> -> memref<512xi32, #tpu.memory_space<vmem>>
    %dma_wait3A_405 = tpu.memref_slice %arg2[%add3A_317] : memref<1638400xi32, #tpu.memory_space<hbm>> -> memref<512xi32, #tpu.memory_space<hbm>>
    tpu.wait_dma2 semaphore(%arg12 : memref<!tpu.dma_semaphore, #tpu.memory_space<semaphore_mem>>) src(%dma_wait3A_405 : memref<512xi32, #tpu.memory_space<hbm>>) dst(%dma_wait3A_404 : memref<512xi32, #tpu.memory_space<vmem>>)
    %dma_wait3A_406 = arith.constant 1536 : i32
    %dma_wait3A_407 = tpu.memref_slice %arg5[%dma_wait3A_406] : memref<5120xi32, #tpu.memory_space<vmem>> -> memref<512xi32, #tpu.memory_space<vmem>>
    %dma_wait3A_408 = tpu.memref_slice %arg2[%add3A_325] : memref<1638400xi32, #tpu.memory_space<hbm>> -> memref<512xi32, #tpu.memory_space<hbm>>
    %dma_wait3A_409 = arith.constant 1536 : i32
    %dma_wait3A_410 = tpu.memref_slice %arg5[%dma_wait3A_409] : memref<5120xi32, #tpu.memory_space<vmem>> -> memref<512xi32, #tpu.memory_space<vmem>>
    %dma_wait3A_411 = tpu.memref_slice %arg2[%add3A_325] : memref<1638400xi32, #tpu.memory_space<hbm>> -> memref<512xi32, #tpu.memory_space<hbm>>
    tpu.wait_dma2 semaphore(%arg12 : memref<!tpu.dma_semaphore, #tpu.memory_space<semaphore_mem>>) src(%dma_wait3A_411 : memref<512xi32, #tpu.memory_space<hbm>>) dst(%dma_wait3A_410 : memref<512xi32, #tpu.memory_space<vmem>>)
    %dma_wait3A_412 = arith.constant 2048 : i32
    %dma_wait3A_413 = tpu.memref_slice %arg5[%dma_wait3A_412] : memref<5120xi32, #tpu.memory_space<vmem>> -> memref<512xi32, #tpu.memory_space<vmem>>
    %dma_wait3A_414 = tpu.memref_slice %arg2[%add3A_333] : memref<1638400xi32, #tpu.memory_space<hbm>> -> memref<512xi32, #tpu.memory_space<hbm>>
    %dma_wait3A_415 = arith.constant 2048 : i32
    %dma_wait3A_416 = tpu.memref_slice %arg5[%dma_wait3A_415] : memref<5120xi32, #tpu.memory_space<vmem>> -> memref<512xi32, #tpu.memory_space<vmem>>
    %dma_wait3A_417 = tpu.memref_slice %arg2[%add3A_333] : memref<1638400xi32, #tpu.memory_space<hbm>> -> memref<512xi32, #tpu.memory_space<hbm>>
    tpu.wait_dma2 semaphore(%arg12 : memref<!tpu.dma_semaphore, #tpu.memory_space<semaphore_mem>>) src(%dma_wait3A_417 : memref<512xi32, #tpu.memory_space<hbm>>) dst(%dma_wait3A_416 : memref<512xi32, #tpu.memory_space<vmem>>)
    %dma_wait3A_418 = arith.constant 2560 : i32
    %dma_wait3A_419 = tpu.memref_slice %arg5[%dma_wait3A_418] : memref<5120xi32, #tpu.memory_space<vmem>> -> memref<512xi32, #tpu.memory_space<vmem>>
    %dma_wait3A_420 = tpu.memref_slice %arg2[%add3A_341] : memref<1638400xi32, #tpu.memory_space<hbm>> -> memref<512xi32, #tpu.memory_space<hbm>>
    %dma_wait3A_421 = arith.constant 2560 : i32
    %dma_wait3A_422 = tpu.memref_slice %arg5[%dma_wait3A_421] : memref<5120xi32, #tpu.memory_space<vmem>> -> memref<512xi32, #tpu.memory_space<vmem>>
    %dma_wait3A_423 = tpu.memref_slice %arg2[%add3A_341] : memref<1638400xi32, #tpu.memory_space<hbm>> -> memref<512xi32, #tpu.memory_space<hbm>>
    tpu.wait_dma2 semaphore(%arg12 : memref<!tpu.dma_semaphore, #tpu.memory_space<semaphore_mem>>) src(%dma_wait3A_423 : memref<512xi32, #tpu.memory_space<hbm>>) dst(%dma_wait3A_422 : memref<512xi32, #tpu.memory_space<vmem>>)
    %dma_wait3A_424 = arith.constant 3072 : i32
    %dma_wait3A_425 = tpu.memref_slice %arg5[%dma_wait3A_424] : memref<5120xi32, #tpu.memory_space<vmem>> -> memref<512xi32, #tpu.memory_space<vmem>>
    %dma_wait3A_426 = tpu.memref_slice %arg2[%add3A_349] : memref<1638400xi32, #tpu.memory_space<hbm>> -> memref<512xi32, #tpu.memory_space<hbm>>
    %dma_wait3A_427 = arith.constant 3072 : i32
    %dma_wait3A_428 = tpu.memref_slice %arg5[%dma_wait3A_427] : memref<5120xi32, #tpu.memory_space<vmem>> -> memref<512xi32, #tpu.memory_space<vmem>>
    %dma_wait3A_429 = tpu.memref_slice %arg2[%add3A_349] : memref<1638400xi32, #tpu.memory_space<hbm>> -> memref<512xi32, #tpu.memory_space<hbm>>
    tpu.wait_dma2 semaphore(%arg12 : memref<!tpu.dma_semaphore, #tpu.memory_space<semaphore_mem>>) src(%dma_wait3A_429 : memref<512xi32, #tpu.memory_space<hbm>>) dst(%dma_wait3A_428 : memref<512xi32, #tpu.memory_space<vmem>>)
    %dma_wait3A_430 = arith.constant 3584 : i32
    %dma_wait3A_431 = tpu.memref_slice %arg5[%dma_wait3A_430] : memref<5120xi32, #tpu.memory_space<vmem>> -> memref<512xi32, #tpu.memory_space<vmem>>
    %dma_wait3A_432 = tpu.memref_slice %arg2[%add3A_357] : memref<1638400xi32, #tpu.memory_space<hbm>> -> memref<512xi32, #tpu.memory_space<hbm>>
    %dma_wait3A_433 = arith.constant 3584 : i32
    %dma_wait3A_434 = tpu.memref_slice %arg5[%dma_wait3A_433] : memref<5120xi32, #tpu.memory_space<vmem>> -> memref<512xi32, #tpu.memory_space<vmem>>
    %dma_wait3A_435 = tpu.memref_slice %arg2[%add3A_357] : memref<1638400xi32, #tpu.memory_space<hbm>> -> memref<512xi32, #tpu.memory_space<hbm>>
    tpu.wait_dma2 semaphore(%arg12 : memref<!tpu.dma_semaphore, #tpu.memory_space<semaphore_mem>>) src(%dma_wait3A_435 : memref<512xi32, #tpu.memory_space<hbm>>) dst(%dma_wait3A_434 : memref<512xi32, #tpu.memory_space<vmem>>)
    %dma_wait3A_436 = arith.constant 4096 : i32
    %dma_wait3A_437 = tpu.memref_slice %arg5[%dma_wait3A_436] : memref<5120xi32, #tpu.memory_space<vmem>> -> memref<512xi32, #tpu.memory_space<vmem>>
    %dma_wait3A_438 = tpu.memref_slice %arg2[%add3A_365] : memref<1638400xi32, #tpu.memory_space<hbm>> -> memref<512xi32, #tpu.memory_space<hbm>>
    %dma_wait3A_439 = arith.constant 4096 : i32
    %dma_wait3A_440 = tpu.memref_slice %arg5[%dma_wait3A_439] : memref<5120xi32, #tpu.memory_space<vmem>> -> memref<512xi32, #tpu.memory_space<vmem>>
    %dma_wait3A_441 = tpu.memref_slice %arg2[%add3A_365] : memref<1638400xi32, #tpu.memory_space<hbm>> -> memref<512xi32, #tpu.memory_space<hbm>>
    tpu.wait_dma2 semaphore(%arg12 : memref<!tpu.dma_semaphore, #tpu.memory_space<semaphore_mem>>) src(%dma_wait3A_441 : memref<512xi32, #tpu.memory_space<hbm>>) dst(%dma_wait3A_440 : memref<512xi32, #tpu.memory_space<vmem>>)
    %dma_wait3A_442 = arith.constant 4608 : i32
    %dma_wait3A_443 = tpu.memref_slice %arg5[%dma_wait3A_442] : memref<5120xi32, #tpu.memory_space<vmem>> -> memref<512xi32, #tpu.memory_space<vmem>>
    %dma_wait3A_444 = tpu.memref_slice %arg2[%add3A_373] : memref<1638400xi32, #tpu.memory_space<hbm>> -> memref<512xi32, #tpu.memory_space<hbm>>
    %dma_wait3A_445 = arith.constant 4608 : i32
    %dma_wait3A_446 = tpu.memref_slice %arg5[%dma_wait3A_445] : memref<5120xi32, #tpu.memory_space<vmem>> -> memref<512xi32, #tpu.memory_space<vmem>>
    %dma_wait3A_447 = tpu.memref_slice %arg2[%add3A_373] : memref<1638400xi32, #tpu.memory_space<hbm>> -> memref<512xi32, #tpu.memory_space<hbm>>
    tpu.wait_dma2 semaphore(%arg12 : memref<!tpu.dma_semaphore, #tpu.memory_space<semaphore_mem>>) src(%dma_wait3A_447 : memref<512xi32, #tpu.memory_space<hbm>>) dst(%dma_wait3A_446 : memref<512xi32, #tpu.memory_space<vmem>>)
    %dma_start3A_448 = arith.constant 0 : i32
    %dma_start3A_449 = tpu.memref_slice %arg11[%dma_start3A_448] : memref<1000016xf32, #tpu.memory_space<vmem_shared>> -> memref<1000016xf32, #tpu.memory_space<vmem_shared>>
    tpu.enqueue_indirect_dma source(%dma_start3A_449 : memref<1000016xf32, #tpu.memory_space<vmem_shared>>) target(%arg7 : memref<5120xf32, #tpu.memory_space<vmem>>) offsets(%arg5 : memref<5120xi32, #tpu.memory_space<vmem>>) semaphore(%arg13 : memref<!tpu.dma_semaphore, #tpu.memory_space<semaphore_mem>>)
    %add3A_450 = arith.constant 491520 : i32
    %add3A_451 = arith.addi %add3A_450, %mul3A_2 : i32
    %dma_start3A_452 = arith.constant 0 : i32
    %dma_start3A_453 = tpu.memref_slice %arg6[%dma_start3A_452] : memref<5120xi32, #tpu.memory_space<vmem>> -> memref<512xi32, #tpu.memory_space<vmem>>
    %dma_start3A_454 = tpu.memref_slice %arg2[%add3A_451] : memref<1638400xi32, #tpu.memory_space<hbm>> -> memref<512xi32, #tpu.memory_space<hbm>>
    %dma_start3A_455 = arith.constant 0 : i32
    %dma_start3A_456 = tpu.memref_slice %arg6[%dma_start3A_455] : memref<5120xi32, #tpu.memory_space<vmem>> -> memref<512xi32, #tpu.memory_space<vmem>>
    %dma_start3A_457 = tpu.memref_slice %arg2[%add3A_451] : memref<1638400xi32, #tpu.memory_space<hbm>> -> memref<512xi32, #tpu.memory_space<hbm>>
    tpu.enqueue_dma source(%dma_start3A_457 : memref<512xi32, #tpu.memory_space<hbm>>) target(%dma_start3A_456 : memref<512xi32, #tpu.memory_space<vmem>>) target_semaphore(%arg12 : memref<!tpu.dma_semaphore, #tpu.memory_space<semaphore_mem>>)
    %add3A_458 = arith.constant 507904 : i32
    %add3A_459 = arith.addi %add3A_458, %mul3A_2 : i32
    %dma_start3A_460 = arith.constant 512 : i32
    %dma_start3A_461 = tpu.memref_slice %arg6[%dma_start3A_460] : memref<5120xi32, #tpu.memory_space<vmem>> -> memref<512xi32, #tpu.memory_space<vmem>>
    %dma_start3A_462 = tpu.memref_slice %arg2[%add3A_459] : memref<1638400xi32, #tpu.memory_space<hbm>> -> memref<512xi32, #tpu.memory_space<hbm>>
    %dma_start3A_463 = arith.constant 512 : i32
    %dma_start3A_464 = tpu.memref_slice %arg6[%dma_start3A_463] : memref<5120xi32, #tpu.memory_space<vmem>> -> memref<512xi32, #tpu.memory_space<vmem>>
    %dma_start3A_465 = tpu.memref_slice %arg2[%add3A_459] : memref<1638400xi32, #tpu.memory_space<hbm>> -> memref<512xi32, #tpu.memory_space<hbm>>
    tpu.enqueue_dma source(%dma_start3A_465 : memref<512xi32, #tpu.memory_space<hbm>>) target(%dma_start3A_464 : memref<512xi32, #tpu.memory_space<vmem>>) target_semaphore(%arg12 : memref<!tpu.dma_semaphore, #tpu.memory_space<semaphore_mem>>)
    %add3A_466 = arith.constant 524288 : i32
    %add3A_467 = arith.addi %add3A_466, %mul3A_2 : i32
    %dma_start3A_468 = arith.constant 1024 : i32
    %dma_start3A_469 = tpu.memref_slice %arg6[%dma_start3A_468] : memref<5120xi32, #tpu.memory_space<vmem>> -> memref<512xi32, #tpu.memory_space<vmem>>
    %dma_start3A_470 = tpu.memref_slice %arg2[%add3A_467] : memref<1638400xi32, #tpu.memory_space<hbm>> -> memref<512xi32, #tpu.memory_space<hbm>>
    %dma_start3A_471 = arith.constant 1024 : i32
    %dma_start3A_472 = tpu.memref_slice %arg6[%dma_start3A_471] : memref<5120xi32, #tpu.memory_space<vmem>> -> memref<512xi32, #tpu.memory_space<vmem>>
    %dma_start3A_473 = tpu.memref_slice %arg2[%add3A_467] : memref<1638400xi32, #tpu.memory_space<hbm>> -> memref<512xi32, #tpu.memory_space<hbm>>
    tpu.enqueue_dma source(%dma_start3A_473 : memref<512xi32, #tpu.memory_space<hbm>>) target(%dma_start3A_472 : memref<512xi32, #tpu.memory_space<vmem>>) target_semaphore(%arg12 : memref<!tpu.dma_semaphore, #tpu.memory_space<semaphore_mem>>)
    %add3A_474 = arith.constant 540672 : i32
    %add3A_475 = arith.addi %add3A_474, %mul3A_2 : i32
    %dma_start3A_476 = arith.constant 1536 : i32
    %dma_start3A_477 = tpu.memref_slice %arg6[%dma_start3A_476] : memref<5120xi32, #tpu.memory_space<vmem>> -> memref<512xi32, #tpu.memory_space<vmem>>
    %dma_start3A_478 = tpu.memref_slice %arg2[%add3A_475] : memref<1638400xi32, #tpu.memory_space<hbm>> -> memref<512xi32, #tpu.memory_space<hbm>>
    %dma_start3A_479 = arith.constant 1536 : i32
    %dma_start3A_480 = tpu.memref_slice %arg6[%dma_start3A_479] : memref<5120xi32, #tpu.memory_space<vmem>> -> memref<512xi32, #tpu.memory_space<vmem>>
    %dma_start3A_481 = tpu.memref_slice %arg2[%add3A_475] : memref<1638400xi32, #tpu.memory_space<hbm>> -> memref<512xi32, #tpu.memory_space<hbm>>
    tpu.enqueue_dma source(%dma_start3A_481 : memref<512xi32, #tpu.memory_space<hbm>>) target(%dma_start3A_480 : memref<512xi32, #tpu.memory_space<vmem>>) target_semaphore(%arg12 : memref<!tpu.dma_semaphore, #tpu.memory_space<semaphore_mem>>)
    %add3A_482 = arith.constant 557056 : i32
    %add3A_483 = arith.addi %add3A_482, %mul3A_2 : i32
    %dma_start3A_484 = arith.constant 2048 : i32
    %dma_start3A_485 = tpu.memref_slice %arg6[%dma_start3A_484] : memref<5120xi32, #tpu.memory_space<vmem>> -> memref<512xi32, #tpu.memory_space<vmem>>
    %dma_start3A_486 = tpu.memref_slice %arg2[%add3A_483] : memref<1638400xi32, #tpu.memory_space<hbm>> -> memref<512xi32, #tpu.memory_space<hbm>>
    %dma_start3A_487 = arith.constant 2048 : i32
    %dma_start3A_488 = tpu.memref_slice %arg6[%dma_start3A_487] : memref<5120xi32, #tpu.memory_space<vmem>> -> memref<512xi32, #tpu.memory_space<vmem>>
    %dma_start3A_489 = tpu.memref_slice %arg2[%add3A_483] : memref<1638400xi32, #tpu.memory_space<hbm>> -> memref<512xi32, #tpu.memory_space<hbm>>
    tpu.enqueue_dma source(%dma_start3A_489 : memref<512xi32, #tpu.memory_space<hbm>>) target(%dma_start3A_488 : memref<512xi32, #tpu.memory_space<vmem>>) target_semaphore(%arg12 : memref<!tpu.dma_semaphore, #tpu.memory_space<semaphore_mem>>)
    %add3A_490 = arith.constant 573440 : i32
    %add3A_491 = arith.addi %add3A_490, %mul3A_2 : i32
    %dma_start3A_492 = arith.constant 2560 : i32
    %dma_start3A_493 = tpu.memref_slice %arg6[%dma_start3A_492] : memref<5120xi32, #tpu.memory_space<vmem>> -> memref<512xi32, #tpu.memory_space<vmem>>
    %dma_start3A_494 = tpu.memref_slice %arg2[%add3A_491] : memref<1638400xi32, #tpu.memory_space<hbm>> -> memref<512xi32, #tpu.memory_space<hbm>>
    %dma_start3A_495 = arith.constant 2560 : i32
    %dma_start3A_496 = tpu.memref_slice %arg6[%dma_start3A_495] : memref<5120xi32, #tpu.memory_space<vmem>> -> memref<512xi32, #tpu.memory_space<vmem>>
    %dma_start3A_497 = tpu.memref_slice %arg2[%add3A_491] : memref<1638400xi32, #tpu.memory_space<hbm>> -> memref<512xi32, #tpu.memory_space<hbm>>
    tpu.enqueue_dma source(%dma_start3A_497 : memref<512xi32, #tpu.memory_space<hbm>>) target(%dma_start3A_496 : memref<512xi32, #tpu.memory_space<vmem>>) target_semaphore(%arg12 : memref<!tpu.dma_semaphore, #tpu.memory_space<semaphore_mem>>)
    %add3A_498 = arith.constant 589824 : i32
    %add3A_499 = arith.addi %add3A_498, %mul3A_2 : i32
    %dma_start3A_500 = arith.constant 3072 : i32
    %dma_start3A_501 = tpu.memref_slice %arg6[%dma_start3A_500] : memref<5120xi32, #tpu.memory_space<vmem>> -> memref<512xi32, #tpu.memory_space<vmem>>
    %dma_start3A_502 = tpu.memref_slice %arg2[%add3A_499] : memref<1638400xi32, #tpu.memory_space<hbm>> -> memref<512xi32, #tpu.memory_space<hbm>>
    %dma_start3A_503 = arith.constant 3072 : i32
    %dma_start3A_504 = tpu.memref_slice %arg6[%dma_start3A_503] : memref<5120xi32, #tpu.memory_space<vmem>> -> memref<512xi32, #tpu.memory_space<vmem>>
    %dma_start3A_505 = tpu.memref_slice %arg2[%add3A_499] : memref<1638400xi32, #tpu.memory_space<hbm>> -> memref<512xi32, #tpu.memory_space<hbm>>
    tpu.enqueue_dma source(%dma_start3A_505 : memref<512xi32, #tpu.memory_space<hbm>>) target(%dma_start3A_504 : memref<512xi32, #tpu.memory_space<vmem>>) target_semaphore(%arg12 : memref<!tpu.dma_semaphore, #tpu.memory_space<semaphore_mem>>)
    %add3A_506 = arith.constant 606208 : i32
    %add3A_507 = arith.addi %add3A_506, %mul3A_2 : i32
    %dma_start3A_508 = arith.constant 3584 : i32
    %dma_start3A_509 = tpu.memref_slice %arg6[%dma_start3A_508] : memref<5120xi32, #tpu.memory_space<vmem>> -> memref<512xi32, #tpu.memory_space<vmem>>
    %dma_start3A_510 = tpu.memref_slice %arg2[%add3A_507] : memref<1638400xi32, #tpu.memory_space<hbm>> -> memref<512xi32, #tpu.memory_space<hbm>>
    %dma_start3A_511 = arith.constant 3584 : i32
    %dma_start3A_512 = tpu.memref_slice %arg6[%dma_start3A_511] : memref<5120xi32, #tpu.memory_space<vmem>> -> memref<512xi32, #tpu.memory_space<vmem>>
    %dma_start3A_513 = tpu.memref_slice %arg2[%add3A_507] : memref<1638400xi32, #tpu.memory_space<hbm>> -> memref<512xi32, #tpu.memory_space<hbm>>
    tpu.enqueue_dma source(%dma_start3A_513 : memref<512xi32, #tpu.memory_space<hbm>>) target(%dma_start3A_512 : memref<512xi32, #tpu.memory_space<vmem>>) target_semaphore(%arg12 : memref<!tpu.dma_semaphore, #tpu.memory_space<semaphore_mem>>)
    %add3A_514 = arith.constant 622592 : i32
    %add3A_515 = arith.addi %add3A_514, %mul3A_2 : i32
    %dma_start3A_516 = arith.constant 4096 : i32
    %dma_start3A_517 = tpu.memref_slice %arg6[%dma_start3A_516] : memref<5120xi32, #tpu.memory_space<vmem>> -> memref<512xi32, #tpu.memory_space<vmem>>
    %dma_start3A_518 = tpu.memref_slice %arg2[%add3A_515] : memref<1638400xi32, #tpu.memory_space<hbm>> -> memref<512xi32, #tpu.memory_space<hbm>>
    %dma_start3A_519 = arith.constant 4096 : i32
    %dma_start3A_520 = tpu.memref_slice %arg6[%dma_start3A_519] : memref<5120xi32, #tpu.memory_space<vmem>> -> memref<512xi32, #tpu.memory_space<vmem>>
    %dma_start3A_521 = tpu.memref_slice %arg2[%add3A_515] : memref<1638400xi32, #tpu.memory_space<hbm>> -> memref<512xi32, #tpu.memory_space<hbm>>
    tpu.enqueue_dma source(%dma_start3A_521 : memref<512xi32, #tpu.memory_space<hbm>>) target(%dma_start3A_520 : memref<512xi32, #tpu.memory_space<vmem>>) target_semaphore(%arg12 : memref<!tpu.dma_semaphore, #tpu.memory_space<semaphore_mem>>)
    %add3A_522 = arith.constant 638976 : i32
    %add3A_523 = arith.addi %add3A_522, %mul3A_2 : i32
    %dma_start3A_524 = arith.constant 4608 : i32
    %dma_start3A_525 = tpu.memref_slice %arg6[%dma_start3A_524] : memref<5120xi32, #tpu.memory_space<vmem>> -> memref<512xi32, #tpu.memory_space<vmem>>
    %dma_start3A_526 = tpu.memref_slice %arg2[%add3A_523] : memref<1638400xi32, #tpu.memory_space<hbm>> -> memref<512xi32, #tpu.memory_space<hbm>>
    %dma_start3A_527 = arith.constant 4608 : i32
    %dma_start3A_528 = tpu.memref_slice %arg6[%dma_start3A_527] : memref<5120xi32, #tpu.memory_space<vmem>> -> memref<512xi32, #tpu.memory_space<vmem>>
    %dma_start3A_529 = tpu.memref_slice %arg2[%add3A_523] : memref<1638400xi32, #tpu.memory_space<hbm>> -> memref<512xi32, #tpu.memory_space<hbm>>
    tpu.enqueue_dma source(%dma_start3A_529 : memref<512xi32, #tpu.memory_space<hbm>>) target(%dma_start3A_528 : memref<512xi32, #tpu.memory_space<vmem>>) target_semaphore(%arg12 : memref<!tpu.dma_semaphore, #tpu.memory_space<semaphore_mem>>)
    %scan3A_530 = arith.constant 0 : i32
    %scan3A_531 = arith.constant 0 : i32
    %scan3A_532 = arith.constant 32 : i32
    %scan3A_533 = arith.addi %scan3A_531, %scan3A_532 : i32
    %scan3A_534 = arith.constant 1 : i32
    %scan3A_535 = scf.for %scan3A_1523 = %scan3A_531 to %scan3A_533 step %scan3A_534 iter_args(%scan3A_1524 = %scan3A_530) -> (i32)  : i32 {
      %mul3A_1525 = arith.constant 16 : i32
      %mul3A_1526 = arith.muli %scan3A_1523, %mul3A_1525 : i32
      %multiple_of3A = tpu.assume_multiple %mul3A_1526, 16 : i32
      %get3A = arith.index_cast %multiple_of3A : i32 to index
      %get3A_1527 = tpu.vector_load %arg8[%get3A] {strides = array<i32>} : memref<5120xf32, #tpu.memory_space<vmem>>, vector<16xf32>,
      %get3A_1528 = vector.shape_cast %get3A_1527 : vector<16xf32> to vector<16xf32>
      %add3A_1529 = arith.constant 512 : i32
      %add3A_1530 = arith.addi %add3A_1529, %multiple_of3A : i32
      %get3A_1531 = arith.index_cast %add3A_1530 : i32 to index
      %get3A_1532 = tpu.vector_load %arg8[%get3A_1531] {strides = array<i32>} : memref<5120xf32, #tpu.memory_space<vmem>>, vector<16xf32>,
      %get3A_1533 = vector.shape_cast %get3A_1532 : vector<16xf32> to vector<16xf32>
      %add3A_1534 = arith.addf %get3A_1528, %get3A_1533 : vector<16xf32>
      %add3A_1535 = arith.constant 1024 : i32
      %add3A_1536 = arith.addi %add3A_1535, %multiple_of3A : i32
      %get3A_1537 = arith.index_cast %add3A_1536 : i32 to index
      %get3A_1538 = tpu.vector_load %arg8[%get3A_1537] {strides = array<i32>} : memref<5120xf32, #tpu.memory_space<vmem>>, vector<16xf32>,
      %get3A_1539 = vector.shape_cast %get3A_1538 : vector<16xf32> to vector<16xf32>
      %add3A_1540 = arith.addf %add3A_1534, %get3A_1539 : vector<16xf32>
      %add3A_1541 = arith.constant 1536 : i32
      %add3A_1542 = arith.addi %add3A_1541, %multiple_of3A : i32
      %get3A_1543 = arith.index_cast %add3A_1542 : i32 to index
      %get3A_1544 = tpu.vector_load %arg8[%get3A_1543] {strides = array<i32>} : memref<5120xf32, #tpu.memory_space<vmem>>, vector<16xf32>,
      %get3A_1545 = vector.shape_cast %get3A_1544 : vector<16xf32> to vector<16xf32>
      %add3A_1546 = arith.addf %add3A_1540, %get3A_1545 : vector<16xf32>
      %add3A_1547 = arith.constant 2048 : i32
      %add3A_1548 = arith.addi %add3A_1547, %multiple_of3A : i32
      %get3A_1549 = arith.index_cast %add3A_1548 : i32 to index
      %get3A_1550 = tpu.vector_load %arg8[%get3A_1549] {strides = array<i32>} : memref<5120xf32, #tpu.memory_space<vmem>>, vector<16xf32>,
      %get3A_1551 = vector.shape_cast %get3A_1550 : vector<16xf32> to vector<16xf32>
      %add3A_1552 = arith.addf %add3A_1546, %get3A_1551 : vector<16xf32>
      %add3A_1553 = arith.constant 2560 : i32
      %add3A_1554 = arith.addi %add3A_1553, %multiple_of3A : i32
      %get3A_1555 = arith.index_cast %add3A_1554 : i32 to index
      %get3A_1556 = tpu.vector_load %arg8[%get3A_1555] {strides = array<i32>} : memref<5120xf32, #tpu.memory_space<vmem>>, vector<16xf32>,
      %get3A_1557 = vector.shape_cast %get3A_1556 : vector<16xf32> to vector<16xf32>
      %add3A_1558 = arith.addf %add3A_1552, %get3A_1557 : vector<16xf32>
      %add3A_1559 = arith.constant 3072 : i32
      %add3A_1560 = arith.addi %add3A_1559, %multiple_of3A : i32
      %get3A_1561 = arith.index_cast %add3A_1560 : i32 to index
      %get3A_1562 = tpu.vector_load %arg8[%get3A_1561] {strides = array<i32>} : memref<5120xf32, #tpu.memory_space<vmem>>, vector<16xf32>,
      %get3A_1563 = vector.shape_cast %get3A_1562 : vector<16xf32> to vector<16xf32>
      %add3A_1564 = arith.addf %add3A_1558, %get3A_1563 : vector<16xf32>
      %add3A_1565 = arith.constant 3584 : i32
      %add3A_1566 = arith.addi %add3A_1565, %multiple_of3A : i32
      %get3A_1567 = arith.index_cast %add3A_1566 : i32 to index
      %get3A_1568 = tpu.vector_load %arg8[%get3A_1567] {strides = array<i32>} : memref<5120xf32, #tpu.memory_space<vmem>>, vector<16xf32>,
      %get3A_1569 = vector.shape_cast %get3A_1568 : vector<16xf32> to vector<16xf32>
      %add3A_1570 = arith.addf %add3A_1564, %get3A_1569 : vector<16xf32>
      %add3A_1571 = arith.constant 4096 : i32
      %add3A_1572 = arith.addi %add3A_1571, %multiple_of3A : i32
      %get3A_1573 = arith.index_cast %add3A_1572 : i32 to index
      %get3A_1574 = tpu.vector_load %arg8[%get3A_1573] {strides = array<i32>} : memref<5120xf32, #tpu.memory_space<vmem>>, vector<16xf32>,
      %get3A_1575 = vector.shape_cast %get3A_1574 : vector<16xf32> to vector<16xf32>
      %add3A_1576 = arith.addf %add3A_1570, %get3A_1575 : vector<16xf32>
      %add3A_1577 = arith.constant 4608 : i32
      %add3A_1578 = arith.addi %add3A_1577, %multiple_of3A : i32
      %get3A_1579 = arith.index_cast %add3A_1578 : i32 to index
      %get3A_1580 = tpu.vector_load %arg8[%get3A_1579] {strides = array<i32>} : memref<5120xf32, #tpu.memory_space<vmem>>, vector<16xf32>,
      %get3A_1581 = vector.shape_cast %get3A_1580 : vector<16xf32> to vector<16xf32>
      %add3A_1582 = arith.addf %add3A_1576, %get3A_1581 : vector<16xf32>
      %get3A_1583 = arith.index_cast %multiple_of3A : i32 to index
      %get3A_1584 = tpu.vector_load %arg9[%get3A_1583] {strides = array<i32>} : memref<512xf32, #tpu.memory_space<vmem>>, vector<16xf32>,
      %get3A_1585 = vector.shape_cast %get3A_1584 : vector<16xf32> to vector<16xf32>
      %add3A_1586 = arith.addf %get3A_1585, %add3A_1582 : vector<16xf32>
      %swap3A = arith.index_cast %multiple_of3A : i32 to index
      %swap3A_1587 = tpu.vector_load %arg9[%swap3A] {strides = array<i32>} : memref<512xf32, #tpu.memory_space<vmem>>, vector<16xf32>,
      %swap3A_1588 = vector.shape_cast %swap3A_1587 : vector<16xf32> to vector<16xf32>
      %swap3A_1589 = vector.shape_cast %add3A_1586 : vector<16xf32> to vector<16xf32>
      tpu.vector_store %arg9[%swap3A], %swap3A_1589 {strides = array<i32>} : memref<512xf32, #tpu.memory_space<vmem>>, vector<16xf32>,
      %scan3A_1590 = arith.constant 0 : i32
      scf.yield %scan3A_1590 : i32
    }
    %scan3A_536 = arith.constant 32 : i32
    %dma_wait3A_537 = arith.constant 0 : i32
    %dma_wait3A_538 = tpu.memref_slice %arg11[%dma_wait3A_537] : memref<1000016xf32, #tpu.memory_space<vmem_shared>> -> memref<1000016xf32, #tpu.memory_space<vmem_shared>>
    tpu.wait_indirect_dma semaphore(%arg13 : memref<!tpu.dma_semaphore, #tpu.memory_space<semaphore_mem>>) src(%dma_wait3A_538 : memref<1000016xf32, #tpu.memory_space<vmem_shared>>) dst(%arg7 : memref<5120xf32, #tpu.memory_space<vmem>>)
    %dma_wait3A_539 = arith.constant 0 : i32
    %dma_wait3A_540 = tpu.memref_slice %arg6[%dma_wait3A_539] : memref<5120xi32, #tpu.memory_space<vmem>> -> memref<512xi32, #tpu.memory_space<vmem>>
    %dma_wait3A_541 = tpu.memref_slice %arg2[%add3A_451] : memref<1638400xi32, #tpu.memory_space<hbm>> -> memref<512xi32, #tpu.memory_space<hbm>>
    %dma_wait3A_542 = arith.constant 0 : i32
    %dma_wait3A_543 = tpu.memref_slice %arg6[%dma_wait3A_542] : memref<5120xi32, #tpu.memory_space<vmem>> -> memref<512xi32, #tpu.memory_space<vmem>>
    %dma_wait3A_544 = tpu.memref_slice %arg2[%add3A_451] : memref<1638400xi32, #tpu.memory_space<hbm>> -> memref<512xi32, #tpu.memory_space<hbm>>
    tpu.wait_dma2 semaphore(%arg12 : memref<!tpu.dma_semaphore, #tpu.memory_space<semaphore_mem>>) src(%dma_wait3A_544 : memref<512xi32, #tpu.memory_space<hbm>>) dst(%dma_wait3A_543 : memref<512xi32, #tpu.memory_space<vmem>>)
    %dma_wait3A_545 = arith.constant 512 : i32
    %dma_wait3A_546 = tpu.memref_slice %arg6[%dma_wait3A_545] : memref<5120xi32, #tpu.memory_space<vmem>> -> memref<512xi32, #tpu.memory_space<vmem>>
    %dma_wait3A_547 = tpu.memref_slice %arg2[%add3A_459] : memref<1638400xi32, #tpu.memory_space<hbm>> -> memref<512xi32, #tpu.memory_space<hbm>>
    %dma_wait3A_548 = arith.constant 512 : i32
    %dma_wait3A_549 = tpu.memref_slice %arg6[%dma_wait3A_548] : memref<5120xi32, #tpu.memory_space<vmem>> -> memref<512xi32, #tpu.memory_space<vmem>>
    %dma_wait3A_550 = tpu.memref_slice %arg2[%add3A_459] : memref<1638400xi32, #tpu.memory_space<hbm>> -> memref<512xi32, #tpu.memory_space<hbm>>
    tpu.wait_dma2 semaphore(%arg12 : memref<!tpu.dma_semaphore, #tpu.memory_space<semaphore_mem>>) src(%dma_wait3A_550 : memref<512xi32, #tpu.memory_space<hbm>>) dst(%dma_wait3A_549 : memref<512xi32, #tpu.memory_space<vmem>>)
    %dma_wait3A_551 = arith.constant 1024 : i32
    %dma_wait3A_552 = tpu.memref_slice %arg6[%dma_wait3A_551] : memref<5120xi32, #tpu.memory_space<vmem>> -> memref<512xi32, #tpu.memory_space<vmem>>
    %dma_wait3A_553 = tpu.memref_slice %arg2[%add3A_467] : memref<1638400xi32, #tpu.memory_space<hbm>> -> memref<512xi32, #tpu.memory_space<hbm>>
    %dma_wait3A_554 = arith.constant 1024 : i32
    %dma_wait3A_555 = tpu.memref_slice %arg6[%dma_wait3A_554] : memref<5120xi32, #tpu.memory_space<vmem>> -> memref<512xi32, #tpu.memory_space<vmem>>
    %dma_wait3A_556 = tpu.memref_slice %arg2[%add3A_467] : memref<1638400xi32, #tpu.memory_space<hbm>> -> memref<512xi32, #tpu.memory_space<hbm>>
    tpu.wait_dma2 semaphore(%arg12 : memref<!tpu.dma_semaphore, #tpu.memory_space<semaphore_mem>>) src(%dma_wait3A_556 : memref<512xi32, #tpu.memory_space<hbm>>) dst(%dma_wait3A_555 : memref<512xi32, #tpu.memory_space<vmem>>)
    %dma_wait3A_557 = arith.constant 1536 : i32
    %dma_wait3A_558 = tpu.memref_slice %arg6[%dma_wait3A_557] : memref<5120xi32, #tpu.memory_space<vmem>> -> memref<512xi32, #tpu.memory_space<vmem>>
    %dma_wait3A_559 = tpu.memref_slice %arg2[%add3A_475] : memref<1638400xi32, #tpu.memory_space<hbm>> -> memref<512xi32, #tpu.memory_space<hbm>>
    %dma_wait3A_560 = arith.constant 1536 : i32
    %dma_wait3A_561 = tpu.memref_slice %arg6[%dma_wait3A_560] : memref<5120xi32, #tpu.memory_space<vmem>> -> memref<512xi32, #tpu.memory_space<vmem>>
    %dma_wait3A_562 = tpu.memref_slice %arg2[%add3A_475] : memref<1638400xi32, #tpu.memory_space<hbm>> -> memref<512xi32, #tpu.memory_space<hbm>>
    tpu.wait_dma2 semaphore(%arg12 : memref<!tpu.dma_semaphore, #tpu.memory_space<semaphore_mem>>) src(%dma_wait3A_562 : memref<512xi32, #tpu.memory_space<hbm>>) dst(%dma_wait3A_561 : memref<512xi32, #tpu.memory_space<vmem>>)
    %dma_wait3A_563 = arith.constant 2048 : i32
    %dma_wait3A_564 = tpu.memref_slice %arg6[%dma_wait3A_563] : memref<5120xi32, #tpu.memory_space<vmem>> -> memref<512xi32, #tpu.memory_space<vmem>>
    %dma_wait3A_565 = tpu.memref_slice %arg2[%add3A_483] : memref<1638400xi32, #tpu.memory_space<hbm>> -> memref<512xi32, #tpu.memory_space<hbm>>
    %dma_wait3A_566 = arith.constant 2048 : i32
    %dma_wait3A_567 = tpu.memref_slice %arg6[%dma_wait3A_566] : memref<5120xi32, #tpu.memory_space<vmem>> -> memref<512xi32, #tpu.memory_space<vmem>>
    %dma_wait3A_568 = tpu.memref_slice %arg2[%add3A_483] : memref<1638400xi32, #tpu.memory_space<hbm>> -> memref<512xi32, #tpu.memory_space<hbm>>
    tpu.wait_dma2 semaphore(%arg12 : memref<!tpu.dma_semaphore, #tpu.memory_space<semaphore_mem>>) src(%dma_wait3A_568 : memref<512xi32, #tpu.memory_space<hbm>>) dst(%dma_wait3A_567 : memref<512xi32, #tpu.memory_space<vmem>>)
    %dma_wait3A_569 = arith.constant 2560 : i32
    %dma_wait3A_570 = tpu.memref_slice %arg6[%dma_wait3A_569] : memref<5120xi32, #tpu.memory_space<vmem>> -> memref<512xi32, #tpu.memory_space<vmem>>
    %dma_wait3A_571 = tpu.memref_slice %arg2[%add3A_491] : memref<1638400xi32, #tpu.memory_space<hbm>> -> memref<512xi32, #tpu.memory_space<hbm>>
    %dma_wait3A_572 = arith.constant 2560 : i32
    %dma_wait3A_573 = tpu.memref_slice %arg6[%dma_wait3A_572] : memref<5120xi32, #tpu.memory_space<vmem>> -> memref<512xi32, #tpu.memory_space<vmem>>
    %dma_wait3A_574 = tpu.memref_slice %arg2[%add3A_491] : memref<1638400xi32, #tpu.memory_space<hbm>> -> memref<512xi32, #tpu.memory_space<hbm>>
    tpu.wait_dma2 semaphore(%arg12 : memref<!tpu.dma_semaphore, #tpu.memory_space<semaphore_mem>>) src(%dma_wait3A_574 : memref<512xi32, #tpu.memory_space<hbm>>) dst(%dma_wait3A_573 : memref<512xi32, #tpu.memory_space<vmem>>)
    %dma_wait3A_575 = arith.constant 3072 : i32
    %dma_wait3A_576 = tpu.memref_slice %arg6[%dma_wait3A_575] : memref<5120xi32, #tpu.memory_space<vmem>> -> memref<512xi32, #tpu.memory_space<vmem>>
    %dma_wait3A_577 = tpu.memref_slice %arg2[%add3A_499] : memref<1638400xi32, #tpu.memory_space<hbm>> -> memref<512xi32, #tpu.memory_space<hbm>>
    %dma_wait3A_578 = arith.constant 3072 : i32
    %dma_wait3A_579 = tpu.memref_slice %arg6[%dma_wait3A_578] : memref<5120xi32, #tpu.memory_space<vmem>> -> memref<512xi32, #tpu.memory_space<vmem>>
    %dma_wait3A_580 = tpu.memref_slice %arg2[%add3A_499] : memref<1638400xi32, #tpu.memory_space<hbm>> -> memref<512xi32, #tpu.memory_space<hbm>>
    tpu.wait_dma2 semaphore(%arg12 : memref<!tpu.dma_semaphore, #tpu.memory_space<semaphore_mem>>) src(%dma_wait3A_580 : memref<512xi32, #tpu.memory_space<hbm>>) dst(%dma_wait3A_579 : memref<512xi32, #tpu.memory_space<vmem>>)
    %dma_wait3A_581 = arith.constant 3584 : i32
    %dma_wait3A_582 = tpu.memref_slice %arg6[%dma_wait3A_581] : memref<5120xi32, #tpu.memory_space<vmem>> -> memref<512xi32, #tpu.memory_space<vmem>>
    %dma_wait3A_583 = tpu.memref_slice %arg2[%add3A_507] : memref<1638400xi32, #tpu.memory_space<hbm>> -> memref<512xi32, #tpu.memory_space<hbm>>
    %dma_wait3A_584 = arith.constant 3584 : i32
    %dma_wait3A_585 = tpu.memref_slice %arg6[%dma_wait3A_584] : memref<5120xi32, #tpu.memory_space<vmem>> -> memref<512xi32, #tpu.memory_space<vmem>>
    %dma_wait3A_586 = tpu.memref_slice %arg2[%add3A_507] : memref<1638400xi32, #tpu.memory_space<hbm>> -> memref<512xi32, #tpu.memory_space<hbm>>
    tpu.wait_dma2 semaphore(%arg12 : memref<!tpu.dma_semaphore, #tpu.memory_space<semaphore_mem>>) src(%dma_wait3A_586 : memref<512xi32, #tpu.memory_space<hbm>>) dst(%dma_wait3A_585 : memref<512xi32, #tpu.memory_space<vmem>>)
    %dma_wait3A_587 = arith.constant 4096 : i32
    %dma_wait3A_588 = tpu.memref_slice %arg6[%dma_wait3A_587] : memref<5120xi32, #tpu.memory_space<vmem>> -> memref<512xi32, #tpu.memory_space<vmem>>
    %dma_wait3A_589 = tpu.memref_slice %arg2[%add3A_515] : memref<1638400xi32, #tpu.memory_space<hbm>> -> memref<512xi32, #tpu.memory_space<hbm>>
    %dma_wait3A_590 = arith.constant 4096 : i32
    %dma_wait3A_591 = tpu.memref_slice %arg6[%dma_wait3A_590] : memref<5120xi32, #tpu.memory_space<vmem>> -> memref<512xi32, #tpu.memory_space<vmem>>
    %dma_wait3A_592 = tpu.memref_slice %arg2[%add3A_515] : memref<1638400xi32, #tpu.memory_space<hbm>> -> memref<512xi32, #tpu.memory_space<hbm>>
    tpu.wait_dma2 semaphore(%arg12 : memref<!tpu.dma_semaphore, #tpu.memory_space<semaphore_mem>>) src(%dma_wait3A_592 : memref<512xi32, #tpu.memory_space<hbm>>) dst(%dma_wait3A_591 : memref<512xi32, #tpu.memory_space<vmem>>)
    %dma_wait3A_593 = arith.constant 4608 : i32
    %dma_wait3A_594 = tpu.memref_slice %arg6[%dma_wait3A_593] : memref<5120xi32, #tpu.memory_space<vmem>> -> memref<512xi32, #tpu.memory_space<vmem>>
    %dma_wait3A_595 = tpu.memref_slice %arg2[%add3A_523] : memref<1638400xi32, #tpu.memory_space<hbm>> -> memref<512xi32, #tpu.memory_space<hbm>>
    %dma_wait3A_596 = arith.constant 4608 : i32
    %dma_wait3A_597 = tpu.memref_slice %arg6[%dma_wait3A_596] : memref<5120xi32, #tpu.memory_space<vmem>> -> memref<512xi32, #tpu.memory_space<vmem>>
    %dma_wait3A_598 = tpu.memref_slice %arg2[%add3A_523] : memref<1638400xi32, #tpu.memory_space<hbm>> -> memref<512xi32, #tpu.memory_space<hbm>>
    tpu.wait_dma2 semaphore(%arg12 : memref<!tpu.dma_semaphore, #tpu.memory_space<semaphore_mem>>) src(%dma_wait3A_598 : memref<512xi32, #tpu.memory_space<hbm>>) dst(%dma_wait3A_597 : memref<512xi32, #tpu.memory_space<vmem>>)
    %dma_start3A_599 = arith.constant 0 : i32
    %dma_start3A_600 = tpu.memref_slice %arg11[%dma_start3A_599] : memref<1000016xf32, #tpu.memory_space<vmem_shared>> -> memref<1000016xf32, #tpu.memory_space<vmem_shared>>
    tpu.enqueue_indirect_dma source(%dma_start3A_600 : memref<1000016xf32, #tpu.memory_space<vmem_shared>>) target(%arg8 : memref<5120xf32, #tpu.memory_space<vmem>>) offsets(%arg6 : memref<5120xi32, #tpu.memory_space<vmem>>) semaphore(%arg13 : memref<!tpu.dma_semaphore, #tpu.memory_space<semaphore_mem>>)
    %add3A_601 = arith.constant 655360 : i32
    %add3A_602 = arith.addi %add3A_601, %mul3A_2 : i32
    %dma_start3A_603 = arith.constant 0 : i32
    %dma_start3A_604 = tpu.memref_slice %arg5[%dma_start3A_603] : memref<5120xi32, #tpu.memory_space<vmem>> -> memref<512xi32, #tpu.memory_space<vmem>>
    %dma_start3A_605 = tpu.memref_slice %arg2[%add3A_602] : memref<1638400xi32, #tpu.memory_space<hbm>> -> memref<512xi32, #tpu.memory_space<hbm>>
    %dma_start3A_606 = arith.constant 0 : i32
    %dma_start3A_607 = tpu.memref_slice %arg5[%dma_start3A_606] : memref<5120xi32, #tpu.memory_space<vmem>> -> memref<512xi32, #tpu.memory_space<vmem>>
    %dma_start3A_608 = tpu.memref_slice %arg2[%add3A_602] : memref<1638400xi32, #tpu.memory_space<hbm>> -> memref<512xi32, #tpu.memory_space<hbm>>
    tpu.enqueue_dma source(%dma_start3A_608 : memref<512xi32, #tpu.memory_space<hbm>>) target(%dma_start3A_607 : memref<512xi32, #tpu.memory_space<vmem>>) target_semaphore(%arg12 : memref<!tpu.dma_semaphore, #tpu.memory_space<semaphore_mem>>)
    %add3A_609 = arith.constant 671744 : i32
    %add3A_610 = arith.addi %add3A_609, %mul3A_2 : i32
    %dma_start3A_611 = arith.constant 512 : i32
    %dma_start3A_612 = tpu.memref_slice %arg5[%dma_start3A_611] : memref<5120xi32, #tpu.memory_space<vmem>> -> memref<512xi32, #tpu.memory_space<vmem>>
    %dma_start3A_613 = tpu.memref_slice %arg2[%add3A_610] : memref<1638400xi32, #tpu.memory_space<hbm>> -> memref<512xi32, #tpu.memory_space<hbm>>
    %dma_start3A_614 = arith.constant 512 : i32
    %dma_start3A_615 = tpu.memref_slice %arg5[%dma_start3A_614] : memref<5120xi32, #tpu.memory_space<vmem>> -> memref<512xi32, #tpu.memory_space<vmem>>
    %dma_start3A_616 = tpu.memref_slice %arg2[%add3A_610] : memref<1638400xi32, #tpu.memory_space<hbm>> -> memref<512xi32, #tpu.memory_space<hbm>>
    tpu.enqueue_dma source(%dma_start3A_616 : memref<512xi32, #tpu.memory_space<hbm>>) target(%dma_start3A_615 : memref<512xi32, #tpu.memory_space<vmem>>) target_semaphore(%arg12 : memref<!tpu.dma_semaphore, #tpu.memory_space<semaphore_mem>>)
    %add3A_617 = arith.constant 688128 : i32
    %add3A_618 = arith.addi %add3A_617, %mul3A_2 : i32
    %dma_start3A_619 = arith.constant 1024 : i32
    %dma_start3A_620 = tpu.memref_slice %arg5[%dma_start3A_619] : memref<5120xi32, #tpu.memory_space<vmem>> -> memref<512xi32, #tpu.memory_space<vmem>>
    %dma_start3A_621 = tpu.memref_slice %arg2[%add3A_618] : memref<1638400xi32, #tpu.memory_space<hbm>> -> memref<512xi32, #tpu.memory_space<hbm>>
    %dma_start3A_622 = arith.constant 1024 : i32
    %dma_start3A_623 = tpu.memref_slice %arg5[%dma_start3A_622] : memref<5120xi32, #tpu.memory_space<vmem>> -> memref<512xi32, #tpu.memory_space<vmem>>
    %dma_start3A_624 = tpu.memref_slice %arg2[%add3A_618] : memref<1638400xi32, #tpu.memory_space<hbm>> -> memref<512xi32, #tpu.memory_space<hbm>>
    tpu.enqueue_dma source(%dma_start3A_624 : memref<512xi32, #tpu.memory_space<hbm>>) target(%dma_start3A_623 : memref<512xi32, #tpu.memory_space<vmem>>) target_semaphore(%arg12 : memref<!tpu.dma_semaphore, #tpu.memory_space<semaphore_mem>>)
    %add3A_625 = arith.constant 704512 : i32
    %add3A_626 = arith.addi %add3A_625, %mul3A_2 : i32
    %dma_start3A_627 = arith.constant 1536 : i32
    %dma_start3A_628 = tpu.memref_slice %arg5[%dma_start3A_627] : memref<5120xi32, #tpu.memory_space<vmem>> -> memref<512xi32, #tpu.memory_space<vmem>>
    %dma_start3A_629 = tpu.memref_slice %arg2[%add3A_626] : memref<1638400xi32, #tpu.memory_space<hbm>> -> memref<512xi32, #tpu.memory_space<hbm>>
    %dma_start3A_630 = arith.constant 1536 : i32
    %dma_start3A_631 = tpu.memref_slice %arg5[%dma_start3A_630] : memref<5120xi32, #tpu.memory_space<vmem>> -> memref<512xi32, #tpu.memory_space<vmem>>
    %dma_start3A_632 = tpu.memref_slice %arg2[%add3A_626] : memref<1638400xi32, #tpu.memory_space<hbm>> -> memref<512xi32, #tpu.memory_space<hbm>>
    tpu.enqueue_dma source(%dma_start3A_632 : memref<512xi32, #tpu.memory_space<hbm>>) target(%dma_start3A_631 : memref<512xi32, #tpu.memory_space<vmem>>) target_semaphore(%arg12 : memref<!tpu.dma_semaphore, #tpu.memory_space<semaphore_mem>>)
    %add3A_633 = arith.constant 720896 : i32
    %add3A_634 = arith.addi %add3A_633, %mul3A_2 : i32
    %dma_start3A_635 = arith.constant 2048 : i32
    %dma_start3A_636 = tpu.memref_slice %arg5[%dma_start3A_635] : memref<5120xi32, #tpu.memory_space<vmem>> -> memref<512xi32, #tpu.memory_space<vmem>>
    %dma_start3A_637 = tpu.memref_slice %arg2[%add3A_634] : memref<1638400xi32, #tpu.memory_space<hbm>> -> memref<512xi32, #tpu.memory_space<hbm>>
    %dma_start3A_638 = arith.constant 2048 : i32
    %dma_start3A_639 = tpu.memref_slice %arg5[%dma_start3A_638] : memref<5120xi32, #tpu.memory_space<vmem>> -> memref<512xi32, #tpu.memory_space<vmem>>
    %dma_start3A_640 = tpu.memref_slice %arg2[%add3A_634] : memref<1638400xi32, #tpu.memory_space<hbm>> -> memref<512xi32, #tpu.memory_space<hbm>>
    tpu.enqueue_dma source(%dma_start3A_640 : memref<512xi32, #tpu.memory_space<hbm>>) target(%dma_start3A_639 : memref<512xi32, #tpu.memory_space<vmem>>) target_semaphore(%arg12 : memref<!tpu.dma_semaphore, #tpu.memory_space<semaphore_mem>>)
    %add3A_641 = arith.constant 737280 : i32
    %add3A_642 = arith.addi %add3A_641, %mul3A_2 : i32
    %dma_start3A_643 = arith.constant 2560 : i32
    %dma_start3A_644 = tpu.memref_slice %arg5[%dma_start3A_643] : memref<5120xi32, #tpu.memory_space<vmem>> -> memref<512xi32, #tpu.memory_space<vmem>>
    %dma_start3A_645 = tpu.memref_slice %arg2[%add3A_642] : memref<1638400xi32, #tpu.memory_space<hbm>> -> memref<512xi32, #tpu.memory_space<hbm>>
    %dma_start3A_646 = arith.constant 2560 : i32
    %dma_start3A_647 = tpu.memref_slice %arg5[%dma_start3A_646] : memref<5120xi32, #tpu.memory_space<vmem>> -> memref<512xi32, #tpu.memory_space<vmem>>
    %dma_start3A_648 = tpu.memref_slice %arg2[%add3A_642] : memref<1638400xi32, #tpu.memory_space<hbm>> -> memref<512xi32, #tpu.memory_space<hbm>>
    tpu.enqueue_dma source(%dma_start3A_648 : memref<512xi32, #tpu.memory_space<hbm>>) target(%dma_start3A_647 : memref<512xi32, #tpu.memory_space<vmem>>) target_semaphore(%arg12 : memref<!tpu.dma_semaphore, #tpu.memory_space<semaphore_mem>>)
    %add3A_649 = arith.constant 753664 : i32
    %add3A_650 = arith.addi %add3A_649, %mul3A_2 : i32
    %dma_start3A_651 = arith.constant 3072 : i32
    %dma_start3A_652 = tpu.memref_slice %arg5[%dma_start3A_651] : memref<5120xi32, #tpu.memory_space<vmem>> -> memref<512xi32, #tpu.memory_space<vmem>>
    %dma_start3A_653 = tpu.memref_slice %arg2[%add3A_650] : memref<1638400xi32, #tpu.memory_space<hbm>> -> memref<512xi32, #tpu.memory_space<hbm>>
    %dma_start3A_654 = arith.constant 3072 : i32
    %dma_start3A_655 = tpu.memref_slice %arg5[%dma_start3A_654] : memref<5120xi32, #tpu.memory_space<vmem>> -> memref<512xi32, #tpu.memory_space<vmem>>
    %dma_start3A_656 = tpu.memref_slice %arg2[%add3A_650] : memref<1638400xi32, #tpu.memory_space<hbm>> -> memref<512xi32, #tpu.memory_space<hbm>>
    tpu.enqueue_dma source(%dma_start3A_656 : memref<512xi32, #tpu.memory_space<hbm>>) target(%dma_start3A_655 : memref<512xi32, #tpu.memory_space<vmem>>) target_semaphore(%arg12 : memref<!tpu.dma_semaphore, #tpu.memory_space<semaphore_mem>>)
    %add3A_657 = arith.constant 770048 : i32
    %add3A_658 = arith.addi %add3A_657, %mul3A_2 : i32
    %dma_start3A_659 = arith.constant 3584 : i32
    %dma_start3A_660 = tpu.memref_slice %arg5[%dma_start3A_659] : memref<5120xi32, #tpu.memory_space<vmem>> -> memref<512xi32, #tpu.memory_space<vmem>>
    %dma_start3A_661 = tpu.memref_slice %arg2[%add3A_658] : memref<1638400xi32, #tpu.memory_space<hbm>> -> memref<512xi32, #tpu.memory_space<hbm>>
    %dma_start3A_662 = arith.constant 3584 : i32
    %dma_start3A_663 = tpu.memref_slice %arg5[%dma_start3A_662] : memref<5120xi32, #tpu.memory_space<vmem>> -> memref<512xi32, #tpu.memory_space<vmem>>
    %dma_start3A_664 = tpu.memref_slice %arg2[%add3A_658] : memref<1638400xi32, #tpu.memory_space<hbm>> -> memref<512xi32, #tpu.memory_space<hbm>>
    tpu.enqueue_dma source(%dma_start3A_664 : memref<512xi32, #tpu.memory_space<hbm>>) target(%dma_start3A_663 : memref<512xi32, #tpu.memory_space<vmem>>) target_semaphore(%arg12 : memref<!tpu.dma_semaphore, #tpu.memory_space<semaphore_mem>>)
    %add3A_665 = arith.constant 786432 : i32
    %add3A_666 = arith.addi %add3A_665, %mul3A_2 : i32
    %dma_start3A_667 = arith.constant 4096 : i32
    %dma_start3A_668 = tpu.memref_slice %arg5[%dma_start3A_667] : memref<5120xi32, #tpu.memory_space<vmem>> -> memref<512xi32, #tpu.memory_space<vmem>>
    %dma_start3A_669 = tpu.memref_slice %arg2[%add3A_666] : memref<1638400xi32, #tpu.memory_space<hbm>> -> memref<512xi32, #tpu.memory_space<hbm>>
    %dma_start3A_670 = arith.constant 4096 : i32
    %dma_start3A_671 = tpu.memref_slice %arg5[%dma_start3A_670] : memref<5120xi32, #tpu.memory_space<vmem>> -> memref<512xi32, #tpu.memory_space<vmem>>
    %dma_start3A_672 = tpu.memref_slice %arg2[%add3A_666] : memref<1638400xi32, #tpu.memory_space<hbm>> -> memref<512xi32, #tpu.memory_space<hbm>>
    tpu.enqueue_dma source(%dma_start3A_672 : memref<512xi32, #tpu.memory_space<hbm>>) target(%dma_start3A_671 : memref<512xi32, #tpu.memory_space<vmem>>) target_semaphore(%arg12 : memref<!tpu.dma_semaphore, #tpu.memory_space<semaphore_mem>>)
    %add3A_673 = arith.constant 802816 : i32
    %add3A_674 = arith.addi %add3A_673, %mul3A_2 : i32
    %dma_start3A_675 = arith.constant 4608 : i32
    %dma_start3A_676 = tpu.memref_slice %arg5[%dma_start3A_675] : memref<5120xi32, #tpu.memory_space<vmem>> -> memref<512xi32, #tpu.memory_space<vmem>>
    %dma_start3A_677 = tpu.memref_slice %arg2[%add3A_674] : memref<1638400xi32, #tpu.memory_space<hbm>> -> memref<512xi32, #tpu.memory_space<hbm>>
    %dma_start3A_678 = arith.constant 4608 : i32
    %dma_start3A_679 = tpu.memref_slice %arg5[%dma_start3A_678] : memref<5120xi32, #tpu.memory_space<vmem>> -> memref<512xi32, #tpu.memory_space<vmem>>
    %dma_start3A_680 = tpu.memref_slice %arg2[%add3A_674] : memref<1638400xi32, #tpu.memory_space<hbm>> -> memref<512xi32, #tpu.memory_space<hbm>>
    tpu.enqueue_dma source(%dma_start3A_680 : memref<512xi32, #tpu.memory_space<hbm>>) target(%dma_start3A_679 : memref<512xi32, #tpu.memory_space<vmem>>) target_semaphore(%arg12 : memref<!tpu.dma_semaphore, #tpu.memory_space<semaphore_mem>>)
    %scan3A_681 = arith.constant 0 : i32
    %scan3A_682 = arith.constant 0 : i32
    %scan3A_683 = arith.constant 32 : i32
    %scan3A_684 = arith.addi %scan3A_682, %scan3A_683 : i32
    %scan3A_685 = arith.constant 1 : i32
    %scan3A_686 = scf.for %scan3A_1523 = %scan3A_682 to %scan3A_684 step %scan3A_685 iter_args(%scan3A_1524 = %scan3A_681) -> (i32)  : i32 {
      %mul3A_1525 = arith.constant 16 : i32
      %mul3A_1526 = arith.muli %scan3A_1523, %mul3A_1525 : i32
      %multiple_of3A = tpu.assume_multiple %mul3A_1526, 16 : i32
      %get3A = arith.index_cast %multiple_of3A : i32 to index
      %get3A_1527 = tpu.vector_load %arg7[%get3A] {strides = array<i32>} : memref<5120xf32, #tpu.memory_space<vmem>>, vector<16xf32>,
      %get3A_1528 = vector.shape_cast %get3A_1527 : vector<16xf32> to vector<16xf32>
      %add3A_1529 = arith.constant 512 : i32
      %add3A_1530 = arith.addi %add3A_1529, %multiple_of3A : i32
      %get3A_1531 = arith.index_cast %add3A_1530 : i32 to index
      %get3A_1532 = tpu.vector_load %arg7[%get3A_1531] {strides = array<i32>} : memref<5120xf32, #tpu.memory_space<vmem>>, vector<16xf32>,
      %get3A_1533 = vector.shape_cast %get3A_1532 : vector<16xf32> to vector<16xf32>
      %add3A_1534 = arith.addf %get3A_1528, %get3A_1533 : vector<16xf32>
      %add3A_1535 = arith.constant 1024 : i32
      %add3A_1536 = arith.addi %add3A_1535, %multiple_of3A : i32
      %get3A_1537 = arith.index_cast %add3A_1536 : i32 to index
      %get3A_1538 = tpu.vector_load %arg7[%get3A_1537] {strides = array<i32>} : memref<5120xf32, #tpu.memory_space<vmem>>, vector<16xf32>,
      %get3A_1539 = vector.shape_cast %get3A_1538 : vector<16xf32> to vector<16xf32>
      %add3A_1540 = arith.addf %add3A_1534, %get3A_1539 : vector<16xf32>
      %add3A_1541 = arith.constant 1536 : i32
      %add3A_1542 = arith.addi %add3A_1541, %multiple_of3A : i32
      %get3A_1543 = arith.index_cast %add3A_1542 : i32 to index
      %get3A_1544 = tpu.vector_load %arg7[%get3A_1543] {strides = array<i32>} : memref<5120xf32, #tpu.memory_space<vmem>>, vector<16xf32>,
      %get3A_1545 = vector.shape_cast %get3A_1544 : vector<16xf32> to vector<16xf32>
      %add3A_1546 = arith.addf %add3A_1540, %get3A_1545 : vector<16xf32>
      %add3A_1547 = arith.constant 2048 : i32
      %add3A_1548 = arith.addi %add3A_1547, %multiple_of3A : i32
      %get3A_1549 = arith.index_cast %add3A_1548 : i32 to index
      %get3A_1550 = tpu.vector_load %arg7[%get3A_1549] {strides = array<i32>} : memref<5120xf32, #tpu.memory_space<vmem>>, vector<16xf32>,
      %get3A_1551 = vector.shape_cast %get3A_1550 : vector<16xf32> to vector<16xf32>
      %add3A_1552 = arith.addf %add3A_1546, %get3A_1551 : vector<16xf32>
      %add3A_1553 = arith.constant 2560 : i32
      %add3A_1554 = arith.addi %add3A_1553, %multiple_of3A : i32
      %get3A_1555 = arith.index_cast %add3A_1554 : i32 to index
      %get3A_1556 = tpu.vector_load %arg7[%get3A_1555] {strides = array<i32>} : memref<5120xf32, #tpu.memory_space<vmem>>, vector<16xf32>,
      %get3A_1557 = vector.shape_cast %get3A_1556 : vector<16xf32> to vector<16xf32>
      %add3A_1558 = arith.addf %add3A_1552, %get3A_1557 : vector<16xf32>
      %add3A_1559 = arith.constant 3072 : i32
      %add3A_1560 = arith.addi %add3A_1559, %multiple_of3A : i32
      %get3A_1561 = arith.index_cast %add3A_1560 : i32 to index
      %get3A_1562 = tpu.vector_load %arg7[%get3A_1561] {strides = array<i32>} : memref<5120xf32, #tpu.memory_space<vmem>>, vector<16xf32>,
      %get3A_1563 = vector.shape_cast %get3A_1562 : vector<16xf32> to vector<16xf32>
      %add3A_1564 = arith.addf %add3A_1558, %get3A_1563 : vector<16xf32>
      %add3A_1565 = arith.constant 3584 : i32
      %add3A_1566 = arith.addi %add3A_1565, %multiple_of3A : i32
      %get3A_1567 = arith.index_cast %add3A_1566 : i32 to index
      %get3A_1568 = tpu.vector_load %arg7[%get3A_1567] {strides = array<i32>} : memref<5120xf32, #tpu.memory_space<vmem>>, vector<16xf32>,
      %get3A_1569 = vector.shape_cast %get3A_1568 : vector<16xf32> to vector<16xf32>
      %add3A_1570 = arith.addf %add3A_1564, %get3A_1569 : vector<16xf32>
      %add3A_1571 = arith.constant 4096 : i32
      %add3A_1572 = arith.addi %add3A_1571, %multiple_of3A : i32
      %get3A_1573 = arith.index_cast %add3A_1572 : i32 to index
      %get3A_1574 = tpu.vector_load %arg7[%get3A_1573] {strides = array<i32>} : memref<5120xf32, #tpu.memory_space<vmem>>, vector<16xf32>,
      %get3A_1575 = vector.shape_cast %get3A_1574 : vector<16xf32> to vector<16xf32>
      %add3A_1576 = arith.addf %add3A_1570, %get3A_1575 : vector<16xf32>
      %add3A_1577 = arith.constant 4608 : i32
      %add3A_1578 = arith.addi %add3A_1577, %multiple_of3A : i32
      %get3A_1579 = arith.index_cast %add3A_1578 : i32 to index
      %get3A_1580 = tpu.vector_load %arg7[%get3A_1579] {strides = array<i32>} : memref<5120xf32, #tpu.memory_space<vmem>>, vector<16xf32>,
      %get3A_1581 = vector.shape_cast %get3A_1580 : vector<16xf32> to vector<16xf32>
      %add3A_1582 = arith.addf %add3A_1576, %get3A_1581 : vector<16xf32>
      %get3A_1583 = arith.index_cast %multiple_of3A : i32 to index
      %get3A_1584 = tpu.vector_load %arg9[%get3A_1583] {strides = array<i32>} : memref<512xf32, #tpu.memory_space<vmem>>, vector<16xf32>,
      %get3A_1585 = vector.shape_cast %get3A_1584 : vector<16xf32> to vector<16xf32>
      %add3A_1586 = arith.addf %get3A_1585, %add3A_1582 : vector<16xf32>
      %swap3A = arith.index_cast %multiple_of3A : i32 to index
      %swap3A_1587 = tpu.vector_load %arg9[%swap3A] {strides = array<i32>} : memref<512xf32, #tpu.memory_space<vmem>>, vector<16xf32>,
      %swap3A_1588 = vector.shape_cast %swap3A_1587 : vector<16xf32> to vector<16xf32>
      %swap3A_1589 = vector.shape_cast %add3A_1586 : vector<16xf32> to vector<16xf32>
      tpu.vector_store %arg9[%swap3A], %swap3A_1589 {strides = array<i32>} : memref<512xf32, #tpu.memory_space<vmem>>, vector<16xf32>,
      %scan3A_1590 = arith.constant 0 : i32
      scf.yield %scan3A_1590 : i32
    }
    %scan3A_687 = arith.constant 32 : i32
    %dma_wait3A_688 = arith.constant 0 : i32
    %dma_wait3A_689 = tpu.memref_slice %arg11[%dma_wait3A_688] : memref<1000016xf32, #tpu.memory_space<vmem_shared>> -> memref<1000016xf32, #tpu.memory_space<vmem_shared>>
    tpu.wait_indirect_dma semaphore(%arg13 : memref<!tpu.dma_semaphore, #tpu.memory_space<semaphore_mem>>) src(%dma_wait3A_689 : memref<1000016xf32, #tpu.memory_space<vmem_shared>>) dst(%arg8 : memref<5120xf32, #tpu.memory_space<vmem>>)
    %dma_wait3A_690 = arith.constant 0 : i32
    %dma_wait3A_691 = tpu.memref_slice %arg5[%dma_wait3A_690] : memref<5120xi32, #tpu.memory_space<vmem>> -> memref<512xi32, #tpu.memory_space<vmem>>
    %dma_wait3A_692 = tpu.memref_slice %arg2[%add3A_602] : memref<1638400xi32, #tpu.memory_space<hbm>> -> memref<512xi32, #tpu.memory_space<hbm>>
    %dma_wait3A_693 = arith.constant 0 : i32
    %dma_wait3A_694 = tpu.memref_slice %arg5[%dma_wait3A_693] : memref<5120xi32, #tpu.memory_space<vmem>> -> memref<512xi32, #tpu.memory_space<vmem>>
    %dma_wait3A_695 = tpu.memref_slice %arg2[%add3A_602] : memref<1638400xi32, #tpu.memory_space<hbm>> -> memref<512xi32, #tpu.memory_space<hbm>>
    tpu.wait_dma2 semaphore(%arg12 : memref<!tpu.dma_semaphore, #tpu.memory_space<semaphore_mem>>) src(%dma_wait3A_695 : memref<512xi32, #tpu.memory_space<hbm>>) dst(%dma_wait3A_694 : memref<512xi32, #tpu.memory_space<vmem>>)
    %dma_wait3A_696 = arith.constant 512 : i32
    %dma_wait3A_697 = tpu.memref_slice %arg5[%dma_wait3A_696] : memref<5120xi32, #tpu.memory_space<vmem>> -> memref<512xi32, #tpu.memory_space<vmem>>
    %dma_wait3A_698 = tpu.memref_slice %arg2[%add3A_610] : memref<1638400xi32, #tpu.memory_space<hbm>> -> memref<512xi32, #tpu.memory_space<hbm>>
    %dma_wait3A_699 = arith.constant 512 : i32
    %dma_wait3A_700 = tpu.memref_slice %arg5[%dma_wait3A_699] : memref<5120xi32, #tpu.memory_space<vmem>> -> memref<512xi32, #tpu.memory_space<vmem>>
    %dma_wait3A_701 = tpu.memref_slice %arg2[%add3A_610] : memref<1638400xi32, #tpu.memory_space<hbm>> -> memref<512xi32, #tpu.memory_space<hbm>>
    tpu.wait_dma2 semaphore(%arg12 : memref<!tpu.dma_semaphore, #tpu.memory_space<semaphore_mem>>) src(%dma_wait3A_701 : memref<512xi32, #tpu.memory_space<hbm>>) dst(%dma_wait3A_700 : memref<512xi32, #tpu.memory_space<vmem>>)
    %dma_wait3A_702 = arith.constant 1024 : i32
    %dma_wait3A_703 = tpu.memref_slice %arg5[%dma_wait3A_702] : memref<5120xi32, #tpu.memory_space<vmem>> -> memref<512xi32, #tpu.memory_space<vmem>>
    %dma_wait3A_704 = tpu.memref_slice %arg2[%add3A_618] : memref<1638400xi32, #tpu.memory_space<hbm>> -> memref<512xi32, #tpu.memory_space<hbm>>
    %dma_wait3A_705 = arith.constant 1024 : i32
    %dma_wait3A_706 = tpu.memref_slice %arg5[%dma_wait3A_705] : memref<5120xi32, #tpu.memory_space<vmem>> -> memref<512xi32, #tpu.memory_space<vmem>>
    %dma_wait3A_707 = tpu.memref_slice %arg2[%add3A_618] : memref<1638400xi32, #tpu.memory_space<hbm>> -> memref<512xi32, #tpu.memory_space<hbm>>
    tpu.wait_dma2 semaphore(%arg12 : memref<!tpu.dma_semaphore, #tpu.memory_space<semaphore_mem>>) src(%dma_wait3A_707 : memref<512xi32, #tpu.memory_space<hbm>>) dst(%dma_wait3A_706 : memref<512xi32, #tpu.memory_space<vmem>>)
    %dma_wait3A_708 = arith.constant 1536 : i32
    %dma_wait3A_709 = tpu.memref_slice %arg5[%dma_wait3A_708] : memref<5120xi32, #tpu.memory_space<vmem>> -> memref<512xi32, #tpu.memory_space<vmem>>
    %dma_wait3A_710 = tpu.memref_slice %arg2[%add3A_626] : memref<1638400xi32, #tpu.memory_space<hbm>> -> memref<512xi32, #tpu.memory_space<hbm>>
    %dma_wait3A_711 = arith.constant 1536 : i32
    %dma_wait3A_712 = tpu.memref_slice %arg5[%dma_wait3A_711] : memref<5120xi32, #tpu.memory_space<vmem>> -> memref<512xi32, #tpu.memory_space<vmem>>
    %dma_wait3A_713 = tpu.memref_slice %arg2[%add3A_626] : memref<1638400xi32, #tpu.memory_space<hbm>> -> memref<512xi32, #tpu.memory_space<hbm>>
    tpu.wait_dma2 semaphore(%arg12 : memref<!tpu.dma_semaphore, #tpu.memory_space<semaphore_mem>>) src(%dma_wait3A_713 : memref<512xi32, #tpu.memory_space<hbm>>) dst(%dma_wait3A_712 : memref<512xi32, #tpu.memory_space<vmem>>)
    %dma_wait3A_714 = arith.constant 2048 : i32
    %dma_wait3A_715 = tpu.memref_slice %arg5[%dma_wait3A_714] : memref<5120xi32, #tpu.memory_space<vmem>> -> memref<512xi32, #tpu.memory_space<vmem>>
    %dma_wait3A_716 = tpu.memref_slice %arg2[%add3A_634] : memref<1638400xi32, #tpu.memory_space<hbm>> -> memref<512xi32, #tpu.memory_space<hbm>>
    %dma_wait3A_717 = arith.constant 2048 : i32
    %dma_wait3A_718 = tpu.memref_slice %arg5[%dma_wait3A_717] : memref<5120xi32, #tpu.memory_space<vmem>> -> memref<512xi32, #tpu.memory_space<vmem>>
    %dma_wait3A_719 = tpu.memref_slice %arg2[%add3A_634] : memref<1638400xi32, #tpu.memory_space<hbm>> -> memref<512xi32, #tpu.memory_space<hbm>>
    tpu.wait_dma2 semaphore(%arg12 : memref<!tpu.dma_semaphore, #tpu.memory_space<semaphore_mem>>) src(%dma_wait3A_719 : memref<512xi32, #tpu.memory_space<hbm>>) dst(%dma_wait3A_718 : memref<512xi32, #tpu.memory_space<vmem>>)
    %dma_wait3A_720 = arith.constant 2560 : i32
    %dma_wait3A_721 = tpu.memref_slice %arg5[%dma_wait3A_720] : memref<5120xi32, #tpu.memory_space<vmem>> -> memref<512xi32, #tpu.memory_space<vmem>>
    %dma_wait3A_722 = tpu.memref_slice %arg2[%add3A_642] : memref<1638400xi32, #tpu.memory_space<hbm>> -> memref<512xi32, #tpu.memory_space<hbm>>
    %dma_wait3A_723 = arith.constant 2560 : i32
    %dma_wait3A_724 = tpu.memref_slice %arg5[%dma_wait3A_723] : memref<5120xi32, #tpu.memory_space<vmem>> -> memref<512xi32, #tpu.memory_space<vmem>>
    %dma_wait3A_725 = tpu.memref_slice %arg2[%add3A_642] : memref<1638400xi32, #tpu.memory_space<hbm>> -> memref<512xi32, #tpu.memory_space<hbm>>
    tpu.wait_dma2 semaphore(%arg12 : memref<!tpu.dma_semaphore, #tpu.memory_space<semaphore_mem>>) src(%dma_wait3A_725 : memref<512xi32, #tpu.memory_space<hbm>>) dst(%dma_wait3A_724 : memref<512xi32, #tpu.memory_space<vmem>>)
    %dma_wait3A_726 = arith.constant 3072 : i32
    %dma_wait3A_727 = tpu.memref_slice %arg5[%dma_wait3A_726] : memref<5120xi32, #tpu.memory_space<vmem>> -> memref<512xi32, #tpu.memory_space<vmem>>
    %dma_wait3A_728 = tpu.memref_slice %arg2[%add3A_650] : memref<1638400xi32, #tpu.memory_space<hbm>> -> memref<512xi32, #tpu.memory_space<hbm>>
    %dma_wait3A_729 = arith.constant 3072 : i32
    %dma_wait3A_730 = tpu.memref_slice %arg5[%dma_wait3A_729] : memref<5120xi32, #tpu.memory_space<vmem>> -> memref<512xi32, #tpu.memory_space<vmem>>
    %dma_wait3A_731 = tpu.memref_slice %arg2[%add3A_650] : memref<1638400xi32, #tpu.memory_space<hbm>> -> memref<512xi32, #tpu.memory_space<hbm>>
    tpu.wait_dma2 semaphore(%arg12 : memref<!tpu.dma_semaphore, #tpu.memory_space<semaphore_mem>>) src(%dma_wait3A_731 : memref<512xi32, #tpu.memory_space<hbm>>) dst(%dma_wait3A_730 : memref<512xi32, #tpu.memory_space<vmem>>)
    %dma_wait3A_732 = arith.constant 3584 : i32
    %dma_wait3A_733 = tpu.memref_slice %arg5[%dma_wait3A_732] : memref<5120xi32, #tpu.memory_space<vmem>> -> memref<512xi32, #tpu.memory_space<vmem>>
    %dma_wait3A_734 = tpu.memref_slice %arg2[%add3A_658] : memref<1638400xi32, #tpu.memory_space<hbm>> -> memref<512xi32, #tpu.memory_space<hbm>>
    %dma_wait3A_735 = arith.constant 3584 : i32
    %dma_wait3A_736 = tpu.memref_slice %arg5[%dma_wait3A_735] : memref<5120xi32, #tpu.memory_space<vmem>> -> memref<512xi32, #tpu.memory_space<vmem>>
    %dma_wait3A_737 = tpu.memref_slice %arg2[%add3A_658] : memref<1638400xi32, #tpu.memory_space<hbm>> -> memref<512xi32, #tpu.memory_space<hbm>>
    tpu.wait_dma2 semaphore(%arg12 : memref<!tpu.dma_semaphore, #tpu.memory_space<semaphore_mem>>) src(%dma_wait3A_737 : memref<512xi32, #tpu.memory_space<hbm>>) dst(%dma_wait3A_736 : memref<512xi32, #tpu.memory_space<vmem>>)
    %dma_wait3A_738 = arith.constant 4096 : i32
    %dma_wait3A_739 = tpu.memref_slice %arg5[%dma_wait3A_738] : memref<5120xi32, #tpu.memory_space<vmem>> -> memref<512xi32, #tpu.memory_space<vmem>>
    %dma_wait3A_740 = tpu.memref_slice %arg2[%add3A_666] : memref<1638400xi32, #tpu.memory_space<hbm>> -> memref<512xi32, #tpu.memory_space<hbm>>
    %dma_wait3A_741 = arith.constant 4096 : i32
    %dma_wait3A_742 = tpu.memref_slice %arg5[%dma_wait3A_741] : memref<5120xi32, #tpu.memory_space<vmem>> -> memref<512xi32, #tpu.memory_space<vmem>>
    %dma_wait3A_743 = tpu.memref_slice %arg2[%add3A_666] : memref<1638400xi32, #tpu.memory_space<hbm>> -> memref<512xi32, #tpu.memory_space<hbm>>
    tpu.wait_dma2 semaphore(%arg12 : memref<!tpu.dma_semaphore, #tpu.memory_space<semaphore_mem>>) src(%dma_wait3A_743 : memref<512xi32, #tpu.memory_space<hbm>>) dst(%dma_wait3A_742 : memref<512xi32, #tpu.memory_space<vmem>>)
    %dma_wait3A_744 = arith.constant 4608 : i32
    %dma_wait3A_745 = tpu.memref_slice %arg5[%dma_wait3A_744] : memref<5120xi32, #tpu.memory_space<vmem>> -> memref<512xi32, #tpu.memory_space<vmem>>
    %dma_wait3A_746 = tpu.memref_slice %arg2[%add3A_674] : memref<1638400xi32, #tpu.memory_space<hbm>> -> memref<512xi32, #tpu.memory_space<hbm>>
    %dma_wait3A_747 = arith.constant 4608 : i32
    %dma_wait3A_748 = tpu.memref_slice %arg5[%dma_wait3A_747] : memref<5120xi32, #tpu.memory_space<vmem>> -> memref<512xi32, #tpu.memory_space<vmem>>
    %dma_wait3A_749 = tpu.memref_slice %arg2[%add3A_674] : memref<1638400xi32, #tpu.memory_space<hbm>> -> memref<512xi32, #tpu.memory_space<hbm>>
    tpu.wait_dma2 semaphore(%arg12 : memref<!tpu.dma_semaphore, #tpu.memory_space<semaphore_mem>>) src(%dma_wait3A_749 : memref<512xi32, #tpu.memory_space<hbm>>) dst(%dma_wait3A_748 : memref<512xi32, #tpu.memory_space<vmem>>)
    %dma_start3A_750 = arith.constant 0 : i32
    %dma_start3A_751 = tpu.memref_slice %arg11[%dma_start3A_750] : memref<1000016xf32, #tpu.memory_space<vmem_shared>> -> memref<1000016xf32, #tpu.memory_space<vmem_shared>>
    tpu.enqueue_indirect_dma source(%dma_start3A_751 : memref<1000016xf32, #tpu.memory_space<vmem_shared>>) target(%arg7 : memref<5120xf32, #tpu.memory_space<vmem>>) offsets(%arg5 : memref<5120xi32, #tpu.memory_space<vmem>>) semaphore(%arg13 : memref<!tpu.dma_semaphore, #tpu.memory_space<semaphore_mem>>)
    %add3A_752 = arith.constant 819200 : i32
    %add3A_753 = arith.addi %add3A_752, %mul3A_2 : i32
    %dma_start3A_754 = arith.constant 0 : i32
    %dma_start3A_755 = tpu.memref_slice %arg6[%dma_start3A_754] : memref<5120xi32, #tpu.memory_space<vmem>> -> memref<512xi32, #tpu.memory_space<vmem>>
    %dma_start3A_756 = tpu.memref_slice %arg2[%add3A_753] : memref<1638400xi32, #tpu.memory_space<hbm>> -> memref<512xi32, #tpu.memory_space<hbm>>
    %dma_start3A_757 = arith.constant 0 : i32
    %dma_start3A_758 = tpu.memref_slice %arg6[%dma_start3A_757] : memref<5120xi32, #tpu.memory_space<vmem>> -> memref<512xi32, #tpu.memory_space<vmem>>
    %dma_start3A_759 = tpu.memref_slice %arg2[%add3A_753] : memref<1638400xi32, #tpu.memory_space<hbm>> -> memref<512xi32, #tpu.memory_space<hbm>>
    tpu.enqueue_dma source(%dma_start3A_759 : memref<512xi32, #tpu.memory_space<hbm>>) target(%dma_start3A_758 : memref<512xi32, #tpu.memory_space<vmem>>) target_semaphore(%arg12 : memref<!tpu.dma_semaphore, #tpu.memory_space<semaphore_mem>>)
    %add3A_760 = arith.constant 835584 : i32
    %add3A_761 = arith.addi %add3A_760, %mul3A_2 : i32
    %dma_start3A_762 = arith.constant 512 : i32
    %dma_start3A_763 = tpu.memref_slice %arg6[%dma_start3A_762] : memref<5120xi32, #tpu.memory_space<vmem>> -> memref<512xi32, #tpu.memory_space<vmem>>
    %dma_start3A_764 = tpu.memref_slice %arg2[%add3A_761] : memref<1638400xi32, #tpu.memory_space<hbm>> -> memref<512xi32, #tpu.memory_space<hbm>>
    %dma_start3A_765 = arith.constant 512 : i32
    %dma_start3A_766 = tpu.memref_slice %arg6[%dma_start3A_765] : memref<5120xi32, #tpu.memory_space<vmem>> -> memref<512xi32, #tpu.memory_space<vmem>>
    %dma_start3A_767 = tpu.memref_slice %arg2[%add3A_761] : memref<1638400xi32, #tpu.memory_space<hbm>> -> memref<512xi32, #tpu.memory_space<hbm>>
    tpu.enqueue_dma source(%dma_start3A_767 : memref<512xi32, #tpu.memory_space<hbm>>) target(%dma_start3A_766 : memref<512xi32, #tpu.memory_space<vmem>>) target_semaphore(%arg12 : memref<!tpu.dma_semaphore, #tpu.memory_space<semaphore_mem>>)
    %add3A_768 = arith.constant 851968 : i32
    %add3A_769 = arith.addi %add3A_768, %mul3A_2 : i32
    %dma_start3A_770 = arith.constant 1024 : i32
    %dma_start3A_771 = tpu.memref_slice %arg6[%dma_start3A_770] : memref<5120xi32, #tpu.memory_space<vmem>> -> memref<512xi32, #tpu.memory_space<vmem>>
    %dma_start3A_772 = tpu.memref_slice %arg2[%add3A_769] : memref<1638400xi32, #tpu.memory_space<hbm>> -> memref<512xi32, #tpu.memory_space<hbm>>
    %dma_start3A_773 = arith.constant 1024 : i32
    %dma_start3A_774 = tpu.memref_slice %arg6[%dma_start3A_773] : memref<5120xi32, #tpu.memory_space<vmem>> -> memref<512xi32, #tpu.memory_space<vmem>>
    %dma_start3A_775 = tpu.memref_slice %arg2[%add3A_769] : memref<1638400xi32, #tpu.memory_space<hbm>> -> memref<512xi32, #tpu.memory_space<hbm>>
    tpu.enqueue_dma source(%dma_start3A_775 : memref<512xi32, #tpu.memory_space<hbm>>) target(%dma_start3A_774 : memref<512xi32, #tpu.memory_space<vmem>>) target_semaphore(%arg12 : memref<!tpu.dma_semaphore, #tpu.memory_space<semaphore_mem>>)
    %add3A_776 = arith.constant 868352 : i32
    %add3A_777 = arith.addi %add3A_776, %mul3A_2 : i32
    %dma_start3A_778 = arith.constant 1536 : i32
    %dma_start3A_779 = tpu.memref_slice %arg6[%dma_start3A_778] : memref<5120xi32, #tpu.memory_space<vmem>> -> memref<512xi32, #tpu.memory_space<vmem>>
    %dma_start3A_780 = tpu.memref_slice %arg2[%add3A_777] : memref<1638400xi32, #tpu.memory_space<hbm>> -> memref<512xi32, #tpu.memory_space<hbm>>
    %dma_start3A_781 = arith.constant 1536 : i32
    %dma_start3A_782 = tpu.memref_slice %arg6[%dma_start3A_781] : memref<5120xi32, #tpu.memory_space<vmem>> -> memref<512xi32, #tpu.memory_space<vmem>>
    %dma_start3A_783 = tpu.memref_slice %arg2[%add3A_777] : memref<1638400xi32, #tpu.memory_space<hbm>> -> memref<512xi32, #tpu.memory_space<hbm>>
    tpu.enqueue_dma source(%dma_start3A_783 : memref<512xi32, #tpu.memory_space<hbm>>) target(%dma_start3A_782 : memref<512xi32, #tpu.memory_space<vmem>>) target_semaphore(%arg12 : memref<!tpu.dma_semaphore, #tpu.memory_space<semaphore_mem>>)
    %add3A_784 = arith.constant 884736 : i32
    %add3A_785 = arith.addi %add3A_784, %mul3A_2 : i32
    %dma_start3A_786 = arith.constant 2048 : i32
    %dma_start3A_787 = tpu.memref_slice %arg6[%dma_start3A_786] : memref<5120xi32, #tpu.memory_space<vmem>> -> memref<512xi32, #tpu.memory_space<vmem>>
    %dma_start3A_788 = tpu.memref_slice %arg2[%add3A_785] : memref<1638400xi32, #tpu.memory_space<hbm>> -> memref<512xi32, #tpu.memory_space<hbm>>
    %dma_start3A_789 = arith.constant 2048 : i32
    %dma_start3A_790 = tpu.memref_slice %arg6[%dma_start3A_789] : memref<5120xi32, #tpu.memory_space<vmem>> -> memref<512xi32, #tpu.memory_space<vmem>>
    %dma_start3A_791 = tpu.memref_slice %arg2[%add3A_785] : memref<1638400xi32, #tpu.memory_space<hbm>> -> memref<512xi32, #tpu.memory_space<hbm>>
    tpu.enqueue_dma source(%dma_start3A_791 : memref<512xi32, #tpu.memory_space<hbm>>) target(%dma_start3A_790 : memref<512xi32, #tpu.memory_space<vmem>>) target_semaphore(%arg12 : memref<!tpu.dma_semaphore, #tpu.memory_space<semaphore_mem>>)
    %add3A_792 = arith.constant 901120 : i32
    %add3A_793 = arith.addi %add3A_792, %mul3A_2 : i32
    %dma_start3A_794 = arith.constant 2560 : i32
    %dma_start3A_795 = tpu.memref_slice %arg6[%dma_start3A_794] : memref<5120xi32, #tpu.memory_space<vmem>> -> memref<512xi32, #tpu.memory_space<vmem>>
    %dma_start3A_796 = tpu.memref_slice %arg2[%add3A_793] : memref<1638400xi32, #tpu.memory_space<hbm>> -> memref<512xi32, #tpu.memory_space<hbm>>
    %dma_start3A_797 = arith.constant 2560 : i32
    %dma_start3A_798 = tpu.memref_slice %arg6[%dma_start3A_797] : memref<5120xi32, #tpu.memory_space<vmem>> -> memref<512xi32, #tpu.memory_space<vmem>>
    %dma_start3A_799 = tpu.memref_slice %arg2[%add3A_793] : memref<1638400xi32, #tpu.memory_space<hbm>> -> memref<512xi32, #tpu.memory_space<hbm>>
    tpu.enqueue_dma source(%dma_start3A_799 : memref<512xi32, #tpu.memory_space<hbm>>) target(%dma_start3A_798 : memref<512xi32, #tpu.memory_space<vmem>>) target_semaphore(%arg12 : memref<!tpu.dma_semaphore, #tpu.memory_space<semaphore_mem>>)
    %add3A_800 = arith.constant 917504 : i32
    %add3A_801 = arith.addi %add3A_800, %mul3A_2 : i32
    %dma_start3A_802 = arith.constant 3072 : i32
    %dma_start3A_803 = tpu.memref_slice %arg6[%dma_start3A_802] : memref<5120xi32, #tpu.memory_space<vmem>> -> memref<512xi32, #tpu.memory_space<vmem>>
    %dma_start3A_804 = tpu.memref_slice %arg2[%add3A_801] : memref<1638400xi32, #tpu.memory_space<hbm>> -> memref<512xi32, #tpu.memory_space<hbm>>
    %dma_start3A_805 = arith.constant 3072 : i32
    %dma_start3A_806 = tpu.memref_slice %arg6[%dma_start3A_805] : memref<5120xi32, #tpu.memory_space<vmem>> -> memref<512xi32, #tpu.memory_space<vmem>>
    %dma_start3A_807 = tpu.memref_slice %arg2[%add3A_801] : memref<1638400xi32, #tpu.memory_space<hbm>> -> memref<512xi32, #tpu.memory_space<hbm>>
    tpu.enqueue_dma source(%dma_start3A_807 : memref<512xi32, #tpu.memory_space<hbm>>) target(%dma_start3A_806 : memref<512xi32, #tpu.memory_space<vmem>>) target_semaphore(%arg12 : memref<!tpu.dma_semaphore, #tpu.memory_space<semaphore_mem>>)
    %add3A_808 = arith.constant 933888 : i32
    %add3A_809 = arith.addi %add3A_808, %mul3A_2 : i32
    %dma_start3A_810 = arith.constant 3584 : i32
    %dma_start3A_811 = tpu.memref_slice %arg6[%dma_start3A_810] : memref<5120xi32, #tpu.memory_space<vmem>> -> memref<512xi32, #tpu.memory_space<vmem>>
    %dma_start3A_812 = tpu.memref_slice %arg2[%add3A_809] : memref<1638400xi32, #tpu.memory_space<hbm>> -> memref<512xi32, #tpu.memory_space<hbm>>
    %dma_start3A_813 = arith.constant 3584 : i32
    %dma_start3A_814 = tpu.memref_slice %arg6[%dma_start3A_813] : memref<5120xi32, #tpu.memory_space<vmem>> -> memref<512xi32, #tpu.memory_space<vmem>>
    %dma_start3A_815 = tpu.memref_slice %arg2[%add3A_809] : memref<1638400xi32, #tpu.memory_space<hbm>> -> memref<512xi32, #tpu.memory_space<hbm>>
    tpu.enqueue_dma source(%dma_start3A_815 : memref<512xi32, #tpu.memory_space<hbm>>) target(%dma_start3A_814 : memref<512xi32, #tpu.memory_space<vmem>>) target_semaphore(%arg12 : memref<!tpu.dma_semaphore, #tpu.memory_space<semaphore_mem>>)
    %add3A_816 = arith.constant 950272 : i32
    %add3A_817 = arith.addi %add3A_816, %mul3A_2 : i32
    %dma_start3A_818 = arith.constant 4096 : i32
    %dma_start3A_819 = tpu.memref_slice %arg6[%dma_start3A_818] : memref<5120xi32, #tpu.memory_space<vmem>> -> memref<512xi32, #tpu.memory_space<vmem>>
    %dma_start3A_820 = tpu.memref_slice %arg2[%add3A_817] : memref<1638400xi32, #tpu.memory_space<hbm>> -> memref<512xi32, #tpu.memory_space<hbm>>
    %dma_start3A_821 = arith.constant 4096 : i32
    %dma_start3A_822 = tpu.memref_slice %arg6[%dma_start3A_821] : memref<5120xi32, #tpu.memory_space<vmem>> -> memref<512xi32, #tpu.memory_space<vmem>>
    %dma_start3A_823 = tpu.memref_slice %arg2[%add3A_817] : memref<1638400xi32, #tpu.memory_space<hbm>> -> memref<512xi32, #tpu.memory_space<hbm>>
    tpu.enqueue_dma source(%dma_start3A_823 : memref<512xi32, #tpu.memory_space<hbm>>) target(%dma_start3A_822 : memref<512xi32, #tpu.memory_space<vmem>>) target_semaphore(%arg12 : memref<!tpu.dma_semaphore, #tpu.memory_space<semaphore_mem>>)
    %add3A_824 = arith.constant 966656 : i32
    %add3A_825 = arith.addi %add3A_824, %mul3A_2 : i32
    %dma_start3A_826 = arith.constant 4608 : i32
    %dma_start3A_827 = tpu.memref_slice %arg6[%dma_start3A_826] : memref<5120xi32, #tpu.memory_space<vmem>> -> memref<512xi32, #tpu.memory_space<vmem>>
    %dma_start3A_828 = tpu.memref_slice %arg2[%add3A_825] : memref<1638400xi32, #tpu.memory_space<hbm>> -> memref<512xi32, #tpu.memory_space<hbm>>
    %dma_start3A_829 = arith.constant 4608 : i32
    %dma_start3A_830 = tpu.memref_slice %arg6[%dma_start3A_829] : memref<5120xi32, #tpu.memory_space<vmem>> -> memref<512xi32, #tpu.memory_space<vmem>>
    %dma_start3A_831 = tpu.memref_slice %arg2[%add3A_825] : memref<1638400xi32, #tpu.memory_space<hbm>> -> memref<512xi32, #tpu.memory_space<hbm>>
    tpu.enqueue_dma source(%dma_start3A_831 : memref<512xi32, #tpu.memory_space<hbm>>) target(%dma_start3A_830 : memref<512xi32, #tpu.memory_space<vmem>>) target_semaphore(%arg12 : memref<!tpu.dma_semaphore, #tpu.memory_space<semaphore_mem>>)
    %scan3A_832 = arith.constant 0 : i32
    %scan3A_833 = arith.constant 0 : i32
    %scan3A_834 = arith.constant 32 : i32
    %scan3A_835 = arith.addi %scan3A_833, %scan3A_834 : i32
    %scan3A_836 = arith.constant 1 : i32
    %scan3A_837 = scf.for %scan3A_1523 = %scan3A_833 to %scan3A_835 step %scan3A_836 iter_args(%scan3A_1524 = %scan3A_832) -> (i32)  : i32 {
      %mul3A_1525 = arith.constant 16 : i32
      %mul3A_1526 = arith.muli %scan3A_1523, %mul3A_1525 : i32
      %multiple_of3A = tpu.assume_multiple %mul3A_1526, 16 : i32
      %get3A = arith.index_cast %multiple_of3A : i32 to index
      %get3A_1527 = tpu.vector_load %arg8[%get3A] {strides = array<i32>} : memref<5120xf32, #tpu.memory_space<vmem>>, vector<16xf32>,
      %get3A_1528 = vector.shape_cast %get3A_1527 : vector<16xf32> to vector<16xf32>
      %add3A_1529 = arith.constant 512 : i32
      %add3A_1530 = arith.addi %add3A_1529, %multiple_of3A : i32
      %get3A_1531 = arith.index_cast %add3A_1530 : i32 to index
      %get3A_1532 = tpu.vector_load %arg8[%get3A_1531] {strides = array<i32>} : memref<5120xf32, #tpu.memory_space<vmem>>, vector<16xf32>,
      %get3A_1533 = vector.shape_cast %get3A_1532 : vector<16xf32> to vector<16xf32>
      %add3A_1534 = arith.addf %get3A_1528, %get3A_1533 : vector<16xf32>
      %add3A_1535 = arith.constant 1024 : i32
      %add3A_1536 = arith.addi %add3A_1535, %multiple_of3A : i32
      %get3A_1537 = arith.index_cast %add3A_1536 : i32 to index
      %get3A_1538 = tpu.vector_load %arg8[%get3A_1537] {strides = array<i32>} : memref<5120xf32, #tpu.memory_space<vmem>>, vector<16xf32>,
      %get3A_1539 = vector.shape_cast %get3A_1538 : vector<16xf32> to vector<16xf32>
      %add3A_1540 = arith.addf %add3A_1534, %get3A_1539 : vector<16xf32>
      %add3A_1541 = arith.constant 1536 : i32
      %add3A_1542 = arith.addi %add3A_1541, %multiple_of3A : i32
      %get3A_1543 = arith.index_cast %add3A_1542 : i32 to index
      %get3A_1544 = tpu.vector_load %arg8[%get3A_1543] {strides = array<i32>} : memref<5120xf32, #tpu.memory_space<vmem>>, vector<16xf32>,
      %get3A_1545 = vector.shape_cast %get3A_1544 : vector<16xf32> to vector<16xf32>
      %add3A_1546 = arith.addf %add3A_1540, %get3A_1545 : vector<16xf32>
      %add3A_1547 = arith.constant 2048 : i32
      %add3A_1548 = arith.addi %add3A_1547, %multiple_of3A : i32
      %get3A_1549 = arith.index_cast %add3A_1548 : i32 to index
      %get3A_1550 = tpu.vector_load %arg8[%get3A_1549] {strides = array<i32>} : memref<5120xf32, #tpu.memory_space<vmem>>, vector<16xf32>,
      %get3A_1551 = vector.shape_cast %get3A_1550 : vector<16xf32> to vector<16xf32>
      %add3A_1552 = arith.addf %add3A_1546, %get3A_1551 : vector<16xf32>
      %add3A_1553 = arith.constant 2560 : i32
      %add3A_1554 = arith.addi %add3A_1553, %multiple_of3A : i32
      %get3A_1555 = arith.index_cast %add3A_1554 : i32 to index
      %get3A_1556 = tpu.vector_load %arg8[%get3A_1555] {strides = array<i32>} : memref<5120xf32, #tpu.memory_space<vmem>>, vector<16xf32>,
      %get3A_1557 = vector.shape_cast %get3A_1556 : vector<16xf32> to vector<16xf32>
      %add3A_1558 = arith.addf %add3A_1552, %get3A_1557 : vector<16xf32>
      %add3A_1559 = arith.constant 3072 : i32
      %add3A_1560 = arith.addi %add3A_1559, %multiple_of3A : i32
      %get3A_1561 = arith.index_cast %add3A_1560 : i32 to index
      %get3A_1562 = tpu.vector_load %arg8[%get3A_1561] {strides = array<i32>} : memref<5120xf32, #tpu.memory_space<vmem>>, vector<16xf32>,
      %get3A_1563 = vector.shape_cast %get3A_1562 : vector<16xf32> to vector<16xf32>
      %add3A_1564 = arith.addf %add3A_1558, %get3A_1563 : vector<16xf32>
      %add3A_1565 = arith.constant 3584 : i32
      %add3A_1566 = arith.addi %add3A_1565, %multiple_of3A : i32
      %get3A_1567 = arith.index_cast %add3A_1566 : i32 to index
      %get3A_1568 = tpu.vector_load %arg8[%get3A_1567] {strides = array<i32>} : memref<5120xf32, #tpu.memory_space<vmem>>, vector<16xf32>,
      %get3A_1569 = vector.shape_cast %get3A_1568 : vector<16xf32> to vector<16xf32>
      %add3A_1570 = arith.addf %add3A_1564, %get3A_1569 : vector<16xf32>
      %add3A_1571 = arith.constant 4096 : i32
      %add3A_1572 = arith.addi %add3A_1571, %multiple_of3A : i32
      %get3A_1573 = arith.index_cast %add3A_1572 : i32 to index
      %get3A_1574 = tpu.vector_load %arg8[%get3A_1573] {strides = array<i32>} : memref<5120xf32, #tpu.memory_space<vmem>>, vector<16xf32>,
      %get3A_1575 = vector.shape_cast %get3A_1574 : vector<16xf32> to vector<16xf32>
      %add3A_1576 = arith.addf %add3A_1570, %get3A_1575 : vector<16xf32>
      %add3A_1577 = arith.constant 4608 : i32
      %add3A_1578 = arith.addi %add3A_1577, %multiple_of3A : i32
      %get3A_1579 = arith.index_cast %add3A_1578 : i32 to index
      %get3A_1580 = tpu.vector_load %arg8[%get3A_1579] {strides = array<i32>} : memref<5120xf32, #tpu.memory_space<vmem>>, vector<16xf32>,
      %get3A_1581 = vector.shape_cast %get3A_1580 : vector<16xf32> to vector<16xf32>
      %add3A_1582 = arith.addf %add3A_1576, %get3A_1581 : vector<16xf32>
      %get3A_1583 = arith.index_cast %multiple_of3A : i32 to index
      %get3A_1584 = tpu.vector_load %arg9[%get3A_1583] {strides = array<i32>} : memref<512xf32, #tpu.memory_space<vmem>>, vector<16xf32>,
      %get3A_1585 = vector.shape_cast %get3A_1584 : vector<16xf32> to vector<16xf32>
      %add3A_1586 = arith.addf %get3A_1585, %add3A_1582 : vector<16xf32>
      %swap3A = arith.index_cast %multiple_of3A : i32 to index
      %swap3A_1587 = tpu.vector_load %arg9[%swap3A] {strides = array<i32>} : memref<512xf32, #tpu.memory_space<vmem>>, vector<16xf32>,
      %swap3A_1588 = vector.shape_cast %swap3A_1587 : vector<16xf32> to vector<16xf32>
      %swap3A_1589 = vector.shape_cast %add3A_1586 : vector<16xf32> to vector<16xf32>
      tpu.vector_store %arg9[%swap3A], %swap3A_1589 {strides = array<i32>} : memref<512xf32, #tpu.memory_space<vmem>>, vector<16xf32>,
      %scan3A_1590 = arith.constant 0 : i32
      scf.yield %scan3A_1590 : i32
    }
    %scan3A_838 = arith.constant 32 : i32
    %dma_wait3A_839 = arith.constant 0 : i32
    %dma_wait3A_840 = tpu.memref_slice %arg11[%dma_wait3A_839] : memref<1000016xf32, #tpu.memory_space<vmem_shared>> -> memref<1000016xf32, #tpu.memory_space<vmem_shared>>
    tpu.wait_indirect_dma semaphore(%arg13 : memref<!tpu.dma_semaphore, #tpu.memory_space<semaphore_mem>>) src(%dma_wait3A_840 : memref<1000016xf32, #tpu.memory_space<vmem_shared>>) dst(%arg7 : memref<5120xf32, #tpu.memory_space<vmem>>)
    %dma_wait3A_841 = arith.constant 0 : i32
    %dma_wait3A_842 = tpu.memref_slice %arg6[%dma_wait3A_841] : memref<5120xi32, #tpu.memory_space<vmem>> -> memref<512xi32, #tpu.memory_space<vmem>>
    %dma_wait3A_843 = tpu.memref_slice %arg2[%add3A_753] : memref<1638400xi32, #tpu.memory_space<hbm>> -> memref<512xi32, #tpu.memory_space<hbm>>
    %dma_wait3A_844 = arith.constant 0 : i32
    %dma_wait3A_845 = tpu.memref_slice %arg6[%dma_wait3A_844] : memref<5120xi32, #tpu.memory_space<vmem>> -> memref<512xi32, #tpu.memory_space<vmem>>
    %dma_wait3A_846 = tpu.memref_slice %arg2[%add3A_753] : memref<1638400xi32, #tpu.memory_space<hbm>> -> memref<512xi32, #tpu.memory_space<hbm>>
    tpu.wait_dma2 semaphore(%arg12 : memref<!tpu.dma_semaphore, #tpu.memory_space<semaphore_mem>>) src(%dma_wait3A_846 : memref<512xi32, #tpu.memory_space<hbm>>) dst(%dma_wait3A_845 : memref<512xi32, #tpu.memory_space<vmem>>)
    %dma_wait3A_847 = arith.constant 512 : i32
    %dma_wait3A_848 = tpu.memref_slice %arg6[%dma_wait3A_847] : memref<5120xi32, #tpu.memory_space<vmem>> -> memref<512xi32, #tpu.memory_space<vmem>>
    %dma_wait3A_849 = tpu.memref_slice %arg2[%add3A_761] : memref<1638400xi32, #tpu.memory_space<hbm>> -> memref<512xi32, #tpu.memory_space<hbm>>
    %dma_wait3A_850 = arith.constant 512 : i32
    %dma_wait3A_851 = tpu.memref_slice %arg6[%dma_wait3A_850] : memref<5120xi32, #tpu.memory_space<vmem>> -> memref<512xi32, #tpu.memory_space<vmem>>
    %dma_wait3A_852 = tpu.memref_slice %arg2[%add3A_761] : memref<1638400xi32, #tpu.memory_space<hbm>> -> memref<512xi32, #tpu.memory_space<hbm>>
    tpu.wait_dma2 semaphore(%arg12 : memref<!tpu.dma_semaphore, #tpu.memory_space<semaphore_mem>>) src(%dma_wait3A_852 : memref<512xi32, #tpu.memory_space<hbm>>) dst(%dma_wait3A_851 : memref<512xi32, #tpu.memory_space<vmem>>)
    %dma_wait3A_853 = arith.constant 1024 : i32
    %dma_wait3A_854 = tpu.memref_slice %arg6[%dma_wait3A_853] : memref<5120xi32, #tpu.memory_space<vmem>> -> memref<512xi32, #tpu.memory_space<vmem>>
    %dma_wait3A_855 = tpu.memref_slice %arg2[%add3A_769] : memref<1638400xi32, #tpu.memory_space<hbm>> -> memref<512xi32, #tpu.memory_space<hbm>>
    %dma_wait3A_856 = arith.constant 1024 : i32
    %dma_wait3A_857 = tpu.memref_slice %arg6[%dma_wait3A_856] : memref<5120xi32, #tpu.memory_space<vmem>> -> memref<512xi32, #tpu.memory_space<vmem>>
    %dma_wait3A_858 = tpu.memref_slice %arg2[%add3A_769] : memref<1638400xi32, #tpu.memory_space<hbm>> -> memref<512xi32, #tpu.memory_space<hbm>>
    tpu.wait_dma2 semaphore(%arg12 : memref<!tpu.dma_semaphore, #tpu.memory_space<semaphore_mem>>) src(%dma_wait3A_858 : memref<512xi32, #tpu.memory_space<hbm>>) dst(%dma_wait3A_857 : memref<512xi32, #tpu.memory_space<vmem>>)
    %dma_wait3A_859 = arith.constant 1536 : i32
    %dma_wait3A_860 = tpu.memref_slice %arg6[%dma_wait3A_859] : memref<5120xi32, #tpu.memory_space<vmem>> -> memref<512xi32, #tpu.memory_space<vmem>>
    %dma_wait3A_861 = tpu.memref_slice %arg2[%add3A_777] : memref<1638400xi32, #tpu.memory_space<hbm>> -> memref<512xi32, #tpu.memory_space<hbm>>
    %dma_wait3A_862 = arith.constant 1536 : i32
    %dma_wait3A_863 = tpu.memref_slice %arg6[%dma_wait3A_862] : memref<5120xi32, #tpu.memory_space<vmem>> -> memref<512xi32, #tpu.memory_space<vmem>>
    %dma_wait3A_864 = tpu.memref_slice %arg2[%add3A_777] : memref<1638400xi32, #tpu.memory_space<hbm>> -> memref<512xi32, #tpu.memory_space<hbm>>
    tpu.wait_dma2 semaphore(%arg12 : memref<!tpu.dma_semaphore, #tpu.memory_space<semaphore_mem>>) src(%dma_wait3A_864 : memref<512xi32, #tpu.memory_space<hbm>>) dst(%dma_wait3A_863 : memref<512xi32, #tpu.memory_space<vmem>>)
    %dma_wait3A_865 = arith.constant 2048 : i32
    %dma_wait3A_866 = tpu.memref_slice %arg6[%dma_wait3A_865] : memref<5120xi32, #tpu.memory_space<vmem>> -> memref<512xi32, #tpu.memory_space<vmem>>
    %dma_wait3A_867 = tpu.memref_slice %arg2[%add3A_785] : memref<1638400xi32, #tpu.memory_space<hbm>> -> memref<512xi32, #tpu.memory_space<hbm>>
    %dma_wait3A_868 = arith.constant 2048 : i32
    %dma_wait3A_869 = tpu.memref_slice %arg6[%dma_wait3A_868] : memref<5120xi32, #tpu.memory_space<vmem>> -> memref<512xi32, #tpu.memory_space<vmem>>
    %dma_wait3A_870 = tpu.memref_slice %arg2[%add3A_785] : memref<1638400xi32, #tpu.memory_space<hbm>> -> memref<512xi32, #tpu.memory_space<hbm>>
    tpu.wait_dma2 semaphore(%arg12 : memref<!tpu.dma_semaphore, #tpu.memory_space<semaphore_mem>>) src(%dma_wait3A_870 : memref<512xi32, #tpu.memory_space<hbm>>) dst(%dma_wait3A_869 : memref<512xi32, #tpu.memory_space<vmem>>)
    %dma_wait3A_871 = arith.constant 2560 : i32
    %dma_wait3A_872 = tpu.memref_slice %arg6[%dma_wait3A_871] : memref<5120xi32, #tpu.memory_space<vmem>> -> memref<512xi32, #tpu.memory_space<vmem>>
    %dma_wait3A_873 = tpu.memref_slice %arg2[%add3A_793] : memref<1638400xi32, #tpu.memory_space<hbm>> -> memref<512xi32, #tpu.memory_space<hbm>>
    %dma_wait3A_874 = arith.constant 2560 : i32
    %dma_wait3A_875 = tpu.memref_slice %arg6[%dma_wait3A_874] : memref<5120xi32, #tpu.memory_space<vmem>> -> memref<512xi32, #tpu.memory_space<vmem>>
    %dma_wait3A_876 = tpu.memref_slice %arg2[%add3A_793] : memref<1638400xi32, #tpu.memory_space<hbm>> -> memref<512xi32, #tpu.memory_space<hbm>>
    tpu.wait_dma2 semaphore(%arg12 : memref<!tpu.dma_semaphore, #tpu.memory_space<semaphore_mem>>) src(%dma_wait3A_876 : memref<512xi32, #tpu.memory_space<hbm>>) dst(%dma_wait3A_875 : memref<512xi32, #tpu.memory_space<vmem>>)
    %dma_wait3A_877 = arith.constant 3072 : i32
    %dma_wait3A_878 = tpu.memref_slice %arg6[%dma_wait3A_877] : memref<5120xi32, #tpu.memory_space<vmem>> -> memref<512xi32, #tpu.memory_space<vmem>>
    %dma_wait3A_879 = tpu.memref_slice %arg2[%add3A_801] : memref<1638400xi32, #tpu.memory_space<hbm>> -> memref<512xi32, #tpu.memory_space<hbm>>
    %dma_wait3A_880 = arith.constant 3072 : i32
    %dma_wait3A_881 = tpu.memref_slice %arg6[%dma_wait3A_880] : memref<5120xi32, #tpu.memory_space<vmem>> -> memref<512xi32, #tpu.memory_space<vmem>>
    %dma_wait3A_882 = tpu.memref_slice %arg2[%add3A_801] : memref<1638400xi32, #tpu.memory_space<hbm>> -> memref<512xi32, #tpu.memory_space<hbm>>
    tpu.wait_dma2 semaphore(%arg12 : memref<!tpu.dma_semaphore, #tpu.memory_space<semaphore_mem>>) src(%dma_wait3A_882 : memref<512xi32, #tpu.memory_space<hbm>>) dst(%dma_wait3A_881 : memref<512xi32, #tpu.memory_space<vmem>>)
    %dma_wait3A_883 = arith.constant 3584 : i32
    %dma_wait3A_884 = tpu.memref_slice %arg6[%dma_wait3A_883] : memref<5120xi32, #tpu.memory_space<vmem>> -> memref<512xi32, #tpu.memory_space<vmem>>
    %dma_wait3A_885 = tpu.memref_slice %arg2[%add3A_809] : memref<1638400xi32, #tpu.memory_space<hbm>> -> memref<512xi32, #tpu.memory_space<hbm>>
    %dma_wait3A_886 = arith.constant 3584 : i32
    %dma_wait3A_887 = tpu.memref_slice %arg6[%dma_wait3A_886] : memref<5120xi32, #tpu.memory_space<vmem>> -> memref<512xi32, #tpu.memory_space<vmem>>
    %dma_wait3A_888 = tpu.memref_slice %arg2[%add3A_809] : memref<1638400xi32, #tpu.memory_space<hbm>> -> memref<512xi32, #tpu.memory_space<hbm>>
    tpu.wait_dma2 semaphore(%arg12 : memref<!tpu.dma_semaphore, #tpu.memory_space<semaphore_mem>>) src(%dma_wait3A_888 : memref<512xi32, #tpu.memory_space<hbm>>) dst(%dma_wait3A_887 : memref<512xi32, #tpu.memory_space<vmem>>)
    %dma_wait3A_889 = arith.constant 4096 : i32
    %dma_wait3A_890 = tpu.memref_slice %arg6[%dma_wait3A_889] : memref<5120xi32, #tpu.memory_space<vmem>> -> memref<512xi32, #tpu.memory_space<vmem>>
    %dma_wait3A_891 = tpu.memref_slice %arg2[%add3A_817] : memref<1638400xi32, #tpu.memory_space<hbm>> -> memref<512xi32, #tpu.memory_space<hbm>>
    %dma_wait3A_892 = arith.constant 4096 : i32
    %dma_wait3A_893 = tpu.memref_slice %arg6[%dma_wait3A_892] : memref<5120xi32, #tpu.memory_space<vmem>> -> memref<512xi32, #tpu.memory_space<vmem>>
    %dma_wait3A_894 = tpu.memref_slice %arg2[%add3A_817] : memref<1638400xi32, #tpu.memory_space<hbm>> -> memref<512xi32, #tpu.memory_space<hbm>>
    tpu.wait_dma2 semaphore(%arg12 : memref<!tpu.dma_semaphore, #tpu.memory_space<semaphore_mem>>) src(%dma_wait3A_894 : memref<512xi32, #tpu.memory_space<hbm>>) dst(%dma_wait3A_893 : memref<512xi32, #tpu.memory_space<vmem>>)
    %dma_wait3A_895 = arith.constant 4608 : i32
    %dma_wait3A_896 = tpu.memref_slice %arg6[%dma_wait3A_895] : memref<5120xi32, #tpu.memory_space<vmem>> -> memref<512xi32, #tpu.memory_space<vmem>>
    %dma_wait3A_897 = tpu.memref_slice %arg2[%add3A_825] : memref<1638400xi32, #tpu.memory_space<hbm>> -> memref<512xi32, #tpu.memory_space<hbm>>
    %dma_wait3A_898 = arith.constant 4608 : i32
    %dma_wait3A_899 = tpu.memref_slice %arg6[%dma_wait3A_898] : memref<5120xi32, #tpu.memory_space<vmem>> -> memref<512xi32, #tpu.memory_space<vmem>>
    %dma_wait3A_900 = tpu.memref_slice %arg2[%add3A_825] : memref<1638400xi32, #tpu.memory_space<hbm>> -> memref<512xi32, #tpu.memory_space<hbm>>
    tpu.wait_dma2 semaphore(%arg12 : memref<!tpu.dma_semaphore, #tpu.memory_space<semaphore_mem>>) src(%dma_wait3A_900 : memref<512xi32, #tpu.memory_space<hbm>>) dst(%dma_wait3A_899 : memref<512xi32, #tpu.memory_space<vmem>>)
    %dma_start3A_901 = arith.constant 0 : i32
    %dma_start3A_902 = tpu.memref_slice %arg11[%dma_start3A_901] : memref<1000016xf32, #tpu.memory_space<vmem_shared>> -> memref<1000016xf32, #tpu.memory_space<vmem_shared>>
    tpu.enqueue_indirect_dma source(%dma_start3A_902 : memref<1000016xf32, #tpu.memory_space<vmem_shared>>) target(%arg8 : memref<5120xf32, #tpu.memory_space<vmem>>) offsets(%arg6 : memref<5120xi32, #tpu.memory_space<vmem>>) semaphore(%arg13 : memref<!tpu.dma_semaphore, #tpu.memory_space<semaphore_mem>>)
    %add3A_903 = arith.constant 983040 : i32
    %add3A_904 = arith.addi %add3A_903, %mul3A_2 : i32
    %dma_start3A_905 = arith.constant 0 : i32
    %dma_start3A_906 = tpu.memref_slice %arg5[%dma_start3A_905] : memref<5120xi32, #tpu.memory_space<vmem>> -> memref<512xi32, #tpu.memory_space<vmem>>
    %dma_start3A_907 = tpu.memref_slice %arg2[%add3A_904] : memref<1638400xi32, #tpu.memory_space<hbm>> -> memref<512xi32, #tpu.memory_space<hbm>>
    %dma_start3A_908 = arith.constant 0 : i32
    %dma_start3A_909 = tpu.memref_slice %arg5[%dma_start3A_908] : memref<5120xi32, #tpu.memory_space<vmem>> -> memref<512xi32, #tpu.memory_space<vmem>>
    %dma_start3A_910 = tpu.memref_slice %arg2[%add3A_904] : memref<1638400xi32, #tpu.memory_space<hbm>> -> memref<512xi32, #tpu.memory_space<hbm>>
    tpu.enqueue_dma source(%dma_start3A_910 : memref<512xi32, #tpu.memory_space<hbm>>) target(%dma_start3A_909 : memref<512xi32, #tpu.memory_space<vmem>>) target_semaphore(%arg12 : memref<!tpu.dma_semaphore, #tpu.memory_space<semaphore_mem>>)
    %add3A_911 = arith.constant 999424 : i32
    %add3A_912 = arith.addi %add3A_911, %mul3A_2 : i32
    %dma_start3A_913 = arith.constant 512 : i32
    %dma_start3A_914 = tpu.memref_slice %arg5[%dma_start3A_913] : memref<5120xi32, #tpu.memory_space<vmem>> -> memref<512xi32, #tpu.memory_space<vmem>>
    %dma_start3A_915 = tpu.memref_slice %arg2[%add3A_912] : memref<1638400xi32, #tpu.memory_space<hbm>> -> memref<512xi32, #tpu.memory_space<hbm>>
    %dma_start3A_916 = arith.constant 512 : i32
    %dma_start3A_917 = tpu.memref_slice %arg5[%dma_start3A_916] : memref<5120xi32, #tpu.memory_space<vmem>> -> memref<512xi32, #tpu.memory_space<vmem>>
    %dma_start3A_918 = tpu.memref_slice %arg2[%add3A_912] : memref<1638400xi32, #tpu.memory_space<hbm>> -> memref<512xi32, #tpu.memory_space<hbm>>
    tpu.enqueue_dma source(%dma_start3A_918 : memref<512xi32, #tpu.memory_space<hbm>>) target(%dma_start3A_917 : memref<512xi32, #tpu.memory_space<vmem>>) target_semaphore(%arg12 : memref<!tpu.dma_semaphore, #tpu.memory_space<semaphore_mem>>)
    %add3A_919 = arith.constant 1015808 : i32
    %add3A_920 = arith.addi %add3A_919, %mul3A_2 : i32
    %dma_start3A_921 = arith.constant 1024 : i32
    %dma_start3A_922 = tpu.memref_slice %arg5[%dma_start3A_921] : memref<5120xi32, #tpu.memory_space<vmem>> -> memref<512xi32, #tpu.memory_space<vmem>>
    %dma_start3A_923 = tpu.memref_slice %arg2[%add3A_920] : memref<1638400xi32, #tpu.memory_space<hbm>> -> memref<512xi32, #tpu.memory_space<hbm>>
    %dma_start3A_924 = arith.constant 1024 : i32
    %dma_start3A_925 = tpu.memref_slice %arg5[%dma_start3A_924] : memref<5120xi32, #tpu.memory_space<vmem>> -> memref<512xi32, #tpu.memory_space<vmem>>
    %dma_start3A_926 = tpu.memref_slice %arg2[%add3A_920] : memref<1638400xi32, #tpu.memory_space<hbm>> -> memref<512xi32, #tpu.memory_space<hbm>>
    tpu.enqueue_dma source(%dma_start3A_926 : memref<512xi32, #tpu.memory_space<hbm>>) target(%dma_start3A_925 : memref<512xi32, #tpu.memory_space<vmem>>) target_semaphore(%arg12 : memref<!tpu.dma_semaphore, #tpu.memory_space<semaphore_mem>>)
    %add3A_927 = arith.constant 1032192 : i32
    %add3A_928 = arith.addi %add3A_927, %mul3A_2 : i32
    %dma_start3A_929 = arith.constant 1536 : i32
    %dma_start3A_930 = tpu.memref_slice %arg5[%dma_start3A_929] : memref<5120xi32, #tpu.memory_space<vmem>> -> memref<512xi32, #tpu.memory_space<vmem>>
    %dma_start3A_931 = tpu.memref_slice %arg2[%add3A_928] : memref<1638400xi32, #tpu.memory_space<hbm>> -> memref<512xi32, #tpu.memory_space<hbm>>
    %dma_start3A_932 = arith.constant 1536 : i32
    %dma_start3A_933 = tpu.memref_slice %arg5[%dma_start3A_932] : memref<5120xi32, #tpu.memory_space<vmem>> -> memref<512xi32, #tpu.memory_space<vmem>>
    %dma_start3A_934 = tpu.memref_slice %arg2[%add3A_928] : memref<1638400xi32, #tpu.memory_space<hbm>> -> memref<512xi32, #tpu.memory_space<hbm>>
    tpu.enqueue_dma source(%dma_start3A_934 : memref<512xi32, #tpu.memory_space<hbm>>) target(%dma_start3A_933 : memref<512xi32, #tpu.memory_space<vmem>>) target_semaphore(%arg12 : memref<!tpu.dma_semaphore, #tpu.memory_space<semaphore_mem>>)
    %add3A_935 = arith.constant 1048576 : i32
    %add3A_936 = arith.addi %add3A_935, %mul3A_2 : i32
    %dma_start3A_937 = arith.constant 2048 : i32
    %dma_start3A_938 = tpu.memref_slice %arg5[%dma_start3A_937] : memref<5120xi32, #tpu.memory_space<vmem>> -> memref<512xi32, #tpu.memory_space<vmem>>
    %dma_start3A_939 = tpu.memref_slice %arg2[%add3A_936] : memref<1638400xi32, #tpu.memory_space<hbm>> -> memref<512xi32, #tpu.memory_space<hbm>>
    %dma_start3A_940 = arith.constant 2048 : i32
    %dma_start3A_941 = tpu.memref_slice %arg5[%dma_start3A_940] : memref<5120xi32, #tpu.memory_space<vmem>> -> memref<512xi32, #tpu.memory_space<vmem>>
    %dma_start3A_942 = tpu.memref_slice %arg2[%add3A_936] : memref<1638400xi32, #tpu.memory_space<hbm>> -> memref<512xi32, #tpu.memory_space<hbm>>
    tpu.enqueue_dma source(%dma_start3A_942 : memref<512xi32, #tpu.memory_space<hbm>>) target(%dma_start3A_941 : memref<512xi32, #tpu.memory_space<vmem>>) target_semaphore(%arg12 : memref<!tpu.dma_semaphore, #tpu.memory_space<semaphore_mem>>)
    %add3A_943 = arith.constant 1064960 : i32
    %add3A_944 = arith.addi %add3A_943, %mul3A_2 : i32
    %dma_start3A_945 = arith.constant 2560 : i32
    %dma_start3A_946 = tpu.memref_slice %arg5[%dma_start3A_945] : memref<5120xi32, #tpu.memory_space<vmem>> -> memref<512xi32, #tpu.memory_space<vmem>>
    %dma_start3A_947 = tpu.memref_slice %arg2[%add3A_944] : memref<1638400xi32, #tpu.memory_space<hbm>> -> memref<512xi32, #tpu.memory_space<hbm>>
    %dma_start3A_948 = arith.constant 2560 : i32
    %dma_start3A_949 = tpu.memref_slice %arg5[%dma_start3A_948] : memref<5120xi32, #tpu.memory_space<vmem>> -> memref<512xi32, #tpu.memory_space<vmem>>
    %dma_start3A_950 = tpu.memref_slice %arg2[%add3A_944] : memref<1638400xi32, #tpu.memory_space<hbm>> -> memref<512xi32, #tpu.memory_space<hbm>>
    tpu.enqueue_dma source(%dma_start3A_950 : memref<512xi32, #tpu.memory_space<hbm>>) target(%dma_start3A_949 : memref<512xi32, #tpu.memory_space<vmem>>) target_semaphore(%arg12 : memref<!tpu.dma_semaphore, #tpu.memory_space<semaphore_mem>>)
    %add3A_951 = arith.constant 1081344 : i32
    %add3A_952 = arith.addi %add3A_951, %mul3A_2 : i32
    %dma_start3A_953 = arith.constant 3072 : i32
    %dma_start3A_954 = tpu.memref_slice %arg5[%dma_start3A_953] : memref<5120xi32, #tpu.memory_space<vmem>> -> memref<512xi32, #tpu.memory_space<vmem>>
    %dma_start3A_955 = tpu.memref_slice %arg2[%add3A_952] : memref<1638400xi32, #tpu.memory_space<hbm>> -> memref<512xi32, #tpu.memory_space<hbm>>
    %dma_start3A_956 = arith.constant 3072 : i32
    %dma_start3A_957 = tpu.memref_slice %arg5[%dma_start3A_956] : memref<5120xi32, #tpu.memory_space<vmem>> -> memref<512xi32, #tpu.memory_space<vmem>>
    %dma_start3A_958 = tpu.memref_slice %arg2[%add3A_952] : memref<1638400xi32, #tpu.memory_space<hbm>> -> memref<512xi32, #tpu.memory_space<hbm>>
    tpu.enqueue_dma source(%dma_start3A_958 : memref<512xi32, #tpu.memory_space<hbm>>) target(%dma_start3A_957 : memref<512xi32, #tpu.memory_space<vmem>>) target_semaphore(%arg12 : memref<!tpu.dma_semaphore, #tpu.memory_space<semaphore_mem>>)
    %add3A_959 = arith.constant 1097728 : i32
    %add3A_960 = arith.addi %add3A_959, %mul3A_2 : i32
    %dma_start3A_961 = arith.constant 3584 : i32
    %dma_start3A_962 = tpu.memref_slice %arg5[%dma_start3A_961] : memref<5120xi32, #tpu.memory_space<vmem>> -> memref<512xi32, #tpu.memory_space<vmem>>
    %dma_start3A_963 = tpu.memref_slice %arg2[%add3A_960] : memref<1638400xi32, #tpu.memory_space<hbm>> -> memref<512xi32, #tpu.memory_space<hbm>>
    %dma_start3A_964 = arith.constant 3584 : i32
    %dma_start3A_965 = tpu.memref_slice %arg5[%dma_start3A_964] : memref<5120xi32, #tpu.memory_space<vmem>> -> memref<512xi32, #tpu.memory_space<vmem>>
    %dma_start3A_966 = tpu.memref_slice %arg2[%add3A_960] : memref<1638400xi32, #tpu.memory_space<hbm>> -> memref<512xi32, #tpu.memory_space<hbm>>
    tpu.enqueue_dma source(%dma_start3A_966 : memref<512xi32, #tpu.memory_space<hbm>>) target(%dma_start3A_965 : memref<512xi32, #tpu.memory_space<vmem>>) target_semaphore(%arg12 : memref<!tpu.dma_semaphore, #tpu.memory_space<semaphore_mem>>)
    %add3A_967 = arith.constant 1114112 : i32
    %add3A_968 = arith.addi %add3A_967, %mul3A_2 : i32
    %dma_start3A_969 = arith.constant 4096 : i32
    %dma_start3A_970 = tpu.memref_slice %arg5[%dma_start3A_969] : memref<5120xi32, #tpu.memory_space<vmem>> -> memref<512xi32, #tpu.memory_space<vmem>>
    %dma_start3A_971 = tpu.memref_slice %arg2[%add3A_968] : memref<1638400xi32, #tpu.memory_space<hbm>> -> memref<512xi32, #tpu.memory_space<hbm>>
    %dma_start3A_972 = arith.constant 4096 : i32
    %dma_start3A_973 = tpu.memref_slice %arg5[%dma_start3A_972] : memref<5120xi32, #tpu.memory_space<vmem>> -> memref<512xi32, #tpu.memory_space<vmem>>
    %dma_start3A_974 = tpu.memref_slice %arg2[%add3A_968] : memref<1638400xi32, #tpu.memory_space<hbm>> -> memref<512xi32, #tpu.memory_space<hbm>>
    tpu.enqueue_dma source(%dma_start3A_974 : memref<512xi32, #tpu.memory_space<hbm>>) target(%dma_start3A_973 : memref<512xi32, #tpu.memory_space<vmem>>) target_semaphore(%arg12 : memref<!tpu.dma_semaphore, #tpu.memory_space<semaphore_mem>>)
    %add3A_975 = arith.constant 1130496 : i32
    %add3A_976 = arith.addi %add3A_975, %mul3A_2 : i32
    %dma_start3A_977 = arith.constant 4608 : i32
    %dma_start3A_978 = tpu.memref_slice %arg5[%dma_start3A_977] : memref<5120xi32, #tpu.memory_space<vmem>> -> memref<512xi32, #tpu.memory_space<vmem>>
    %dma_start3A_979 = tpu.memref_slice %arg2[%add3A_976] : memref<1638400xi32, #tpu.memory_space<hbm>> -> memref<512xi32, #tpu.memory_space<hbm>>
    %dma_start3A_980 = arith.constant 4608 : i32
    %dma_start3A_981 = tpu.memref_slice %arg5[%dma_start3A_980] : memref<5120xi32, #tpu.memory_space<vmem>> -> memref<512xi32, #tpu.memory_space<vmem>>
    %dma_start3A_982 = tpu.memref_slice %arg2[%add3A_976] : memref<1638400xi32, #tpu.memory_space<hbm>> -> memref<512xi32, #tpu.memory_space<hbm>>
    tpu.enqueue_dma source(%dma_start3A_982 : memref<512xi32, #tpu.memory_space<hbm>>) target(%dma_start3A_981 : memref<512xi32, #tpu.memory_space<vmem>>) target_semaphore(%arg12 : memref<!tpu.dma_semaphore, #tpu.memory_space<semaphore_mem>>)
    %scan3A_983 = arith.constant 0 : i32
    %scan3A_984 = arith.constant 0 : i32
    %scan3A_985 = arith.constant 32 : i32
    %scan3A_986 = arith.addi %scan3A_984, %scan3A_985 : i32
    %scan3A_987 = arith.constant 1 : i32
    %scan3A_988 = scf.for %scan3A_1523 = %scan3A_984 to %scan3A_986 step %scan3A_987 iter_args(%scan3A_1524 = %scan3A_983) -> (i32)  : i32 {
      %mul3A_1525 = arith.constant 16 : i32
      %mul3A_1526 = arith.muli %scan3A_1523, %mul3A_1525 : i32
      %multiple_of3A = tpu.assume_multiple %mul3A_1526, 16 : i32
      %get3A = arith.index_cast %multiple_of3A : i32 to index
      %get3A_1527 = tpu.vector_load %arg7[%get3A] {strides = array<i32>} : memref<5120xf32, #tpu.memory_space<vmem>>, vector<16xf32>,
      %get3A_1528 = vector.shape_cast %get3A_1527 : vector<16xf32> to vector<16xf32>
      %add3A_1529 = arith.constant 512 : i32
      %add3A_1530 = arith.addi %add3A_1529, %multiple_of3A : i32
      %get3A_1531 = arith.index_cast %add3A_1530 : i32 to index
      %get3A_1532 = tpu.vector_load %arg7[%get3A_1531] {strides = array<i32>} : memref<5120xf32, #tpu.memory_space<vmem>>, vector<16xf32>,
      %get3A_1533 = vector.shape_cast %get3A_1532 : vector<16xf32> to vector<16xf32>
      %add3A_1534 = arith.addf %get3A_1528, %get3A_1533 : vector<16xf32>
      %add3A_1535 = arith.constant 1024 : i32
      %add3A_1536 = arith.addi %add3A_1535, %multiple_of3A : i32
      %get3A_1537 = arith.index_cast %add3A_1536 : i32 to index
      %get3A_1538 = tpu.vector_load %arg7[%get3A_1537] {strides = array<i32>} : memref<5120xf32, #tpu.memory_space<vmem>>, vector<16xf32>,
      %get3A_1539 = vector.shape_cast %get3A_1538 : vector<16xf32> to vector<16xf32>
      %add3A_1540 = arith.addf %add3A_1534, %get3A_1539 : vector<16xf32>
      %add3A_1541 = arith.constant 1536 : i32
      %add3A_1542 = arith.addi %add3A_1541, %multiple_of3A : i32
      %get3A_1543 = arith.index_cast %add3A_1542 : i32 to index
      %get3A_1544 = tpu.vector_load %arg7[%get3A_1543] {strides = array<i32>} : memref<5120xf32, #tpu.memory_space<vmem>>, vector<16xf32>,
      %get3A_1545 = vector.shape_cast %get3A_1544 : vector<16xf32> to vector<16xf32>
      %add3A_1546 = arith.addf %add3A_1540, %get3A_1545 : vector<16xf32>
      %add3A_1547 = arith.constant 2048 : i32
      %add3A_1548 = arith.addi %add3A_1547, %multiple_of3A : i32
      %get3A_1549 = arith.index_cast %add3A_1548 : i32 to index
      %get3A_1550 = tpu.vector_load %arg7[%get3A_1549] {strides = array<i32>} : memref<5120xf32, #tpu.memory_space<vmem>>, vector<16xf32>,
      %get3A_1551 = vector.shape_cast %get3A_1550 : vector<16xf32> to vector<16xf32>
      %add3A_1552 = arith.addf %add3A_1546, %get3A_1551 : vector<16xf32>
      %add3A_1553 = arith.constant 2560 : i32
      %add3A_1554 = arith.addi %add3A_1553, %multiple_of3A : i32
      %get3A_1555 = arith.index_cast %add3A_1554 : i32 to index
      %get3A_1556 = tpu.vector_load %arg7[%get3A_1555] {strides = array<i32>} : memref<5120xf32, #tpu.memory_space<vmem>>, vector<16xf32>,
      %get3A_1557 = vector.shape_cast %get3A_1556 : vector<16xf32> to vector<16xf32>
      %add3A_1558 = arith.addf %add3A_1552, %get3A_1557 : vector<16xf32>
      %add3A_1559 = arith.constant 3072 : i32
      %add3A_1560 = arith.addi %add3A_1559, %multiple_of3A : i32
      %get3A_1561 = arith.index_cast %add3A_1560 : i32 to index
      %get3A_1562 = tpu.vector_load %arg7[%get3A_1561] {strides = array<i32>} : memref<5120xf32, #tpu.memory_space<vmem>>, vector<16xf32>,
      %get3A_1563 = vector.shape_cast %get3A_1562 : vector<16xf32> to vector<16xf32>
      %add3A_1564 = arith.addf %add3A_1558, %get3A_1563 : vector<16xf32>
      %add3A_1565 = arith.constant 3584 : i32
      %add3A_1566 = arith.addi %add3A_1565, %multiple_of3A : i32
      %get3A_1567 = arith.index_cast %add3A_1566 : i32 to index
      %get3A_1568 = tpu.vector_load %arg7[%get3A_1567] {strides = array<i32>} : memref<5120xf32, #tpu.memory_space<vmem>>, vector<16xf32>,
      %get3A_1569 = vector.shape_cast %get3A_1568 : vector<16xf32> to vector<16xf32>
      %add3A_1570 = arith.addf %add3A_1564, %get3A_1569 : vector<16xf32>
      %add3A_1571 = arith.constant 4096 : i32
      %add3A_1572 = arith.addi %add3A_1571, %multiple_of3A : i32
      %get3A_1573 = arith.index_cast %add3A_1572 : i32 to index
      %get3A_1574 = tpu.vector_load %arg7[%get3A_1573] {strides = array<i32>} : memref<5120xf32, #tpu.memory_space<vmem>>, vector<16xf32>,
      %get3A_1575 = vector.shape_cast %get3A_1574 : vector<16xf32> to vector<16xf32>
      %add3A_1576 = arith.addf %add3A_1570, %get3A_1575 : vector<16xf32>
      %add3A_1577 = arith.constant 4608 : i32
      %add3A_1578 = arith.addi %add3A_1577, %multiple_of3A : i32
      %get3A_1579 = arith.index_cast %add3A_1578 : i32 to index
      %get3A_1580 = tpu.vector_load %arg7[%get3A_1579] {strides = array<i32>} : memref<5120xf32, #tpu.memory_space<vmem>>, vector<16xf32>,
      %get3A_1581 = vector.shape_cast %get3A_1580 : vector<16xf32> to vector<16xf32>
      %add3A_1582 = arith.addf %add3A_1576, %get3A_1581 : vector<16xf32>
      %get3A_1583 = arith.index_cast %multiple_of3A : i32 to index
      %get3A_1584 = tpu.vector_load %arg9[%get3A_1583] {strides = array<i32>} : memref<512xf32, #tpu.memory_space<vmem>>, vector<16xf32>,
      %get3A_1585 = vector.shape_cast %get3A_1584 : vector<16xf32> to vector<16xf32>
      %add3A_1586 = arith.addf %get3A_1585, %add3A_1582 : vector<16xf32>
      %swap3A = arith.index_cast %multiple_of3A : i32 to index
      %swap3A_1587 = tpu.vector_load %arg9[%swap3A] {strides = array<i32>} : memref<512xf32, #tpu.memory_space<vmem>>, vector<16xf32>,
      %swap3A_1588 = vector.shape_cast %swap3A_1587 : vector<16xf32> to vector<16xf32>
      %swap3A_1589 = vector.shape_cast %add3A_1586 : vector<16xf32> to vector<16xf32>
      tpu.vector_store %arg9[%swap3A], %swap3A_1589 {strides = array<i32>} : memref<512xf32, #tpu.memory_space<vmem>>, vector<16xf32>,
      %scan3A_1590 = arith.constant 0 : i32
      scf.yield %scan3A_1590 : i32
    }
    %scan3A_989 = arith.constant 32 : i32
    %dma_wait3A_990 = arith.constant 0 : i32
    %dma_wait3A_991 = tpu.memref_slice %arg11[%dma_wait3A_990] : memref<1000016xf32, #tpu.memory_space<vmem_shared>> -> memref<1000016xf32, #tpu.memory_space<vmem_shared>>
    tpu.wait_indirect_dma semaphore(%arg13 : memref<!tpu.dma_semaphore, #tpu.memory_space<semaphore_mem>>) src(%dma_wait3A_991 : memref<1000016xf32, #tpu.memory_space<vmem_shared>>) dst(%arg8 : memref<5120xf32, #tpu.memory_space<vmem>>)
    %dma_wait3A_992 = arith.constant 0 : i32
    %dma_wait3A_993 = tpu.memref_slice %arg5[%dma_wait3A_992] : memref<5120xi32, #tpu.memory_space<vmem>> -> memref<512xi32, #tpu.memory_space<vmem>>
    %dma_wait3A_994 = tpu.memref_slice %arg2[%add3A_904] : memref<1638400xi32, #tpu.memory_space<hbm>> -> memref<512xi32, #tpu.memory_space<hbm>>
    %dma_wait3A_995 = arith.constant 0 : i32
    %dma_wait3A_996 = tpu.memref_slice %arg5[%dma_wait3A_995] : memref<5120xi32, #tpu.memory_space<vmem>> -> memref<512xi32, #tpu.memory_space<vmem>>
    %dma_wait3A_997 = tpu.memref_slice %arg2[%add3A_904] : memref<1638400xi32, #tpu.memory_space<hbm>> -> memref<512xi32, #tpu.memory_space<hbm>>
    tpu.wait_dma2 semaphore(%arg12 : memref<!tpu.dma_semaphore, #tpu.memory_space<semaphore_mem>>) src(%dma_wait3A_997 : memref<512xi32, #tpu.memory_space<hbm>>) dst(%dma_wait3A_996 : memref<512xi32, #tpu.memory_space<vmem>>)
    %dma_wait3A_998 = arith.constant 512 : i32
    %dma_wait3A_999 = tpu.memref_slice %arg5[%dma_wait3A_998] : memref<5120xi32, #tpu.memory_space<vmem>> -> memref<512xi32, #tpu.memory_space<vmem>>
    %dma_wait3A_1000 = tpu.memref_slice %arg2[%add3A_912] : memref<1638400xi32, #tpu.memory_space<hbm>> -> memref<512xi32, #tpu.memory_space<hbm>>
    %dma_wait3A_1001 = arith.constant 512 : i32
    %dma_wait3A_1002 = tpu.memref_slice %arg5[%dma_wait3A_1001] : memref<5120xi32, #tpu.memory_space<vmem>> -> memref<512xi32, #tpu.memory_space<vmem>>
    %dma_wait3A_1003 = tpu.memref_slice %arg2[%add3A_912] : memref<1638400xi32, #tpu.memory_space<hbm>> -> memref<512xi32, #tpu.memory_space<hbm>>
    tpu.wait_dma2 semaphore(%arg12 : memref<!tpu.dma_semaphore, #tpu.memory_space<semaphore_mem>>) src(%dma_wait3A_1003 : memref<512xi32, #tpu.memory_space<hbm>>) dst(%dma_wait3A_1002 : memref<512xi32, #tpu.memory_space<vmem>>)
    %dma_wait3A_1004 = arith.constant 1024 : i32
    %dma_wait3A_1005 = tpu.memref_slice %arg5[%dma_wait3A_1004] : memref<5120xi32, #tpu.memory_space<vmem>> -> memref<512xi32, #tpu.memory_space<vmem>>
    %dma_wait3A_1006 = tpu.memref_slice %arg2[%add3A_920] : memref<1638400xi32, #tpu.memory_space<hbm>> -> memref<512xi32, #tpu.memory_space<hbm>>
    %dma_wait3A_1007 = arith.constant 1024 : i32
    %dma_wait3A_1008 = tpu.memref_slice %arg5[%dma_wait3A_1007] : memref<5120xi32, #tpu.memory_space<vmem>> -> memref<512xi32, #tpu.memory_space<vmem>>
    %dma_wait3A_1009 = tpu.memref_slice %arg2[%add3A_920] : memref<1638400xi32, #tpu.memory_space<hbm>> -> memref<512xi32, #tpu.memory_space<hbm>>
    tpu.wait_dma2 semaphore(%arg12 : memref<!tpu.dma_semaphore, #tpu.memory_space<semaphore_mem>>) src(%dma_wait3A_1009 : memref<512xi32, #tpu.memory_space<hbm>>) dst(%dma_wait3A_1008 : memref<512xi32, #tpu.memory_space<vmem>>)
    %dma_wait3A_1010 = arith.constant 1536 : i32
    %dma_wait3A_1011 = tpu.memref_slice %arg5[%dma_wait3A_1010] : memref<5120xi32, #tpu.memory_space<vmem>> -> memref<512xi32, #tpu.memory_space<vmem>>
    %dma_wait3A_1012 = tpu.memref_slice %arg2[%add3A_928] : memref<1638400xi32, #tpu.memory_space<hbm>> -> memref<512xi32, #tpu.memory_space<hbm>>
    %dma_wait3A_1013 = arith.constant 1536 : i32
    %dma_wait3A_1014 = tpu.memref_slice %arg5[%dma_wait3A_1013] : memref<5120xi32, #tpu.memory_space<vmem>> -> memref<512xi32, #tpu.memory_space<vmem>>
    %dma_wait3A_1015 = tpu.memref_slice %arg2[%add3A_928] : memref<1638400xi32, #tpu.memory_space<hbm>> -> memref<512xi32, #tpu.memory_space<hbm>>
    tpu.wait_dma2 semaphore(%arg12 : memref<!tpu.dma_semaphore, #tpu.memory_space<semaphore_mem>>) src(%dma_wait3A_1015 : memref<512xi32, #tpu.memory_space<hbm>>) dst(%dma_wait3A_1014 : memref<512xi32, #tpu.memory_space<vmem>>)
    %dma_wait3A_1016 = arith.constant 2048 : i32
    %dma_wait3A_1017 = tpu.memref_slice %arg5[%dma_wait3A_1016] : memref<5120xi32, #tpu.memory_space<vmem>> -> memref<512xi32, #tpu.memory_space<vmem>>
    %dma_wait3A_1018 = tpu.memref_slice %arg2[%add3A_936] : memref<1638400xi32, #tpu.memory_space<hbm>> -> memref<512xi32, #tpu.memory_space<hbm>>
    %dma_wait3A_1019 = arith.constant 2048 : i32
    %dma_wait3A_1020 = tpu.memref_slice %arg5[%dma_wait3A_1019] : memref<5120xi32, #tpu.memory_space<vmem>> -> memref<512xi32, #tpu.memory_space<vmem>>
    %dma_wait3A_1021 = tpu.memref_slice %arg2[%add3A_936] : memref<1638400xi32, #tpu.memory_space<hbm>> -> memref<512xi32, #tpu.memory_space<hbm>>
    tpu.wait_dma2 semaphore(%arg12 : memref<!tpu.dma_semaphore, #tpu.memory_space<semaphore_mem>>) src(%dma_wait3A_1021 : memref<512xi32, #tpu.memory_space<hbm>>) dst(%dma_wait3A_1020 : memref<512xi32, #tpu.memory_space<vmem>>)
    %dma_wait3A_1022 = arith.constant 2560 : i32
    %dma_wait3A_1023 = tpu.memref_slice %arg5[%dma_wait3A_1022] : memref<5120xi32, #tpu.memory_space<vmem>> -> memref<512xi32, #tpu.memory_space<vmem>>
    %dma_wait3A_1024 = tpu.memref_slice %arg2[%add3A_944] : memref<1638400xi32, #tpu.memory_space<hbm>> -> memref<512xi32, #tpu.memory_space<hbm>>
    %dma_wait3A_1025 = arith.constant 2560 : i32
    %dma_wait3A_1026 = tpu.memref_slice %arg5[%dma_wait3A_1025] : memref<5120xi32, #tpu.memory_space<vmem>> -> memref<512xi32, #tpu.memory_space<vmem>>
    %dma_wait3A_1027 = tpu.memref_slice %arg2[%add3A_944] : memref<1638400xi32, #tpu.memory_space<hbm>> -> memref<512xi32, #tpu.memory_space<hbm>>
    tpu.wait_dma2 semaphore(%arg12 : memref<!tpu.dma_semaphore, #tpu.memory_space<semaphore_mem>>) src(%dma_wait3A_1027 : memref<512xi32, #tpu.memory_space<hbm>>) dst(%dma_wait3A_1026 : memref<512xi32, #tpu.memory_space<vmem>>)
    %dma_wait3A_1028 = arith.constant 3072 : i32
    %dma_wait3A_1029 = tpu.memref_slice %arg5[%dma_wait3A_1028] : memref<5120xi32, #tpu.memory_space<vmem>> -> memref<512xi32, #tpu.memory_space<vmem>>
    %dma_wait3A_1030 = tpu.memref_slice %arg2[%add3A_952] : memref<1638400xi32, #tpu.memory_space<hbm>> -> memref<512xi32, #tpu.memory_space<hbm>>
    %dma_wait3A_1031 = arith.constant 3072 : i32
    %dma_wait3A_1032 = tpu.memref_slice %arg5[%dma_wait3A_1031] : memref<5120xi32, #tpu.memory_space<vmem>> -> memref<512xi32, #tpu.memory_space<vmem>>
    %dma_wait3A_1033 = tpu.memref_slice %arg2[%add3A_952] : memref<1638400xi32, #tpu.memory_space<hbm>> -> memref<512xi32, #tpu.memory_space<hbm>>
    tpu.wait_dma2 semaphore(%arg12 : memref<!tpu.dma_semaphore, #tpu.memory_space<semaphore_mem>>) src(%dma_wait3A_1033 : memref<512xi32, #tpu.memory_space<hbm>>) dst(%dma_wait3A_1032 : memref<512xi32, #tpu.memory_space<vmem>>)
    %dma_wait3A_1034 = arith.constant 3584 : i32
    %dma_wait3A_1035 = tpu.memref_slice %arg5[%dma_wait3A_1034] : memref<5120xi32, #tpu.memory_space<vmem>> -> memref<512xi32, #tpu.memory_space<vmem>>
    %dma_wait3A_1036 = tpu.memref_slice %arg2[%add3A_960] : memref<1638400xi32, #tpu.memory_space<hbm>> -> memref<512xi32, #tpu.memory_space<hbm>>
    %dma_wait3A_1037 = arith.constant 3584 : i32
    %dma_wait3A_1038 = tpu.memref_slice %arg5[%dma_wait3A_1037] : memref<5120xi32, #tpu.memory_space<vmem>> -> memref<512xi32, #tpu.memory_space<vmem>>
    %dma_wait3A_1039 = tpu.memref_slice %arg2[%add3A_960] : memref<1638400xi32, #tpu.memory_space<hbm>> -> memref<512xi32, #tpu.memory_space<hbm>>
    tpu.wait_dma2 semaphore(%arg12 : memref<!tpu.dma_semaphore, #tpu.memory_space<semaphore_mem>>) src(%dma_wait3A_1039 : memref<512xi32, #tpu.memory_space<hbm>>) dst(%dma_wait3A_1038 : memref<512xi32, #tpu.memory_space<vmem>>)
    %dma_wait3A_1040 = arith.constant 4096 : i32
    %dma_wait3A_1041 = tpu.memref_slice %arg5[%dma_wait3A_1040] : memref<5120xi32, #tpu.memory_space<vmem>> -> memref<512xi32, #tpu.memory_space<vmem>>
    %dma_wait3A_1042 = tpu.memref_slice %arg2[%add3A_968] : memref<1638400xi32, #tpu.memory_space<hbm>> -> memref<512xi32, #tpu.memory_space<hbm>>
    %dma_wait3A_1043 = arith.constant 4096 : i32
    %dma_wait3A_1044 = tpu.memref_slice %arg5[%dma_wait3A_1043] : memref<5120xi32, #tpu.memory_space<vmem>> -> memref<512xi32, #tpu.memory_space<vmem>>
    %dma_wait3A_1045 = tpu.memref_slice %arg2[%add3A_968] : memref<1638400xi32, #tpu.memory_space<hbm>> -> memref<512xi32, #tpu.memory_space<hbm>>
    tpu.wait_dma2 semaphore(%arg12 : memref<!tpu.dma_semaphore, #tpu.memory_space<semaphore_mem>>) src(%dma_wait3A_1045 : memref<512xi32, #tpu.memory_space<hbm>>) dst(%dma_wait3A_1044 : memref<512xi32, #tpu.memory_space<vmem>>)
    %dma_wait3A_1046 = arith.constant 4608 : i32
    %dma_wait3A_1047 = tpu.memref_slice %arg5[%dma_wait3A_1046] : memref<5120xi32, #tpu.memory_space<vmem>> -> memref<512xi32, #tpu.memory_space<vmem>>
    %dma_wait3A_1048 = tpu.memref_slice %arg2[%add3A_976] : memref<1638400xi32, #tpu.memory_space<hbm>> -> memref<512xi32, #tpu.memory_space<hbm>>
    %dma_wait3A_1049 = arith.constant 4608 : i32
    %dma_wait3A_1050 = tpu.memref_slice %arg5[%dma_wait3A_1049] : memref<5120xi32, #tpu.memory_space<vmem>> -> memref<512xi32, #tpu.memory_space<vmem>>
    %dma_wait3A_1051 = tpu.memref_slice %arg2[%add3A_976] : memref<1638400xi32, #tpu.memory_space<hbm>> -> memref<512xi32, #tpu.memory_space<hbm>>
    tpu.wait_dma2 semaphore(%arg12 : memref<!tpu.dma_semaphore, #tpu.memory_space<semaphore_mem>>) src(%dma_wait3A_1051 : memref<512xi32, #tpu.memory_space<hbm>>) dst(%dma_wait3A_1050 : memref<512xi32, #tpu.memory_space<vmem>>)
    %dma_start3A_1052 = arith.constant 0 : i32
    %dma_start3A_1053 = tpu.memref_slice %arg11[%dma_start3A_1052] : memref<1000016xf32, #tpu.memory_space<vmem_shared>> -> memref<1000016xf32, #tpu.memory_space<vmem_shared>>
    tpu.enqueue_indirect_dma source(%dma_start3A_1053 : memref<1000016xf32, #tpu.memory_space<vmem_shared>>) target(%arg7 : memref<5120xf32, #tpu.memory_space<vmem>>) offsets(%arg5 : memref<5120xi32, #tpu.memory_space<vmem>>) semaphore(%arg13 : memref<!tpu.dma_semaphore, #tpu.memory_space<semaphore_mem>>)
    %add3A_1054 = arith.constant 1146880 : i32
    %add3A_1055 = arith.addi %add3A_1054, %mul3A_2 : i32
    %dma_start3A_1056 = arith.constant 0 : i32
    %dma_start3A_1057 = tpu.memref_slice %arg6[%dma_start3A_1056] : memref<5120xi32, #tpu.memory_space<vmem>> -> memref<512xi32, #tpu.memory_space<vmem>>
    %dma_start3A_1058 = tpu.memref_slice %arg2[%add3A_1055] : memref<1638400xi32, #tpu.memory_space<hbm>> -> memref<512xi32, #tpu.memory_space<hbm>>
    %dma_start3A_1059 = arith.constant 0 : i32
    %dma_start3A_1060 = tpu.memref_slice %arg6[%dma_start3A_1059] : memref<5120xi32, #tpu.memory_space<vmem>> -> memref<512xi32, #tpu.memory_space<vmem>>
    %dma_start3A_1061 = tpu.memref_slice %arg2[%add3A_1055] : memref<1638400xi32, #tpu.memory_space<hbm>> -> memref<512xi32, #tpu.memory_space<hbm>>
    tpu.enqueue_dma source(%dma_start3A_1061 : memref<512xi32, #tpu.memory_space<hbm>>) target(%dma_start3A_1060 : memref<512xi32, #tpu.memory_space<vmem>>) target_semaphore(%arg12 : memref<!tpu.dma_semaphore, #tpu.memory_space<semaphore_mem>>)
    %add3A_1062 = arith.constant 1163264 : i32
    %add3A_1063 = arith.addi %add3A_1062, %mul3A_2 : i32
    %dma_start3A_1064 = arith.constant 512 : i32
    %dma_start3A_1065 = tpu.memref_slice %arg6[%dma_start3A_1064] : memref<5120xi32, #tpu.memory_space<vmem>> -> memref<512xi32, #tpu.memory_space<vmem>>
    %dma_start3A_1066 = tpu.memref_slice %arg2[%add3A_1063] : memref<1638400xi32, #tpu.memory_space<hbm>> -> memref<512xi32, #tpu.memory_space<hbm>>
    %dma_start3A_1067 = arith.constant 512 : i32
    %dma_start3A_1068 = tpu.memref_slice %arg6[%dma_start3A_1067] : memref<5120xi32, #tpu.memory_space<vmem>> -> memref<512xi32, #tpu.memory_space<vmem>>
    %dma_start3A_1069 = tpu.memref_slice %arg2[%add3A_1063] : memref<1638400xi32, #tpu.memory_space<hbm>> -> memref<512xi32, #tpu.memory_space<hbm>>
    tpu.enqueue_dma source(%dma_start3A_1069 : memref<512xi32, #tpu.memory_space<hbm>>) target(%dma_start3A_1068 : memref<512xi32, #tpu.memory_space<vmem>>) target_semaphore(%arg12 : memref<!tpu.dma_semaphore, #tpu.memory_space<semaphore_mem>>)
    %add3A_1070 = arith.constant 1179648 : i32
    %add3A_1071 = arith.addi %add3A_1070, %mul3A_2 : i32
    %dma_start3A_1072 = arith.constant 1024 : i32
    %dma_start3A_1073 = tpu.memref_slice %arg6[%dma_start3A_1072] : memref<5120xi32, #tpu.memory_space<vmem>> -> memref<512xi32, #tpu.memory_space<vmem>>
    %dma_start3A_1074 = tpu.memref_slice %arg2[%add3A_1071] : memref<1638400xi32, #tpu.memory_space<hbm>> -> memref<512xi32, #tpu.memory_space<hbm>>
    %dma_start3A_1075 = arith.constant 1024 : i32
    %dma_start3A_1076 = tpu.memref_slice %arg6[%dma_start3A_1075] : memref<5120xi32, #tpu.memory_space<vmem>> -> memref<512xi32, #tpu.memory_space<vmem>>
    %dma_start3A_1077 = tpu.memref_slice %arg2[%add3A_1071] : memref<1638400xi32, #tpu.memory_space<hbm>> -> memref<512xi32, #tpu.memory_space<hbm>>
    tpu.enqueue_dma source(%dma_start3A_1077 : memref<512xi32, #tpu.memory_space<hbm>>) target(%dma_start3A_1076 : memref<512xi32, #tpu.memory_space<vmem>>) target_semaphore(%arg12 : memref<!tpu.dma_semaphore, #tpu.memory_space<semaphore_mem>>)
    %add3A_1078 = arith.constant 1196032 : i32
    %add3A_1079 = arith.addi %add3A_1078, %mul3A_2 : i32
    %dma_start3A_1080 = arith.constant 1536 : i32
    %dma_start3A_1081 = tpu.memref_slice %arg6[%dma_start3A_1080] : memref<5120xi32, #tpu.memory_space<vmem>> -> memref<512xi32, #tpu.memory_space<vmem>>
    %dma_start3A_1082 = tpu.memref_slice %arg2[%add3A_1079] : memref<1638400xi32, #tpu.memory_space<hbm>> -> memref<512xi32, #tpu.memory_space<hbm>>
    %dma_start3A_1083 = arith.constant 1536 : i32
    %dma_start3A_1084 = tpu.memref_slice %arg6[%dma_start3A_1083] : memref<5120xi32, #tpu.memory_space<vmem>> -> memref<512xi32, #tpu.memory_space<vmem>>
    %dma_start3A_1085 = tpu.memref_slice %arg2[%add3A_1079] : memref<1638400xi32, #tpu.memory_space<hbm>> -> memref<512xi32, #tpu.memory_space<hbm>>
    tpu.enqueue_dma source(%dma_start3A_1085 : memref<512xi32, #tpu.memory_space<hbm>>) target(%dma_start3A_1084 : memref<512xi32, #tpu.memory_space<vmem>>) target_semaphore(%arg12 : memref<!tpu.dma_semaphore, #tpu.memory_space<semaphore_mem>>)
    %add3A_1086 = arith.constant 1212416 : i32
    %add3A_1087 = arith.addi %add3A_1086, %mul3A_2 : i32
    %dma_start3A_1088 = arith.constant 2048 : i32
    %dma_start3A_1089 = tpu.memref_slice %arg6[%dma_start3A_1088] : memref<5120xi32, #tpu.memory_space<vmem>> -> memref<512xi32, #tpu.memory_space<vmem>>
    %dma_start3A_1090 = tpu.memref_slice %arg2[%add3A_1087] : memref<1638400xi32, #tpu.memory_space<hbm>> -> memref<512xi32, #tpu.memory_space<hbm>>
    %dma_start3A_1091 = arith.constant 2048 : i32
    %dma_start3A_1092 = tpu.memref_slice %arg6[%dma_start3A_1091] : memref<5120xi32, #tpu.memory_space<vmem>> -> memref<512xi32, #tpu.memory_space<vmem>>
    %dma_start3A_1093 = tpu.memref_slice %arg2[%add3A_1087] : memref<1638400xi32, #tpu.memory_space<hbm>> -> memref<512xi32, #tpu.memory_space<hbm>>
    tpu.enqueue_dma source(%dma_start3A_1093 : memref<512xi32, #tpu.memory_space<hbm>>) target(%dma_start3A_1092 : memref<512xi32, #tpu.memory_space<vmem>>) target_semaphore(%arg12 : memref<!tpu.dma_semaphore, #tpu.memory_space<semaphore_mem>>)
    %add3A_1094 = arith.constant 1228800 : i32
    %add3A_1095 = arith.addi %add3A_1094, %mul3A_2 : i32
    %dma_start3A_1096 = arith.constant 2560 : i32
    %dma_start3A_1097 = tpu.memref_slice %arg6[%dma_start3A_1096] : memref<5120xi32, #tpu.memory_space<vmem>> -> memref<512xi32, #tpu.memory_space<vmem>>
    %dma_start3A_1098 = tpu.memref_slice %arg2[%add3A_1095] : memref<1638400xi32, #tpu.memory_space<hbm>> -> memref<512xi32, #tpu.memory_space<hbm>>
    %dma_start3A_1099 = arith.constant 2560 : i32
    %dma_start3A_1100 = tpu.memref_slice %arg6[%dma_start3A_1099] : memref<5120xi32, #tpu.memory_space<vmem>> -> memref<512xi32, #tpu.memory_space<vmem>>
    %dma_start3A_1101 = tpu.memref_slice %arg2[%add3A_1095] : memref<1638400xi32, #tpu.memory_space<hbm>> -> memref<512xi32, #tpu.memory_space<hbm>>
    tpu.enqueue_dma source(%dma_start3A_1101 : memref<512xi32, #tpu.memory_space<hbm>>) target(%dma_start3A_1100 : memref<512xi32, #tpu.memory_space<vmem>>) target_semaphore(%arg12 : memref<!tpu.dma_semaphore, #tpu.memory_space<semaphore_mem>>)
    %add3A_1102 = arith.constant 1245184 : i32
    %add3A_1103 = arith.addi %add3A_1102, %mul3A_2 : i32
    %dma_start3A_1104 = arith.constant 3072 : i32
    %dma_start3A_1105 = tpu.memref_slice %arg6[%dma_start3A_1104] : memref<5120xi32, #tpu.memory_space<vmem>> -> memref<512xi32, #tpu.memory_space<vmem>>
    %dma_start3A_1106 = tpu.memref_slice %arg2[%add3A_1103] : memref<1638400xi32, #tpu.memory_space<hbm>> -> memref<512xi32, #tpu.memory_space<hbm>>
    %dma_start3A_1107 = arith.constant 3072 : i32
    %dma_start3A_1108 = tpu.memref_slice %arg6[%dma_start3A_1107] : memref<5120xi32, #tpu.memory_space<vmem>> -> memref<512xi32, #tpu.memory_space<vmem>>
    %dma_start3A_1109 = tpu.memref_slice %arg2[%add3A_1103] : memref<1638400xi32, #tpu.memory_space<hbm>> -> memref<512xi32, #tpu.memory_space<hbm>>
    tpu.enqueue_dma source(%dma_start3A_1109 : memref<512xi32, #tpu.memory_space<hbm>>) target(%dma_start3A_1108 : memref<512xi32, #tpu.memory_space<vmem>>) target_semaphore(%arg12 : memref<!tpu.dma_semaphore, #tpu.memory_space<semaphore_mem>>)
    %add3A_1110 = arith.constant 1261568 : i32
    %add3A_1111 = arith.addi %add3A_1110, %mul3A_2 : i32
    %dma_start3A_1112 = arith.constant 3584 : i32
    %dma_start3A_1113 = tpu.memref_slice %arg6[%dma_start3A_1112] : memref<5120xi32, #tpu.memory_space<vmem>> -> memref<512xi32, #tpu.memory_space<vmem>>
    %dma_start3A_1114 = tpu.memref_slice %arg2[%add3A_1111] : memref<1638400xi32, #tpu.memory_space<hbm>> -> memref<512xi32, #tpu.memory_space<hbm>>
    %dma_start3A_1115 = arith.constant 3584 : i32
    %dma_start3A_1116 = tpu.memref_slice %arg6[%dma_start3A_1115] : memref<5120xi32, #tpu.memory_space<vmem>> -> memref<512xi32, #tpu.memory_space<vmem>>
    %dma_start3A_1117 = tpu.memref_slice %arg2[%add3A_1111] : memref<1638400xi32, #tpu.memory_space<hbm>> -> memref<512xi32, #tpu.memory_space<hbm>>
    tpu.enqueue_dma source(%dma_start3A_1117 : memref<512xi32, #tpu.memory_space<hbm>>) target(%dma_start3A_1116 : memref<512xi32, #tpu.memory_space<vmem>>) target_semaphore(%arg12 : memref<!tpu.dma_semaphore, #tpu.memory_space<semaphore_mem>>)
    %add3A_1118 = arith.constant 1277952 : i32
    %add3A_1119 = arith.addi %add3A_1118, %mul3A_2 : i32
    %dma_start3A_1120 = arith.constant 4096 : i32
    %dma_start3A_1121 = tpu.memref_slice %arg6[%dma_start3A_1120] : memref<5120xi32, #tpu.memory_space<vmem>> -> memref<512xi32, #tpu.memory_space<vmem>>
    %dma_start3A_1122 = tpu.memref_slice %arg2[%add3A_1119] : memref<1638400xi32, #tpu.memory_space<hbm>> -> memref<512xi32, #tpu.memory_space<hbm>>
    %dma_start3A_1123 = arith.constant 4096 : i32
    %dma_start3A_1124 = tpu.memref_slice %arg6[%dma_start3A_1123] : memref<5120xi32, #tpu.memory_space<vmem>> -> memref<512xi32, #tpu.memory_space<vmem>>
    %dma_start3A_1125 = tpu.memref_slice %arg2[%add3A_1119] : memref<1638400xi32, #tpu.memory_space<hbm>> -> memref<512xi32, #tpu.memory_space<hbm>>
    tpu.enqueue_dma source(%dma_start3A_1125 : memref<512xi32, #tpu.memory_space<hbm>>) target(%dma_start3A_1124 : memref<512xi32, #tpu.memory_space<vmem>>) target_semaphore(%arg12 : memref<!tpu.dma_semaphore, #tpu.memory_space<semaphore_mem>>)
    %add3A_1126 = arith.constant 1294336 : i32
    %add3A_1127 = arith.addi %add3A_1126, %mul3A_2 : i32
    %dma_start3A_1128 = arith.constant 4608 : i32
    %dma_start3A_1129 = tpu.memref_slice %arg6[%dma_start3A_1128] : memref<5120xi32, #tpu.memory_space<vmem>> -> memref<512xi32, #tpu.memory_space<vmem>>
    %dma_start3A_1130 = tpu.memref_slice %arg2[%add3A_1127] : memref<1638400xi32, #tpu.memory_space<hbm>> -> memref<512xi32, #tpu.memory_space<hbm>>
    %dma_start3A_1131 = arith.constant 4608 : i32
    %dma_start3A_1132 = tpu.memref_slice %arg6[%dma_start3A_1131] : memref<5120xi32, #tpu.memory_space<vmem>> -> memref<512xi32, #tpu.memory_space<vmem>>
    %dma_start3A_1133 = tpu.memref_slice %arg2[%add3A_1127] : memref<1638400xi32, #tpu.memory_space<hbm>> -> memref<512xi32, #tpu.memory_space<hbm>>
    tpu.enqueue_dma source(%dma_start3A_1133 : memref<512xi32, #tpu.memory_space<hbm>>) target(%dma_start3A_1132 : memref<512xi32, #tpu.memory_space<vmem>>) target_semaphore(%arg12 : memref<!tpu.dma_semaphore, #tpu.memory_space<semaphore_mem>>)
    %scan3A_1134 = arith.constant 0 : i32
    %scan3A_1135 = arith.constant 0 : i32
    %scan3A_1136 = arith.constant 32 : i32
    %scan3A_1137 = arith.addi %scan3A_1135, %scan3A_1136 : i32
    %scan3A_1138 = arith.constant 1 : i32
    %scan3A_1139 = scf.for %scan3A_1523 = %scan3A_1135 to %scan3A_1137 step %scan3A_1138 iter_args(%scan3A_1524 = %scan3A_1134) -> (i32)  : i32 {
      %mul3A_1525 = arith.constant 16 : i32
      %mul3A_1526 = arith.muli %scan3A_1523, %mul3A_1525 : i32
      %multiple_of3A = tpu.assume_multiple %mul3A_1526, 16 : i32
      %get3A = arith.index_cast %multiple_of3A : i32 to index
      %get3A_1527 = tpu.vector_load %arg8[%get3A] {strides = array<i32>} : memref<5120xf32, #tpu.memory_space<vmem>>, vector<16xf32>,
      %get3A_1528 = vector.shape_cast %get3A_1527 : vector<16xf32> to vector<16xf32>
      %add3A_1529 = arith.constant 512 : i32
      %add3A_1530 = arith.addi %add3A_1529, %multiple_of3A : i32
      %get3A_1531 = arith.index_cast %add3A_1530 : i32 to index
      %get3A_1532 = tpu.vector_load %arg8[%get3A_1531] {strides = array<i32>} : memref<5120xf32, #tpu.memory_space<vmem>>, vector<16xf32>,
      %get3A_1533 = vector.shape_cast %get3A_1532 : vector<16xf32> to vector<16xf32>
      %add3A_1534 = arith.addf %get3A_1528, %get3A_1533 : vector<16xf32>
      %add3A_1535 = arith.constant 1024 : i32
      %add3A_1536 = arith.addi %add3A_1535, %multiple_of3A : i32
      %get3A_1537 = arith.index_cast %add3A_1536 : i32 to index
      %get3A_1538 = tpu.vector_load %arg8[%get3A_1537] {strides = array<i32>} : memref<5120xf32, #tpu.memory_space<vmem>>, vector<16xf32>,
      %get3A_1539 = vector.shape_cast %get3A_1538 : vector<16xf32> to vector<16xf32>
      %add3A_1540 = arith.addf %add3A_1534, %get3A_1539 : vector<16xf32>
      %add3A_1541 = arith.constant 1536 : i32
      %add3A_1542 = arith.addi %add3A_1541, %multiple_of3A : i32
      %get3A_1543 = arith.index_cast %add3A_1542 : i32 to index
      %get3A_1544 = tpu.vector_load %arg8[%get3A_1543] {strides = array<i32>} : memref<5120xf32, #tpu.memory_space<vmem>>, vector<16xf32>,
      %get3A_1545 = vector.shape_cast %get3A_1544 : vector<16xf32> to vector<16xf32>
      %add3A_1546 = arith.addf %add3A_1540, %get3A_1545 : vector<16xf32>
      %add3A_1547 = arith.constant 2048 : i32
      %add3A_1548 = arith.addi %add3A_1547, %multiple_of3A : i32
      %get3A_1549 = arith.index_cast %add3A_1548 : i32 to index
      %get3A_1550 = tpu.vector_load %arg8[%get3A_1549] {strides = array<i32>} : memref<5120xf32, #tpu.memory_space<vmem>>, vector<16xf32>,
      %get3A_1551 = vector.shape_cast %get3A_1550 : vector<16xf32> to vector<16xf32>
      %add3A_1552 = arith.addf %add3A_1546, %get3A_1551 : vector<16xf32>
      %add3A_1553 = arith.constant 2560 : i32
      %add3A_1554 = arith.addi %add3A_1553, %multiple_of3A : i32
      %get3A_1555 = arith.index_cast %add3A_1554 : i32 to index
      %get3A_1556 = tpu.vector_load %arg8[%get3A_1555] {strides = array<i32>} : memref<5120xf32, #tpu.memory_space<vmem>>, vector<16xf32>,
      %get3A_1557 = vector.shape_cast %get3A_1556 : vector<16xf32> to vector<16xf32>
      %add3A_1558 = arith.addf %add3A_1552, %get3A_1557 : vector<16xf32>
      %add3A_1559 = arith.constant 3072 : i32
      %add3A_1560 = arith.addi %add3A_1559, %multiple_of3A : i32
      %get3A_1561 = arith.index_cast %add3A_1560 : i32 to index
      %get3A_1562 = tpu.vector_load %arg8[%get3A_1561] {strides = array<i32>} : memref<5120xf32, #tpu.memory_space<vmem>>, vector<16xf32>,
      %get3A_1563 = vector.shape_cast %get3A_1562 : vector<16xf32> to vector<16xf32>
      %add3A_1564 = arith.addf %add3A_1558, %get3A_1563 : vector<16xf32>
      %add3A_1565 = arith.constant 3584 : i32
      %add3A_1566 = arith.addi %add3A_1565, %multiple_of3A : i32
      %get3A_1567 = arith.index_cast %add3A_1566 : i32 to index
      %get3A_1568 = tpu.vector_load %arg8[%get3A_1567] {strides = array<i32>} : memref<5120xf32, #tpu.memory_space<vmem>>, vector<16xf32>,
      %get3A_1569 = vector.shape_cast %get3A_1568 : vector<16xf32> to vector<16xf32>
      %add3A_1570 = arith.addf %add3A_1564, %get3A_1569 : vector<16xf32>
      %add3A_1571 = arith.constant 4096 : i32
      %add3A_1572 = arith.addi %add3A_1571, %multiple_of3A : i32
      %get3A_1573 = arith.index_cast %add3A_1572 : i32 to index
      %get3A_1574 = tpu.vector_load %arg8[%get3A_1573] {strides = array<i32>} : memref<5120xf32, #tpu.memory_space<vmem>>, vector<16xf32>,
      %get3A_1575 = vector.shape_cast %get3A_1574 : vector<16xf32> to vector<16xf32>
      %add3A_1576 = arith.addf %add3A_1570, %get3A_1575 : vector<16xf32>
      %add3A_1577 = arith.constant 4608 : i32
      %add3A_1578 = arith.addi %add3A_1577, %multiple_of3A : i32
      %get3A_1579 = arith.index_cast %add3A_1578 : i32 to index
      %get3A_1580 = tpu.vector_load %arg8[%get3A_1579] {strides = array<i32>} : memref<5120xf32, #tpu.memory_space<vmem>>, vector<16xf32>,
      %get3A_1581 = vector.shape_cast %get3A_1580 : vector<16xf32> to vector<16xf32>
      %add3A_1582 = arith.addf %add3A_1576, %get3A_1581 : vector<16xf32>
      %get3A_1583 = arith.index_cast %multiple_of3A : i32 to index
      %get3A_1584 = tpu.vector_load %arg9[%get3A_1583] {strides = array<i32>} : memref<512xf32, #tpu.memory_space<vmem>>, vector<16xf32>,
      %get3A_1585 = vector.shape_cast %get3A_1584 : vector<16xf32> to vector<16xf32>
      %add3A_1586 = arith.addf %get3A_1585, %add3A_1582 : vector<16xf32>
      %swap3A = arith.index_cast %multiple_of3A : i32 to index
      %swap3A_1587 = tpu.vector_load %arg9[%swap3A] {strides = array<i32>} : memref<512xf32, #tpu.memory_space<vmem>>, vector<16xf32>,
      %swap3A_1588 = vector.shape_cast %swap3A_1587 : vector<16xf32> to vector<16xf32>
      %swap3A_1589 = vector.shape_cast %add3A_1586 : vector<16xf32> to vector<16xf32>
      tpu.vector_store %arg9[%swap3A], %swap3A_1589 {strides = array<i32>} : memref<512xf32, #tpu.memory_space<vmem>>, vector<16xf32>,
      %scan3A_1590 = arith.constant 0 : i32
      scf.yield %scan3A_1590 : i32
    }
    %scan3A_1140 = arith.constant 32 : i32
    %dma_wait3A_1141 = arith.constant 0 : i32
    %dma_wait3A_1142 = tpu.memref_slice %arg11[%dma_wait3A_1141] : memref<1000016xf32, #tpu.memory_space<vmem_shared>> -> memref<1000016xf32, #tpu.memory_space<vmem_shared>>
    tpu.wait_indirect_dma semaphore(%arg13 : memref<!tpu.dma_semaphore, #tpu.memory_space<semaphore_mem>>) src(%dma_wait3A_1142 : memref<1000016xf32, #tpu.memory_space<vmem_shared>>) dst(%arg7 : memref<5120xf32, #tpu.memory_space<vmem>>)
    %dma_wait3A_1143 = arith.constant 0 : i32
    %dma_wait3A_1144 = tpu.memref_slice %arg6[%dma_wait3A_1143] : memref<5120xi32, #tpu.memory_space<vmem>> -> memref<512xi32, #tpu.memory_space<vmem>>
    %dma_wait3A_1145 = tpu.memref_slice %arg2[%add3A_1055] : memref<1638400xi32, #tpu.memory_space<hbm>> -> memref<512xi32, #tpu.memory_space<hbm>>
    %dma_wait3A_1146 = arith.constant 0 : i32
    %dma_wait3A_1147 = tpu.memref_slice %arg6[%dma_wait3A_1146] : memref<5120xi32, #tpu.memory_space<vmem>> -> memref<512xi32, #tpu.memory_space<vmem>>
    %dma_wait3A_1148 = tpu.memref_slice %arg2[%add3A_1055] : memref<1638400xi32, #tpu.memory_space<hbm>> -> memref<512xi32, #tpu.memory_space<hbm>>
    tpu.wait_dma2 semaphore(%arg12 : memref<!tpu.dma_semaphore, #tpu.memory_space<semaphore_mem>>) src(%dma_wait3A_1148 : memref<512xi32, #tpu.memory_space<hbm>>) dst(%dma_wait3A_1147 : memref<512xi32, #tpu.memory_space<vmem>>)
    %dma_wait3A_1149 = arith.constant 512 : i32
    %dma_wait3A_1150 = tpu.memref_slice %arg6[%dma_wait3A_1149] : memref<5120xi32, #tpu.memory_space<vmem>> -> memref<512xi32, #tpu.memory_space<vmem>>
    %dma_wait3A_1151 = tpu.memref_slice %arg2[%add3A_1063] : memref<1638400xi32, #tpu.memory_space<hbm>> -> memref<512xi32, #tpu.memory_space<hbm>>
    %dma_wait3A_1152 = arith.constant 512 : i32
    %dma_wait3A_1153 = tpu.memref_slice %arg6[%dma_wait3A_1152] : memref<5120xi32, #tpu.memory_space<vmem>> -> memref<512xi32, #tpu.memory_space<vmem>>
    %dma_wait3A_1154 = tpu.memref_slice %arg2[%add3A_1063] : memref<1638400xi32, #tpu.memory_space<hbm>> -> memref<512xi32, #tpu.memory_space<hbm>>
    tpu.wait_dma2 semaphore(%arg12 : memref<!tpu.dma_semaphore, #tpu.memory_space<semaphore_mem>>) src(%dma_wait3A_1154 : memref<512xi32, #tpu.memory_space<hbm>>) dst(%dma_wait3A_1153 : memref<512xi32, #tpu.memory_space<vmem>>)
    %dma_wait3A_1155 = arith.constant 1024 : i32
    %dma_wait3A_1156 = tpu.memref_slice %arg6[%dma_wait3A_1155] : memref<5120xi32, #tpu.memory_space<vmem>> -> memref<512xi32, #tpu.memory_space<vmem>>
    %dma_wait3A_1157 = tpu.memref_slice %arg2[%add3A_1071] : memref<1638400xi32, #tpu.memory_space<hbm>> -> memref<512xi32, #tpu.memory_space<hbm>>
    %dma_wait3A_1158 = arith.constant 1024 : i32
    %dma_wait3A_1159 = tpu.memref_slice %arg6[%dma_wait3A_1158] : memref<5120xi32, #tpu.memory_space<vmem>> -> memref<512xi32, #tpu.memory_space<vmem>>
    %dma_wait3A_1160 = tpu.memref_slice %arg2[%add3A_1071] : memref<1638400xi32, #tpu.memory_space<hbm>> -> memref<512xi32, #tpu.memory_space<hbm>>
    tpu.wait_dma2 semaphore(%arg12 : memref<!tpu.dma_semaphore, #tpu.memory_space<semaphore_mem>>) src(%dma_wait3A_1160 : memref<512xi32, #tpu.memory_space<hbm>>) dst(%dma_wait3A_1159 : memref<512xi32, #tpu.memory_space<vmem>>)
    %dma_wait3A_1161 = arith.constant 1536 : i32
    %dma_wait3A_1162 = tpu.memref_slice %arg6[%dma_wait3A_1161] : memref<5120xi32, #tpu.memory_space<vmem>> -> memref<512xi32, #tpu.memory_space<vmem>>
    %dma_wait3A_1163 = tpu.memref_slice %arg2[%add3A_1079] : memref<1638400xi32, #tpu.memory_space<hbm>> -> memref<512xi32, #tpu.memory_space<hbm>>
    %dma_wait3A_1164 = arith.constant 1536 : i32
    %dma_wait3A_1165 = tpu.memref_slice %arg6[%dma_wait3A_1164] : memref<5120xi32, #tpu.memory_space<vmem>> -> memref<512xi32, #tpu.memory_space<vmem>>
    %dma_wait3A_1166 = tpu.memref_slice %arg2[%add3A_1079] : memref<1638400xi32, #tpu.memory_space<hbm>> -> memref<512xi32, #tpu.memory_space<hbm>>
    tpu.wait_dma2 semaphore(%arg12 : memref<!tpu.dma_semaphore, #tpu.memory_space<semaphore_mem>>) src(%dma_wait3A_1166 : memref<512xi32, #tpu.memory_space<hbm>>) dst(%dma_wait3A_1165 : memref<512xi32, #tpu.memory_space<vmem>>)
    %dma_wait3A_1167 = arith.constant 2048 : i32
    %dma_wait3A_1168 = tpu.memref_slice %arg6[%dma_wait3A_1167] : memref<5120xi32, #tpu.memory_space<vmem>> -> memref<512xi32, #tpu.memory_space<vmem>>
    %dma_wait3A_1169 = tpu.memref_slice %arg2[%add3A_1087] : memref<1638400xi32, #tpu.memory_space<hbm>> -> memref<512xi32, #tpu.memory_space<hbm>>
    %dma_wait3A_1170 = arith.constant 2048 : i32
    %dma_wait3A_1171 = tpu.memref_slice %arg6[%dma_wait3A_1170] : memref<5120xi32, #tpu.memory_space<vmem>> -> memref<512xi32, #tpu.memory_space<vmem>>
    %dma_wait3A_1172 = tpu.memref_slice %arg2[%add3A_1087] : memref<1638400xi32, #tpu.memory_space<hbm>> -> memref<512xi32, #tpu.memory_space<hbm>>
    tpu.wait_dma2 semaphore(%arg12 : memref<!tpu.dma_semaphore, #tpu.memory_space<semaphore_mem>>) src(%dma_wait3A_1172 : memref<512xi32, #tpu.memory_space<hbm>>) dst(%dma_wait3A_1171 : memref<512xi32, #tpu.memory_space<vmem>>)
    %dma_wait3A_1173 = arith.constant 2560 : i32
    %dma_wait3A_1174 = tpu.memref_slice %arg6[%dma_wait3A_1173] : memref<5120xi32, #tpu.memory_space<vmem>> -> memref<512xi32, #tpu.memory_space<vmem>>
    %dma_wait3A_1175 = tpu.memref_slice %arg2[%add3A_1095] : memref<1638400xi32, #tpu.memory_space<hbm>> -> memref<512xi32, #tpu.memory_space<hbm>>
    %dma_wait3A_1176 = arith.constant 2560 : i32
    %dma_wait3A_1177 = tpu.memref_slice %arg6[%dma_wait3A_1176] : memref<5120xi32, #tpu.memory_space<vmem>> -> memref<512xi32, #tpu.memory_space<vmem>>
    %dma_wait3A_1178 = tpu.memref_slice %arg2[%add3A_1095] : memref<1638400xi32, #tpu.memory_space<hbm>> -> memref<512xi32, #tpu.memory_space<hbm>>
    tpu.wait_dma2 semaphore(%arg12 : memref<!tpu.dma_semaphore, #tpu.memory_space<semaphore_mem>>) src(%dma_wait3A_1178 : memref<512xi32, #tpu.memory_space<hbm>>) dst(%dma_wait3A_1177 : memref<512xi32, #tpu.memory_space<vmem>>)
    %dma_wait3A_1179 = arith.constant 3072 : i32
    %dma_wait3A_1180 = tpu.memref_slice %arg6[%dma_wait3A_1179] : memref<5120xi32, #tpu.memory_space<vmem>> -> memref<512xi32, #tpu.memory_space<vmem>>
    %dma_wait3A_1181 = tpu.memref_slice %arg2[%add3A_1103] : memref<1638400xi32, #tpu.memory_space<hbm>> -> memref<512xi32, #tpu.memory_space<hbm>>
    %dma_wait3A_1182 = arith.constant 3072 : i32
    %dma_wait3A_1183 = tpu.memref_slice %arg6[%dma_wait3A_1182] : memref<5120xi32, #tpu.memory_space<vmem>> -> memref<512xi32, #tpu.memory_space<vmem>>
    %dma_wait3A_1184 = tpu.memref_slice %arg2[%add3A_1103] : memref<1638400xi32, #tpu.memory_space<hbm>> -> memref<512xi32, #tpu.memory_space<hbm>>
    tpu.wait_dma2 semaphore(%arg12 : memref<!tpu.dma_semaphore, #tpu.memory_space<semaphore_mem>>) src(%dma_wait3A_1184 : memref<512xi32, #tpu.memory_space<hbm>>) dst(%dma_wait3A_1183 : memref<512xi32, #tpu.memory_space<vmem>>)
    %dma_wait3A_1185 = arith.constant 3584 : i32
    %dma_wait3A_1186 = tpu.memref_slice %arg6[%dma_wait3A_1185] : memref<5120xi32, #tpu.memory_space<vmem>> -> memref<512xi32, #tpu.memory_space<vmem>>
    %dma_wait3A_1187 = tpu.memref_slice %arg2[%add3A_1111] : memref<1638400xi32, #tpu.memory_space<hbm>> -> memref<512xi32, #tpu.memory_space<hbm>>
    %dma_wait3A_1188 = arith.constant 3584 : i32
    %dma_wait3A_1189 = tpu.memref_slice %arg6[%dma_wait3A_1188] : memref<5120xi32, #tpu.memory_space<vmem>> -> memref<512xi32, #tpu.memory_space<vmem>>
    %dma_wait3A_1190 = tpu.memref_slice %arg2[%add3A_1111] : memref<1638400xi32, #tpu.memory_space<hbm>> -> memref<512xi32, #tpu.memory_space<hbm>>
    tpu.wait_dma2 semaphore(%arg12 : memref<!tpu.dma_semaphore, #tpu.memory_space<semaphore_mem>>) src(%dma_wait3A_1190 : memref<512xi32, #tpu.memory_space<hbm>>) dst(%dma_wait3A_1189 : memref<512xi32, #tpu.memory_space<vmem>>)
    %dma_wait3A_1191 = arith.constant 4096 : i32
    %dma_wait3A_1192 = tpu.memref_slice %arg6[%dma_wait3A_1191] : memref<5120xi32, #tpu.memory_space<vmem>> -> memref<512xi32, #tpu.memory_space<vmem>>
    %dma_wait3A_1193 = tpu.memref_slice %arg2[%add3A_1119] : memref<1638400xi32, #tpu.memory_space<hbm>> -> memref<512xi32, #tpu.memory_space<hbm>>
    %dma_wait3A_1194 = arith.constant 4096 : i32
    %dma_wait3A_1195 = tpu.memref_slice %arg6[%dma_wait3A_1194] : memref<5120xi32, #tpu.memory_space<vmem>> -> memref<512xi32, #tpu.memory_space<vmem>>
    %dma_wait3A_1196 = tpu.memref_slice %arg2[%add3A_1119] : memref<1638400xi32, #tpu.memory_space<hbm>> -> memref<512xi32, #tpu.memory_space<hbm>>
    tpu.wait_dma2 semaphore(%arg12 : memref<!tpu.dma_semaphore, #tpu.memory_space<semaphore_mem>>) src(%dma_wait3A_1196 : memref<512xi32, #tpu.memory_space<hbm>>) dst(%dma_wait3A_1195 : memref<512xi32, #tpu.memory_space<vmem>>)
    %dma_wait3A_1197 = arith.constant 4608 : i32
    %dma_wait3A_1198 = tpu.memref_slice %arg6[%dma_wait3A_1197] : memref<5120xi32, #tpu.memory_space<vmem>> -> memref<512xi32, #tpu.memory_space<vmem>>
    %dma_wait3A_1199 = tpu.memref_slice %arg2[%add3A_1127] : memref<1638400xi32, #tpu.memory_space<hbm>> -> memref<512xi32, #tpu.memory_space<hbm>>
    %dma_wait3A_1200 = arith.constant 4608 : i32
    %dma_wait3A_1201 = tpu.memref_slice %arg6[%dma_wait3A_1200] : memref<5120xi32, #tpu.memory_space<vmem>> -> memref<512xi32, #tpu.memory_space<vmem>>
    %dma_wait3A_1202 = tpu.memref_slice %arg2[%add3A_1127] : memref<1638400xi32, #tpu.memory_space<hbm>> -> memref<512xi32, #tpu.memory_space<hbm>>
    tpu.wait_dma2 semaphore(%arg12 : memref<!tpu.dma_semaphore, #tpu.memory_space<semaphore_mem>>) src(%dma_wait3A_1202 : memref<512xi32, #tpu.memory_space<hbm>>) dst(%dma_wait3A_1201 : memref<512xi32, #tpu.memory_space<vmem>>)
    %dma_start3A_1203 = arith.constant 0 : i32
    %dma_start3A_1204 = tpu.memref_slice %arg11[%dma_start3A_1203] : memref<1000016xf32, #tpu.memory_space<vmem_shared>> -> memref<1000016xf32, #tpu.memory_space<vmem_shared>>
    tpu.enqueue_indirect_dma source(%dma_start3A_1204 : memref<1000016xf32, #tpu.memory_space<vmem_shared>>) target(%arg8 : memref<5120xf32, #tpu.memory_space<vmem>>) offsets(%arg6 : memref<5120xi32, #tpu.memory_space<vmem>>) semaphore(%arg13 : memref<!tpu.dma_semaphore, #tpu.memory_space<semaphore_mem>>)
    %add3A_1205 = arith.constant 1310720 : i32
    %add3A_1206 = arith.addi %add3A_1205, %mul3A_2 : i32
    %dma_start3A_1207 = arith.constant 0 : i32
    %dma_start3A_1208 = tpu.memref_slice %arg5[%dma_start3A_1207] : memref<5120xi32, #tpu.memory_space<vmem>> -> memref<512xi32, #tpu.memory_space<vmem>>
    %dma_start3A_1209 = tpu.memref_slice %arg2[%add3A_1206] : memref<1638400xi32, #tpu.memory_space<hbm>> -> memref<512xi32, #tpu.memory_space<hbm>>
    %dma_start3A_1210 = arith.constant 0 : i32
    %dma_start3A_1211 = tpu.memref_slice %arg5[%dma_start3A_1210] : memref<5120xi32, #tpu.memory_space<vmem>> -> memref<512xi32, #tpu.memory_space<vmem>>
    %dma_start3A_1212 = tpu.memref_slice %arg2[%add3A_1206] : memref<1638400xi32, #tpu.memory_space<hbm>> -> memref<512xi32, #tpu.memory_space<hbm>>
    tpu.enqueue_dma source(%dma_start3A_1212 : memref<512xi32, #tpu.memory_space<hbm>>) target(%dma_start3A_1211 : memref<512xi32, #tpu.memory_space<vmem>>) target_semaphore(%arg12 : memref<!tpu.dma_semaphore, #tpu.memory_space<semaphore_mem>>)
    %add3A_1213 = arith.constant 1327104 : i32
    %add3A_1214 = arith.addi %add3A_1213, %mul3A_2 : i32
    %dma_start3A_1215 = arith.constant 512 : i32
    %dma_start3A_1216 = tpu.memref_slice %arg5[%dma_start3A_1215] : memref<5120xi32, #tpu.memory_space<vmem>> -> memref<512xi32, #tpu.memory_space<vmem>>
    %dma_start3A_1217 = tpu.memref_slice %arg2[%add3A_1214] : memref<1638400xi32, #tpu.memory_space<hbm>> -> memref<512xi32, #tpu.memory_space<hbm>>
    %dma_start3A_1218 = arith.constant 512 : i32
    %dma_start3A_1219 = tpu.memref_slice %arg5[%dma_start3A_1218] : memref<5120xi32, #tpu.memory_space<vmem>> -> memref<512xi32, #tpu.memory_space<vmem>>
    %dma_start3A_1220 = tpu.memref_slice %arg2[%add3A_1214] : memref<1638400xi32, #tpu.memory_space<hbm>> -> memref<512xi32, #tpu.memory_space<hbm>>
    tpu.enqueue_dma source(%dma_start3A_1220 : memref<512xi32, #tpu.memory_space<hbm>>) target(%dma_start3A_1219 : memref<512xi32, #tpu.memory_space<vmem>>) target_semaphore(%arg12 : memref<!tpu.dma_semaphore, #tpu.memory_space<semaphore_mem>>)
    %add3A_1221 = arith.constant 1343488 : i32
    %add3A_1222 = arith.addi %add3A_1221, %mul3A_2 : i32
    %dma_start3A_1223 = arith.constant 1024 : i32
    %dma_start3A_1224 = tpu.memref_slice %arg5[%dma_start3A_1223] : memref<5120xi32, #tpu.memory_space<vmem>> -> memref<512xi32, #tpu.memory_space<vmem>>
    %dma_start3A_1225 = tpu.memref_slice %arg2[%add3A_1222] : memref<1638400xi32, #tpu.memory_space<hbm>> -> memref<512xi32, #tpu.memory_space<hbm>>
    %dma_start3A_1226 = arith.constant 1024 : i32
    %dma_start3A_1227 = tpu.memref_slice %arg5[%dma_start3A_1226] : memref<5120xi32, #tpu.memory_space<vmem>> -> memref<512xi32, #tpu.memory_space<vmem>>
    %dma_start3A_1228 = tpu.memref_slice %arg2[%add3A_1222] : memref<1638400xi32, #tpu.memory_space<hbm>> -> memref<512xi32, #tpu.memory_space<hbm>>
    tpu.enqueue_dma source(%dma_start3A_1228 : memref<512xi32, #tpu.memory_space<hbm>>) target(%dma_start3A_1227 : memref<512xi32, #tpu.memory_space<vmem>>) target_semaphore(%arg12 : memref<!tpu.dma_semaphore, #tpu.memory_space<semaphore_mem>>)
    %add3A_1229 = arith.constant 1359872 : i32
    %add3A_1230 = arith.addi %add3A_1229, %mul3A_2 : i32
    %dma_start3A_1231 = arith.constant 1536 : i32
    %dma_start3A_1232 = tpu.memref_slice %arg5[%dma_start3A_1231] : memref<5120xi32, #tpu.memory_space<vmem>> -> memref<512xi32, #tpu.memory_space<vmem>>
    %dma_start3A_1233 = tpu.memref_slice %arg2[%add3A_1230] : memref<1638400xi32, #tpu.memory_space<hbm>> -> memref<512xi32, #tpu.memory_space<hbm>>
    %dma_start3A_1234 = arith.constant 1536 : i32
    %dma_start3A_1235 = tpu.memref_slice %arg5[%dma_start3A_1234] : memref<5120xi32, #tpu.memory_space<vmem>> -> memref<512xi32, #tpu.memory_space<vmem>>
    %dma_start3A_1236 = tpu.memref_slice %arg2[%add3A_1230] : memref<1638400xi32, #tpu.memory_space<hbm>> -> memref<512xi32, #tpu.memory_space<hbm>>
    tpu.enqueue_dma source(%dma_start3A_1236 : memref<512xi32, #tpu.memory_space<hbm>>) target(%dma_start3A_1235 : memref<512xi32, #tpu.memory_space<vmem>>) target_semaphore(%arg12 : memref<!tpu.dma_semaphore, #tpu.memory_space<semaphore_mem>>)
    %add3A_1237 = arith.constant 1376256 : i32
    %add3A_1238 = arith.addi %add3A_1237, %mul3A_2 : i32
    %dma_start3A_1239 = arith.constant 2048 : i32
    %dma_start3A_1240 = tpu.memref_slice %arg5[%dma_start3A_1239] : memref<5120xi32, #tpu.memory_space<vmem>> -> memref<512xi32, #tpu.memory_space<vmem>>
    %dma_start3A_1241 = tpu.memref_slice %arg2[%add3A_1238] : memref<1638400xi32, #tpu.memory_space<hbm>> -> memref<512xi32, #tpu.memory_space<hbm>>
    %dma_start3A_1242 = arith.constant 2048 : i32
    %dma_start3A_1243 = tpu.memref_slice %arg5[%dma_start3A_1242] : memref<5120xi32, #tpu.memory_space<vmem>> -> memref<512xi32, #tpu.memory_space<vmem>>
    %dma_start3A_1244 = tpu.memref_slice %arg2[%add3A_1238] : memref<1638400xi32, #tpu.memory_space<hbm>> -> memref<512xi32, #tpu.memory_space<hbm>>
    tpu.enqueue_dma source(%dma_start3A_1244 : memref<512xi32, #tpu.memory_space<hbm>>) target(%dma_start3A_1243 : memref<512xi32, #tpu.memory_space<vmem>>) target_semaphore(%arg12 : memref<!tpu.dma_semaphore, #tpu.memory_space<semaphore_mem>>)
    %add3A_1245 = arith.constant 1392640 : i32
    %add3A_1246 = arith.addi %add3A_1245, %mul3A_2 : i32
    %dma_start3A_1247 = arith.constant 2560 : i32
    %dma_start3A_1248 = tpu.memref_slice %arg5[%dma_start3A_1247] : memref<5120xi32, #tpu.memory_space<vmem>> -> memref<512xi32, #tpu.memory_space<vmem>>
    %dma_start3A_1249 = tpu.memref_slice %arg2[%add3A_1246] : memref<1638400xi32, #tpu.memory_space<hbm>> -> memref<512xi32, #tpu.memory_space<hbm>>
    %dma_start3A_1250 = arith.constant 2560 : i32
    %dma_start3A_1251 = tpu.memref_slice %arg5[%dma_start3A_1250] : memref<5120xi32, #tpu.memory_space<vmem>> -> memref<512xi32, #tpu.memory_space<vmem>>
    %dma_start3A_1252 = tpu.memref_slice %arg2[%add3A_1246] : memref<1638400xi32, #tpu.memory_space<hbm>> -> memref<512xi32, #tpu.memory_space<hbm>>
    tpu.enqueue_dma source(%dma_start3A_1252 : memref<512xi32, #tpu.memory_space<hbm>>) target(%dma_start3A_1251 : memref<512xi32, #tpu.memory_space<vmem>>) target_semaphore(%arg12 : memref<!tpu.dma_semaphore, #tpu.memory_space<semaphore_mem>>)
    %add3A_1253 = arith.constant 1409024 : i32
    %add3A_1254 = arith.addi %add3A_1253, %mul3A_2 : i32
    %dma_start3A_1255 = arith.constant 3072 : i32
    %dma_start3A_1256 = tpu.memref_slice %arg5[%dma_start3A_1255] : memref<5120xi32, #tpu.memory_space<vmem>> -> memref<512xi32, #tpu.memory_space<vmem>>
    %dma_start3A_1257 = tpu.memref_slice %arg2[%add3A_1254] : memref<1638400xi32, #tpu.memory_space<hbm>> -> memref<512xi32, #tpu.memory_space<hbm>>
    %dma_start3A_1258 = arith.constant 3072 : i32
    %dma_start3A_1259 = tpu.memref_slice %arg5[%dma_start3A_1258] : memref<5120xi32, #tpu.memory_space<vmem>> -> memref<512xi32, #tpu.memory_space<vmem>>
    %dma_start3A_1260 = tpu.memref_slice %arg2[%add3A_1254] : memref<1638400xi32, #tpu.memory_space<hbm>> -> memref<512xi32, #tpu.memory_space<hbm>>
    tpu.enqueue_dma source(%dma_start3A_1260 : memref<512xi32, #tpu.memory_space<hbm>>) target(%dma_start3A_1259 : memref<512xi32, #tpu.memory_space<vmem>>) target_semaphore(%arg12 : memref<!tpu.dma_semaphore, #tpu.memory_space<semaphore_mem>>)
    %add3A_1261 = arith.constant 1425408 : i32
    %add3A_1262 = arith.addi %add3A_1261, %mul3A_2 : i32
    %dma_start3A_1263 = arith.constant 3584 : i32
    %dma_start3A_1264 = tpu.memref_slice %arg5[%dma_start3A_1263] : memref<5120xi32, #tpu.memory_space<vmem>> -> memref<512xi32, #tpu.memory_space<vmem>>
    %dma_start3A_1265 = tpu.memref_slice %arg2[%add3A_1262] : memref<1638400xi32, #tpu.memory_space<hbm>> -> memref<512xi32, #tpu.memory_space<hbm>>
    %dma_start3A_1266 = arith.constant 3584 : i32
    %dma_start3A_1267 = tpu.memref_slice %arg5[%dma_start3A_1266] : memref<5120xi32, #tpu.memory_space<vmem>> -> memref<512xi32, #tpu.memory_space<vmem>>
    %dma_start3A_1268 = tpu.memref_slice %arg2[%add3A_1262] : memref<1638400xi32, #tpu.memory_space<hbm>> -> memref<512xi32, #tpu.memory_space<hbm>>
    tpu.enqueue_dma source(%dma_start3A_1268 : memref<512xi32, #tpu.memory_space<hbm>>) target(%dma_start3A_1267 : memref<512xi32, #tpu.memory_space<vmem>>) target_semaphore(%arg12 : memref<!tpu.dma_semaphore, #tpu.memory_space<semaphore_mem>>)
    %add3A_1269 = arith.constant 1441792 : i32
    %add3A_1270 = arith.addi %add3A_1269, %mul3A_2 : i32
    %dma_start3A_1271 = arith.constant 4096 : i32
    %dma_start3A_1272 = tpu.memref_slice %arg5[%dma_start3A_1271] : memref<5120xi32, #tpu.memory_space<vmem>> -> memref<512xi32, #tpu.memory_space<vmem>>
    %dma_start3A_1273 = tpu.memref_slice %arg2[%add3A_1270] : memref<1638400xi32, #tpu.memory_space<hbm>> -> memref<512xi32, #tpu.memory_space<hbm>>
    %dma_start3A_1274 = arith.constant 4096 : i32
    %dma_start3A_1275 = tpu.memref_slice %arg5[%dma_start3A_1274] : memref<5120xi32, #tpu.memory_space<vmem>> -> memref<512xi32, #tpu.memory_space<vmem>>
    %dma_start3A_1276 = tpu.memref_slice %arg2[%add3A_1270] : memref<1638400xi32, #tpu.memory_space<hbm>> -> memref<512xi32, #tpu.memory_space<hbm>>
    tpu.enqueue_dma source(%dma_start3A_1276 : memref<512xi32, #tpu.memory_space<hbm>>) target(%dma_start3A_1275 : memref<512xi32, #tpu.memory_space<vmem>>) target_semaphore(%arg12 : memref<!tpu.dma_semaphore, #tpu.memory_space<semaphore_mem>>)
    %add3A_1277 = arith.constant 1458176 : i32
    %add3A_1278 = arith.addi %add3A_1277, %mul3A_2 : i32
    %dma_start3A_1279 = arith.constant 4608 : i32
    %dma_start3A_1280 = tpu.memref_slice %arg5[%dma_start3A_1279] : memref<5120xi32, #tpu.memory_space<vmem>> -> memref<512xi32, #tpu.memory_space<vmem>>
    %dma_start3A_1281 = tpu.memref_slice %arg2[%add3A_1278] : memref<1638400xi32, #tpu.memory_space<hbm>> -> memref<512xi32, #tpu.memory_space<hbm>>
    %dma_start3A_1282 = arith.constant 4608 : i32
    %dma_start3A_1283 = tpu.memref_slice %arg5[%dma_start3A_1282] : memref<5120xi32, #tpu.memory_space<vmem>> -> memref<512xi32, #tpu.memory_space<vmem>>
    %dma_start3A_1284 = tpu.memref_slice %arg2[%add3A_1278] : memref<1638400xi32, #tpu.memory_space<hbm>> -> memref<512xi32, #tpu.memory_space<hbm>>
    tpu.enqueue_dma source(%dma_start3A_1284 : memref<512xi32, #tpu.memory_space<hbm>>) target(%dma_start3A_1283 : memref<512xi32, #tpu.memory_space<vmem>>) target_semaphore(%arg12 : memref<!tpu.dma_semaphore, #tpu.memory_space<semaphore_mem>>)
    %scan3A_1285 = arith.constant 0 : i32
    %scan3A_1286 = arith.constant 0 : i32
    %scan3A_1287 = arith.constant 32 : i32
    %scan3A_1288 = arith.addi %scan3A_1286, %scan3A_1287 : i32
    %scan3A_1289 = arith.constant 1 : i32
    %scan3A_1290 = scf.for %scan3A_1523 = %scan3A_1286 to %scan3A_1288 step %scan3A_1289 iter_args(%scan3A_1524 = %scan3A_1285) -> (i32)  : i32 {
      %mul3A_1525 = arith.constant 16 : i32
      %mul3A_1526 = arith.muli %scan3A_1523, %mul3A_1525 : i32
      %multiple_of3A = tpu.assume_multiple %mul3A_1526, 16 : i32
      %get3A = arith.index_cast %multiple_of3A : i32 to index
      %get3A_1527 = tpu.vector_load %arg7[%get3A] {strides = array<i32>} : memref<5120xf32, #tpu.memory_space<vmem>>, vector<16xf32>,
      %get3A_1528 = vector.shape_cast %get3A_1527 : vector<16xf32> to vector<16xf32>
      %add3A_1529 = arith.constant 512 : i32
      %add3A_1530 = arith.addi %add3A_1529, %multiple_of3A : i32
      %get3A_1531 = arith.index_cast %add3A_1530 : i32 to index
      %get3A_1532 = tpu.vector_load %arg7[%get3A_1531] {strides = array<i32>} : memref<5120xf32, #tpu.memory_space<vmem>>, vector<16xf32>,
      %get3A_1533 = vector.shape_cast %get3A_1532 : vector<16xf32> to vector<16xf32>
      %add3A_1534 = arith.addf %get3A_1528, %get3A_1533 : vector<16xf32>
      %add3A_1535 = arith.constant 1024 : i32
      %add3A_1536 = arith.addi %add3A_1535, %multiple_of3A : i32
      %get3A_1537 = arith.index_cast %add3A_1536 : i32 to index
      %get3A_1538 = tpu.vector_load %arg7[%get3A_1537] {strides = array<i32>} : memref<5120xf32, #tpu.memory_space<vmem>>, vector<16xf32>,
      %get3A_1539 = vector.shape_cast %get3A_1538 : vector<16xf32> to vector<16xf32>
      %add3A_1540 = arith.addf %add3A_1534, %get3A_1539 : vector<16xf32>
      %add3A_1541 = arith.constant 1536 : i32
      %add3A_1542 = arith.addi %add3A_1541, %multiple_of3A : i32
      %get3A_1543 = arith.index_cast %add3A_1542 : i32 to index
      %get3A_1544 = tpu.vector_load %arg7[%get3A_1543] {strides = array<i32>} : memref<5120xf32, #tpu.memory_space<vmem>>, vector<16xf32>,
      %get3A_1545 = vector.shape_cast %get3A_1544 : vector<16xf32> to vector<16xf32>
      %add3A_1546 = arith.addf %add3A_1540, %get3A_1545 : vector<16xf32>
      %add3A_1547 = arith.constant 2048 : i32
      %add3A_1548 = arith.addi %add3A_1547, %multiple_of3A : i32
      %get3A_1549 = arith.index_cast %add3A_1548 : i32 to index
      %get3A_1550 = tpu.vector_load %arg7[%get3A_1549] {strides = array<i32>} : memref<5120xf32, #tpu.memory_space<vmem>>, vector<16xf32>,
      %get3A_1551 = vector.shape_cast %get3A_1550 : vector<16xf32> to vector<16xf32>
      %add3A_1552 = arith.addf %add3A_1546, %get3A_1551 : vector<16xf32>
      %add3A_1553 = arith.constant 2560 : i32
      %add3A_1554 = arith.addi %add3A_1553, %multiple_of3A : i32
      %get3A_1555 = arith.index_cast %add3A_1554 : i32 to index
      %get3A_1556 = tpu.vector_load %arg7[%get3A_1555] {strides = array<i32>} : memref<5120xf32, #tpu.memory_space<vmem>>, vector<16xf32>,
      %get3A_1557 = vector.shape_cast %get3A_1556 : vector<16xf32> to vector<16xf32>
      %add3A_1558 = arith.addf %add3A_1552, %get3A_1557 : vector<16xf32>
      %add3A_1559 = arith.constant 3072 : i32
      %add3A_1560 = arith.addi %add3A_1559, %multiple_of3A : i32
      %get3A_1561 = arith.index_cast %add3A_1560 : i32 to index
      %get3A_1562 = tpu.vector_load %arg7[%get3A_1561] {strides = array<i32>} : memref<5120xf32, #tpu.memory_space<vmem>>, vector<16xf32>,
      %get3A_1563 = vector.shape_cast %get3A_1562 : vector<16xf32> to vector<16xf32>
      %add3A_1564 = arith.addf %add3A_1558, %get3A_1563 : vector<16xf32>
      %add3A_1565 = arith.constant 3584 : i32
      %add3A_1566 = arith.addi %add3A_1565, %multiple_of3A : i32
      %get3A_1567 = arith.index_cast %add3A_1566 : i32 to index
      %get3A_1568 = tpu.vector_load %arg7[%get3A_1567] {strides = array<i32>} : memref<5120xf32, #tpu.memory_space<vmem>>, vector<16xf32>,
      %get3A_1569 = vector.shape_cast %get3A_1568 : vector<16xf32> to vector<16xf32>
      %add3A_1570 = arith.addf %add3A_1564, %get3A_1569 : vector<16xf32>
      %add3A_1571 = arith.constant 4096 : i32
      %add3A_1572 = arith.addi %add3A_1571, %multiple_of3A : i32
      %get3A_1573 = arith.index_cast %add3A_1572 : i32 to index
      %get3A_1574 = tpu.vector_load %arg7[%get3A_1573] {strides = array<i32>} : memref<5120xf32, #tpu.memory_space<vmem>>, vector<16xf32>,
      %get3A_1575 = vector.shape_cast %get3A_1574 : vector<16xf32> to vector<16xf32>
      %add3A_1576 = arith.addf %add3A_1570, %get3A_1575 : vector<16xf32>
      %add3A_1577 = arith.constant 4608 : i32
      %add3A_1578 = arith.addi %add3A_1577, %multiple_of3A : i32
      %get3A_1579 = arith.index_cast %add3A_1578 : i32 to index
      %get3A_1580 = tpu.vector_load %arg7[%get3A_1579] {strides = array<i32>} : memref<5120xf32, #tpu.memory_space<vmem>>, vector<16xf32>,
      %get3A_1581 = vector.shape_cast %get3A_1580 : vector<16xf32> to vector<16xf32>
      %add3A_1582 = arith.addf %add3A_1576, %get3A_1581 : vector<16xf32>
      %get3A_1583 = arith.index_cast %multiple_of3A : i32 to index
      %get3A_1584 = tpu.vector_load %arg9[%get3A_1583] {strides = array<i32>} : memref<512xf32, #tpu.memory_space<vmem>>, vector<16xf32>,
      %get3A_1585 = vector.shape_cast %get3A_1584 : vector<16xf32> to vector<16xf32>
      %add3A_1586 = arith.addf %get3A_1585, %add3A_1582 : vector<16xf32>
      %swap3A = arith.index_cast %multiple_of3A : i32 to index
      %swap3A_1587 = tpu.vector_load %arg9[%swap3A] {strides = array<i32>} : memref<512xf32, #tpu.memory_space<vmem>>, vector<16xf32>,
      %swap3A_1588 = vector.shape_cast %swap3A_1587 : vector<16xf32> to vector<16xf32>
      %swap3A_1589 = vector.shape_cast %add3A_1586 : vector<16xf32> to vector<16xf32>
      tpu.vector_store %arg9[%swap3A], %swap3A_1589 {strides = array<i32>} : memref<512xf32, #tpu.memory_space<vmem>>, vector<16xf32>,
      %scan3A_1590 = arith.constant 0 : i32
      scf.yield %scan3A_1590 : i32
    }
    %scan3A_1291 = arith.constant 32 : i32
    %dma_wait3A_1292 = arith.constant 0 : i32
    %dma_wait3A_1293 = tpu.memref_slice %arg11[%dma_wait3A_1292] : memref<1000016xf32, #tpu.memory_space<vmem_shared>> -> memref<1000016xf32, #tpu.memory_space<vmem_shared>>
    tpu.wait_indirect_dma semaphore(%arg13 : memref<!tpu.dma_semaphore, #tpu.memory_space<semaphore_mem>>) src(%dma_wait3A_1293 : memref<1000016xf32, #tpu.memory_space<vmem_shared>>) dst(%arg8 : memref<5120xf32, #tpu.memory_space<vmem>>)
    %dma_wait3A_1294 = arith.constant 0 : i32
    %dma_wait3A_1295 = tpu.memref_slice %arg5[%dma_wait3A_1294] : memref<5120xi32, #tpu.memory_space<vmem>> -> memref<512xi32, #tpu.memory_space<vmem>>
    %dma_wait3A_1296 = tpu.memref_slice %arg2[%add3A_1206] : memref<1638400xi32, #tpu.memory_space<hbm>> -> memref<512xi32, #tpu.memory_space<hbm>>
    %dma_wait3A_1297 = arith.constant 0 : i32
    %dma_wait3A_1298 = tpu.memref_slice %arg5[%dma_wait3A_1297] : memref<5120xi32, #tpu.memory_space<vmem>> -> memref<512xi32, #tpu.memory_space<vmem>>
    %dma_wait3A_1299 = tpu.memref_slice %arg2[%add3A_1206] : memref<1638400xi32, #tpu.memory_space<hbm>> -> memref<512xi32, #tpu.memory_space<hbm>>
    tpu.wait_dma2 semaphore(%arg12 : memref<!tpu.dma_semaphore, #tpu.memory_space<semaphore_mem>>) src(%dma_wait3A_1299 : memref<512xi32, #tpu.memory_space<hbm>>) dst(%dma_wait3A_1298 : memref<512xi32, #tpu.memory_space<vmem>>)
    %dma_wait3A_1300 = arith.constant 512 : i32
    %dma_wait3A_1301 = tpu.memref_slice %arg5[%dma_wait3A_1300] : memref<5120xi32, #tpu.memory_space<vmem>> -> memref<512xi32, #tpu.memory_space<vmem>>
    %dma_wait3A_1302 = tpu.memref_slice %arg2[%add3A_1214] : memref<1638400xi32, #tpu.memory_space<hbm>> -> memref<512xi32, #tpu.memory_space<hbm>>
    %dma_wait3A_1303 = arith.constant 512 : i32
    %dma_wait3A_1304 = tpu.memref_slice %arg5[%dma_wait3A_1303] : memref<5120xi32, #tpu.memory_space<vmem>> -> memref<512xi32, #tpu.memory_space<vmem>>
    %dma_wait3A_1305 = tpu.memref_slice %arg2[%add3A_1214] : memref<1638400xi32, #tpu.memory_space<hbm>> -> memref<512xi32, #tpu.memory_space<hbm>>
    tpu.wait_dma2 semaphore(%arg12 : memref<!tpu.dma_semaphore, #tpu.memory_space<semaphore_mem>>) src(%dma_wait3A_1305 : memref<512xi32, #tpu.memory_space<hbm>>) dst(%dma_wait3A_1304 : memref<512xi32, #tpu.memory_space<vmem>>)
    %dma_wait3A_1306 = arith.constant 1024 : i32
    %dma_wait3A_1307 = tpu.memref_slice %arg5[%dma_wait3A_1306] : memref<5120xi32, #tpu.memory_space<vmem>> -> memref<512xi32, #tpu.memory_space<vmem>>
    %dma_wait3A_1308 = tpu.memref_slice %arg2[%add3A_1222] : memref<1638400xi32, #tpu.memory_space<hbm>> -> memref<512xi32, #tpu.memory_space<hbm>>
    %dma_wait3A_1309 = arith.constant 1024 : i32
    %dma_wait3A_1310 = tpu.memref_slice %arg5[%dma_wait3A_1309] : memref<5120xi32, #tpu.memory_space<vmem>> -> memref<512xi32, #tpu.memory_space<vmem>>
    %dma_wait3A_1311 = tpu.memref_slice %arg2[%add3A_1222] : memref<1638400xi32, #tpu.memory_space<hbm>> -> memref<512xi32, #tpu.memory_space<hbm>>
    tpu.wait_dma2 semaphore(%arg12 : memref<!tpu.dma_semaphore, #tpu.memory_space<semaphore_mem>>) src(%dma_wait3A_1311 : memref<512xi32, #tpu.memory_space<hbm>>) dst(%dma_wait3A_1310 : memref<512xi32, #tpu.memory_space<vmem>>)
    %dma_wait3A_1312 = arith.constant 1536 : i32
    %dma_wait3A_1313 = tpu.memref_slice %arg5[%dma_wait3A_1312] : memref<5120xi32, #tpu.memory_space<vmem>> -> memref<512xi32, #tpu.memory_space<vmem>>
    %dma_wait3A_1314 = tpu.memref_slice %arg2[%add3A_1230] : memref<1638400xi32, #tpu.memory_space<hbm>> -> memref<512xi32, #tpu.memory_space<hbm>>
    %dma_wait3A_1315 = arith.constant 1536 : i32
    %dma_wait3A_1316 = tpu.memref_slice %arg5[%dma_wait3A_1315] : memref<5120xi32, #tpu.memory_space<vmem>> -> memref<512xi32, #tpu.memory_space<vmem>>
    %dma_wait3A_1317 = tpu.memref_slice %arg2[%add3A_1230] : memref<1638400xi32, #tpu.memory_space<hbm>> -> memref<512xi32, #tpu.memory_space<hbm>>
    tpu.wait_dma2 semaphore(%arg12 : memref<!tpu.dma_semaphore, #tpu.memory_space<semaphore_mem>>) src(%dma_wait3A_1317 : memref<512xi32, #tpu.memory_space<hbm>>) dst(%dma_wait3A_1316 : memref<512xi32, #tpu.memory_space<vmem>>)
    %dma_wait3A_1318 = arith.constant 2048 : i32
    %dma_wait3A_1319 = tpu.memref_slice %arg5[%dma_wait3A_1318] : memref<5120xi32, #tpu.memory_space<vmem>> -> memref<512xi32, #tpu.memory_space<vmem>>
    %dma_wait3A_1320 = tpu.memref_slice %arg2[%add3A_1238] : memref<1638400xi32, #tpu.memory_space<hbm>> -> memref<512xi32, #tpu.memory_space<hbm>>
    %dma_wait3A_1321 = arith.constant 2048 : i32
    %dma_wait3A_1322 = tpu.memref_slice %arg5[%dma_wait3A_1321] : memref<5120xi32, #tpu.memory_space<vmem>> -> memref<512xi32, #tpu.memory_space<vmem>>
    %dma_wait3A_1323 = tpu.memref_slice %arg2[%add3A_1238] : memref<1638400xi32, #tpu.memory_space<hbm>> -> memref<512xi32, #tpu.memory_space<hbm>>
    tpu.wait_dma2 semaphore(%arg12 : memref<!tpu.dma_semaphore, #tpu.memory_space<semaphore_mem>>) src(%dma_wait3A_1323 : memref<512xi32, #tpu.memory_space<hbm>>) dst(%dma_wait3A_1322 : memref<512xi32, #tpu.memory_space<vmem>>)
    %dma_wait3A_1324 = arith.constant 2560 : i32
    %dma_wait3A_1325 = tpu.memref_slice %arg5[%dma_wait3A_1324] : memref<5120xi32, #tpu.memory_space<vmem>> -> memref<512xi32, #tpu.memory_space<vmem>>
    %dma_wait3A_1326 = tpu.memref_slice %arg2[%add3A_1246] : memref<1638400xi32, #tpu.memory_space<hbm>> -> memref<512xi32, #tpu.memory_space<hbm>>
    %dma_wait3A_1327 = arith.constant 2560 : i32
    %dma_wait3A_1328 = tpu.memref_slice %arg5[%dma_wait3A_1327] : memref<5120xi32, #tpu.memory_space<vmem>> -> memref<512xi32, #tpu.memory_space<vmem>>
    %dma_wait3A_1329 = tpu.memref_slice %arg2[%add3A_1246] : memref<1638400xi32, #tpu.memory_space<hbm>> -> memref<512xi32, #tpu.memory_space<hbm>>
    tpu.wait_dma2 semaphore(%arg12 : memref<!tpu.dma_semaphore, #tpu.memory_space<semaphore_mem>>) src(%dma_wait3A_1329 : memref<512xi32, #tpu.memory_space<hbm>>) dst(%dma_wait3A_1328 : memref<512xi32, #tpu.memory_space<vmem>>)
    %dma_wait3A_1330 = arith.constant 3072 : i32
    %dma_wait3A_1331 = tpu.memref_slice %arg5[%dma_wait3A_1330] : memref<5120xi32, #tpu.memory_space<vmem>> -> memref<512xi32, #tpu.memory_space<vmem>>
    %dma_wait3A_1332 = tpu.memref_slice %arg2[%add3A_1254] : memref<1638400xi32, #tpu.memory_space<hbm>> -> memref<512xi32, #tpu.memory_space<hbm>>
    %dma_wait3A_1333 = arith.constant 3072 : i32
    %dma_wait3A_1334 = tpu.memref_slice %arg5[%dma_wait3A_1333] : memref<5120xi32, #tpu.memory_space<vmem>> -> memref<512xi32, #tpu.memory_space<vmem>>
    %dma_wait3A_1335 = tpu.memref_slice %arg2[%add3A_1254] : memref<1638400xi32, #tpu.memory_space<hbm>> -> memref<512xi32, #tpu.memory_space<hbm>>
    tpu.wait_dma2 semaphore(%arg12 : memref<!tpu.dma_semaphore, #tpu.memory_space<semaphore_mem>>) src(%dma_wait3A_1335 : memref<512xi32, #tpu.memory_space<hbm>>) dst(%dma_wait3A_1334 : memref<512xi32, #tpu.memory_space<vmem>>)
    %dma_wait3A_1336 = arith.constant 3584 : i32
    %dma_wait3A_1337 = tpu.memref_slice %arg5[%dma_wait3A_1336] : memref<5120xi32, #tpu.memory_space<vmem>> -> memref<512xi32, #tpu.memory_space<vmem>>
    %dma_wait3A_1338 = tpu.memref_slice %arg2[%add3A_1262] : memref<1638400xi32, #tpu.memory_space<hbm>> -> memref<512xi32, #tpu.memory_space<hbm>>
    %dma_wait3A_1339 = arith.constant 3584 : i32
    %dma_wait3A_1340 = tpu.memref_slice %arg5[%dma_wait3A_1339] : memref<5120xi32, #tpu.memory_space<vmem>> -> memref<512xi32, #tpu.memory_space<vmem>>
    %dma_wait3A_1341 = tpu.memref_slice %arg2[%add3A_1262] : memref<1638400xi32, #tpu.memory_space<hbm>> -> memref<512xi32, #tpu.memory_space<hbm>>
    tpu.wait_dma2 semaphore(%arg12 : memref<!tpu.dma_semaphore, #tpu.memory_space<semaphore_mem>>) src(%dma_wait3A_1341 : memref<512xi32, #tpu.memory_space<hbm>>) dst(%dma_wait3A_1340 : memref<512xi32, #tpu.memory_space<vmem>>)
    %dma_wait3A_1342 = arith.constant 4096 : i32
    %dma_wait3A_1343 = tpu.memref_slice %arg5[%dma_wait3A_1342] : memref<5120xi32, #tpu.memory_space<vmem>> -> memref<512xi32, #tpu.memory_space<vmem>>
    %dma_wait3A_1344 = tpu.memref_slice %arg2[%add3A_1270] : memref<1638400xi32, #tpu.memory_space<hbm>> -> memref<512xi32, #tpu.memory_space<hbm>>
    %dma_wait3A_1345 = arith.constant 4096 : i32
    %dma_wait3A_1346 = tpu.memref_slice %arg5[%dma_wait3A_1345] : memref<5120xi32, #tpu.memory_space<vmem>> -> memref<512xi32, #tpu.memory_space<vmem>>
    %dma_wait3A_1347 = tpu.memref_slice %arg2[%add3A_1270] : memref<1638400xi32, #tpu.memory_space<hbm>> -> memref<512xi32, #tpu.memory_space<hbm>>
    tpu.wait_dma2 semaphore(%arg12 : memref<!tpu.dma_semaphore, #tpu.memory_space<semaphore_mem>>) src(%dma_wait3A_1347 : memref<512xi32, #tpu.memory_space<hbm>>) dst(%dma_wait3A_1346 : memref<512xi32, #tpu.memory_space<vmem>>)
    %dma_wait3A_1348 = arith.constant 4608 : i32
    %dma_wait3A_1349 = tpu.memref_slice %arg5[%dma_wait3A_1348] : memref<5120xi32, #tpu.memory_space<vmem>> -> memref<512xi32, #tpu.memory_space<vmem>>
    %dma_wait3A_1350 = tpu.memref_slice %arg2[%add3A_1278] : memref<1638400xi32, #tpu.memory_space<hbm>> -> memref<512xi32, #tpu.memory_space<hbm>>
    %dma_wait3A_1351 = arith.constant 4608 : i32
    %dma_wait3A_1352 = tpu.memref_slice %arg5[%dma_wait3A_1351] : memref<5120xi32, #tpu.memory_space<vmem>> -> memref<512xi32, #tpu.memory_space<vmem>>
    %dma_wait3A_1353 = tpu.memref_slice %arg2[%add3A_1278] : memref<1638400xi32, #tpu.memory_space<hbm>> -> memref<512xi32, #tpu.memory_space<hbm>>
    tpu.wait_dma2 semaphore(%arg12 : memref<!tpu.dma_semaphore, #tpu.memory_space<semaphore_mem>>) src(%dma_wait3A_1353 : memref<512xi32, #tpu.memory_space<hbm>>) dst(%dma_wait3A_1352 : memref<512xi32, #tpu.memory_space<vmem>>)
    %dma_start3A_1354 = arith.constant 0 : i32
    %dma_start3A_1355 = tpu.memref_slice %arg11[%dma_start3A_1354] : memref<1000016xf32, #tpu.memory_space<vmem_shared>> -> memref<1000016xf32, #tpu.memory_space<vmem_shared>>
    tpu.enqueue_indirect_dma source(%dma_start3A_1355 : memref<1000016xf32, #tpu.memory_space<vmem_shared>>) target(%arg7 : memref<5120xf32, #tpu.memory_space<vmem>>) offsets(%arg5 : memref<5120xi32, #tpu.memory_space<vmem>>) semaphore(%arg13 : memref<!tpu.dma_semaphore, #tpu.memory_space<semaphore_mem>>)
    %add3A_1356 = arith.constant 1474560 : i32
    %add3A_1357 = arith.addi %add3A_1356, %mul3A_2 : i32
    %dma_start3A_1358 = arith.constant 0 : i32
    %dma_start3A_1359 = tpu.memref_slice %arg6[%dma_start3A_1358] : memref<5120xi32, #tpu.memory_space<vmem>> -> memref<512xi32, #tpu.memory_space<vmem>>
    %dma_start3A_1360 = tpu.memref_slice %arg2[%add3A_1357] : memref<1638400xi32, #tpu.memory_space<hbm>> -> memref<512xi32, #tpu.memory_space<hbm>>
    %dma_start3A_1361 = arith.constant 0 : i32
    %dma_start3A_1362 = tpu.memref_slice %arg6[%dma_start3A_1361] : memref<5120xi32, #tpu.memory_space<vmem>> -> memref<512xi32, #tpu.memory_space<vmem>>
    %dma_start3A_1363 = tpu.memref_slice %arg2[%add3A_1357] : memref<1638400xi32, #tpu.memory_space<hbm>> -> memref<512xi32, #tpu.memory_space<hbm>>
    tpu.enqueue_dma source(%dma_start3A_1363 : memref<512xi32, #tpu.memory_space<hbm>>) target(%dma_start3A_1362 : memref<512xi32, #tpu.memory_space<vmem>>) target_semaphore(%arg12 : memref<!tpu.dma_semaphore, #tpu.memory_space<semaphore_mem>>)
    %add3A_1364 = arith.constant 1490944 : i32
    %add3A_1365 = arith.addi %add3A_1364, %mul3A_2 : i32
    %dma_start3A_1366 = arith.constant 512 : i32
    %dma_start3A_1367 = tpu.memref_slice %arg6[%dma_start3A_1366] : memref<5120xi32, #tpu.memory_space<vmem>> -> memref<512xi32, #tpu.memory_space<vmem>>
    %dma_start3A_1368 = tpu.memref_slice %arg2[%add3A_1365] : memref<1638400xi32, #tpu.memory_space<hbm>> -> memref<512xi32, #tpu.memory_space<hbm>>
    %dma_start3A_1369 = arith.constant 512 : i32
    %dma_start3A_1370 = tpu.memref_slice %arg6[%dma_start3A_1369] : memref<5120xi32, #tpu.memory_space<vmem>> -> memref<512xi32, #tpu.memory_space<vmem>>
    %dma_start3A_1371 = tpu.memref_slice %arg2[%add3A_1365] : memref<1638400xi32, #tpu.memory_space<hbm>> -> memref<512xi32, #tpu.memory_space<hbm>>
    tpu.enqueue_dma source(%dma_start3A_1371 : memref<512xi32, #tpu.memory_space<hbm>>) target(%dma_start3A_1370 : memref<512xi32, #tpu.memory_space<vmem>>) target_semaphore(%arg12 : memref<!tpu.dma_semaphore, #tpu.memory_space<semaphore_mem>>)
    %add3A_1372 = arith.constant 1507328 : i32
    %add3A_1373 = arith.addi %add3A_1372, %mul3A_2 : i32
    %dma_start3A_1374 = arith.constant 1024 : i32
    %dma_start3A_1375 = tpu.memref_slice %arg6[%dma_start3A_1374] : memref<5120xi32, #tpu.memory_space<vmem>> -> memref<512xi32, #tpu.memory_space<vmem>>
    %dma_start3A_1376 = tpu.memref_slice %arg2[%add3A_1373] : memref<1638400xi32, #tpu.memory_space<hbm>> -> memref<512xi32, #tpu.memory_space<hbm>>
    %dma_start3A_1377 = arith.constant 1024 : i32
    %dma_start3A_1378 = tpu.memref_slice %arg6[%dma_start3A_1377] : memref<5120xi32, #tpu.memory_space<vmem>> -> memref<512xi32, #tpu.memory_space<vmem>>
    %dma_start3A_1379 = tpu.memref_slice %arg2[%add3A_1373] : memref<1638400xi32, #tpu.memory_space<hbm>> -> memref<512xi32, #tpu.memory_space<hbm>>
    tpu.enqueue_dma source(%dma_start3A_1379 : memref<512xi32, #tpu.memory_space<hbm>>) target(%dma_start3A_1378 : memref<512xi32, #tpu.memory_space<vmem>>) target_semaphore(%arg12 : memref<!tpu.dma_semaphore, #tpu.memory_space<semaphore_mem>>)
    %add3A_1380 = arith.constant 1523712 : i32
    %add3A_1381 = arith.addi %add3A_1380, %mul3A_2 : i32
    %dma_start3A_1382 = arith.constant 1536 : i32
    %dma_start3A_1383 = tpu.memref_slice %arg6[%dma_start3A_1382] : memref<5120xi32, #tpu.memory_space<vmem>> -> memref<512xi32, #tpu.memory_space<vmem>>
    %dma_start3A_1384 = tpu.memref_slice %arg2[%add3A_1381] : memref<1638400xi32, #tpu.memory_space<hbm>> -> memref<512xi32, #tpu.memory_space<hbm>>
    %dma_start3A_1385 = arith.constant 1536 : i32
    %dma_start3A_1386 = tpu.memref_slice %arg6[%dma_start3A_1385] : memref<5120xi32, #tpu.memory_space<vmem>> -> memref<512xi32, #tpu.memory_space<vmem>>
    %dma_start3A_1387 = tpu.memref_slice %arg2[%add3A_1381] : memref<1638400xi32, #tpu.memory_space<hbm>> -> memref<512xi32, #tpu.memory_space<hbm>>
    tpu.enqueue_dma source(%dma_start3A_1387 : memref<512xi32, #tpu.memory_space<hbm>>) target(%dma_start3A_1386 : memref<512xi32, #tpu.memory_space<vmem>>) target_semaphore(%arg12 : memref<!tpu.dma_semaphore, #tpu.memory_space<semaphore_mem>>)
    %add3A_1388 = arith.constant 1540096 : i32
    %add3A_1389 = arith.addi %add3A_1388, %mul3A_2 : i32
    %dma_start3A_1390 = arith.constant 2048 : i32
    %dma_start3A_1391 = tpu.memref_slice %arg6[%dma_start3A_1390] : memref<5120xi32, #tpu.memory_space<vmem>> -> memref<512xi32, #tpu.memory_space<vmem>>
    %dma_start3A_1392 = tpu.memref_slice %arg2[%add3A_1389] : memref<1638400xi32, #tpu.memory_space<hbm>> -> memref<512xi32, #tpu.memory_space<hbm>>
    %dma_start3A_1393 = arith.constant 2048 : i32
    %dma_start3A_1394 = tpu.memref_slice %arg6[%dma_start3A_1393] : memref<5120xi32, #tpu.memory_space<vmem>> -> memref<512xi32, #tpu.memory_space<vmem>>
    %dma_start3A_1395 = tpu.memref_slice %arg2[%add3A_1389] : memref<1638400xi32, #tpu.memory_space<hbm>> -> memref<512xi32, #tpu.memory_space<hbm>>
    tpu.enqueue_dma source(%dma_start3A_1395 : memref<512xi32, #tpu.memory_space<hbm>>) target(%dma_start3A_1394 : memref<512xi32, #tpu.memory_space<vmem>>) target_semaphore(%arg12 : memref<!tpu.dma_semaphore, #tpu.memory_space<semaphore_mem>>)
    %add3A_1396 = arith.constant 1556480 : i32
    %add3A_1397 = arith.addi %add3A_1396, %mul3A_2 : i32
    %dma_start3A_1398 = arith.constant 2560 : i32
    %dma_start3A_1399 = tpu.memref_slice %arg6[%dma_start3A_1398] : memref<5120xi32, #tpu.memory_space<vmem>> -> memref<512xi32, #tpu.memory_space<vmem>>
    %dma_start3A_1400 = tpu.memref_slice %arg2[%add3A_1397] : memref<1638400xi32, #tpu.memory_space<hbm>> -> memref<512xi32, #tpu.memory_space<hbm>>
    %dma_start3A_1401 = arith.constant 2560 : i32
    %dma_start3A_1402 = tpu.memref_slice %arg6[%dma_start3A_1401] : memref<5120xi32, #tpu.memory_space<vmem>> -> memref<512xi32, #tpu.memory_space<vmem>>
    %dma_start3A_1403 = tpu.memref_slice %arg2[%add3A_1397] : memref<1638400xi32, #tpu.memory_space<hbm>> -> memref<512xi32, #tpu.memory_space<hbm>>
    tpu.enqueue_dma source(%dma_start3A_1403 : memref<512xi32, #tpu.memory_space<hbm>>) target(%dma_start3A_1402 : memref<512xi32, #tpu.memory_space<vmem>>) target_semaphore(%arg12 : memref<!tpu.dma_semaphore, #tpu.memory_space<semaphore_mem>>)
    %add3A_1404 = arith.constant 1572864 : i32
    %add3A_1405 = arith.addi %add3A_1404, %mul3A_2 : i32
    %dma_start3A_1406 = arith.constant 3072 : i32
    %dma_start3A_1407 = tpu.memref_slice %arg6[%dma_start3A_1406] : memref<5120xi32, #tpu.memory_space<vmem>> -> memref<512xi32, #tpu.memory_space<vmem>>
    %dma_start3A_1408 = tpu.memref_slice %arg2[%add3A_1405] : memref<1638400xi32, #tpu.memory_space<hbm>> -> memref<512xi32, #tpu.memory_space<hbm>>
    %dma_start3A_1409 = arith.constant 3072 : i32
    %dma_start3A_1410 = tpu.memref_slice %arg6[%dma_start3A_1409] : memref<5120xi32, #tpu.memory_space<vmem>> -> memref<512xi32, #tpu.memory_space<vmem>>
    %dma_start3A_1411 = tpu.memref_slice %arg2[%add3A_1405] : memref<1638400xi32, #tpu.memory_space<hbm>> -> memref<512xi32, #tpu.memory_space<hbm>>
    tpu.enqueue_dma source(%dma_start3A_1411 : memref<512xi32, #tpu.memory_space<hbm>>) target(%dma_start3A_1410 : memref<512xi32, #tpu.memory_space<vmem>>) target_semaphore(%arg12 : memref<!tpu.dma_semaphore, #tpu.memory_space<semaphore_mem>>)
    %add3A_1412 = arith.constant 1589248 : i32
    %add3A_1413 = arith.addi %add3A_1412, %mul3A_2 : i32
    %dma_start3A_1414 = arith.constant 3584 : i32
    %dma_start3A_1415 = tpu.memref_slice %arg6[%dma_start3A_1414] : memref<5120xi32, #tpu.memory_space<vmem>> -> memref<512xi32, #tpu.memory_space<vmem>>
    %dma_start3A_1416 = tpu.memref_slice %arg2[%add3A_1413] : memref<1638400xi32, #tpu.memory_space<hbm>> -> memref<512xi32, #tpu.memory_space<hbm>>
    %dma_start3A_1417 = arith.constant 3584 : i32
    %dma_start3A_1418 = tpu.memref_slice %arg6[%dma_start3A_1417] : memref<5120xi32, #tpu.memory_space<vmem>> -> memref<512xi32, #tpu.memory_space<vmem>>
    %dma_start3A_1419 = tpu.memref_slice %arg2[%add3A_1413] : memref<1638400xi32, #tpu.memory_space<hbm>> -> memref<512xi32, #tpu.memory_space<hbm>>
    tpu.enqueue_dma source(%dma_start3A_1419 : memref<512xi32, #tpu.memory_space<hbm>>) target(%dma_start3A_1418 : memref<512xi32, #tpu.memory_space<vmem>>) target_semaphore(%arg12 : memref<!tpu.dma_semaphore, #tpu.memory_space<semaphore_mem>>)
    %add3A_1420 = arith.constant 1605632 : i32
    %add3A_1421 = arith.addi %add3A_1420, %mul3A_2 : i32
    %dma_start3A_1422 = arith.constant 4096 : i32
    %dma_start3A_1423 = tpu.memref_slice %arg6[%dma_start3A_1422] : memref<5120xi32, #tpu.memory_space<vmem>> -> memref<512xi32, #tpu.memory_space<vmem>>
    %dma_start3A_1424 = tpu.memref_slice %arg2[%add3A_1421] : memref<1638400xi32, #tpu.memory_space<hbm>> -> memref<512xi32, #tpu.memory_space<hbm>>
    %dma_start3A_1425 = arith.constant 4096 : i32
    %dma_start3A_1426 = tpu.memref_slice %arg6[%dma_start3A_1425] : memref<5120xi32, #tpu.memory_space<vmem>> -> memref<512xi32, #tpu.memory_space<vmem>>
    %dma_start3A_1427 = tpu.memref_slice %arg2[%add3A_1421] : memref<1638400xi32, #tpu.memory_space<hbm>> -> memref<512xi32, #tpu.memory_space<hbm>>
    tpu.enqueue_dma source(%dma_start3A_1427 : memref<512xi32, #tpu.memory_space<hbm>>) target(%dma_start3A_1426 : memref<512xi32, #tpu.memory_space<vmem>>) target_semaphore(%arg12 : memref<!tpu.dma_semaphore, #tpu.memory_space<semaphore_mem>>)
    %add3A_1428 = arith.constant 1622016 : i32
    %add3A_1429 = arith.addi %add3A_1428, %mul3A_2 : i32
    %dma_start3A_1430 = arith.constant 4608 : i32
    %dma_start3A_1431 = tpu.memref_slice %arg6[%dma_start3A_1430] : memref<5120xi32, #tpu.memory_space<vmem>> -> memref<512xi32, #tpu.memory_space<vmem>>
    %dma_start3A_1432 = tpu.memref_slice %arg2[%add3A_1429] : memref<1638400xi32, #tpu.memory_space<hbm>> -> memref<512xi32, #tpu.memory_space<hbm>>
    %dma_start3A_1433 = arith.constant 4608 : i32
    %dma_start3A_1434 = tpu.memref_slice %arg6[%dma_start3A_1433] : memref<5120xi32, #tpu.memory_space<vmem>> -> memref<512xi32, #tpu.memory_space<vmem>>
    %dma_start3A_1435 = tpu.memref_slice %arg2[%add3A_1429] : memref<1638400xi32, #tpu.memory_space<hbm>> -> memref<512xi32, #tpu.memory_space<hbm>>
    tpu.enqueue_dma source(%dma_start3A_1435 : memref<512xi32, #tpu.memory_space<hbm>>) target(%dma_start3A_1434 : memref<512xi32, #tpu.memory_space<vmem>>) target_semaphore(%arg12 : memref<!tpu.dma_semaphore, #tpu.memory_space<semaphore_mem>>)
    %scan3A_1436 = arith.constant 0 : i32
    %scan3A_1437 = arith.constant 0 : i32
    %scan3A_1438 = arith.constant 32 : i32
    %scan3A_1439 = arith.addi %scan3A_1437, %scan3A_1438 : i32
    %scan3A_1440 = arith.constant 1 : i32
    %scan3A_1441 = scf.for %scan3A_1523 = %scan3A_1437 to %scan3A_1439 step %scan3A_1440 iter_args(%scan3A_1524 = %scan3A_1436) -> (i32)  : i32 {
      %mul3A_1525 = arith.constant 16 : i32
      %mul3A_1526 = arith.muli %scan3A_1523, %mul3A_1525 : i32
      %multiple_of3A = tpu.assume_multiple %mul3A_1526, 16 : i32
      %get3A = arith.index_cast %multiple_of3A : i32 to index
      %get3A_1527 = tpu.vector_load %arg8[%get3A] {strides = array<i32>} : memref<5120xf32, #tpu.memory_space<vmem>>, vector<16xf32>,
      %get3A_1528 = vector.shape_cast %get3A_1527 : vector<16xf32> to vector<16xf32>
      %add3A_1529 = arith.constant 512 : i32
      %add3A_1530 = arith.addi %add3A_1529, %multiple_of3A : i32
      %get3A_1531 = arith.index_cast %add3A_1530 : i32 to index
      %get3A_1532 = tpu.vector_load %arg8[%get3A_1531] {strides = array<i32>} : memref<5120xf32, #tpu.memory_space<vmem>>, vector<16xf32>,
      %get3A_1533 = vector.shape_cast %get3A_1532 : vector<16xf32> to vector<16xf32>
      %add3A_1534 = arith.addf %get3A_1528, %get3A_1533 : vector<16xf32>
      %add3A_1535 = arith.constant 1024 : i32
      %add3A_1536 = arith.addi %add3A_1535, %multiple_of3A : i32
      %get3A_1537 = arith.index_cast %add3A_1536 : i32 to index
      %get3A_1538 = tpu.vector_load %arg8[%get3A_1537] {strides = array<i32>} : memref<5120xf32, #tpu.memory_space<vmem>>, vector<16xf32>,
      %get3A_1539 = vector.shape_cast %get3A_1538 : vector<16xf32> to vector<16xf32>
      %add3A_1540 = arith.addf %add3A_1534, %get3A_1539 : vector<16xf32>
      %add3A_1541 = arith.constant 1536 : i32
      %add3A_1542 = arith.addi %add3A_1541, %multiple_of3A : i32
      %get3A_1543 = arith.index_cast %add3A_1542 : i32 to index
      %get3A_1544 = tpu.vector_load %arg8[%get3A_1543] {strides = array<i32>} : memref<5120xf32, #tpu.memory_space<vmem>>, vector<16xf32>,
      %get3A_1545 = vector.shape_cast %get3A_1544 : vector<16xf32> to vector<16xf32>
      %add3A_1546 = arith.addf %add3A_1540, %get3A_1545 : vector<16xf32>
      %add3A_1547 = arith.constant 2048 : i32
      %add3A_1548 = arith.addi %add3A_1547, %multiple_of3A : i32
      %get3A_1549 = arith.index_cast %add3A_1548 : i32 to index
      %get3A_1550 = tpu.vector_load %arg8[%get3A_1549] {strides = array<i32>} : memref<5120xf32, #tpu.memory_space<vmem>>, vector<16xf32>,
      %get3A_1551 = vector.shape_cast %get3A_1550 : vector<16xf32> to vector<16xf32>
      %add3A_1552 = arith.addf %add3A_1546, %get3A_1551 : vector<16xf32>
      %add3A_1553 = arith.constant 2560 : i32
      %add3A_1554 = arith.addi %add3A_1553, %multiple_of3A : i32
      %get3A_1555 = arith.index_cast %add3A_1554 : i32 to index
      %get3A_1556 = tpu.vector_load %arg8[%get3A_1555] {strides = array<i32>} : memref<5120xf32, #tpu.memory_space<vmem>>, vector<16xf32>,
      %get3A_1557 = vector.shape_cast %get3A_1556 : vector<16xf32> to vector<16xf32>
      %add3A_1558 = arith.addf %add3A_1552, %get3A_1557 : vector<16xf32>
      %add3A_1559 = arith.constant 3072 : i32
      %add3A_1560 = arith.addi %add3A_1559, %multiple_of3A : i32
      %get3A_1561 = arith.index_cast %add3A_1560 : i32 to index
      %get3A_1562 = tpu.vector_load %arg8[%get3A_1561] {strides = array<i32>} : memref<5120xf32, #tpu.memory_space<vmem>>, vector<16xf32>,
      %get3A_1563 = vector.shape_cast %get3A_1562 : vector<16xf32> to vector<16xf32>
      %add3A_1564 = arith.addf %add3A_1558, %get3A_1563 : vector<16xf32>
      %add3A_1565 = arith.constant 3584 : i32
      %add3A_1566 = arith.addi %add3A_1565, %multiple_of3A : i32
      %get3A_1567 = arith.index_cast %add3A_1566 : i32 to index
      %get3A_1568 = tpu.vector_load %arg8[%get3A_1567] {strides = array<i32>} : memref<5120xf32, #tpu.memory_space<vmem>>, vector<16xf32>,
      %get3A_1569 = vector.shape_cast %get3A_1568 : vector<16xf32> to vector<16xf32>
      %add3A_1570 = arith.addf %add3A_1564, %get3A_1569 : vector<16xf32>
      %add3A_1571 = arith.constant 4096 : i32
      %add3A_1572 = arith.addi %add3A_1571, %multiple_of3A : i32
      %get3A_1573 = arith.index_cast %add3A_1572 : i32 to index
      %get3A_1574 = tpu.vector_load %arg8[%get3A_1573] {strides = array<i32>} : memref<5120xf32, #tpu.memory_space<vmem>>, vector<16xf32>,
      %get3A_1575 = vector.shape_cast %get3A_1574 : vector<16xf32> to vector<16xf32>
      %add3A_1576 = arith.addf %add3A_1570, %get3A_1575 : vector<16xf32>
      %add3A_1577 = arith.constant 4608 : i32
      %add3A_1578 = arith.addi %add3A_1577, %multiple_of3A : i32
      %get3A_1579 = arith.index_cast %add3A_1578 : i32 to index
      %get3A_1580 = tpu.vector_load %arg8[%get3A_1579] {strides = array<i32>} : memref<5120xf32, #tpu.memory_space<vmem>>, vector<16xf32>,
      %get3A_1581 = vector.shape_cast %get3A_1580 : vector<16xf32> to vector<16xf32>
      %add3A_1582 = arith.addf %add3A_1576, %get3A_1581 : vector<16xf32>
      %get3A_1583 = arith.index_cast %multiple_of3A : i32 to index
      %get3A_1584 = tpu.vector_load %arg9[%get3A_1583] {strides = array<i32>} : memref<512xf32, #tpu.memory_space<vmem>>, vector<16xf32>,
      %get3A_1585 = vector.shape_cast %get3A_1584 : vector<16xf32> to vector<16xf32>
      %add3A_1586 = arith.addf %get3A_1585, %add3A_1582 : vector<16xf32>
      %swap3A = arith.index_cast %multiple_of3A : i32 to index
      %swap3A_1587 = tpu.vector_load %arg9[%swap3A] {strides = array<i32>} : memref<512xf32, #tpu.memory_space<vmem>>, vector<16xf32>,
      %swap3A_1588 = vector.shape_cast %swap3A_1587 : vector<16xf32> to vector<16xf32>
      %swap3A_1589 = vector.shape_cast %add3A_1586 : vector<16xf32> to vector<16xf32>
      tpu.vector_store %arg9[%swap3A], %swap3A_1589 {strides = array<i32>} : memref<512xf32, #tpu.memory_space<vmem>>, vector<16xf32>,
      %scan3A_1590 = arith.constant 0 : i32
      scf.yield %scan3A_1590 : i32
    }
    %scan3A_1442 = arith.constant 32 : i32
    %dma_wait3A_1443 = arith.constant 0 : i32
    %dma_wait3A_1444 = tpu.memref_slice %arg11[%dma_wait3A_1443] : memref<1000016xf32, #tpu.memory_space<vmem_shared>> -> memref<1000016xf32, #tpu.memory_space<vmem_shared>>
    tpu.wait_indirect_dma semaphore(%arg13 : memref<!tpu.dma_semaphore, #tpu.memory_space<semaphore_mem>>) src(%dma_wait3A_1444 : memref<1000016xf32, #tpu.memory_space<vmem_shared>>) dst(%arg7 : memref<5120xf32, #tpu.memory_space<vmem>>)
    %dma_wait3A_1445 = arith.constant 0 : i32
    %dma_wait3A_1446 = tpu.memref_slice %arg6[%dma_wait3A_1445] : memref<5120xi32, #tpu.memory_space<vmem>> -> memref<512xi32, #tpu.memory_space<vmem>>
    %dma_wait3A_1447 = tpu.memref_slice %arg2[%add3A_1357] : memref<1638400xi32, #tpu.memory_space<hbm>> -> memref<512xi32, #tpu.memory_space<hbm>>
    %dma_wait3A_1448 = arith.constant 0 : i32
    %dma_wait3A_1449 = tpu.memref_slice %arg6[%dma_wait3A_1448] : memref<5120xi32, #tpu.memory_space<vmem>> -> memref<512xi32, #tpu.memory_space<vmem>>
    %dma_wait3A_1450 = tpu.memref_slice %arg2[%add3A_1357] : memref<1638400xi32, #tpu.memory_space<hbm>> -> memref<512xi32, #tpu.memory_space<hbm>>
    tpu.wait_dma2 semaphore(%arg12 : memref<!tpu.dma_semaphore, #tpu.memory_space<semaphore_mem>>) src(%dma_wait3A_1450 : memref<512xi32, #tpu.memory_space<hbm>>) dst(%dma_wait3A_1449 : memref<512xi32, #tpu.memory_space<vmem>>)
    %dma_wait3A_1451 = arith.constant 512 : i32
    %dma_wait3A_1452 = tpu.memref_slice %arg6[%dma_wait3A_1451] : memref<5120xi32, #tpu.memory_space<vmem>> -> memref<512xi32, #tpu.memory_space<vmem>>
    %dma_wait3A_1453 = tpu.memref_slice %arg2[%add3A_1365] : memref<1638400xi32, #tpu.memory_space<hbm>> -> memref<512xi32, #tpu.memory_space<hbm>>
    %dma_wait3A_1454 = arith.constant 512 : i32
    %dma_wait3A_1455 = tpu.memref_slice %arg6[%dma_wait3A_1454] : memref<5120xi32, #tpu.memory_space<vmem>> -> memref<512xi32, #tpu.memory_space<vmem>>
    %dma_wait3A_1456 = tpu.memref_slice %arg2[%add3A_1365] : memref<1638400xi32, #tpu.memory_space<hbm>> -> memref<512xi32, #tpu.memory_space<hbm>>
    tpu.wait_dma2 semaphore(%arg12 : memref<!tpu.dma_semaphore, #tpu.memory_space<semaphore_mem>>) src(%dma_wait3A_1456 : memref<512xi32, #tpu.memory_space<hbm>>) dst(%dma_wait3A_1455 : memref<512xi32, #tpu.memory_space<vmem>>)
    %dma_wait3A_1457 = arith.constant 1024 : i32
    %dma_wait3A_1458 = tpu.memref_slice %arg6[%dma_wait3A_1457] : memref<5120xi32, #tpu.memory_space<vmem>> -> memref<512xi32, #tpu.memory_space<vmem>>
    %dma_wait3A_1459 = tpu.memref_slice %arg2[%add3A_1373] : memref<1638400xi32, #tpu.memory_space<hbm>> -> memref<512xi32, #tpu.memory_space<hbm>>
    %dma_wait3A_1460 = arith.constant 1024 : i32
    %dma_wait3A_1461 = tpu.memref_slice %arg6[%dma_wait3A_1460] : memref<5120xi32, #tpu.memory_space<vmem>> -> memref<512xi32, #tpu.memory_space<vmem>>
    %dma_wait3A_1462 = tpu.memref_slice %arg2[%add3A_1373] : memref<1638400xi32, #tpu.memory_space<hbm>> -> memref<512xi32, #tpu.memory_space<hbm>>
    tpu.wait_dma2 semaphore(%arg12 : memref<!tpu.dma_semaphore, #tpu.memory_space<semaphore_mem>>) src(%dma_wait3A_1462 : memref<512xi32, #tpu.memory_space<hbm>>) dst(%dma_wait3A_1461 : memref<512xi32, #tpu.memory_space<vmem>>)
    %dma_wait3A_1463 = arith.constant 1536 : i32
    %dma_wait3A_1464 = tpu.memref_slice %arg6[%dma_wait3A_1463] : memref<5120xi32, #tpu.memory_space<vmem>> -> memref<512xi32, #tpu.memory_space<vmem>>
    %dma_wait3A_1465 = tpu.memref_slice %arg2[%add3A_1381] : memref<1638400xi32, #tpu.memory_space<hbm>> -> memref<512xi32, #tpu.memory_space<hbm>>
    %dma_wait3A_1466 = arith.constant 1536 : i32
    %dma_wait3A_1467 = tpu.memref_slice %arg6[%dma_wait3A_1466] : memref<5120xi32, #tpu.memory_space<vmem>> -> memref<512xi32, #tpu.memory_space<vmem>>
    %dma_wait3A_1468 = tpu.memref_slice %arg2[%add3A_1381] : memref<1638400xi32, #tpu.memory_space<hbm>> -> memref<512xi32, #tpu.memory_space<hbm>>
    tpu.wait_dma2 semaphore(%arg12 : memref<!tpu.dma_semaphore, #tpu.memory_space<semaphore_mem>>) src(%dma_wait3A_1468 : memref<512xi32, #tpu.memory_space<hbm>>) dst(%dma_wait3A_1467 : memref<512xi32, #tpu.memory_space<vmem>>)
    %dma_wait3A_1469 = arith.constant 2048 : i32
    %dma_wait3A_1470 = tpu.memref_slice %arg6[%dma_wait3A_1469] : memref<5120xi32, #tpu.memory_space<vmem>> -> memref<512xi32, #tpu.memory_space<vmem>>
    %dma_wait3A_1471 = tpu.memref_slice %arg2[%add3A_1389] : memref<1638400xi32, #tpu.memory_space<hbm>> -> memref<512xi32, #tpu.memory_space<hbm>>
    %dma_wait3A_1472 = arith.constant 2048 : i32
    %dma_wait3A_1473 = tpu.memref_slice %arg6[%dma_wait3A_1472] : memref<5120xi32, #tpu.memory_space<vmem>> -> memref<512xi32, #tpu.memory_space<vmem>>
    %dma_wait3A_1474 = tpu.memref_slice %arg2[%add3A_1389] : memref<1638400xi32, #tpu.memory_space<hbm>> -> memref<512xi32, #tpu.memory_space<hbm>>
    tpu.wait_dma2 semaphore(%arg12 : memref<!tpu.dma_semaphore, #tpu.memory_space<semaphore_mem>>) src(%dma_wait3A_1474 : memref<512xi32, #tpu.memory_space<hbm>>) dst(%dma_wait3A_1473 : memref<512xi32, #tpu.memory_space<vmem>>)
    %dma_wait3A_1475 = arith.constant 2560 : i32
    %dma_wait3A_1476 = tpu.memref_slice %arg6[%dma_wait3A_1475] : memref<5120xi32, #tpu.memory_space<vmem>> -> memref<512xi32, #tpu.memory_space<vmem>>
    %dma_wait3A_1477 = tpu.memref_slice %arg2[%add3A_1397] : memref<1638400xi32, #tpu.memory_space<hbm>> -> memref<512xi32, #tpu.memory_space<hbm>>
    %dma_wait3A_1478 = arith.constant 2560 : i32
    %dma_wait3A_1479 = tpu.memref_slice %arg6[%dma_wait3A_1478] : memref<5120xi32, #tpu.memory_space<vmem>> -> memref<512xi32, #tpu.memory_space<vmem>>
    %dma_wait3A_1480 = tpu.memref_slice %arg2[%add3A_1397] : memref<1638400xi32, #tpu.memory_space<hbm>> -> memref<512xi32, #tpu.memory_space<hbm>>
    tpu.wait_dma2 semaphore(%arg12 : memref<!tpu.dma_semaphore, #tpu.memory_space<semaphore_mem>>) src(%dma_wait3A_1480 : memref<512xi32, #tpu.memory_space<hbm>>) dst(%dma_wait3A_1479 : memref<512xi32, #tpu.memory_space<vmem>>)
    %dma_wait3A_1481 = arith.constant 3072 : i32
    %dma_wait3A_1482 = tpu.memref_slice %arg6[%dma_wait3A_1481] : memref<5120xi32, #tpu.memory_space<vmem>> -> memref<512xi32, #tpu.memory_space<vmem>>
    %dma_wait3A_1483 = tpu.memref_slice %arg2[%add3A_1405] : memref<1638400xi32, #tpu.memory_space<hbm>> -> memref<512xi32, #tpu.memory_space<hbm>>
    %dma_wait3A_1484 = arith.constant 3072 : i32
    %dma_wait3A_1485 = tpu.memref_slice %arg6[%dma_wait3A_1484] : memref<5120xi32, #tpu.memory_space<vmem>> -> memref<512xi32, #tpu.memory_space<vmem>>
    %dma_wait3A_1486 = tpu.memref_slice %arg2[%add3A_1405] : memref<1638400xi32, #tpu.memory_space<hbm>> -> memref<512xi32, #tpu.memory_space<hbm>>
    tpu.wait_dma2 semaphore(%arg12 : memref<!tpu.dma_semaphore, #tpu.memory_space<semaphore_mem>>) src(%dma_wait3A_1486 : memref<512xi32, #tpu.memory_space<hbm>>) dst(%dma_wait3A_1485 : memref<512xi32, #tpu.memory_space<vmem>>)
    %dma_wait3A_1487 = arith.constant 3584 : i32
    %dma_wait3A_1488 = tpu.memref_slice %arg6[%dma_wait3A_1487] : memref<5120xi32, #tpu.memory_space<vmem>> -> memref<512xi32, #tpu.memory_space<vmem>>
    %dma_wait3A_1489 = tpu.memref_slice %arg2[%add3A_1413] : memref<1638400xi32, #tpu.memory_space<hbm>> -> memref<512xi32, #tpu.memory_space<hbm>>
    %dma_wait3A_1490 = arith.constant 3584 : i32
    %dma_wait3A_1491 = tpu.memref_slice %arg6[%dma_wait3A_1490] : memref<5120xi32, #tpu.memory_space<vmem>> -> memref<512xi32, #tpu.memory_space<vmem>>
    %dma_wait3A_1492 = tpu.memref_slice %arg2[%add3A_1413] : memref<1638400xi32, #tpu.memory_space<hbm>> -> memref<512xi32, #tpu.memory_space<hbm>>
    tpu.wait_dma2 semaphore(%arg12 : memref<!tpu.dma_semaphore, #tpu.memory_space<semaphore_mem>>) src(%dma_wait3A_1492 : memref<512xi32, #tpu.memory_space<hbm>>) dst(%dma_wait3A_1491 : memref<512xi32, #tpu.memory_space<vmem>>)
    %dma_wait3A_1493 = arith.constant 4096 : i32
    %dma_wait3A_1494 = tpu.memref_slice %arg6[%dma_wait3A_1493] : memref<5120xi32, #tpu.memory_space<vmem>> -> memref<512xi32, #tpu.memory_space<vmem>>
    %dma_wait3A_1495 = tpu.memref_slice %arg2[%add3A_1421] : memref<1638400xi32, #tpu.memory_space<hbm>> -> memref<512xi32, #tpu.memory_space<hbm>>
    %dma_wait3A_1496 = arith.constant 4096 : i32
    %dma_wait3A_1497 = tpu.memref_slice %arg6[%dma_wait3A_1496] : memref<5120xi32, #tpu.memory_space<vmem>> -> memref<512xi32, #tpu.memory_space<vmem>>
    %dma_wait3A_1498 = tpu.memref_slice %arg2[%add3A_1421] : memref<1638400xi32, #tpu.memory_space<hbm>> -> memref<512xi32, #tpu.memory_space<hbm>>
    tpu.wait_dma2 semaphore(%arg12 : memref<!tpu.dma_semaphore, #tpu.memory_space<semaphore_mem>>) src(%dma_wait3A_1498 : memref<512xi32, #tpu.memory_space<hbm>>) dst(%dma_wait3A_1497 : memref<512xi32, #tpu.memory_space<vmem>>)
    %dma_wait3A_1499 = arith.constant 4608 : i32
    %dma_wait3A_1500 = tpu.memref_slice %arg6[%dma_wait3A_1499] : memref<5120xi32, #tpu.memory_space<vmem>> -> memref<512xi32, #tpu.memory_space<vmem>>
    %dma_wait3A_1501 = tpu.memref_slice %arg2[%add3A_1429] : memref<1638400xi32, #tpu.memory_space<hbm>> -> memref<512xi32, #tpu.memory_space<hbm>>
    %dma_wait3A_1502 = arith.constant 4608 : i32
    %dma_wait3A_1503 = tpu.memref_slice %arg6[%dma_wait3A_1502] : memref<5120xi32, #tpu.memory_space<vmem>> -> memref<512xi32, #tpu.memory_space<vmem>>
    %dma_wait3A_1504 = tpu.memref_slice %arg2[%add3A_1429] : memref<1638400xi32, #tpu.memory_space<hbm>> -> memref<512xi32, #tpu.memory_space<hbm>>
    tpu.wait_dma2 semaphore(%arg12 : memref<!tpu.dma_semaphore, #tpu.memory_space<semaphore_mem>>) src(%dma_wait3A_1504 : memref<512xi32, #tpu.memory_space<hbm>>) dst(%dma_wait3A_1503 : memref<512xi32, #tpu.memory_space<vmem>>)
    %dma_start3A_1505 = arith.constant 0 : i32
    %dma_start3A_1506 = tpu.memref_slice %arg11[%dma_start3A_1505] : memref<1000016xf32, #tpu.memory_space<vmem_shared>> -> memref<1000016xf32, #tpu.memory_space<vmem_shared>>
    tpu.enqueue_indirect_dma source(%dma_start3A_1506 : memref<1000016xf32, #tpu.memory_space<vmem_shared>>) target(%arg8 : memref<5120xf32, #tpu.memory_space<vmem>>) offsets(%arg6 : memref<5120xi32, #tpu.memory_space<vmem>>) semaphore(%arg13 : memref<!tpu.dma_semaphore, #tpu.memory_space<semaphore_mem>>)
    %scan3A_1507 = arith.constant 0 : i32
    %scan3A_1508 = arith.constant 0 : i32
    %scan3A_1509 = arith.constant 32 : i32
    %scan3A_1510 = arith.addi %scan3A_1508, %scan3A_1509 : i32
    %scan3A_1511 = arith.constant 1 : i32
    %scan3A_1512 = scf.for %scan3A_1523 = %scan3A_1508 to %scan3A_1510 step %scan3A_1511 iter_args(%scan3A_1524 = %scan3A_1507) -> (i32)  : i32 {
      %mul3A_1525 = arith.constant 16 : i32
      %mul3A_1526 = arith.muli %scan3A_1523, %mul3A_1525 : i32
      %multiple_of3A = tpu.assume_multiple %mul3A_1526, 16 : i32
      %get3A = arith.index_cast %multiple_of3A : i32 to index
      %get3A_1527 = tpu.vector_load %arg7[%get3A] {strides = array<i32>} : memref<5120xf32, #tpu.memory_space<vmem>>, vector<16xf32>,
      %get3A_1528 = vector.shape_cast %get3A_1527 : vector<16xf32> to vector<16xf32>
      %add3A_1529 = arith.constant 512 : i32
      %add3A_1530 = arith.addi %add3A_1529, %multiple_of3A : i32
      %get3A_1531 = arith.index_cast %add3A_1530 : i32 to index
      %get3A_1532 = tpu.vector_load %arg7[%get3A_1531] {strides = array<i32>} : memref<5120xf32, #tpu.memory_space<vmem>>, vector<16xf32>,
      %get3A_1533 = vector.shape_cast %get3A_1532 : vector<16xf32> to vector<16xf32>
      %add3A_1534 = arith.addf %get3A_1528, %get3A_1533 : vector<16xf32>
      %add3A_1535 = arith.constant 1024 : i32
      %add3A_1536 = arith.addi %add3A_1535, %multiple_of3A : i32
      %get3A_1537 = arith.index_cast %add3A_1536 : i32 to index
      %get3A_1538 = tpu.vector_load %arg7[%get3A_1537] {strides = array<i32>} : memref<5120xf32, #tpu.memory_space<vmem>>, vector<16xf32>,
      %get3A_1539 = vector.shape_cast %get3A_1538 : vector<16xf32> to vector<16xf32>
      %add3A_1540 = arith.addf %add3A_1534, %get3A_1539 : vector<16xf32>
      %add3A_1541 = arith.constant 1536 : i32
      %add3A_1542 = arith.addi %add3A_1541, %multiple_of3A : i32
      %get3A_1543 = arith.index_cast %add3A_1542 : i32 to index
      %get3A_1544 = tpu.vector_load %arg7[%get3A_1543] {strides = array<i32>} : memref<5120xf32, #tpu.memory_space<vmem>>, vector<16xf32>,
      %get3A_1545 = vector.shape_cast %get3A_1544 : vector<16xf32> to vector<16xf32>
      %add3A_1546 = arith.addf %add3A_1540, %get3A_1545 : vector<16xf32>
      %add3A_1547 = arith.constant 2048 : i32
      %add3A_1548 = arith.addi %add3A_1547, %multiple_of3A : i32
      %get3A_1549 = arith.index_cast %add3A_1548 : i32 to index
      %get3A_1550 = tpu.vector_load %arg7[%get3A_1549] {strides = array<i32>} : memref<5120xf32, #tpu.memory_space<vmem>>, vector<16xf32>,
      %get3A_1551 = vector.shape_cast %get3A_1550 : vector<16xf32> to vector<16xf32>
      %add3A_1552 = arith.addf %add3A_1546, %get3A_1551 : vector<16xf32>
      %add3A_1553 = arith.constant 2560 : i32
      %add3A_1554 = arith.addi %add3A_1553, %multiple_of3A : i32
      %get3A_1555 = arith.index_cast %add3A_1554 : i32 to index
      %get3A_1556 = tpu.vector_load %arg7[%get3A_1555] {strides = array<i32>} : memref<5120xf32, #tpu.memory_space<vmem>>, vector<16xf32>,
      %get3A_1557 = vector.shape_cast %get3A_1556 : vector<16xf32> to vector<16xf32>
      %add3A_1558 = arith.addf %add3A_1552, %get3A_1557 : vector<16xf32>
      %add3A_1559 = arith.constant 3072 : i32
      %add3A_1560 = arith.addi %add3A_1559, %multiple_of3A : i32
      %get3A_1561 = arith.index_cast %add3A_1560 : i32 to index
      %get3A_1562 = tpu.vector_load %arg7[%get3A_1561] {strides = array<i32>} : memref<5120xf32, #tpu.memory_space<vmem>>, vector<16xf32>,
      %get3A_1563 = vector.shape_cast %get3A_1562 : vector<16xf32> to vector<16xf32>
      %add3A_1564 = arith.addf %add3A_1558, %get3A_1563 : vector<16xf32>
      %add3A_1565 = arith.constant 3584 : i32
      %add3A_1566 = arith.addi %add3A_1565, %multiple_of3A : i32
      %get3A_1567 = arith.index_cast %add3A_1566 : i32 to index
      %get3A_1568 = tpu.vector_load %arg7[%get3A_1567] {strides = array<i32>} : memref<5120xf32, #tpu.memory_space<vmem>>, vector<16xf32>,
      %get3A_1569 = vector.shape_cast %get3A_1568 : vector<16xf32> to vector<16xf32>
      %add3A_1570 = arith.addf %add3A_1564, %get3A_1569 : vector<16xf32>
      %add3A_1571 = arith.constant 4096 : i32
      %add3A_1572 = arith.addi %add3A_1571, %multiple_of3A : i32
      %get3A_1573 = arith.index_cast %add3A_1572 : i32 to index
      %get3A_1574 = tpu.vector_load %arg7[%get3A_1573] {strides = array<i32>} : memref<5120xf32, #tpu.memory_space<vmem>>, vector<16xf32>,
      %get3A_1575 = vector.shape_cast %get3A_1574 : vector<16xf32> to vector<16xf32>
      %add3A_1576 = arith.addf %add3A_1570, %get3A_1575 : vector<16xf32>
      %add3A_1577 = arith.constant 4608 : i32
      %add3A_1578 = arith.addi %add3A_1577, %multiple_of3A : i32
      %get3A_1579 = arith.index_cast %add3A_1578 : i32 to index
      %get3A_1580 = tpu.vector_load %arg7[%get3A_1579] {strides = array<i32>} : memref<5120xf32, #tpu.memory_space<vmem>>, vector<16xf32>,
      %get3A_1581 = vector.shape_cast %get3A_1580 : vector<16xf32> to vector<16xf32>
      %add3A_1582 = arith.addf %add3A_1576, %get3A_1581 : vector<16xf32>
      %get3A_1583 = arith.index_cast %multiple_of3A : i32 to index
      %get3A_1584 = tpu.vector_load %arg9[%get3A_1583] {strides = array<i32>} : memref<512xf32, #tpu.memory_space<vmem>>, vector<16xf32>,
      %get3A_1585 = vector.shape_cast %get3A_1584 : vector<16xf32> to vector<16xf32>
      %add3A_1586 = arith.addf %get3A_1585, %add3A_1582 : vector<16xf32>
      %swap3A = arith.index_cast %multiple_of3A : i32 to index
      %swap3A_1587 = tpu.vector_load %arg9[%swap3A] {strides = array<i32>} : memref<512xf32, #tpu.memory_space<vmem>>, vector<16xf32>,
      %swap3A_1588 = vector.shape_cast %swap3A_1587 : vector<16xf32> to vector<16xf32>
      %swap3A_1589 = vector.shape_cast %add3A_1586 : vector<16xf32> to vector<16xf32>
      tpu.vector_store %arg9[%swap3A], %swap3A_1589 {strides = array<i32>} : memref<512xf32, #tpu.memory_space<vmem>>, vector<16xf32>,
      %scan3A_1590 = arith.constant 0 : i32
      scf.yield %scan3A_1590 : i32
    }
    %scan3A_1513 = arith.constant 32 : i32
    %dma_wait3A_1514 = arith.constant 0 : i32
    %dma_wait3A_1515 = tpu.memref_slice %arg11[%dma_wait3A_1514] : memref<1000016xf32, #tpu.memory_space<vmem_shared>> -> memref<1000016xf32, #tpu.memory_space<vmem_shared>>
    tpu.wait_indirect_dma semaphore(%arg13 : memref<!tpu.dma_semaphore, #tpu.memory_space<semaphore_mem>>) src(%dma_wait3A_1515 : memref<1000016xf32, #tpu.memory_space<vmem_shared>>) dst(%arg8 : memref<5120xf32, #tpu.memory_space<vmem>>)
    %scan3A_1516 = arith.constant 0 : i32
    %scan3A_1517 = arith.constant 0 : i32
    %scan3A_1518 = arith.constant 32 : i32
    %scan3A_1519 = arith.addi %scan3A_1517, %scan3A_1518 : i32
    %scan3A_1520 = arith.constant 1 : i32
    %scan3A_1521 = scf.for %scan3A_1523 = %scan3A_1517 to %scan3A_1519 step %scan3A_1520 iter_args(%scan3A_1524 = %scan3A_1516) -> (i32)  : i32 {
      %mul3A_1525 = arith.constant 16 : i32
      %mul3A_1526 = arith.muli %scan3A_1523, %mul3A_1525 : i32
      %multiple_of3A = tpu.assume_multiple %mul3A_1526, 16 : i32
      %get3A = arith.index_cast %multiple_of3A : i32 to index
      %get3A_1527 = tpu.vector_load %arg8[%get3A] {strides = array<i32>} : memref<5120xf32, #tpu.memory_space<vmem>>, vector<16xf32>,
      %get3A_1528 = vector.shape_cast %get3A_1527 : vector<16xf32> to vector<16xf32>
      %add3A_1529 = arith.constant 512 : i32
      %add3A_1530 = arith.addi %add3A_1529, %multiple_of3A : i32
      %get3A_1531 = arith.index_cast %add3A_1530 : i32 to index
      %get3A_1532 = tpu.vector_load %arg8[%get3A_1531] {strides = array<i32>} : memref<5120xf32, #tpu.memory_space<vmem>>, vector<16xf32>,
      %get3A_1533 = vector.shape_cast %get3A_1532 : vector<16xf32> to vector<16xf32>
      %add3A_1534 = arith.addf %get3A_1528, %get3A_1533 : vector<16xf32>
      %add3A_1535 = arith.constant 1024 : i32
      %add3A_1536 = arith.addi %add3A_1535, %multiple_of3A : i32
      %get3A_1537 = arith.index_cast %add3A_1536 : i32 to index
      %get3A_1538 = tpu.vector_load %arg8[%get3A_1537] {strides = array<i32>} : memref<5120xf32, #tpu.memory_space<vmem>>, vector<16xf32>,
      %get3A_1539 = vector.shape_cast %get3A_1538 : vector<16xf32> to vector<16xf32>
      %add3A_1540 = arith.addf %add3A_1534, %get3A_1539 : vector<16xf32>
      %add3A_1541 = arith.constant 1536 : i32
      %add3A_1542 = arith.addi %add3A_1541, %multiple_of3A : i32
      %get3A_1543 = arith.index_cast %add3A_1542 : i32 to index
      %get3A_1544 = tpu.vector_load %arg8[%get3A_1543] {strides = array<i32>} : memref<5120xf32, #tpu.memory_space<vmem>>, vector<16xf32>,
      %get3A_1545 = vector.shape_cast %get3A_1544 : vector<16xf32> to vector<16xf32>
      %add3A_1546 = arith.addf %add3A_1540, %get3A_1545 : vector<16xf32>
      %add3A_1547 = arith.constant 2048 : i32
      %add3A_1548 = arith.addi %add3A_1547, %multiple_of3A : i32
      %get3A_1549 = arith.index_cast %add3A_1548 : i32 to index
      %get3A_1550 = tpu.vector_load %arg8[%get3A_1549] {strides = array<i32>} : memref<5120xf32, #tpu.memory_space<vmem>>, vector<16xf32>,
      %get3A_1551 = vector.shape_cast %get3A_1550 : vector<16xf32> to vector<16xf32>
      %add3A_1552 = arith.addf %add3A_1546, %get3A_1551 : vector<16xf32>
      %add3A_1553 = arith.constant 2560 : i32
      %add3A_1554 = arith.addi %add3A_1553, %multiple_of3A : i32
      %get3A_1555 = arith.index_cast %add3A_1554 : i32 to index
      %get3A_1556 = tpu.vector_load %arg8[%get3A_1555] {strides = array<i32>} : memref<5120xf32, #tpu.memory_space<vmem>>, vector<16xf32>,
      %get3A_1557 = vector.shape_cast %get3A_1556 : vector<16xf32> to vector<16xf32>
      %add3A_1558 = arith.addf %add3A_1552, %get3A_1557 : vector<16xf32>
      %add3A_1559 = arith.constant 3072 : i32
      %add3A_1560 = arith.addi %add3A_1559, %multiple_of3A : i32
      %get3A_1561 = arith.index_cast %add3A_1560 : i32 to index
      %get3A_1562 = tpu.vector_load %arg8[%get3A_1561] {strides = array<i32>} : memref<5120xf32, #tpu.memory_space<vmem>>, vector<16xf32>,
      %get3A_1563 = vector.shape_cast %get3A_1562 : vector<16xf32> to vector<16xf32>
      %add3A_1564 = arith.addf %add3A_1558, %get3A_1563 : vector<16xf32>
      %add3A_1565 = arith.constant 3584 : i32
      %add3A_1566 = arith.addi %add3A_1565, %multiple_of3A : i32
      %get3A_1567 = arith.index_cast %add3A_1566 : i32 to index
      %get3A_1568 = tpu.vector_load %arg8[%get3A_1567] {strides = array<i32>} : memref<5120xf32, #tpu.memory_space<vmem>>, vector<16xf32>,
      %get3A_1569 = vector.shape_cast %get3A_1568 : vector<16xf32> to vector<16xf32>
      %add3A_1570 = arith.addf %add3A_1564, %get3A_1569 : vector<16xf32>
      %add3A_1571 = arith.constant 4096 : i32
      %add3A_1572 = arith.addi %add3A_1571, %multiple_of3A : i32
      %get3A_1573 = arith.index_cast %add3A_1572 : i32 to index
      %get3A_1574 = tpu.vector_load %arg8[%get3A_1573] {strides = array<i32>} : memref<5120xf32, #tpu.memory_space<vmem>>, vector<16xf32>,
      %get3A_1575 = vector.shape_cast %get3A_1574 : vector<16xf32> to vector<16xf32>
      %add3A_1576 = arith.addf %add3A_1570, %get3A_1575 : vector<16xf32>
      %add3A_1577 = arith.constant 4608 : i32
      %add3A_1578 = arith.addi %add3A_1577, %multiple_of3A : i32
      %get3A_1579 = arith.index_cast %add3A_1578 : i32 to index
      %get3A_1580 = tpu.vector_load %arg8[%get3A_1579] {strides = array<i32>} : memref<5120xf32, #tpu.memory_space<vmem>>, vector<16xf32>,
      %get3A_1581 = vector.shape_cast %get3A_1580 : vector<16xf32> to vector<16xf32>
      %add3A_1582 = arith.addf %add3A_1576, %get3A_1581 : vector<16xf32>
      %get3A_1583 = arith.index_cast %multiple_of3A : i32 to index
      %get3A_1584 = tpu.vector_load %arg9[%get3A_1583] {strides = array<i32>} : memref<512xf32, #tpu.memory_space<vmem>>, vector<16xf32>,
      %get3A_1585 = vector.shape_cast %get3A_1584 : vector<16xf32> to vector<16xf32>
      %add3A_1586 = arith.addf %get3A_1585, %add3A_1582 : vector<16xf32>
      %swap3A = arith.index_cast %multiple_of3A : i32 to index
      %swap3A_1587 = tpu.vector_load %arg9[%swap3A] {strides = array<i32>} : memref<512xf32, #tpu.memory_space<vmem>>, vector<16xf32>,
      %swap3A_1588 = vector.shape_cast %swap3A_1587 : vector<16xf32> to vector<16xf32>
      %swap3A_1589 = vector.shape_cast %add3A_1586 : vector<16xf32> to vector<16xf32>
      tpu.vector_store %arg9[%swap3A], %swap3A_1589 {strides = array<i32>} : memref<512xf32, #tpu.memory_space<vmem>>, vector<16xf32>,
      %scan3A_1590 = arith.constant 0 : i32
      scf.yield %scan3A_1590 : i32
    }
    %scan3A_1522 = arith.constant 32 : i32
    "tpu.region"() ({
      %run_scoped3A = tpu.sem_alloc : memref<!tpu.dma_semaphore, #tpu.memory_space<semaphore_mem>>
      %dma_start3A_1523 = tpu.memref_slice %arg4[%mul3A_2] : memref<16384xf32, #tpu.memory_space<hbm>> -> memref<512xf32, #tpu.memory_space<hbm>>
      %dma_start3A_1524 = tpu.memref_slice %arg4[%mul3A_2] : memref<16384xf32, #tpu.memory_space<hbm>> -> memref<512xf32, #tpu.memory_space<hbm>>
      tpu.enqueue_dma source(%arg9 : memref<512xf32, #tpu.memory_space<vmem>>) target(%dma_start3A_1524 : memref<512xf32, #tpu.memory_space<hbm>>) target_semaphore(%run_scoped3A : memref<!tpu.dma_semaphore, #tpu.memory_space<semaphore_mem>>)
      %dma_wait3A_1525 = tpu.memref_slice %arg4[%mul3A_2] : memref<16384xf32, #tpu.memory_space<hbm>> -> memref<512xf32, #tpu.memory_space<hbm>>
      %dma_wait3A_1526 = tpu.memref_slice %arg4[%mul3A_2] : memref<16384xf32, #tpu.memory_space<hbm>> -> memref<512xf32, #tpu.memory_space<hbm>>
      tpu.wait_dma2 semaphore(%run_scoped3A : memref<!tpu.dma_semaphore, #tpu.memory_space<semaphore_mem>>) src(%arg9 : memref<512xf32, #tpu.memory_space<vmem>>) dst(%dma_wait3A_1526 : memref<512xf32, #tpu.memory_space<hbm>>)
      tpu.yield
    }) : () -> ()
    return
  }
}

</mosaic_0001>

<sc_bundles>
// kernel: kernel.3.cloned.1.call-start
scs
__scs_entry_jumppad:
0x0: {  	(pc) =	sbr.rel $0x88, $3  }
0x1: {  	(tag) =	ssettag $0x0;
	lr =	simm.s32 $0x1  }
0x2: {  	[smem:$0x3F9F] =	sst lr;
	_ =	strace $0xD0000000  }
0x3: {  	_ = 	snop  }
0x4: {  	_ = 	snop  }
0x5: {  	_ = 	snop  }
0x6: {  	_ = 	snop  }
0x7: {  	_ = 	snop  }
__scs_overlays_trampoline_lowered:
0x8: {  	[smem:$0x3FAE] =	sst s0  }
0x9: {  	[smem:$0x3FAF] =	sst s1  }
0xa: {  	[smem:$0x3FB0] =	sst s2  }
0xb: {  	[smem:$0x3FB1] =	sst s3  }
0xc: {  	[smem:$0x3FB2] =	sst s4  }
0xd: {  	[smem:$0x3FB3] =	sst s5  }
0xe: {  	[smem:$0x3FB4] =	sst s6  }
0xf: {  	[smem:$0x3FB5] =	sst s7  }
0x10: {  	[smem:$0x3FB6] =	sst s8  }
0x11: {  	[smem:$0x3FB7] =	sst s9;
	s0 =	simm.s32 @!p0 $0x0  }
0x12: {  	s1 =	sld [smem:$0x3F9D];
	s0 =	simm.s32 @p0 $0x1  }
0x13: {  	[smem:$0x3FB8] =	sst s0;
	s0 =	simm.s32 @!p1 $0x0  }
0x14: {  	s2 =	sld [smem:$0x3F9C];
	s0 =	simm.s32 @p1 $0x1  }
0x15: {  	[smem:$0x3FB9] =	sst s0;
	s0 =	simm.s32 @!p2 $0x0  }
0x16: {  	s3 =	sld [smem:$0x3FDB];
	s0 =	simm.s32 @p2 $0x1  }
0x17: {  	s4 =	simm.s32 $0x1BF5;
	[smem:$0x3FBB] =	sst s0  }
0x18: {  	s0 =	sld [smem:$0x3F9E];
	_ =	swait.ge [sflag:s4], $0x0  }
0x19: {  	s7 =	sld [smem:$0x3F9F]  }
0x1a: {  	s8 =	sadd.s32 $0xFFFFE003, lr  }
0x1b: {  	s9 =	sadd.s32 $0xFFFFFEF7, lr;
	s5 =	simm.s32 $0xFFFFFFFF;
	p2 =	slt.u32 s8, $0xFFFFF086  }
0x1c: {  	p1 =	slt.u32 s9, $0xF7A;
	s5 =	simm.s32 @!p2 $0x0  }
0x1d: {  	s5 =	simm.s32 @p1 $0x1;
	p0 =	seq.s32 s7, s2  }
0x1e: {  	s7 =	smul.u32 @!p0 $0xF7A, s2;
	p2 =	seq.s32 @!p0 s5, $0x0  }
0x1f: {  	s9 =	smul.u32 $0xF7A, s1;
	s8 =	simm.s32 @!p0 $0x1BF5;
	p2 =	por !p2, p0  }
0x20: {  	[sflag:s8] =	ssyncset.s32 @!p0 $0xFFFFF086;
	s6 =	sadd.s32 @!p0 s3, s7;
	s7 =	simm.s32 @!p0 $0x108  }
0x21: {  	s3 =	sadd.s32 s3, s9;
	s6 =	sadd.s32 @!p0 $0x88, s6;
	s7 =	simm.s32 @p2 $0x1082  }
0x22: {  	[simem:s7], [sflag:s8] =	dma.local @!p0 [hbm:s6], $0xF7A  }
0x23: {  	s9 =	sor.u32 $0xD0000000, s2;
	s6 =	simm.s32 $0x108;
	_ =	swait.ge @!p0 [sflag:s8], $0x0  }
0x24: {  	s3 =	sadd.s32 $0x88, s3;
	s6 =	simm.s32 @!p1 $0x1082;
	[sflag:s4] =	ssyncset.s32 $0xFFFFF086  }
0x25: {  	[simem:s6], [sflag:s4] =	dma.local [hbm:s3], $0xF7A  }
0x26: {  	[smem:$0x3F9F] =	sst s1;
	(tag) =	ssettag s2;
	_ =	strace s9  }
0x27: {  	s1 =	sld [smem:$0x3FAF]  }
0x28: {  	s2 =	sld [smem:$0x3FB0]  }
0x29: {  	s4 =	sld [smem:$0x3FB2]  }
0x2a: {  	p0 =	seq.s32 s5, $0x0;
	s5 =	sld [smem:$0x3FB3]  }
0x2b: {  	s6 =	sld [smem:$0x3FB4]  }
0x2c: {  	s7 =	sld [smem:$0x3FB5]  }
0x2d: {  	s3 =	simm.s32 $0x108;
	s8 =	sld [smem:$0x3FB6]  }
0x2e: {  	s3 =	simm.s32 @!p0 $0x1082;
	s9 =	sld [smem:$0x3FB7]  }
0x2f: {  	lr =	sadd.s32 s0, s3;
	s0 =	sld [smem:$0x3FAE]  }
0x30: {  	s3 =	sld [smem:$0x3FB1]  }
0x31: {  	[smem:$0x3FBA] =	sst s10  }
0x32: {  	s10 =	sld [smem:$0x3FB8];
	_ =	sdelay $0x3  }
0x33: {  	p0 =	seq.s32 s10, $0x1;
	s10 =	sld [smem:$0x3FBA];
	_ =	sdelay $0x3  }
0x34: {  	[smem:$0x3FBA] =	sst s10  }
0x35: {  	s10 =	sld [smem:$0x3FB9];
	_ =	sdelay $0x3  }
0x36: {  	p1 =	seq.s32 s10, $0x1;
	s10 =	sld [smem:$0x3FBA];
	_ =	sdelay $0x3  }
0x37: {  	[smem:$0x3FBA] =	sst s10  }
0x38: {  	s10 =	sld [smem:$0x3FBB]  }
0x39: {  	_ = 	snop;
	(pc) =	sbr.ind lr, $3  }
0x3a: {  	_ = 	snop  }
0x3b: {  	_ = 	snop  }
0x3c: {  	p2 =	seq.s32 s10, $0x1;
	s10 =	sld [smem:$0x3FBA]  }
0x3d: {  	_ =	shalt  }
0x3e: {  	_ =	shalt  }
0x3f: {  	_ =	shalt  }
0x40: {  	_ =	shalt  }
0x41: {  	_ =	shalt  }
0x42: {  	_ =	shalt  }
0x43: {  	_ =	shalt  }
0x44: {  	_ =	shalt  }
0x45: {  	_ =	shalt  }
0x46: {  	_ =	shalt  }
0x47: {  	_ =	shalt  }
0x48: {  	_ =	shalt  }
0x49: {  	_ =	shalt  }
0x4a: {  	_ =	shalt  }
0x4b: {  	_ =	shalt  }
0x4c: {  	_ =	shalt  }
0x4d: {  	_ =	shalt  }
0x4e: {  	_ =	shalt  }
0x4f: {  	_ =	shalt  }
0x50: {  	_ =	shalt  }
0x51: {  	_ =	shalt  }
0x52: {  	_ =	shalt  }
0x53: {  	_ =	shalt  }
0x54: {  	_ =	shalt  }
0x55: {  	_ =	shalt  }
0x56: {  	_ =	shalt  }
0x57: {  	_ =	shalt  }
0x58: {  	_ =	shalt  }
0x59: {  	_ =	shalt  }
0x5a: {  	_ =	shalt  }
0x5b: {  	_ =	shalt  }
0x5c: {  	_ =	shalt  }
0x5d: {  	_ =	shalt  }
0x5e: {  	_ =	shalt  }
0x5f: {  	_ =	shalt  }
0x60: {  	_ =	shalt  }
0x61: {  	_ =	shalt  }
0x62: {  	_ =	shalt  }
0x63: {  	_ =	shalt  }
0x64: {  	_ =	shalt  }
0x65: {  	_ =	shalt  }
0x66: {  	_ =	shalt  }
0x67: {  	_ =	shalt  }
0x68: {  	_ =	shalt  }
0x69: {  	_ =	shalt  }
0x6a: {  	_ =	shalt  }
0x6b: {  	_ =	shalt  }
0x6c: {  	_ =	shalt  }
0x6d: {  	_ =	shalt  }
0x6e: {  	_ =	shalt  }
0x6f: {  	_ =	shalt  }
0x70: {  	_ =	shalt  }
0x71: {  	_ =	shalt  }
0x72: {  	_ =	shalt  }
0x73: {  	_ =	shalt  }
0x74: {  	_ =	shalt  }
0x75: {  	_ =	shalt  }
0x76: {  	_ =	shalt  }
0x77: {  	_ =	shalt  }
0x78: {  	_ =	shalt  }
0x79: {  	_ =	shalt  }
0x7a: {  	_ =	shalt  }
0x7b: {  	_ =	shalt  }
0x7c: {  	_ =	shalt  }
0x7d: {  	_ =	shalt  }
0x7e: {  	_ =	shalt  }
0x7f: {  	_ =	shalt  }
0x80: {  	_ =	shalt  }
0x81: {  	_ =	shalt  }
0x82: {  	_ =	shalt  }
0x83: {  	_ =	shalt  }
0x84: {  	_ =	shalt  }
0x85: {  	_ =	shalt  }
0x86: {  	_ =	shalt  }
0x87: {  	_ =	shalt  }
.Lfunc_end0:
.L_simem_size_0:
called_computation_lowered:
.L_overlay_start_0:
0x88: {  	s2 =	sld [smem:$0x3FD9]  }
0x89: {  	s3 =	sld [smem:$0x3FFE];
	_ =	sdelay $0x1  }
0x8a: {  	s1 =	srdreg.scid  }
0x8b: {  	s0 =	sand.u32 $0x1, s1  }
0x8c: {  	s17 =	sshll.u32 s0, $0xA;
	s2 =	sadd.s32 s3, s2  }
0x8d: {  	s2 =	sadd.s32 s2, s17  }
0x8e: {  	[smem:$0x3FC6] =	sst s2  }
0x8f: {  	_ = 	snop  }
0x90: {  	s2 =	sld [smem:$0x3FD0];
	(tm) =	ssettm $0x1  }
0x91: {  	s18 =	sld [smem:$0x3FFB];
	_ =	sdelay $0x3  }
0x92: {  	_ =	strace s18  }
0x93: {  	s3 =	sld [smem:$0x3FFC];
	_ =	sdelay $0x3  }
0x94: {  	_ =	strace s3  }
0x95: {  	s3 =	sld [smem:$0x3FFD];
	_ =	sdelay $0x3  }
0x96: {  	_ =	strace s3  }
0x97: {  	_ =	strace $0x8FFFFFFF  }
0x98: {  	s19 =	sld [smem:$0x3FDB];
	_ =	sdelay $0x1  }
0x99: {  	s4 =	simm.s32 $_scs_section_size  }
0x9a: {  	s5 =	simm.s32 $_size__tile_overlayer_lowered;
	s6 =	simm.s32 $_tile_overlayer_lowered  }
0x9b: {  	s22 =	simm.s32 $0x1BFF;
	s21 =	sshll.u32 s6, $0x1;
	s3 =	sadd.s32 s4, s19  }
0x9c: {  	s7 =	simm.s32 $0x0;
	s20 =	sshll.u32 s5, $0x1;
	s5 =	sadd.s32 s21, s3  }
0x9d: {  	[timem:s7], [sflag:s22] =	dma.local [hbm:s5], s20  }
0x9e: {  	_ =	swait.ge [sflag:s22], s20  }
0x9f: {  	s4 =	ssub.s32 $0x0, s20;
	[sflag:s22] =	ssyncset.done $0x0  }
0xa0: {  	[sflag:s22] =	ssyncadd.s32 s4;
	_ =	sdelay $0x1  }
0xa1: {  	s23 =	simm.s32 $0x1B8B  }
0xa2: {  	_ =	swait.ge [sflag:s23], $0x1  }
0xa3: {  	[sflag:s23] =	ssyncset.done $0x0  }
0xa4: {  	s25 =	simm.s32 $0x1B8E;
	s24 =	sld [smem:$0x3FFE];
	[sflag:s23] =	ssyncadd.s32 $0xFFFFFFFF  }
0xa5: {  	s26 =	simm.s32 $execute0_lowered;
	[smem:$0x3FD2] =	sst s25  }
0xa6: {  	s5 =	sshll.u32 s26, $0x1;
	_ =	strace $0x80000046;
	[dreg:$0x1] =	wrdreg $0xFFFFFFFF  }
0xa7: {  	s28 =	simm.s32 $_size_execute0_lowered;
	s3 =	sadd.s32 s3, s5;
	[dreg:$0x0] =	wrdreg $0x0  }
0xa8: {  	s5 =	sshll.u32 s28, $0x1;
	[dreg:$0x2] =	wrdreg s3  }
0xa9: {  	[dreg:$0x3] =	wrdreg s5  }
0xaa: {  	[dreg:$0x4] =	wrdreg $0xC0  }
0xab: {  	_ =	task [dreg:s7], $0x5FFFF  }
0xac: {  	[dreg:$0x1] =	wrdreg $0xFFFFFFFF  }
0xad: {  	[dreg:$0x0] =	wrdreg $0x60  }
0xae: {  	[dreg:$0x2] =	wrdreg s24  }
0xaf: {  	[dreg:$0x3] =	wrdreg s2  }
0xb0: {  	[dreg:$0x4] =	wrdreg $0x52800  }
0xb1: {  	[dreg:$0x5] =	wrdreg $0x9  }
0xb2: {  	_ =	task.clear_ibuf [dreg:s7], $0x6FFFF;
	_ =	strace $0x90000046  }
0xb3: {  	s29 =	simm.s32 $0x9;
	_ =	strace $0x80000048  }
0xb4: {  	_ =	swait.ge [sflag:s29], $0x1  }
0xb5: {  	[sflag:s29] =	ssyncadd.s32 $0xFFFFFFFF  }
0xb6: {  	_ =	strace $0x90000048  }
0xb7: {  	_ =	sfence  }
0xb8: {  	s30 =	sld [smem:$0x0];
	_ =	sdelay $0x2  }
0xb9: {  	s31 =	sshll.u32 s1, $0xD;
	s1 =	sshrl.u32 s1, $0x2  }
0xba: {  	s3 =	sand.u32 $0x4000, s31;
	s1 =	sadd.s32 s1, s30  }
0xbb: {  	s0 =	sor.u32 s3, s0;
	s1 =	sshll.u32 s1, $0x11  }
0xbc: {  	s0 =	sor.u32 s1, s0  }
0xbd: {  	s0 =	sadd.s32 $0x8F2B, s0  }
0xbe: {  	[sflag:s0] =	ssyncadd.remote.s32 $0x1  }
0xbf: {  	_ =	sfence.sel $0xFFFF  }
0xc0: {  	[dreg:$0x0] =	wrdreg $0xFFFFFFFF;
	(pc) =	sbr.abs _section_cstart, $3  }
0xc1: {  	[dreg:$0x1] =	wrdreg $0xFFFFFFFF  }
0xc2: {  	_ =	task.clear_ibuf [dreg:s7], $0x2FFFF;
	_ =	strace $0x9FFFFFFF  }
0xc3: {  	(tm) =	ssettm $0x7FFFFFFF  }
tec
execute0_lowered:
.L_overlay_start_1:
0x0: {  	(tag) =	ssettag $0x1  }
0x1: {  	s3 =	rddreg [dreg:$0x0];
	s0 =	srdreg.scid;
	s1 =	simm.s32 $0x0  }
0x2: {  	s22 =	stileid.u32;
	s28 =	rddreg [dreg:$0x1];
	s0 =	sand.u32 $0x1, s0  }
0x3: {  	s4 =	sshll.u32 s22, $0x6;
	s5 =	smul.u32 $0xF428, s22;
	[smem:$0x7FF] =	sst s1  }
0x4: {  	s30 =	sadd.s32 $0x32600, s3;
	s2 =	sshll.u32 s0, $0xA;
	s0 =	ssub.s32 $0x2, s0  }
0x5: {  	s6 =	sshrl.u32 s0, $0x1;
	s7 =	sadd.s32 $0x1400, s5;
	s14 =	sshrl.u32 s5, $0x3  }
0x6: {  	s9 =	sadd.s32 $0x3C00, s5;
	s10 =	sadd.s32 $0x5000, s5;
	s12 =	sadd.s32 $0x7800, s5  }
0x7: {  	s13 =	sadd.s32 $0x8C00, s5;
	s23 =	sadd.s32 $0xA000, s5;
	s0 =	ssub.s32 s0, s6  }
0x8: {  	s8 =	sshrl.u32 s7, $0x3;
	s6 =	sadd.s32 s30, s14;
	s17 =	sshrl.u32 s9, $0x3  }
0x9: {  	s11 =	sshrl.u32 s10, $0x3;
	s20 =	sshrl.u32 s12, $0x3;
	s14 =	sshrl.u32 s13, $0x3  }
0xa: {  	s24 =	sshrl.u32 s23, $0x3;
	[dreg:$0x4] =	wrdreg s6;
	s15 =	sadd.s32 s30, s8  }
0xb: {  	s6 =	sadd.s32 $0x2800, s5;
	s18 =	sadd.s32 s30, s11;
	[dreg:$0x5] =	wrdreg s15  }
0xc: {  	s21 =	sadd.s32 s30, s14;
	s14 =	sadd.s32 s30, s24;
	[dreg:$0x8] =	wrdreg s18  }
0xd: {  	s16 =	sshrl.u32 s6, $0x3;
	[dreg:$0xb] =	wrdreg s21;
	s15 =	sadd.s32 $0xB400, s5  }
0xe: {  	[dreg:$0xc] =	wrdreg s14;
	s18 =	sadd.s32 $0xDC00, s5;
	s8 =	sadd.s32 s30, s16  }
0xf: {  	s25 =	sshrl.u32 s15, $0x3;
	[dreg:$0x6] =	wrdreg s8;
	s8 =	sadd.s32 s30, s17  }
0x10: {  	s16 =	sadd.s32 $0xC800, s5;
	s14 =	sadd.s32 s30, s25;
	[dreg:$0x7] =	wrdreg s8  }
0x11: {  	s17 =	sshrl.u32 s16, $0x3;
	s8 =	sadd.s32 $0x6400, s5;
	[dreg:$0xd] =	wrdreg s14  }
0x12: {  	s26 =	sadd.s32 s30, s17;
	s14 =	rddreg [dreg:$0x2];
	s19 =	sshrl.u32 s8, $0x3  }
0x13: {  	[dreg:$0xe] =	wrdreg s26;
	s11 =	sadd.s32 s30, s19;
	s19 =	sadd.s32 $0xF000, s5  }
0x14: {  	[dreg:$0x9] =	wrdreg s11;
	s11 =	sadd.s32 s30, s20;
	s20 =	sshrl.u32 s18, $0x3  }
0x15: {  	s21 =	sshrl.u32 s19, $0x3;
	[dreg:$0xa] =	wrdreg s11;
	s20 =	sadd.s32 s30, s20  }
0x16: {  	s2 =	sor.u32 s4, s2;
	s4 =	sadd.s32 s30, s21;
	[dreg:$0xf] =	wrdreg s20  }
0x17: {  	s29 =	sadd.s32 s28, s2;
	[dreg:$0x10] =	wrdreg s4  }
0x18: {  	s30 =	sadd.s32 s5, s14;
	_ =	strace $0x80000047;
	[dreg:$0x11] =	wrdreg s29  }
0x19: {  	s5 =	sadd.s32 s7, s14;
	[dreg:$0x12] =	wrdreg s30  }
0x1a: {  	s6 =	sadd.s32 s6, s14;
	[dreg:$0x13] =	wrdreg s5  }
0x1b: {  	s7 =	sadd.s32 s9, s14;
	[dreg:$0x14] =	wrdreg s6  }
0x1c: {  	s9 =	sadd.s32 s10, s14;
	[dreg:$0x15] =	wrdreg s7  }
0x1d: {  	s10 =	sadd.s32 s8, s14;
	[dreg:$0x16] =	wrdreg s9  }
0x1e: {  	s12 =	sadd.s32 s12, s14;
	[dreg:$0x17] =	wrdreg s10  }
0x1f: {  	s13 =	sadd.s32 s13, s14;
	[dreg:$0x18] =	wrdreg s12  }
0x20: {  	s17 =	sadd.s32 s23, s14;
	[dreg:$0x19] =	wrdreg s13  }
0x21: {  	s20 =	sadd.s32 s15, s14;
	[dreg:$0x1a] =	wrdreg s17  }
0x22: {  	s21 =	sadd.s32 s16, s14;
	[dreg:$0x1b] =	wrdreg s20  }
0x23: {  	s23 =	sadd.s32 s18, s14;
	[dreg:$0x1c] =	wrdreg s21  }
0x24: {  	s24 =	sadd.s32 s19, s14;
	[dreg:$0x1d] =	wrdreg s23  }
0x25: {  	s25 =	sadd.s32 $0x4EFCB, s3;
	[dreg:$0x1e] =	wrdreg s24  }
0x26: {  	s26 =	sadd.s32 $0x4F24B, s3;
	[dreg:$0x1f] =	wrdreg s25  }
0x27: {  	s28 =	sadd.s32 $0x4F4CB, s3;
	[smem:$0x77F] =	sst s26  }
0x28: {  	s8 =	sadd.s32 $0x503CB, s3;
	[smem:$0x780] =	sst s28  }
0x29: {  	s2 =	sadd.s32 s2, s3;
	s11 =	sadd.s32 $0x50B4B, s3;
	[smem:$0x786] =	sst s8  }
0x2a: {  	s15 =	sadd.s32 $0x1600, s2;
	[smem:$0x789] =	sst s11  }
0x2b: {  	s16 =	sadd.s32 $0x1E00, s2;
	[smem:$0x78D] =	sst s15  }
0x2c: {  	s18 =	sadd.s32 $0x2E00, s2;
	[smem:$0x78E] =	sst s16  }
0x2d: {  	s19 =	sadd.s32 $0x3600, s2;
	[smem:$0x790] =	sst s18  }
0x2e: {  	s4 =	sadd.s32 $0x8600, s2;
	[smem:$0x791] =	sst s19  }
0x2f: {  	p0 =	seq.s32 s22, $0xF;
	s0 =	smax.u32 s0, $0x1;
	[smem:$0x79B] =	sst s4  }
0x30: {  	p1 =	seq.s32 s22, $0x0;
	s22 =	sadd.s32 $0xEB258, s14;
	[smem:$0x7EF] =	sst s0  }
0x31: {  	s29 =	sadd.s32 $0x4F74B, s3;
	[smem:$0x7F6] =	sst s22  }
0x32: {  	s30 =	sadd.s32 $0x4F9CB, s3;
	[smem:$0x781] =	sst s29  }
0x33: {  	s5 =	sadd.s32 $0x4FC4B, s3;
	[smem:$0x782] =	sst s30  }
0x34: {  	s6 =	sadd.s32 $0x4FECB, s3;
	[smem:$0x783] =	sst s5  }
0x35: {  	s7 =	sadd.s32 $0x5014B, s3;
	[smem:$0x784] =	sst s6  }
0x36: {  	s9 =	sadd.s32 $0x5064B, s3;
	[smem:$0x785] =	sst s7  }
0x37: {  	s10 =	sadd.s32 $0x508CB, s3;
	[smem:$0x787] =	sst s9  }
0x38: {  	s3 =	sadd.s32 $0x50DCB, s3;
	[smem:$0x788] =	sst s10  }
0x39: {  	s12 =	sadd.s32 $0x600, s2;
	[smem:$0x78A] =	sst s3  }
0x3a: {  	s13 =	sadd.s32 $0xE00, s2;
	[smem:$0x78B] =	sst s12  }
0x3b: {  	s17 =	sadd.s32 $0x2600, s2;
	[smem:$0x78C] =	sst s13  }
0x3c: {  	s20 =	sadd.s32 $0x3E00, s2;
	[smem:$0x78F] =	sst s17  }
0x3d: {  	s21 =	sadd.s32 $0x4600, s2;
	[smem:$0x792] =	sst s20  }
0x3e: {  	s23 =	sadd.s32 $0x4E00, s2;
	[smem:$0x793] =	sst s21  }
0x3f: {  	s24 =	sadd.s32 $0x5600, s2;
	[smem:$0x794] =	sst s23  }
0x40: {  	s25 =	sadd.s32 $0x5E00, s2;
	[smem:$0x795] =	sst s24  }
0x41: {  	s26 =	sadd.s32 $0x6600, s2;
	[smem:$0x796] =	sst s25  }
0x42: {  	s28 =	sadd.s32 $0x6E00, s2;
	[smem:$0x797] =	sst s26  }
0x43: {  	s8 =	sadd.s32 $0xA600, s2;
	[smem:$0x798] =	sst s28  }
0x44: {  	s11 =	sadd.s32 $0xBE00, s2;
	[smem:$0x79F] =	sst s8  }
0x45: {  	s15 =	sadd.s32 $0xD600, s2;
	[smem:$0x7A2] =	sst s11  }
0x46: {  	s16 =	sadd.s32 $0xDE00, s2;
	[smem:$0x7A5] =	sst s15  }
0x47: {  	s18 =	sadd.s32 $0xEE00, s2;
	[smem:$0x7A6] =	sst s16  }
0x48: {  	s19 =	sadd.s32 $0xF600, s2;
	[smem:$0x7A8] =	sst s18  }
0x49: {  	s4 =	sadd.s32 $0x14600, s2;
	[smem:$0x7A9] =	sst s19  }
0x4a: {  	s29 =	sadd.s32 $0x7600, s2;
	[smem:$0x7B3] =	sst s4  }
0x4b: {  	s30 =	sadd.s32 $0x7E00, s2;
	[smem:$0x799] =	sst s29  }
0x4c: {  	s5 =	sadd.s32 $0x8E00, s2;
	[smem:$0x79A] =	sst s30  }
0x4d: {  	s6 =	sadd.s32 $0x9600, s2;
	[smem:$0x79C] =	sst s5  }
0x4e: {  	s7 =	sadd.s32 $0x9E00, s2;
	[smem:$0x79D] =	sst s6  }
0x4f: {  	s9 =	sadd.s32 $0xAE00, s2;
	[smem:$0x79E] =	sst s7  }
0x50: {  	s10 =	sadd.s32 $0xB600, s2;
	[smem:$0x7A0] =	sst s9  }
0x51: {  	s12 =	sadd.s32 $0xC600, s2;
	[smem:$0x7A1] =	sst s10  }
0x52: {  	s13 =	sadd.s32 $0xCE00, s2;
	[smem:$0x7A3] =	sst s12  }
0x53: {  	s17 =	sadd.s32 $0xE600, s2;
	[smem:$0x7A4] =	sst s13  }
0x54: {  	s20 =	sadd.s32 $0xFE00, s2;
	[smem:$0x7A7] =	sst s17  }
0x55: {  	s21 =	sadd.s32 $0x10600, s2;
	[smem:$0x7AA] =	sst s20  }
0x56: {  	s23 =	sadd.s32 $0x10E00, s2;
	[smem:$0x7AB] =	sst s21  }
0x57: {  	s24 =	sadd.s32 $0x11600, s2;
	[smem:$0x7AC] =	sst s23  }
0x58: {  	s25 =	sadd.s32 $0x11E00, s2;
	[smem:$0x7AD] =	sst s24  }
0x59: {  	s26 =	sadd.s32 $0x12600, s2;
	[smem:$0x7AE] =	sst s25  }
0x5a: {  	s28 =	sadd.s32 $0x12E00, s2;
	[smem:$0x7AF] =	sst s26  }
0x5b: {  	s8 =	sadd.s32 $0x16600, s2;
	[smem:$0x7B0] =	sst s28  }
0x5c: {  	s11 =	sadd.s32 $0x17E00, s2;
	[smem:$0x7B7] =	sst s8  }
0x5d: {  	s15 =	sadd.s32 $0x19600, s2;
	[smem:$0x7BA] =	sst s11  }
0x5e: {  	s16 =	sadd.s32 $0x19E00, s2;
	[smem:$0x7BD] =	sst s15  }
0x5f: {  	s18 =	sadd.s32 $0x1AE00, s2;
	[smem:$0x7BE] =	sst s16  }
0x60: {  	s19 =	sadd.s32 $0x1B600, s2;
	[smem:$0x7C0] =	sst s18  }
0x61: {  	s4 =	sadd.s32 $0x20600, s2;
	[smem:$0x7C1] =	sst s19  }
0x62: {  	s29 =	sadd.s32 $0x13600, s2;
	[smem:$0x7CB] =	sst s4  }
0x63: {  	s30 =	sadd.s32 $0x13E00, s2;
	[smem:$0x7B1] =	sst s29  }
0x64: {  	s5 =	sadd.s32 $0x14E00, s2;
	[smem:$0x7B2] =	sst s30  }
0x65: {  	s6 =	sadd.s32 $0x15600, s2;
	[smem:$0x7B4] =	sst s5  }
0x66: {  	s7 =	sadd.s32 $0x15E00, s2;
	[smem:$0x7B5] =	sst s6  }
0x67: {  	s9 =	sadd.s32 $0x16E00, s2;
	[smem:$0x7B6] =	sst s7  }
0x68: {  	s10 =	sadd.s32 $0x17600, s2;
	[smem:$0x7B8] =	sst s9  }
0x69: {  	s12 =	sadd.s32 $0x18600, s2;
	[smem:$0x7B9] =	sst s10  }
0x6a: {  	s13 =	sadd.s32 $0x18E00, s2;
	[smem:$0x7BB] =	sst s12  }
0x6b: {  	s17 =	sadd.s32 $0x1A600, s2;
	[smem:$0x7BC] =	sst s13  }
0x6c: {  	s20 =	sadd.s32 $0x1BE00, s2;
	[smem:$0x7BF] =	sst s17  }
0x6d: {  	s21 =	sadd.s32 $0x1C600, s2;
	[smem:$0x7C2] =	sst s20  }
0x6e: {  	s23 =	sadd.s32 $0x1CE00, s2;
	[smem:$0x7C3] =	sst s21  }
0x6f: {  	s24 =	sadd.s32 $0x1D600, s2;
	[smem:$0x7C4] =	sst s23  }
0x70: {  	s25 =	sadd.s32 $0x1DE00, s2;
	[smem:$0x7C5] =	sst s24  }
0x71: {  	s26 =	sadd.s32 $0x1E600, s2;
	[smem:$0x7C6] =	sst s25  }
0x72: {  	s28 =	sadd.s32 $0x1EE00, s2;
	[smem:$0x7C7] =	sst s26  }
0x73: {  	s8 =	sadd.s32 $0x22600, s2;
	[smem:$0x7C8] =	sst s28  }
0x74: {  	s11 =	sadd.s32 $0x23E00, s2;
	[smem:$0x7CF] =	sst s8  }
0x75: {  	s15 =	sadd.s32 $0x25600, s2;
	[smem:$0x7D2] =	sst s11  }
0x76: {  	s16 =	sadd.s32 $0x25E00, s2;
	[smem:$0x7D5] =	sst s15  }
0x77: {  	s18 =	sadd.s32 $0x26E00, s2;
	[smem:$0x7D6] =	sst s16  }
0x78: {  	s19 =	sadd.s32 $0x27600, s2;
	[smem:$0x7D8] =	sst s18  }
0x79: {  	s4 =	sadd.s32 $0x2C600, s2;
	[smem:$0x7D9] =	sst s19  }
0x7a: {  	s29 =	sadd.s32 $0x1F600, s2;
	[smem:$0x7E3] =	sst s4  }
0x7b: {  	s30 =	sadd.s32 $0x1FE00, s2;
	[smem:$0x7C9] =	sst s29  }
0x7c: {  	s5 =	sadd.s32 $0x20E00, s2;
	[smem:$0x7CA] =	sst s30  }
0x7d: {  	s6 =	sadd.s32 $0x21600, s2;
	[smem:$0x7CC] =	sst s5  }
0x7e: {  	s7 =	sadd.s32 $0x21E00, s2;
	[smem:$0x7CD] =	sst s6  }
0x7f: {  	s9 =	sadd.s32 $0x22E00, s2;
	[smem:$0x7CE] =	sst s7  }
0x80: {  	s10 =	sadd.s32 $0x23600, s2;
	[smem:$0x7D0] =	sst s9  }
0x81: {  	s12 =	sadd.s32 $0x24600, s2;
	[smem:$0x7D1] =	sst s10  }
0x82: {  	s13 =	sadd.s32 $0x24E00, s2;
	[smem:$0x7D3] =	sst s12  }
0x83: {  	s17 =	sadd.s32 $0x26600, s2;
	[smem:$0x7D4] =	sst s13  }
0x84: {  	s20 =	sadd.s32 $0x27E00, s2;
	[smem:$0x7D7] =	sst s17  }
0x85: {  	s21 =	sadd.s32 $0x28600, s2;
	[smem:$0x7DA] =	sst s20  }
0x86: {  	s23 =	sadd.s32 $0x28E00, s2;
	[smem:$0x7DB] =	sst s21  }
0x87: {  	s24 =	sadd.s32 $0x29600, s2;
	[smem:$0x7DC] =	sst s23  }
0x88: {  	s25 =	sadd.s32 $0x29E00, s2;
	[smem:$0x7DD] =	sst s24  }
0x89: {  	s26 =	sadd.s32 $0x2A600, s2;
	[smem:$0x7DE] =	sst s25  }
0x8a: {  	s28 =	sadd.s32 $0x2AE00, s2;
	[smem:$0x7DF] =	sst s26  }
0x8b: {  	s8 =	sadd.s32 $0x2E600, s2;
	[smem:$0x7E0] =	sst s28  }
0x8c: {  	s11 =	sadd.s32 $0x2FE00, s2;
	[smem:$0x7E7] =	sst s8  }
0x8d: {  	s15 =	sadd.s32 $0x31600, s2;
	[smem:$0x7EA] =	sst s11  }
0x8e: {  	s16 =	sadd.s32 $0xF4240, s14;
	[smem:$0x7ED] =	sst s15  }
0x8f: {  	s18 =	sadd.s32 $0xE6258, s14;
	[smem:$0x7F0] =	sst s16  }
0x90: {  	s19 =	sadd.s32 $0xE7658, s14;
	[smem:$0x7F2] =	sst s18  }
0x91: {  	s29 =	sadd.s32 $0x2B600, s2;
	[smem:$0x7F3] =	sst s19  }
0x92: {  	s30 =	sadd.s32 $0x2BE00, s2;
	[smem:$0x7E1] =	sst s29  }
0x93: {  	s5 =	sadd.s32 $0x2CE00, s2;
	[smem:$0x7E2] =	sst s30  }
0x94: {  	s6 =	sadd.s32 $0x2D600, s2;
	[smem:$0x7E4] =	sst s5  }
0x95: {  	s7 =	sadd.s32 $0x2DE00, s2;
	[smem:$0x7E5] =	sst s6  }
0x96: {  	s9 =	sadd.s32 $0x2EE00, s2;
	[smem:$0x7E6] =	sst s7  }
0x97: {  	s10 =	sadd.s32 $0x2F600, s2;
	[smem:$0x7E8] =	sst s9  }
0x98: {  	s12 =	sadd.s32 $0x30600, s2;
	[smem:$0x7E9] =	sst s10  }
0x99: {  	s13 =	sadd.s32 $0x30E00, s2;
	[smem:$0x7EB] =	sst s12  }
0x9a: {  	s31 =	simm.s32 $0x200;
	s2 =	sadd.s32 $0x31E00, s2;
	[smem:$0x7EC] =	sst s13  }
0x9b: {  	s0 =	simm.s32 $0x600;
	s17 =	sadd.s32 $0xE4E58, s14;
	[smem:$0x7EE] =	sst s2  }
0x9c: {  	s22 =	simm.s32 $0x2600;
	s20 =	sadd.s32 $0xE8A58, s14;
	[smem:$0x7F1] =	sst s17  }
0x9d: {  	s3 =	simm.s32 $0xA00;
	s21 =	sadd.s32 $0xE9E58, s14;
	[smem:$0x7F4] =	sst s20  }
0x9e: {  	s4 =	simm.s32 $0xC00;
	s23 =	sadd.s32 $0xEC658, s14;
	[smem:$0x7F5] =	sst s21  }
0x9f: {  	s24 =	sadd.s32 $0xEDA58, s14;
	s25 =	sadd.s32 $0xEEE58, s14;
	[smem:$0x7F7] =	sst s23  }
0xa0: {  	s26 =	sadd.s32 $0xF0258, s14;
	s28 =	sadd.s32 $0xF1658, s14;
	[smem:$0x7F8] =	sst s24  }
0xa1: {  	s11 =	simm.s32 $0x400;
	s8 =	simm.s32 $0x2800;
	[smem:$0x7F9] =	sst s25  }
0xa2: {  	s15 =	simm.s32 $0x1A00;
	s16 =	simm.s32 $0x1C00;
	[smem:$0x7FA] =	sst s26  }
0xa3: {  	s18 =	simm.s32 $0x1E00;
	s19 =	simm.s32 $0x2000;
	[smem:$0x7FB] =	sst s28  }
0xa4: {  	s29 =	sadd.s32 $0xF2A58, s14;
	s30 =	sadd.s32 $0xF3E58, s14;
	s2 =	simm.s32 $0x800  }
0xa5: {  	s5 =	simm.s32 $0xE00;
	s6 =	simm.s32 $0x1000;
	s7 =	simm.s32 $0x1200  }
0xa6: {  	s9 =	simm.s32 $0x3;
	s10 =	simm.s32 $0x1;
	s12 =	simm.s32 $0x1400  }
0xa7: {  	s13 =	simm.s32 $0x1600;
	s17 =	simm.s32 $0x1800;
	s20 =	simm.s32 $0x2200  }
0xa8: {  	s21 =	simm.s32 $0x2400;
	s23 =	simm.s32 $0x2;
	[smem:$0x7FC] =	sst s29  }
0xa9: {  	s24 =	simm.s32 $0x3C00;
	s25 =	simm.s32 $0x0;
	[smem:$0x7FD] =	sst s30  }
.LBB2_1:
0xaa: {  	s26 =	sld [smem:$0x78B];
	_ =	sdelay $0x1  }
0xab: {  	s28 =	sld [smem:$0x78C]  }
0xac: {  	[tilespmem:s1], [sflag:$0x1] =	stream.linear.gather [hbm4b:s26+s1], $0x200, $0x38;
	[tilespmem:$0x146A8] =	vst v63  }
0xad: {  	s29 =	sld [smem:$0x78D]  }
0xae: {  	[tilespmem:s31], [sflag:$0x1] =	stream.linear.gather [hbm4b:s28+s1], $0x200, $0x38;
	[tilespmem:$0x146A8] =	vst v63  }
0xaf: {  	s30 =	sld [smem:$0x78E]  }
0xb0: {  	[tilespmem:s11], [sflag:$0x1] =	stream.linear.gather [hbm4b:s29+s1], $0x200, $0x38;
	[tilespmem:$0x146A8] =	vst v63  }
0xb1: {  	s28 =	sld [smem:$0x78F]  }
0xb2: {  	[tilespmem:s0], [sflag:$0x1] =	stream.linear.gather [hbm4b:s30+s1], $0x200, $0x38;
	[tilespmem:$0x146A8] =	vst v63  }
0xb3: {  	s29 =	sld [smem:$0x790]  }
0xb4: {  	[tilespmem:s2], [sflag:$0x1] =	stream.linear.gather [hbm4b:s28+s1], $0x200, $0x38;
	[tilespmem:$0x146A8] =	vst v63  }
0xb5: {  	s30 =	sld [smem:$0x791]  }
0xb6: {  	[tilespmem:s3], [sflag:$0x1] =	stream.linear.gather [hbm4b:s29+s1], $0x200, $0x38;
	[tilespmem:$0x146A8] =	vst v63  }
0xb7: {  	s28 =	sld [smem:$0x792]  }
0xb8: {  	[tilespmem:s4], [sflag:$0x1] =	stream.linear.gather [hbm4b:s30+s1], $0x200, $0x38;
	[tilespmem:$0x146A8] =	vst v63  }
0xb9: {  	s29 =	sld [smem:$0x793]  }
0xba: {  	[tilespmem:s5], [sflag:$0x1] =	stream.linear.gather [hbm4b:s28+s1], $0x200, $0x38;
	[tilespmem:$0x146A8] =	vst v63  }
.Ltmp0:
0xbb: {  	_ = 	snop;
	(pc) =	sbr.rel @!p0 .LBB2_2-.Ltmp0, $4  }
0xbc: {  	s30 =	sld [smem:$0x794]  }
0xbd: {  	[tilespmem:s6], [sflag:$0x1] =	stream.linear.gather [hbm4b:s29+s1], $0x200, $0x38;
	[tilespmem:$0x146A8] =	vst v63  }
0xbe: {  	_ = 	snop  }
0xbf: {  	[tilespmem:s7], [sflag:$0x1] =	stream.linear.gather [hbm4b:s30+s1], $0x200, $0x38;
	[tilespmem:$0x146A8] =	vst v63  }
0xc0: {  	s26 =	rddreg [dreg:$0x1f]  }
0xc1: {  	[tilespmem:s8], [sflag:$0x3] =	stream.linear.gather [hbm4b:s26+s1], $0x1400, $0x38;
	[tilespmem:$0x146A8] =	vst v63  }
0xc2: {  	_ =	swait.ge [sflag:s9], $0x1400  }
0xc3: {  	s30 =	sld [smem:$0x7F1]  }
0xc4: {  	[sflag:s9] =	ssyncset.done $0x0  }
0xc5: {  	[sflag:s9] =	ssyncadd.s32 $0xFFFFEC00  }
0xc6: {  	[spmem:s30] =	stream.linear.scatter [tilespmem:s8], [sflag:$0x3], $0x1400, $0x38;
	[tilespmem:$0x146A8] =	vst v63  }
0xc7: {  	_ =	swait.ge [sflag:s9], $0x1400  }
0xc8: {  	s28 =	sld [smem:$0x77F]  }
0xc9: {  	[sflag:s9] =	ssyncset.done $0x0  }
0xca: {  	[sflag:s9] =	ssyncadd.s32 $0xFFFFEC00  }
0xcb: {  	[tilespmem:s8], [sflag:$0x3] =	stream.linear.gather [hbm4b:s28+s1], $0x1400, $0x38;
	[tilespmem:$0x146A8] =	vst v63  }
0xcc: {  	_ =	swait.ge [sflag:s9], $0x1400  }
0xcd: {  	s29 =	sld [smem:$0x7F2]  }
0xce: {  	[sflag:s9] =	ssyncset.done $0x0  }
0xcf: {  	[sflag:s9] =	ssyncadd.s32 $0xFFFFEC00  }
0xd0: {  	[spmem:s29] =	stream.linear.scatter [tilespmem:s8], [sflag:$0x3], $0x1400, $0x38;
	[tilespmem:$0x146A8] =	vst v63  }
0xd1: {  	_ =	swait.ge [sflag:s9], $0x1400  }
0xd2: {  	s30 =	sld [smem:$0x780]  }
0xd3: {  	[sflag:s9] =	ssyncset.done $0x0  }
0xd4: {  	[sflag:s9] =	ssyncadd.s32 $0xFFFFEC00  }
0xd5: {  	[tilespmem:s8], [sflag:$0x3] =	stream.linear.gather [hbm4b:s30+s1], $0x1400, $0x38;
	[tilespmem:$0x146A8] =	vst v63  }
0xd6: {  	_ =	swait.ge [sflag:s9], $0x1400  }
0xd7: {  	s28 =	sld [smem:$0x7F3]  }
0xd8: {  	[sflag:s9] =	ssyncset.done $0x0  }
0xd9: {  	[sflag:s9] =	ssyncadd.s32 $0xFFFFEC00  }
0xda: {  	[spmem:s28] =	stream.linear.scatter [tilespmem:s8], [sflag:$0x3], $0x1400, $0x38;
	[tilespmem:$0x146A8] =	vst v63  }
0xdb: {  	_ =	swait.ge [sflag:s9], $0x1400  }
0xdc: {  	s29 =	sld [smem:$0x781]  }
0xdd: {  	[sflag:s9] =	ssyncset.done $0x0  }
0xde: {  	[sflag:s9] =	ssyncadd.s32 $0xFFFFEC00  }
0xdf: {  	[tilespmem:s8], [sflag:$0x3] =	stream.linear.gather [hbm4b:s29+s1], $0x1400, $0x38;
	[tilespmem:$0x146A8] =	vst v63  }
0xe0: {  	_ =	swait.ge [sflag:s9], $0x1400  }
0xe1: {  	s30 =	sld [smem:$0x7F4]  }
0xe2: {  	[sflag:s9] =	ssyncset.done $0x0  }
0xe3: {  	[sflag:s9] =	ssyncadd.s32 $0xFFFFEC00  }
0xe4: {  	[spmem:s30] =	stream.linear.scatter [tilespmem:s8], [sflag:$0x3], $0x1400, $0x38;
	[tilespmem:$0x146A8] =	vst v63  }
0xe5: {  	_ =	swait.ge [sflag:s9], $0x1400  }
0xe6: {  	s28 =	sld [smem:$0x782]  }
0xe7: {  	[sflag:s9] =	ssyncset.done $0x0  }
0xe8: {  	[sflag:s9] =	ssyncadd.s32 $0xFFFFEC00  }
0xe9: {  	[tilespmem:s8], [sflag:$0x3] =	stream.linear.gather [hbm4b:s28+s1], $0x1400, $0x38;
	[tilespmem:$0x146A8] =	vst v63  }
0xea: {  	_ =	swait.ge [sflag:s9], $0x1400  }
0xeb: {  	s29 =	sld [smem:$0x7F5]  }
0xec: {  	[sflag:s9] =	ssyncset.done $0x0  }
0xed: {  	[sflag:s9] =	ssyncadd.s32 $0xFFFFEC00  }
0xee: {  	[spmem:s29] =	stream.linear.scatter [tilespmem:s8], [sflag:$0x3], $0x1400, $0x38;
	[tilespmem:$0x146A8] =	vst v63  }
0xef: {  	_ =	swait.ge [sflag:s9], $0x1400  }
0xf0: {  	s30 =	sld [smem:$0x783]  }
0xf1: {  	[sflag:s9] =	ssyncset.done $0x0  }
0xf2: {  	[sflag:s9] =	ssyncadd.s32 $0xFFFFEC00  }
0xf3: {  	[tilespmem:s8], [sflag:$0x3] =	stream.linear.gather [hbm4b:s30+s1], $0x1400, $0x38;
	[tilespmem:$0x146A8] =	vst v63  }
0xf4: {  	_ =	swait.ge [sflag:s9], $0x1400  }
0xf5: {  	s28 =	sld [smem:$0x7F6]  }
0xf6: {  	[sflag:s9] =	ssyncset.done $0x0  }
0xf7: {  	[sflag:s9] =	ssyncadd.s32 $0xFFFFEC00  }
0xf8: {  	[spmem:s28] =	stream.linear.scatter [tilespmem:s8], [sflag:$0x3], $0x1400, $0x38;
	[tilespmem:$0x146A8] =	vst v63  }
0xf9: {  	_ =	swait.ge [sflag:s9], $0x1400  }
0xfa: {  	s29 =	sld [smem:$0x784]  }
0xfb: {  	[sflag:s9] =	ssyncset.done $0x0  }
0xfc: {  	[sflag:s9] =	ssyncadd.s32 $0xFFFFEC00  }
0xfd: {  	[tilespmem:s8], [sflag:$0x3] =	stream.linear.gather [hbm4b:s29+s1], $0x1400, $0x38;
	[tilespmem:$0x146A8] =	vst v63  }
0xfe: {  	_ =	swait.ge [sflag:s9], $0x1400  }
0xff: {  	s30 =	sld [smem:$0x7F7]  }
0x100: {  	[sflag:s9] =	ssyncset.done $0x0  }
0x101: {  	[sflag:s9] =	ssyncadd.s32 $0xFFFFEC00  }
0x102: {  	[spmem:s30] =	stream.linear.scatter [tilespmem:s8], [sflag:$0x3], $0x1400, $0x38;
	[tilespmem:$0x146A8] =	vst v63  }
0x103: {  	_ =	swait.ge [sflag:s9], $0x1400  }
0x104: {  	s28 =	sld [smem:$0x785]  }
0x105: {  	[sflag:s9] =	ssyncset.done $0x0  }
0x106: {  	[sflag:s9] =	ssyncadd.s32 $0xFFFFEC00  }
0x107: {  	[tilespmem:s8], [sflag:$0x3] =	stream.linear.gather [hbm4b:s28+s1], $0x1400, $0x38;
	[tilespmem:$0x146A8] =	vst v63  }
0x108: {  	_ =	swait.ge [sflag:s9], $0x1400  }
0x109: {  	s29 =	sld [smem:$0x7F8]  }
0x10a: {  	[sflag:s9] =	ssyncset.done $0x0  }
0x10b: {  	[sflag:s9] =	ssyncadd.s32 $0xFFFFEC00  }
0x10c: {  	[spmem:s29] =	stream.linear.scatter [tilespmem:s8], [sflag:$0x3], $0x1400, $0x38;
	[tilespmem:$0x146A8] =	vst v63  }
0x10d: {  	_ =	swait.ge [sflag:s9], $0x1400  }
0x10e: {  	s30 =	sld [smem:$0x786]  }
0x10f: {  	[sflag:s9] =	ssyncset.done $0x0  }
0x110: {  	[sflag:s9] =	ssyncadd.s32 $0xFFFFEC00  }
0x111: {  	[tilespmem:s8], [sflag:$0x3] =	stream.linear.gather [hbm4b:s30+s1], $0x1400, $0x38;
	[tilespmem:$0x146A8] =	vst v63  }
0x112: {  	_ =	swait.ge [sflag:s9], $0x1400  }
0x113: {  	s28 =	sld [smem:$0x7F9]  }
0x114: {  	[sflag:s9] =	ssyncset.done $0x0  }
0x115: {  	[sflag:s9] =	ssyncadd.s32 $0xFFFFEC00  }
0x116: {  	[spmem:s28] =	stream.linear.scatter [tilespmem:s8], [sflag:$0x3], $0x1400, $0x38;
	[tilespmem:$0x146A8] =	vst v63  }
0x117: {  	_ =	swait.ge [sflag:s9], $0x1400  }
0x118: {  	s29 =	sld [smem:$0x787]  }
0x119: {  	[sflag:s9] =	ssyncset.done $0x0  }
0x11a: {  	[sflag:s9] =	ssyncadd.s32 $0xFFFFEC00  }
0x11b: {  	[tilespmem:s8], [sflag:$0x3] =	stream.linear.gather [hbm4b:s29+s1], $0x1400, $0x38;
	[tilespmem:$0x146A8] =	vst v63  }
0x11c: {  	_ =	swait.ge [sflag:s9], $0x1400  }
0x11d: {  	s30 =	sld [smem:$0x7FA]  }
0x11e: {  	[sflag:s9] =	ssyncset.done $0x0  }
0x11f: {  	[sflag:s9] =	ssyncadd.s32 $0xFFFFEC00  }
0x120: {  	[spmem:s30] =	stream.linear.scatter [tilespmem:s8], [sflag:$0x3], $0x1400, $0x38;
	[tilespmem:$0x146A8] =	vst v63  }
0x121: {  	_ =	swait.ge [sflag:s9], $0x1400  }
0x122: {  	s28 =	sld [smem:$0x788]  }
0x123: {  	[sflag:s9] =	ssyncset.done $0x0  }
0x124: {  	[sflag:s9] =	ssyncadd.s32 $0xFFFFEC00  }
0x125: {  	[tilespmem:s8], [sflag:$0x3] =	stream.linear.gather [hbm4b:s28+s1], $0x1400, $0x38;
	[tilespmem:$0x146A8] =	vst v63  }
0x126: {  	_ =	swait.ge [sflag:s9], $0x1400  }
0x127: {  	s29 =	sld [smem:$0x7FB]  }
0x128: {  	[sflag:s9] =	ssyncset.done $0x0  }
0x129: {  	[sflag:s9] =	ssyncadd.s32 $0xFFFFEC00  }
0x12a: {  	[spmem:s29] =	stream.linear.scatter [tilespmem:s8], [sflag:$0x3], $0x1400, $0x38;
	[tilespmem:$0x146A8] =	vst v63  }
0x12b: {  	_ =	swait.ge [sflag:s9], $0x1400  }
0x12c: {  	s30 =	sld [smem:$0x789]  }
0x12d: {  	[sflag:s9] =	ssyncset.done $0x0  }
0x12e: {  	[sflag:s9] =	ssyncadd.s32 $0xFFFFEC00  }
0x12f: {  	[tilespmem:s8], [sflag:$0x3] =	stream.linear.gather [hbm4b:s30+s1], $0x1400, $0x38;
	[tilespmem:$0x146A8] =	vst v63  }
0x130: {  	_ =	swait.ge [sflag:s9], $0x1400  }
0x131: {  	s28 =	sld [smem:$0x7FC]  }
0x132: {  	[sflag:s9] =	ssyncset.done $0x0  }
0x133: {  	[sflag:s9] =	ssyncadd.s32 $0xFFFFEC00  }
0x134: {  	[spmem:s28] =	stream.linear.scatter [tilespmem:s8], [sflag:$0x3], $0x1400, $0x38;
	[tilespmem:$0x146A8] =	vst v63  }
0x135: {  	_ =	swait.ge [sflag:s9], $0x1400  }
0x136: {  	s29 =	sld [smem:$0x78A]  }
0x137: {  	[sflag:s9] =	ssyncset.done $0x0  }
0x138: {  	[sflag:s9] =	ssyncadd.s32 $0xFFFFEC00  }
0x139: {  	[tilespmem:s8], [sflag:$0x3] =	stream.linear.gather [hbm4b:s29+s1], $0x3E8, $0x38;
	[tilespmem:$0x146A8] =	vst v63  }
0x13a: {  	_ =	swait.ge [sflag:s9], $0x3E8  }
0x13b: {  	s30 =	sld [smem:$0x7FD]  }
0x13c: {  	[sflag:s9] =	ssyncset.done $0x0  }
.Ltmp1:
0x13d: {  	[sflag:s9] =	ssyncadd.s32 $0xFFFFFC18;
	(pc) =	sbr.rel .LBB2_4-.Ltmp1, $4  }
0x13e: {  	[spmem:s30] =	stream.linear.scatter [tilespmem:s8], [sflag:$0x3], $0x3E8, $0x38;
	[tilespmem:$0x146A8] =	vst v63  }
0x13f: {  	_ =	swait.ge [sflag:s9], $0x3E8  }
0x140: {  	[sflag:s9] =	ssyncset.done $0x0  }
0x141: {  	[sflag:s9] =	ssyncadd.s32 $0xFFFFFC18  }
.LBB2_2:
0x142: {  	s26 =	rddreg [dreg:$0x4]  }
0x143: {  	[tilespmem:s8], [sflag:$0x3] =	stream.linear.gather [hbm4b:s26+s1], $0x1400, $0x38;
	[tilespmem:$0x146A8] =	vst v63  }
0x144: {  	_ =	swait.ge [sflag:s9], $0x1400  }
0x145: {  	[sflag:s9] =	ssyncset.done $0x0  }
0x146: {  	s30 =	rddreg [dreg:$0x12];
	[sflag:s9] =	ssyncadd.s32 $0xFFFFEC00  }
0x147: {  	[spmem:s30] =	stream.linear.scatter [tilespmem:s8], [sflag:$0x3], $0x1400, $0x38;
	[tilespmem:$0x146A8] =	vst v63  }
0x148: {  	_ =	swait.ge [sflag:s9], $0x1400  }
0x149: {  	[sflag:s9] =	ssyncset.done $0x0  }
0x14a: {  	s28 =	rddreg [dreg:$0x5];
	[sflag:s9] =	ssyncadd.s32 $0xFFFFEC00  }
0x14b: {  	[tilespmem:s8], [sflag:$0x3] =	stream.linear.gather [hbm4b:s28+s1], $0x1400, $0x38;
	[tilespmem:$0x146A8] =	vst v63  }
0x14c: {  	_ =	swait.ge [sflag:s9], $0x1400  }
0x14d: {  	[sflag:s9] =	ssyncset.done $0x0  }
0x14e: {  	s29 =	rddreg [dreg:$0x13];
	[sflag:s9] =	ssyncadd.s32 $0xFFFFEC00  }
0x14f: {  	[spmem:s29] =	stream.linear.scatter [tilespmem:s8], [sflag:$0x3], $0x1400, $0x38;
	[tilespmem:$0x146A8] =	vst v63  }
0x150: {  	_ =	swait.ge [sflag:s9], $0x1400  }
0x151: {  	[sflag:s9] =	ssyncset.done $0x0  }
0x152: {  	s30 =	rddreg [dreg:$0x6];
	[sflag:s9] =	ssyncadd.s32 $0xFFFFEC00  }
0x153: {  	[tilespmem:s8], [sflag:$0x3] =	stream.linear.gather [hbm4b:s30+s1], $0x1400, $0x38;
	[tilespmem:$0x146A8] =	vst v63  }
0x154: {  	_ =	swait.ge [sflag:s9], $0x1400  }
0x155: {  	[sflag:s9] =	ssyncset.done $0x0  }
0x156: {  	s28 =	rddreg [dreg:$0x14];
	[sflag:s9] =	ssyncadd.s32 $0xFFFFEC00  }
0x157: {  	[spmem:s28] =	stream.linear.scatter [tilespmem:s8], [sflag:$0x3], $0x1400, $0x38;
	[tilespmem:$0x146A8] =	vst v63  }
0x158: {  	_ =	swait.ge [sflag:s9], $0x1400  }
0x159: {  	[sflag:s9] =	ssyncset.done $0x0  }
0x15a: {  	s29 =	rddreg [dreg:$0x7];
	[sflag:s9] =	ssyncadd.s32 $0xFFFFEC00  }
0x15b: {  	[tilespmem:s8], [sflag:$0x3] =	stream.linear.gather [hbm4b:s29+s1], $0x1400, $0x38;
	[tilespmem:$0x146A8] =	vst v63  }
0x15c: {  	_ =	swait.ge [sflag:s9], $0x1400  }
0x15d: {  	[sflag:s9] =	ssyncset.done $0x0  }
0x15e: {  	s30 =	rddreg [dreg:$0x15];
	[sflag:s9] =	ssyncadd.s32 $0xFFFFEC00  }
0x15f: {  	[spmem:s30] =	stream.linear.scatter [tilespmem:s8], [sflag:$0x3], $0x1400, $0x38;
	[tilespmem:$0x146A8] =	vst v63  }
0x160: {  	_ =	swait.ge [sflag:s9], $0x1400  }
0x161: {  	[sflag:s9] =	ssyncset.done $0x0  }
0x162: {  	s28 =	rddreg [dreg:$0x8];
	[sflag:s9] =	ssyncadd.s32 $0xFFFFEC00  }
0x163: {  	[tilespmem:s8], [sflag:$0x3] =	stream.linear.gather [hbm4b:s28+s1], $0x1400, $0x38;
	[tilespmem:$0x146A8] =	vst v63  }
0x164: {  	_ =	swait.ge [sflag:s9], $0x1400  }
0x165: {  	[sflag:s9] =	ssyncset.done $0x0  }
0x166: {  	s29 =	rddreg [dreg:$0x16];
	[sflag:s9] =	ssyncadd.s32 $0xFFFFEC00  }
0x167: {  	[spmem:s29] =	stream.linear.scatter [tilespmem:s8], [sflag:$0x3], $0x1400, $0x38;
	[tilespmem:$0x146A8] =	vst v63  }
0x168: {  	_ =	swait.ge [sflag:s9], $0x1400  }
0x169: {  	[sflag:s9] =	ssyncset.done $0x0  }
0x16a: {  	s30 =	rddreg [dreg:$0x9];
	[sflag:s9] =	ssyncadd.s32 $0xFFFFEC00  }
0x16b: {  	[tilespmem:s8], [sflag:$0x3] =	stream.linear.gather [hbm4b:s30+s1], $0x1400, $0x38;
	[tilespmem:$0x146A8] =	vst v63  }
0x16c: {  	_ =	swait.ge [sflag:s9], $0x1400  }
0x16d: {  	[sflag:s9] =	ssyncset.done $0x0  }
0x16e: {  	s28 =	rddreg [dreg:$0x17];
	[sflag:s9] =	ssyncadd.s32 $0xFFFFEC00  }
0x16f: {  	[spmem:s28] =	stream.linear.scatter [tilespmem:s8], [sflag:$0x3], $0x1400, $0x38;
	[tilespmem:$0x146A8] =	vst v63  }
0x170: {  	_ =	swait.ge [sflag:s9], $0x1400  }
0x171: {  	[sflag:s9] =	ssyncset.done $0x0  }
0x172: {  	s29 =	rddreg [dreg:$0xa];
	[sflag:s9] =	ssyncadd.s32 $0xFFFFEC00  }
0x173: {  	[tilespmem:s8], [sflag:$0x3] =	stream.linear.gather [hbm4b:s29+s1], $0x1400, $0x38;
	[tilespmem:$0x146A8] =	vst v63  }
0x174: {  	_ =	swait.ge [sflag:s9], $0x1400  }
0x175: {  	[sflag:s9] =	ssyncset.done $0x0  }
0x176: {  	s30 =	rddreg [dreg:$0x18];
	[sflag:s9] =	ssyncadd.s32 $0xFFFFEC00  }
0x177: {  	[spmem:s30] =	stream.linear.scatter [tilespmem:s8], [sflag:$0x3], $0x1400, $0x38;
	[tilespmem:$0x146A8] =	vst v63  }
0x178: {  	_ =	swait.ge [sflag:s9], $0x1400  }
0x179: {  	[sflag:s9] =	ssyncset.done $0x0  }
0x17a: {  	s28 =	rddreg [dreg:$0xb];
	[sflag:s9] =	ssyncadd.s32 $0xFFFFEC00  }
0x17b: {  	[tilespmem:s8], [sflag:$0x3] =	stream.linear.gather [hbm4b:s28+s1], $0x1400, $0x38;
	[tilespmem:$0x146A8] =	vst v63  }
0x17c: {  	_ =	swait.ge [sflag:s9], $0x1400  }
0x17d: {  	[sflag:s9] =	ssyncset.done $0x0  }
0x17e: {  	s29 =	rddreg [dreg:$0x19];
	[sflag:s9] =	ssyncadd.s32 $0xFFFFEC00  }
0x17f: {  	[spmem:s29] =	stream.linear.scatter [tilespmem:s8], [sflag:$0x3], $0x1400, $0x38;
	[tilespmem:$0x146A8] =	vst v63  }
0x180: {  	_ =	swait.ge [sflag:s9], $0x1400  }
0x181: {  	[sflag:s9] =	ssyncset.done $0x0  }
0x182: {  	s30 =	rddreg [dreg:$0xc];
	[sflag:s9] =	ssyncadd.s32 $0xFFFFEC00  }
0x183: {  	[tilespmem:s8], [sflag:$0x3] =	stream.linear.gather [hbm4b:s30+s1], $0x1400, $0x38;
	[tilespmem:$0x146A8] =	vst v63  }
0x184: {  	_ =	swait.ge [sflag:s9], $0x1400  }
0x185: {  	[sflag:s9] =	ssyncset.done $0x0  }
0x186: {  	s28 =	rddreg [dreg:$0x1a];
	[sflag:s9] =	ssyncadd.s32 $0xFFFFEC00  }
0x187: {  	[spmem:s28] =	stream.linear.scatter [tilespmem:s8], [sflag:$0x3], $0x1400, $0x38;
	[tilespmem:$0x146A8] =	vst v63  }
0x188: {  	_ =	swait.ge [sflag:s9], $0x1400  }
0x189: {  	[sflag:s9] =	ssyncset.done $0x0  }
0x18a: {  	s29 =	rddreg [dreg:$0xd];
	[sflag:s9] =	ssyncadd.s32 $0xFFFFEC00  }
0x18b: {  	[tilespmem:s8], [sflag:$0x3] =	stream.linear.gather [hbm4b:s29+s1], $0x1400, $0x38;
	[tilespmem:$0x146A8] =	vst v63  }
0x18c: {  	_ =	swait.ge [sflag:s9], $0x1400  }
0x18d: {  	[sflag:s9] =	ssyncset.done $0x0  }
0x18e: {  	s30 =	rddreg [dreg:$0x1b];
	[sflag:s9] =	ssyncadd.s32 $0xFFFFEC00  }
0x18f: {  	[spmem:s30] =	stream.linear.scatter [tilespmem:s8], [sflag:$0x3], $0x1400, $0x38;
	[tilespmem:$0x146A8] =	vst v63  }
0x190: {  	_ =	swait.ge [sflag:s9], $0x1400  }
0x191: {  	[sflag:s9] =	ssyncset.done $0x0  }
0x192: {  	s28 =	rddreg [dreg:$0xe];
	[sflag:s9] =	ssyncadd.s32 $0xFFFFEC00  }
0x193: {  	[tilespmem:s8], [sflag:$0x3] =	stream.linear.gather [hbm4b:s28+s1], $0x1400, $0x38;
	[tilespmem:$0x146A8] =	vst v63  }
0x194: {  	_ =	swait.ge [sflag:s9], $0x1400  }
0x195: {  	[sflag:s9] =	ssyncset.done $0x0  }
0x196: {  	s29 =	rddreg [dreg:$0x1c];
	[sflag:s9] =	ssyncadd.s32 $0xFFFFEC00  }
0x197: {  	[spmem:s29] =	stream.linear.scatter [tilespmem:s8], [sflag:$0x3], $0x1400, $0x38;
	[tilespmem:$0x146A8] =	vst v63  }
0x198: {  	_ =	swait.ge [sflag:s9], $0x1400  }
0x199: {  	[sflag:s9] =	ssyncset.done $0x0  }
0x19a: {  	s30 =	rddreg [dreg:$0xf];
	[sflag:s9] =	ssyncadd.s32 $0xFFFFEC00  }
0x19b: {  	[tilespmem:s8], [sflag:$0x3] =	stream.linear.gather [hbm4b:s30+s1], $0x1400, $0x38;
	[tilespmem:$0x146A8] =	vst v63  }
0x19c: {  	_ =	swait.ge [sflag:s9], $0x1400  }
0x19d: {  	[sflag:s9] =	ssyncset.done $0x0  }
0x19e: {  	s28 =	rddreg [dreg:$0x1d];
	[sflag:s9] =	ssyncadd.s32 $0xFFFFEC00  }
0x19f: {  	[spmem:s28] =	stream.linear.scatter [tilespmem:s8], [sflag:$0x3], $0x1400, $0x38;
	[tilespmem:$0x146A8] =	vst v63  }
0x1a0: {  	_ =	swait.ge [sflag:s9], $0x1400  }
0x1a1: {  	[sflag:s9] =	ssyncset.done $0x0  }
0x1a2: {  	s29 =	rddreg [dreg:$0x10];
	[sflag:s9] =	ssyncadd.s32 $0xFFFFEC00  }
0x1a3: {  	[tilespmem:s8], [sflag:$0x3] =	stream.linear.gather [hbm4b:s29+s1], $0x428, $0x38;
	[tilespmem:$0x146A8] =	vst v63  }
0x1a4: {  	_ =	swait.ge [sflag:s9], $0x428  }
0x1a5: {  	[sflag:s9] =	ssyncset.done $0x0  }
0x1a6: {  	s30 =	rddreg [dreg:$0x1e];
	[sflag:s9] =	ssyncadd.s32 $0xFFFFFBD8  }
0x1a7: {  	[spmem:s30] =	stream.linear.scatter [tilespmem:s8], [sflag:$0x3], $0x428, $0x38;
	[tilespmem:$0x146A8] =	vst v63  }
0x1a8: {  	_ =	swait.ge [sflag:s9], $0x428  }
0x1a9: {  	[sflag:s9] =	ssyncset.done $0x0;
	s28 =	sld [smem:$0x7F0]  }
0x1aa: {  	v0 =	vimm.f32 @p1 $0.0e+00;
	[sflag:s9] =	ssyncadd.s32 $0xFFFFFBD8  }
0x1ab: {  	s26 =	simm.s32 @p1 $0x5200;
	[tilespmem:$0x5200] =	vst @p1 v0  }
0x1ac: {  	[spmem:s28] =	stream.linear.scatter @p1 [tilespmem:s26], [sflag:$0x3], $0x10, $0x38;
	[tilespmem:$0x146A8] =	vst v63  }
0x1ad: {  	s26 =	simm.s32 @p1 $0x3  }
0x1ae: {  	_ =	swait.ge @p1 [sflag:s26], $0x10  }
0x1af: {  	[sflag:s26] =	ssyncset.done @p1 $0x0  }
0x1b0: {  	[sflag:s26] =	ssyncadd.s32 @p1 $0xFFFFFFF0  }
.LBB2_4:
0x1b1: {  	[bflag:$0x0] =	sbarrier.arrive $0xFFFF  }
0x1b2: {  	_ =	swait.ge [sflag:s10], $0x200  }
0x1b3: {  	[sflag:s10] =	ssyncset.done $0x0  }
0x1b4: {  	[sflag:s10] =	ssyncadd.s32 $0xFFFFFE00  }
0x1b5: {  	_ =	swait.ge [sflag:s10], $0x200  }
0x1b6: {  	[sflag:s10] =	ssyncset.done $0x0  }
0x1b7: {  	[sflag:s10] =	ssyncadd.s32 $0xFFFFFE00  }
0x1b8: {  	_ =	swait.ge [sflag:s10], $0x200  }
0x1b9: {  	[sflag:s10] =	ssyncset.done $0x0  }
0x1ba: {  	[sflag:s10] =	ssyncadd.s32 $0xFFFFFE00  }
0x1bb: {  	_ =	swait.ge [sflag:s10], $0x200  }
0x1bc: {  	[sflag:s10] =	ssyncset.done $0x0  }
0x1bd: {  	[sflag:s10] =	ssyncadd.s32 $0xFFFFFE00  }
0x1be: {  	_ =	swait.ge [sflag:s10], $0x200  }
0x1bf: {  	[sflag:s10] =	ssyncset.done $0x0  }
0x1c0: {  	[sflag:s10] =	ssyncadd.s32 $0xFFFFFE00  }
0x1c1: {  	_ =	swait.ge [sflag:s10], $0x200  }
0x1c2: {  	[sflag:s10] =	ssyncset.done $0x0  }
0x1c3: {  	[sflag:s10] =	ssyncadd.s32 $0xFFFFFE00  }
0x1c4: {  	_ =	swait.ge [sflag:s10], $0x200  }
0x1c5: {  	[sflag:s10] =	ssyncset.done $0x0  }
0x1c6: {  	[sflag:s10] =	ssyncadd.s32 $0xFFFFFE00  }
0x1c7: {  	_ =	swait.ge [sflag:s10], $0x200  }
0x1c8: {  	[sflag:s10] =	ssyncset.done $0x0  }
0x1c9: {  	[sflag:s10] =	ssyncadd.s32 $0xFFFFFE00  }
0x1ca: {  	_ =	swait.ge [sflag:s10], $0x200  }
0x1cb: {  	[sflag:s10] =	ssyncset.done $0x0  }
0x1cc: {  	[sflag:s10] =	ssyncadd.s32 $0xFFFFFE00  }
0x1cd: {  	_ =	swait.ge [sflag:s10], $0x200  }
0x1ce: {  	s26 =	simm.s32 $0x0;
	[sflag:s10] =	ssyncset.done $0x0  }
0x1cf: {  	s28 =	simm.s32 $0x2800;
	s29 =	sld [smem:$0x795];
	[sflag:s10] =	ssyncadd.s32 $0xFFFFFE00  }
0x1d0: {  	[tilespmem:s28], [sflag:$0x2] =	stream.indirect.gather [spmem:s14], $0x1, s26, s12, $0xb8;
	[tilespmem:$0x146A8] =	vst v63  }
0x1d1: {  	_ = 	snop  }
0x1d2: {  	[tilespmem:s12], [sflag:$0x1] =	stream.linear.gather [hbm4b:s29+s26], $0x200, $0x38;
	[tilespmem:$0x146A8] =	vst v63  }
0x1d3: {  	s29 =	sld [smem:$0x796];
	_ =	sdelay $0x2  }
0x1d4: {  	[tilespmem:s13], [sflag:$0x1] =	stream.linear.gather [hbm4b:s29+s26], $0x200, $0x38;
	[tilespmem:$0x146A8] =	vst v63  }
0x1d5: {  	s29 =	sld [smem:$0x797];
	_ =	sdelay $0x2  }
0x1d6: {  	[tilespmem:s17], [sflag:$0x1] =	stream.linear.gather [hbm4b:s29+s26], $0x200, $0x38;
	[tilespmem:$0x146A8] =	vst v63  }
0x1d7: {  	s29 =	sld [smem:$0x798];
	_ =	sdelay $0x2  }
0x1d8: {  	[tilespmem:s15], [sflag:$0x1] =	stream.linear.gather [hbm4b:s29+s26], $0x200, $0x38;
	[tilespmem:$0x146A8] =	vst v63  }
0x1d9: {  	s29 =	sld [smem:$0x799];
	_ =	sdelay $0x2  }
0x1da: {  	[tilespmem:s16], [sflag:$0x1] =	stream.linear.gather [hbm4b:s29+s26], $0x200, $0x38;
	[tilespmem:$0x146A8] =	vst v63  }
0x1db: {  	s29 =	sld [smem:$0x79A];
	_ =	sdelay $0x2  }
0x1dc: {  	[tilespmem:s18], [sflag:$0x1] =	stream.linear.gather [hbm4b:s29+s26], $0x200, $0x38;
	[tilespmem:$0x146A8] =	vst v63  }
0x1dd: {  	s29 =	sld [smem:$0x79B];
	_ =	sdelay $0x2  }
0x1de: {  	[tilespmem:s19], [sflag:$0x1] =	stream.linear.gather [hbm4b:s29+s26], $0x200, $0x38;
	[tilespmem:$0x146A8] =	vst v63  }
0x1df: {  	s29 =	sld [smem:$0x79C];
	_ =	sdelay $0x2  }
0x1e0: {  	[tilespmem:s20], [sflag:$0x1] =	stream.linear.gather [hbm4b:s29+s26], $0x200, $0x38;
	[tilespmem:$0x146A8] =	vst v63  }
0x1e1: {  	s29 =	sld [smem:$0x79D];
	_ =	sdelay $0x2  }
0x1e2: {  	[tilespmem:s21], [sflag:$0x1] =	stream.linear.gather [hbm4b:s29+s26], $0x200, $0x38;
	[tilespmem:$0x146A8] =	vst v63  }
0x1e3: {  	s29 =	sld [smem:$0x79E];
	_ =	sdelay $0x2  }
0x1e4: {  	[tilespmem:s22], [sflag:$0x1] =	stream.linear.gather [hbm4b:s29+s26], $0x200, $0x38;
	[tilespmem:$0x146A8] =	vst v63  }
0x1e5: {  	_ =	swait.ge [sflag:s23], $0x1400  }
0x1e6: {  	[sflag:s23] =	ssyncset.done $0x0  }
0x1e7: {  	[sflag:s23] =	ssyncadd.s32 $0xFFFFEC00  }
0x1e8: {  	_ =	swait.ge [sflag:s10], $0x200  }
0x1e9: {  	[sflag:s10] =	ssyncset.done $0x0  }
0x1ea: {  	[sflag:s10] =	ssyncadd.s32 $0xFFFFFE00  }
0x1eb: {  	_ =	swait.ge [sflag:s10], $0x200  }
0x1ec: {  	[sflag:s10] =	ssyncset.done $0x0  }
0x1ed: {  	[sflag:s10] =	ssyncadd.s32 $0xFFFFFE00  }
0x1ee: {  	_ =	swait.ge [sflag:s10], $0x200  }
0x1ef: {  	[sflag:s10] =	ssyncset.done $0x0  }
0x1f0: {  	[sflag:s10] =	ssyncadd.s32 $0xFFFFFE00  }
0x1f1: {  	_ =	swait.ge [sflag:s10], $0x200  }
0x1f2: {  	[sflag:s10] =	ssyncset.done $0x0  }
0x1f3: {  	[sflag:s10] =	ssyncadd.s32 $0xFFFFFE00  }
0x1f4: {  	_ =	swait.ge [sflag:s10], $0x200  }
0x1f5: {  	[sflag:s10] =	ssyncset.done $0x0  }
0x1f6: {  	[sflag:s10] =	ssyncadd.s32 $0xFFFFFE00  }
0x1f7: {  	_ =	swait.ge [sflag:s10], $0x200  }
0x1f8: {  	[sflag:s10] =	ssyncset.done $0x0  }
0x1f9: {  	[sflag:s10] =	ssyncadd.s32 $0xFFFFFE00  }
0x1fa: {  	_ =	swait.ge [sflag:s10], $0x200  }
0x1fb: {  	[sflag:s10] =	ssyncset.done $0x0  }
0x1fc: {  	[sflag:s10] =	ssyncadd.s32 $0xFFFFFE00  }
0x1fd: {  	_ =	swait.ge [sflag:s10], $0x200  }
0x1fe: {  	[sflag:s10] =	ssyncset.done $0x0  }
0x1ff: {  	[sflag:s10] =	ssyncadd.s32 $0xFFFFFE00  }
0x200: {  	_ =	swait.ge [sflag:s10], $0x200  }
0x201: {  	[sflag:s10] =	ssyncset.done $0x0  }
0x202: {  	[sflag:s10] =	ssyncadd.s32 $0xFFFFFE00  }
0x203: {  	_ =	swait.ge [sflag:s10], $0x200  }
0x204: {  	[sflag:s10] =	ssyncset.done $0x0  }
0x205: {  	s29 =	sld [smem:$0x79F];
	[sflag:s10] =	ssyncadd.s32 $0xFFFFFE00  }
0x206: {  	[tilespmem:s24], [sflag:$0x2] =	stream.indirect.gather [spmem:s14], $0x1, s12, s12, $0xb8;
	[tilespmem:$0x146A8] =	vst v63  }
0x207: {  	_ = 	snop  }
0x208: {  	[tilespmem:s26], [sflag:$0x1] =	stream.linear.gather [hbm4b:s29+s26], $0x200, $0x38;
	[tilespmem:$0x146A8] =	vst v63  }
0x209: {  	s29 =	sld [smem:$0x7A0];
	_ =	sdelay $0x2  }
0x20a: {  	[tilespmem:s31], [sflag:$0x1] =	stream.linear.gather [hbm4b:s29+s26], $0x200, $0x38;
	[tilespmem:$0x146A8] =	vst v63  }
0x20b: {  	s29 =	sld [smem:$0x7A1];
	_ =	sdelay $0x2  }
0x20c: {  	[tilespmem:s11], [sflag:$0x1] =	stream.linear.gather [hbm4b:s29+s26], $0x200, $0x38;
	[tilespmem:$0x146A8] =	vst v63  }
0x20d: {  	s29 =	sld [smem:$0x7A2];
	_ =	sdelay $0x2  }
0x20e: {  	[tilespmem:s0], [sflag:$0x1] =	stream.linear.gather [hbm4b:s29+s26], $0x200, $0x38;
	[tilespmem:$0x146A8] =	vst v63  }
0x20f: {  	s29 =	sld [smem:$0x7A3];
	_ =	sdelay $0x2  }
0x210: {  	[tilespmem:s2], [sflag:$0x1] =	stream.linear.gather [hbm4b:s29+s26], $0x200, $0x38;
	[tilespmem:$0x146A8] =	vst v63  }
0x211: {  	s29 =	sld [smem:$0x7A4];
	_ =	sdelay $0x2  }
0x212: {  	[tilespmem:s3], [sflag:$0x1] =	stream.linear.gather [hbm4b:s29+s26], $0x200, $0x38;
	[tilespmem:$0x146A8] =	vst v63  }
0x213: {  	s29 =	sld [smem:$0x7A5];
	_ =	sdelay $0x2  }
0x214: {  	[tilespmem:s4], [sflag:$0x1] =	stream.linear.gather [hbm4b:s29+s26], $0x200, $0x38;
	[tilespmem:$0x146A8] =	vst v63  }
0x215: {  	s29 =	sld [smem:$0x7A6];
	_ =	sdelay $0x2  }
0x216: {  	[tilespmem:s5], [sflag:$0x1] =	stream.linear.gather [hbm4b:s29+s26], $0x200, $0x38;
	[tilespmem:$0x146A8] =	vst v63  }
0x217: {  	s29 =	sld [smem:$0x7A7];
	_ =	sdelay $0x2  }
0x218: {  	[tilespmem:s6], [sflag:$0x1] =	stream.linear.gather [hbm4b:s29+s26], $0x200, $0x38;
	[tilespmem:$0x146A8] =	vst v63  }
0x219: {  	s29 =	sld [smem:$0x7A8];
	_ =	sdelay $0x2  }
0x21a: {  	[tilespmem:s7], [sflag:$0x1] =	stream.linear.gather [hbm4b:s29+s26], $0x200, $0x38;
	[tilespmem:$0x146A8] =	vst v63  }
0x21b: {  	s26 =	sand.u32 $0x1F0, s26  }
0x21c: {  	v0 =	vld [tilespmem:s26+$0x2A00]  }
0x21d: {  	v1 =	vld [tilespmem:s28+$0x0];
	_ =	sdelay $0x1  }
0x21e: {  	v2 =	vld [tilespmem:s26+$0x2C00];
	_ =	sdelay $0x1  }
0x21f: {  	v3 =	vld [tilespmem:s26+$0x2E00]  }
0x220: {  	v0 =	vadd.f32 v0, v1  }
0x221: {  	v1 =	vld [tilespmem:s26+$0x3000]  }
0x222: {  	v0 =	vadd.f32 v2, v0  }
0x223: {  	v2 =	vld [tilespmem:s26+$0x3200]  }
0x224: {  	v0 =	vadd.f32 v3, v0  }
0x225: {  	v3 =	vld [tilespmem:s26+$0x3400]  }
0x226: {  	v0 =	vadd.f32 v1, v0  }
0x227: {  	v1 =	vld [tilespmem:s26+$0x3600]  }
0x228: {  	v0 =	vadd.f32 v2, v0  }
0x229: {  	v2 =	vld [tilespmem:s26+$0x3800]  }
0x22a: {  	v0 =	vadd.f32 v3, v0  }
0x22b: {  	v3 =	vld [tilespmem:s26+$0x3A00]  }
0x22c: {  	v0 =	vadd.f32 v1, v0;
	_ =	sdelay $0x1  }
0x22d: {  	v0 =	vadd.f32 v2, v0;
	_ =	sdelay $0x1  }
0x22e: {  	v0 =	vadd.f32 v3, v0  }
0x22f: {  	s28 =	simm.s32 $0x10;
	s26 =	simm.s32 $0x5000  }
0x230: {  	s28 =	sand.u32 $0x1F0, s28;
	[tilespmem:s26+$0x0] =	vst v0  }
0x231: {  	s30 =	simm.s32 $0x20;
	s29 =	simm.s32 $0x2810;
	v0 =	vld [tilespmem:s28+$0x2A00]  }
.LBB2_5:
0x232: {  	p2 =	sne.s32 s30, $0x1F0;
	v1 =	vld [tilespmem:s29+$0x0];
	_ =	sdelay $0x1  }
0x233: {  	v2 =	vld [tilespmem:s28+$0x2C00];
	_ =	sdelay $0x1  }
0x234: {  	v3 =	vld [tilespmem:s28+$0x2E00]  }
0x235: {  	v0 =	vadd.f32 v0, v1  }
0x236: {  	v1 =	vld [tilespmem:s28+$0x3000]  }
0x237: {  	v0 =	vadd.f32 v2, v0  }
0x238: {  	v2 =	vld [tilespmem:s28+$0x3200]  }
0x239: {  	v0 =	vadd.f32 v3, v0  }
0x23a: {  	v3 =	vld [tilespmem:s28+$0x3400]  }
0x23b: {  	v0 =	vadd.f32 v1, v0  }
0x23c: {  	v1 =	vld [tilespmem:s28+$0x3600]  }
0x23d: {  	v0 =	vadd.f32 v2, v0  }
0x23e: {  	v2 =	vld [tilespmem:s28+$0x3800]  }
0x23f: {  	v0 =	vadd.f32 v3, v0  }
0x240: {  	v3 =	vld [tilespmem:s28+$0x3A00]  }
0x241: {  	v0 =	vadd.f32 v1, v0;
	_ =	sdelay $0x1  }
0x242: {  	v0 =	vadd.f32 v2, v0  }
.Ltmp2:
0x243: {  	(pc) =	sbr.rel @p2 .LBB2_5-.Ltmp2, $4  }
0x244: {  	v0 =	vadd.f32 v3, v0  }
0x245: {  	s26 =	sadd.s32 $0x10, s26  }
0x246: {  	s28 =	sand.u32 $0x1F0, s30;
	[tilespmem:s26+$0x0] =	vst v0  }
0x247: {  	s29 =	sadd.s32 $0x10, s29;
	s30 =	sadd.s32 $0x10, s30;
	v0 =	vld [tilespmem:s28+$0x2A00]  }
0x248: {  	v1 =	vld [tilespmem:s29+$0x0];
	_ =	sdelay $0x1  }
0x249: {  	v2 =	vld [tilespmem:s28+$0x2C00];
	_ =	sdelay $0x1  }
0x24a: {  	v3 =	vld [tilespmem:s28+$0x2E00]  }
0x24b: {  	v0 =	vadd.f32 v0, v1  }
0x24c: {  	v1 =	vld [tilespmem:s28+$0x3000]  }
0x24d: {  	v0 =	vadd.f32 v2, v0  }
0x24e: {  	v2 =	vld [tilespmem:s28+$0x3200]  }
0x24f: {  	v0 =	vadd.f32 v3, v0  }
0x250: {  	v3 =	vld [tilespmem:s28+$0x3400]  }
0x251: {  	v0 =	vadd.f32 v1, v0  }
0x252: {  	v1 =	vld [tilespmem:s28+$0x3600]  }
0x253: {  	v0 =	vadd.f32 v2, v0  }
0x254: {  	v2 =	vld [tilespmem:s28+$0x3800]  }
0x255: {  	v0 =	vadd.f32 v3, v0  }
0x256: {  	v3 =	vld [tilespmem:s28+$0x3A00]  }
0x257: {  	v0 =	vadd.f32 v1, v0;
	_ =	sdelay $0x1  }
0x258: {  	v0 =	vadd.f32 v2, v0;
	_ =	sdelay $0x1  }
0x259: {  	v0 =	vadd.f32 v3, v0  }
0x25a: {  	s26 =	sadd.s32 $0x10, s26  }
0x25b: {  	[tilespmem:s26+$0x0] =	vst v0  }
0x25c: {  	_ =	swait.ge [sflag:s23], $0x1400  }
0x25d: {  	[sflag:s23] =	ssyncset.done $0x0  }
0x25e: {  	[sflag:s23] =	ssyncadd.s32 $0xFFFFEC00  }
0x25f: {  	_ =	swait.ge [sflag:s10], $0x200  }
0x260: {  	[sflag:s10] =	ssyncset.done $0x0  }
0x261: {  	[sflag:s10] =	ssyncadd.s32 $0xFFFFFE00  }
0x262: {  	_ =	swait.ge [sflag:s10], $0x200  }
0x263: {  	[sflag:s10] =	ssyncset.done $0x0  }
0x264: {  	[sflag:s10] =	ssyncadd.s32 $0xFFFFFE00  }
0x265: {  	_ =	swait.ge [sflag:s10], $0x200  }
0x266: {  	[sflag:s10] =	ssyncset.done $0x0  }
0x267: {  	[sflag:s10] =	ssyncadd.s32 $0xFFFFFE00  }
0x268: {  	_ =	swait.ge [sflag:s10], $0x200  }
0x269: {  	[sflag:s10] =	ssyncset.done $0x0  }
0x26a: {  	[sflag:s10] =	ssyncadd.s32 $0xFFFFFE00  }
0x26b: {  	_ =	swait.ge [sflag:s10], $0x200  }
0x26c: {  	[sflag:s10] =	ssyncset.done $0x0  }
0x26d: {  	[sflag:s10] =	ssyncadd.s32 $0xFFFFFE00  }
0x26e: {  	_ =	swait.ge [sflag:s10], $0x200  }
0x26f: {  	[sflag:s10] =	ssyncset.done $0x0  }
0x270: {  	[sflag:s10] =	ssyncadd.s32 $0xFFFFFE00  }
0x271: {  	_ =	swait.ge [sflag:s10], $0x200  }
0x272: {  	[sflag:s10] =	ssyncset.done $0x0  }
0x273: {  	[sflag:s10] =	ssyncadd.s32 $0xFFFFFE00  }
0x274: {  	_ =	swait.ge [sflag:s10], $0x200  }
0x275: {  	[sflag:s10] =	ssyncset.done $0x0  }
0x276: {  	[sflag:s10] =	ssyncadd.s32 $0xFFFFFE00  }
0x277: {  	_ =	swait.ge [sflag:s10], $0x200  }
0x278: {  	[sflag:s10] =	ssyncset.done $0x0  }
0x279: {  	[sflag:s10] =	ssyncadd.s32 $0xFFFFFE00  }
0x27a: {  	_ =	swait.ge [sflag:s10], $0x200  }
0x27b: {  	[sflag:s10] =	ssyncset.done $0x0  }
0x27c: {  	s26 =	simm.s32 $0x0;
	s28 =	sld [smem:$0x7A9];
	[sflag:s10] =	ssyncadd.s32 $0xFFFFFE00  }
0x27d: {  	[tilespmem:s8], [sflag:$0x2] =	stream.indirect.gather [spmem:s14], $0x1, s26, s12, $0xb8;
	[tilespmem:$0x146A8] =	vst v63  }
0x27e: {  	_ = 	snop  }
0x27f: {  	[tilespmem:s12], [sflag:$0x1] =	stream.linear.gather [hbm4b:s28+s26], $0x200, $0x38;
	[tilespmem:$0x146A8] =	vst v63  }
0x280: {  	s28 =	sld [smem:$0x7AA];
	_ =	sdelay $0x2  }
0x281: {  	[tilespmem:s13], [sflag:$0x1] =	stream.linear.gather [hbm4b:s28+s26], $0x200, $0x38;
	[tilespmem:$0x146A8] =	vst v63  }
0x282: {  	s28 =	sld [smem:$0x7AB];
	_ =	sdelay $0x2  }
0x283: {  	[tilespmem:s17], [sflag:$0x1] =	stream.linear.gather [hbm4b:s28+s26], $0x200, $0x38;
	[tilespmem:$0x146A8] =	vst v63  }
0x284: {  	s28 =	sld [smem:$0x7AC];
	_ =	sdelay $0x2  }
0x285: {  	[tilespmem:s15], [sflag:$0x1] =	stream.linear.gather [hbm4b:s28+s26], $0x200, $0x38;
	[tilespmem:$0x146A8] =	vst v63  }
0x286: {  	s28 =	sld [smem:$0x7AD];
	_ =	sdelay $0x2  }
0x287: {  	[tilespmem:s16], [sflag:$0x1] =	stream.linear.gather [hbm4b:s28+s26], $0x200, $0x38;
	[tilespmem:$0x146A8] =	vst v63  }
0x288: {  	s28 =	sld [smem:$0x7AE];
	_ =	sdelay $0x2  }
0x289: {  	[tilespmem:s18], [sflag:$0x1] =	stream.linear.gather [hbm4b:s28+s26], $0x200, $0x38;
	[tilespmem:$0x146A8] =	vst v63  }
0x28a: {  	s28 =	sld [smem:$0x7AF];
	_ =	sdelay $0x2  }
0x28b: {  	[tilespmem:s19], [sflag:$0x1] =	stream.linear.gather [hbm4b:s28+s26], $0x200, $0x38;
	[tilespmem:$0x146A8] =	vst v63  }
0x28c: {  	s28 =	sld [smem:$0x7B0];
	_ =	sdelay $0x2  }
0x28d: {  	[tilespmem:s20], [sflag:$0x1] =	stream.linear.gather [hbm4b:s28+s26], $0x200, $0x38;
	[tilespmem:$0x146A8] =	vst v63  }
0x28e: {  	s28 =	sld [smem:$0x7B1];
	_ =	sdelay $0x2  }
0x28f: {  	[tilespmem:s21], [sflag:$0x1] =	stream.linear.gather [hbm4b:s28+s26], $0x200, $0x38;
	[tilespmem:$0x146A8] =	vst v63  }
0x290: {  	s28 =	sld [smem:$0x7B2];
	_ =	sdelay $0x2  }
0x291: {  	[tilespmem:s22], [sflag:$0x1] =	stream.linear.gather [hbm4b:s28+s26], $0x200, $0x38;
	[tilespmem:$0x146A8] =	vst v63  }
0x292: {  	s26 =	sand.u32 $0x1F0, s26  }
0x293: {  	s28 =	simm.s32 $0x3C00;
	v0 =	vld [tilespmem:s26+$0x3E00]  }
0x294: {  	v1 =	vld [tilespmem:s28+$0x0];
	_ =	sdelay $0x1  }
0x295: {  	v2 =	vld [tilespmem:s26+$0x4000];
	_ =	sdelay $0x1  }
0x296: {  	v3 =	vld [tilespmem:s26+$0x4200]  }
0x297: {  	v0 =	vadd.f32 v0, v1  }
0x298: {  	v1 =	vld [tilespmem:s26+$0x4400]  }
0x299: {  	v0 =	vadd.f32 v2, v0  }
0x29a: {  	v2 =	vld [tilespmem:s26+$0x4600]  }
0x29b: {  	v0 =	vadd.f32 v3, v0  }
0x29c: {  	v3 =	vld [tilespmem:s26+$0x4800]  }
0x29d: {  	v0 =	vadd.f32 v1, v0  }
0x29e: {  	v1 =	vld [tilespmem:s26+$0x4A00]  }
0x29f: {  	v0 =	vadd.f32 v2, v0  }
0x2a0: {  	v2 =	vld [tilespmem:s26+$0x4C00]  }
0x2a1: {  	v0 =	vadd.f32 v3, v0  }
0x2a2: {  	v3 =	vld [tilespmem:s26+$0x4E00]  }
0x2a3: {  	s26 =	simm.s32 $0x5000;
	v0 =	vadd.f32 v1, v0  }
0x2a4: {  	v1 =	vld [tilespmem:s26+$0x0]  }
0x2a5: {  	v0 =	vadd.f32 v2, v0;
	_ =	sdelay $0x1  }
0x2a6: {  	v0 =	vadd.f32 v3, v0;
	_ =	sdelay $0x1  }
0x2a7: {  	v0 =	vadd.f32 v0, v1  }
0x2a8: {  	s28 =	simm.s32 $0x10  }
0x2a9: {  	s28 =	sand.u32 $0x1F0, s28;
	[tilespmem:s26+$0x0] =	vst v0  }
0x2aa: {  	s30 =	simm.s32 $0x20;
	s29 =	simm.s32 $0x3C10;
	v0 =	vld [tilespmem:s28+$0x3E00]  }
.LBB2_7:
0x2ab: {  	p2 =	sne.s32 s30, $0x1F0;
	v1 =	vld [tilespmem:s29+$0x0];
	_ =	sdelay $0x1  }
0x2ac: {  	v2 =	vld [tilespmem:s28+$0x4000];
	_ =	sdelay $0x1  }
0x2ad: {  	v3 =	vld [tilespmem:s28+$0x4200]  }
0x2ae: {  	v0 =	vadd.f32 v0, v1  }
0x2af: {  	v1 =	vld [tilespmem:s28+$0x4400]  }
0x2b0: {  	v0 =	vadd.f32 v2, v0  }
0x2b1: {  	v2 =	vld [tilespmem:s28+$0x4600]  }
0x2b2: {  	v0 =	vadd.f32 v3, v0  }
0x2b3: {  	v3 =	vld [tilespmem:s28+$0x4800]  }
0x2b4: {  	v0 =	vadd.f32 v1, v0  }
0x2b5: {  	v1 =	vld [tilespmem:s28+$0x4A00]  }
0x2b6: {  	v0 =	vadd.f32 v2, v0  }
0x2b7: {  	v2 =	vld [tilespmem:s28+$0x4C00]  }
0x2b8: {  	v0 =	vadd.f32 v3, v0  }
0x2b9: {  	v3 =	vld [tilespmem:s28+$0x4E00]  }
0x2ba: {  	s26 =	sadd.s32 $0x10, s26;
	v0 =	vadd.f32 v1, v0  }
0x2bb: {  	v1 =	vld [tilespmem:s26+$0x0]  }
0x2bc: {  	v0 =	vadd.f32 v2, v0;
	_ =	sdelay $0x1  }
0x2bd: {  	v0 =	vadd.f32 v3, v0  }
.Ltmp3:
0x2be: {  	(pc) =	sbr.rel @p2 .LBB2_7-.Ltmp3, $3  }
0x2bf: {  	v0 =	vadd.f32 v0, v1;
	_ =	sdelay $0x1  }
0x2c0: {  	s28 =	sand.u32 $0x1F0, s30;
	[tilespmem:s26+$0x0] =	vst v0  }
0x2c1: {  	s29 =	sadd.s32 $0x10, s29;
	s30 =	sadd.s32 $0x10, s30;
	v0 =	vld [tilespmem:s28+$0x3E00]  }
0x2c2: {  	v1 =	vld [tilespmem:s29+$0x0];
	_ =	sdelay $0x1  }
0x2c3: {  	v2 =	vld [tilespmem:s28+$0x4000];
	_ =	sdelay $0x1  }
0x2c4: {  	v3 =	vld [tilespmem:s28+$0x4200]  }
0x2c5: {  	v0 =	vadd.f32 v0, v1  }
0x2c6: {  	v1 =	vld [tilespmem:s28+$0x4400]  }
0x2c7: {  	v0 =	vadd.f32 v2, v0  }
0x2c8: {  	v2 =	vld [tilespmem:s28+$0x4600]  }
0x2c9: {  	v0 =	vadd.f32 v3, v0  }
0x2ca: {  	v3 =	vld [tilespmem:s28+$0x4800]  }
0x2cb: {  	v0 =	vadd.f32 v1, v0  }
0x2cc: {  	v1 =	vld [tilespmem:s28+$0x4A00]  }
0x2cd: {  	v0 =	vadd.f32 v2, v0  }
0x2ce: {  	v2 =	vld [tilespmem:s28+$0x4C00]  }
0x2cf: {  	v0 =	vadd.f32 v3, v0  }
0x2d0: {  	v3 =	vld [tilespmem:s28+$0x4E00]  }
0x2d1: {  	s26 =	sadd.s32 $0x10, s26;
	v0 =	vadd.f32 v1, v0  }
0x2d2: {  	v1 =	vld [tilespmem:s26+$0x0]  }
0x2d3: {  	v0 =	vadd.f32 v2, v0;
	_ =	sdelay $0x1  }
0x2d4: {  	v0 =	vadd.f32 v3, v0;
	_ =	sdelay $0x1  }
0x2d5: {  	v0 =	vadd.f32 v0, v1;
	_ =	sdelay $0x1  }
0x2d6: {  	[tilespmem:s26+$0x0] =	vst v0  }
0x2d7: {  	_ =	swait.ge [sflag:s23], $0x1400  }
0x2d8: {  	[sflag:s23] =	ssyncset.done $0x0  }
0x2d9: {  	[sflag:s23] =	ssyncadd.s32 $0xFFFFEC00  }
0x2da: {  	_ =	swait.ge [sflag:s10], $0x200  }
0x2db: {  	[sflag:s10] =	ssyncset.done $0x0  }
0x2dc: {  	[sflag:s10] =	ssyncadd.s32 $0xFFFFFE00  }
0x2dd: {  	_ =	swait.ge [sflag:s10], $0x200  }
0x2de: {  	[sflag:s10] =	ssyncset.done $0x0  }
0x2df: {  	[sflag:s10] =	ssyncadd.s32 $0xFFFFFE00  }
0x2e0: {  	_ =	swait.ge [sflag:s10], $0x200  }
0x2e1: {  	[sflag:s10] =	ssyncset.done $0x0  }
0x2e2: {  	[sflag:s10] =	ssyncadd.s32 $0xFFFFFE00  }
0x2e3: {  	_ =	swait.ge [sflag:s10], $0x200  }
0x2e4: {  	[sflag:s10] =	ssyncset.done $0x0  }
0x2e5: {  	[sflag:s10] =	ssyncadd.s32 $0xFFFFFE00  }
0x2e6: {  	_ =	swait.ge [sflag:s10], $0x200  }
0x2e7: {  	[sflag:s10] =	ssyncset.done $0x0  }
0x2e8: {  	[sflag:s10] =	ssyncadd.s32 $0xFFFFFE00  }
0x2e9: {  	_ =	swait.ge [sflag:s10], $0x200  }
0x2ea: {  	[sflag:s10] =	ssyncset.done $0x0  }
0x2eb: {  	[sflag:s10] =	ssyncadd.s32 $0xFFFFFE00  }
0x2ec: {  	_ =	swait.ge [sflag:s10], $0x200  }
0x2ed: {  	[sflag:s10] =	ssyncset.done $0x0  }
0x2ee: {  	[sflag:s10] =	ssyncadd.s32 $0xFFFFFE00  }
0x2ef: {  	_ =	swait.ge [sflag:s10], $0x200  }
0x2f0: {  	[sflag:s10] =	ssyncset.done $0x0  }
0x2f1: {  	[sflag:s10] =	ssyncadd.s32 $0xFFFFFE00  }
0x2f2: {  	_ =	swait.ge [sflag:s10], $0x200  }
0x2f3: {  	[sflag:s10] =	ssyncset.done $0x0  }
0x2f4: {  	[sflag:s10] =	ssyncadd.s32 $0xFFFFFE00  }
0x2f5: {  	_ =	swait.ge [sflag:s10], $0x200  }
0x2f6: {  	[sflag:s10] =	ssyncset.done $0x0  }
0x2f7: {  	s28 =	sld [smem:$0x7B3];
	[sflag:s10] =	ssyncadd.s32 $0xFFFFFE00  }
0x2f8: {  	[tilespmem:s24], [sflag:$0x2] =	stream.indirect.gather [spmem:s14], $0x1, s12, s12, $0xb8;
	[tilespmem:$0x146A8] =	vst v63  }
0x2f9: {  	s26 =	simm.s32 $0x0  }
0x2fa: {  	[tilespmem:s26], [sflag:$0x1] =	stream.linear.gather [hbm4b:s28+s26], $0x200, $0x38;
	[tilespmem:$0x146A8] =	vst v63  }
0x2fb: {  	s28 =	sld [smem:$0x7B4];
	_ =	sdelay $0x2  }
0x2fc: {  	[tilespmem:s31], [sflag:$0x1] =	stream.linear.gather [hbm4b:s28+s26], $0x200, $0x38;
	[tilespmem:$0x146A8] =	vst v63  }
0x2fd: {  	s28 =	sld [smem:$0x7B5];
	_ =	sdelay $0x2  }
0x2fe: {  	[tilespmem:s11], [sflag:$0x1] =	stream.linear.gather [hbm4b:s28+s26], $0x200, $0x38;
	[tilespmem:$0x146A8] =	vst v63  }
0x2ff: {  	s28 =	sld [smem:$0x7B6];
	_ =	sdelay $0x2  }
0x300: {  	[tilespmem:s0], [sflag:$0x1] =	stream.linear.gather [hbm4b:s28+s26], $0x200, $0x38;
	[tilespmem:$0x146A8] =	vst v63  }
0x301: {  	s28 =	sld [smem:$0x7B7];
	_ =	sdelay $0x2  }
0x302: {  	[tilespmem:s2], [sflag:$0x1] =	stream.linear.gather [hbm4b:s28+s26], $0x200, $0x38;
	[tilespmem:$0x146A8] =	vst v63  }
0x303: {  	s28 =	sld [smem:$0x7B8];
	_ =	sdelay $0x2  }
0x304: {  	[tilespmem:s3], [sflag:$0x1] =	stream.linear.gather [hbm4b:s28+s26], $0x200, $0x38;
	[tilespmem:$0x146A8] =	vst v63  }
0x305: {  	s28 =	sld [smem:$0x7B9];
	_ =	sdelay $0x2  }
0x306: {  	[tilespmem:s4], [sflag:$0x1] =	stream.linear.gather [hbm4b:s28+s26], $0x200, $0x38;
	[tilespmem:$0x146A8] =	vst v63  }
0x307: {  	s28 =	sld [smem:$0x7BA];
	_ =	sdelay $0x2  }
0x308: {  	[tilespmem:s5], [sflag:$0x1] =	stream.linear.gather [hbm4b:s28+s26], $0x200, $0x38;
	[tilespmem:$0x146A8] =	vst v63  }
0x309: {  	s28 =	sld [smem:$0x7BB];
	_ =	sdelay $0x2  }
0x30a: {  	[tilespmem:s6], [sflag:$0x1] =	stream.linear.gather [hbm4b:s28+s26], $0x200, $0x38;
	[tilespmem:$0x146A8] =	vst v63  }
0x30b: {  	s28 =	sld [smem:$0x7BC];
	_ =	sdelay $0x2  }
0x30c: {  	[tilespmem:s7], [sflag:$0x1] =	stream.linear.gather [hbm4b:s28+s26], $0x200, $0x38;
	[tilespmem:$0x146A8] =	vst v63  }
0x30d: {  	s26 =	sand.u32 $0x1F0, s26  }
0x30e: {  	s28 =	simm.s32 $0x2800;
	v0 =	vld [tilespmem:s26+$0x2A00]  }
0x30f: {  	v1 =	vld [tilespmem:s28+$0x0];
	_ =	sdelay $0x1  }
0x310: {  	v2 =	vld [tilespmem:s26+$0x2C00];
	_ =	sdelay $0x1  }
0x311: {  	v3 =	vld [tilespmem:s26+$0x2E00]  }
0x312: {  	v0 =	vadd.f32 v0, v1  }
0x313: {  	v1 =	vld [tilespmem:s26+$0x3000]  }
0x314: {  	v0 =	vadd.f32 v2, v0  }
0x315: {  	v2 =	vld [tilespmem:s26+$0x3200]  }
0x316: {  	v0 =	vadd.f32 v3, v0  }
0x317: {  	v3 =	vld [tilespmem:s26+$0x3400]  }
0x318: {  	v0 =	vadd.f32 v1, v0  }
0x319: {  	v1 =	vld [tilespmem:s26+$0x3600]  }
0x31a: {  	v0 =	vadd.f32 v2, v0  }
0x31b: {  	v2 =	vld [tilespmem:s26+$0x3800]  }
0x31c: {  	v0 =	vadd.f32 v3, v0  }
0x31d: {  	v3 =	vld [tilespmem:s26+$0x3A00]  }
0x31e: {  	s26 =	simm.s32 $0x5000;
	v0 =	vadd.f32 v1, v0  }
0x31f: {  	v1 =	vld [tilespmem:s26+$0x0]  }
0x320: {  	v0 =	vadd.f32 v2, v0;
	_ =	sdelay $0x1  }
0x321: {  	v0 =	vadd.f32 v3, v0;
	_ =	sdelay $0x1  }
0x322: {  	v0 =	vadd.f32 v0, v1  }
0x323: {  	s28 =	simm.s32 $0x10  }
0x324: {  	s28 =	sand.u32 $0x1F0, s28;
	[tilespmem:s26+$0x0] =	vst v0  }
0x325: {  	s30 =	simm.s32 $0x20;
	s29 =	simm.s32 $0x2810;
	v0 =	vld [tilespmem:s28+$0x2A00]  }
.LBB2_9:
0x326: {  	p2 =	sne.s32 s30, $0x1F0;
	v1 =	vld [tilespmem:s29+$0x0];
	_ =	sdelay $0x1  }
0x327: {  	v2 =	vld [tilespmem:s28+$0x2C00];
	_ =	sdelay $0x1  }
0x328: {  	v3 =	vld [tilespmem:s28+$0x2E00]  }
0x329: {  	v0 =	vadd.f32 v0, v1  }
0x32a: {  	v1 =	vld [tilespmem:s28+$0x3000]  }
0x32b: {  	v0 =	vadd.f32 v2, v0  }
0x32c: {  	v2 =	vld [tilespmem:s28+$0x3200]  }
0x32d: {  	v0 =	vadd.f32 v3, v0  }
0x32e: {  	v3 =	vld [tilespmem:s28+$0x3400]  }
0x32f: {  	v0 =	vadd.f32 v1, v0  }
0x330: {  	v1 =	vld [tilespmem:s28+$0x3600]  }
0x331: {  	v0 =	vadd.f32 v2, v0  }
0x332: {  	v2 =	vld [tilespmem:s28+$0x3800]  }
0x333: {  	v0 =	vadd.f32 v3, v0  }
0x334: {  	v3 =	vld [tilespmem:s28+$0x3A00]  }
0x335: {  	s26 =	sadd.s32 $0x10, s26;
	v0 =	vadd.f32 v1, v0  }
0x336: {  	v1 =	vld [tilespmem:s26+$0x0]  }
0x337: {  	v0 =	vadd.f32 v2, v0;
	_ =	sdelay $0x1  }
0x338: {  	v0 =	vadd.f32 v3, v0  }
.Ltmp4:
0x339: {  	(pc) =	sbr.rel @p2 .LBB2_9-.Ltmp4, $3  }
0x33a: {  	v0 =	vadd.f32 v0, v1;
	_ =	sdelay $0x1  }
0x33b: {  	s28 =	sand.u32 $0x1F0, s30;
	[tilespmem:s26+$0x0] =	vst v0  }
0x33c: {  	s29 =	sadd.s32 $0x10, s29;
	s30 =	sadd.s32 $0x10, s30;
	v0 =	vld [tilespmem:s28+$0x2A00]  }
0x33d: {  	v1 =	vld [tilespmem:s29+$0x0];
	_ =	sdelay $0x1  }
0x33e: {  	v2 =	vld [tilespmem:s28+$0x2C00];
	_ =	sdelay $0x1  }
0x33f: {  	v3 =	vld [tilespmem:s28+$0x2E00]  }
0x340: {  	v0 =	vadd.f32 v0, v1  }
0x341: {  	v1 =	vld [tilespmem:s28+$0x3000]  }
0x342: {  	v0 =	vadd.f32 v2, v0  }
0x343: {  	v2 =	vld [tilespmem:s28+$0x3200]  }
0x344: {  	v0 =	vadd.f32 v3, v0  }
0x345: {  	v3 =	vld [tilespmem:s28+$0x3400]  }
0x346: {  	v0 =	vadd.f32 v1, v0  }
0x347: {  	v1 =	vld [tilespmem:s28+$0x3600]  }
0x348: {  	v0 =	vadd.f32 v2, v0  }
0x349: {  	v2 =	vld [tilespmem:s28+$0x3800]  }
0x34a: {  	v0 =	vadd.f32 v3, v0  }
0x34b: {  	v3 =	vld [tilespmem:s28+$0x3A00]  }
0x34c: {  	s26 =	sadd.s32 $0x10, s26;
	v0 =	vadd.f32 v1, v0  }
0x34d: {  	v1 =	vld [tilespmem:s26+$0x0]  }
0x34e: {  	v0 =	vadd.f32 v2, v0;
	_ =	sdelay $0x1  }
0x34f: {  	v0 =	vadd.f32 v3, v0;
	_ =	sdelay $0x1  }
0x350: {  	v0 =	vadd.f32 v0, v1;
	_ =	sdelay $0x1  }
0x351: {  	[tilespmem:s26+$0x0] =	vst v0  }
0x352: {  	_ =	swait.ge [sflag:s23], $0x1400  }
0x353: {  	[sflag:s23] =	ssyncset.done $0x0  }
0x354: {  	[sflag:s23] =	ssyncadd.s32 $0xFFFFEC00  }
0x355: {  	_ =	swait.ge [sflag:s10], $0x200  }
0x356: {  	[sflag:s10] =	ssyncset.done $0x0  }
0x357: {  	[sflag:s10] =	ssyncadd.s32 $0xFFFFFE00  }
0x358: {  	_ =	swait.ge [sflag:s10], $0x200  }
0x359: {  	[sflag:s10] =	ssyncset.done $0x0  }
0x35a: {  	[sflag:s10] =	ssyncadd.s32 $0xFFFFFE00  }
0x35b: {  	_ =	swait.ge [sflag:s10], $0x200  }
0x35c: {  	[sflag:s10] =	ssyncset.done $0x0  }
0x35d: {  	[sflag:s10] =	ssyncadd.s32 $0xFFFFFE00  }
0x35e: {  	_ =	swait.ge [sflag:s10], $0x200  }
0x35f: {  	[sflag:s10] =	ssyncset.done $0x0  }
0x360: {  	[sflag:s10] =	ssyncadd.s32 $0xFFFFFE00  }
0x361: {  	_ =	swait.ge [sflag:s10], $0x200  }
0x362: {  	[sflag:s10] =	ssyncset.done $0x0  }
0x363: {  	[sflag:s10] =	ssyncadd.s32 $0xFFFFFE00  }
0x364: {  	_ =	swait.ge [sflag:s10], $0x200  }
0x365: {  	[sflag:s10] =	ssyncset.done $0x0  }
0x366: {  	[sflag:s10] =	ssyncadd.s32 $0xFFFFFE00  }
0x367: {  	_ =	swait.ge [sflag:s10], $0x200  }
0x368: {  	[sflag:s10] =	ssyncset.done $0x0  }
0x369: {  	[sflag:s10] =	ssyncadd.s32 $0xFFFFFE00  }
0x36a: {  	_ =	swait.ge [sflag:s10], $0x200  }
0x36b: {  	[sflag:s10] =	ssyncset.done $0x0  }
0x36c: {  	[sflag:s10] =	ssyncadd.s32 $0xFFFFFE00  }
0x36d: {  	_ =	swait.ge [sflag:s10], $0x200  }
0x36e: {  	[sflag:s10] =	ssyncset.done $0x0  }
0x36f: {  	[sflag:s10] =	ssyncadd.s32 $0xFFFFFE00  }
0x370: {  	_ =	swait.ge [sflag:s10], $0x200  }
0x371: {  	[sflag:s10] =	ssyncset.done $0x0  }
0x372: {  	s26 =	simm.s32 $0x0;
	s28 =	sld [smem:$0x7BD];
	[sflag:s10] =	ssyncadd.s32 $0xFFFFFE00  }
0x373: {  	[tilespmem:s8], [sflag:$0x2] =	stream.indirect.gather [spmem:s14], $0x1, s26, s12, $0xb8;
	[tilespmem:$0x146A8] =	vst v63  }
0x374: {  	_ = 	snop  }
0x375: {  	[tilespmem:s12], [sflag:$0x1] =	stream.linear.gather [hbm4b:s28+s26], $0x200, $0x38;
	[tilespmem:$0x146A8] =	vst v63  }
0x376: {  	s28 =	sld [smem:$0x7BE];
	_ =	sdelay $0x2  }
0x377: {  	[tilespmem:s13], [sflag:$0x1] =	stream.linear.gather [hbm4b:s28+s26], $0x200, $0x38;
	[tilespmem:$0x146A8] =	vst v63  }
0x378: {  	s28 =	sld [smem:$0x7BF];
	_ =	sdelay $0x2  }
0x379: {  	[tilespmem:s17], [sflag:$0x1] =	stream.linear.gather [hbm4b:s28+s26], $0x200, $0x38;
	[tilespmem:$0x146A8] =	vst v63  }
0x37a: {  	s28 =	sld [smem:$0x7C0];
	_ =	sdelay $0x2  }
0x37b: {  	[tilespmem:s15], [sflag:$0x1] =	stream.linear.gather [hbm4b:s28+s26], $0x200, $0x38;
	[tilespmem:$0x146A8] =	vst v63  }
0x37c: {  	s28 =	sld [smem:$0x7C1];
	_ =	sdelay $0x2  }
0x37d: {  	[tilespmem:s16], [sflag:$0x1] =	stream.linear.gather [hbm4b:s28+s26], $0x200, $0x38;
	[tilespmem:$0x146A8] =	vst v63  }
0x37e: {  	s28 =	sld [smem:$0x7C2];
	_ =	sdelay $0x2  }
0x37f: {  	[tilespmem:s18], [sflag:$0x1] =	stream.linear.gather [hbm4b:s28+s26], $0x200, $0x38;
	[tilespmem:$0x146A8] =	vst v63  }
0x380: {  	s28 =	sld [smem:$0x7C3];
	_ =	sdelay $0x2  }
0x381: {  	[tilespmem:s19], [sflag:$0x1] =	stream.linear.gather [hbm4b:s28+s26], $0x200, $0x38;
	[tilespmem:$0x146A8] =	vst v63  }
0x382: {  	s28 =	sld [smem:$0x7C4];
	_ =	sdelay $0x2  }
0x383: {  	[tilespmem:s20], [sflag:$0x1] =	stream.linear.gather [hbm4b:s28+s26], $0x200, $0x38;
	[tilespmem:$0x146A8] =	vst v63  }
0x384: {  	s28 =	sld [smem:$0x7C5];
	_ =	sdelay $0x2  }
0x385: {  	[tilespmem:s21], [sflag:$0x1] =	stream.linear.gather [hbm4b:s28+s26], $0x200, $0x38;
	[tilespmem:$0x146A8] =	vst v63  }
0x386: {  	s28 =	sld [smem:$0x7C6];
	_ =	sdelay $0x2  }
0x387: {  	[tilespmem:s22], [sflag:$0x1] =	stream.linear.gather [hbm4b:s28+s26], $0x200, $0x38;
	[tilespmem:$0x146A8] =	vst v63  }
0x388: {  	s26 =	sand.u32 $0x1F0, s26  }
0x389: {  	s28 =	simm.s32 $0x3C00;
	v0 =	vld [tilespmem:s26+$0x3E00]  }
0x38a: {  	v1 =	vld [tilespmem:s28+$0x0];
	_ =	sdelay $0x1  }
0x38b: {  	v2 =	vld [tilespmem:s26+$0x4000];
	_ =	sdelay $0x1  }
0x38c: {  	v3 =	vld [tilespmem:s26+$0x4200]  }
0x38d: {  	v0 =	vadd.f32 v0, v1  }
0x38e: {  	v1 =	vld [tilespmem:s26+$0x4400]  }
0x38f: {  	v0 =	vadd.f32 v2, v0  }
0x390: {  	v2 =	vld [tilespmem:s26+$0x4600]  }
0x391: {  	v0 =	vadd.f32 v3, v0  }
0x392: {  	v3 =	vld [tilespmem:s26+$0x4800]  }
0x393: {  	v0 =	vadd.f32 v1, v0  }
0x394: {  	v1 =	vld [tilespmem:s26+$0x4A00]  }
0x395: {  	v0 =	vadd.f32 v2, v0  }
0x396: {  	v2 =	vld [tilespmem:s26+$0x4C00]  }
0x397: {  	v0 =	vadd.f32 v3, v0  }
0x398: {  	v3 =	vld [tilespmem:s26+$0x4E00]  }
0x399: {  	s26 =	simm.s32 $0x5000;
	v0 =	vadd.f32 v1, v0  }
0x39a: {  	v1 =	vld [tilespmem:s26+$0x0]  }
0x39b: {  	v0 =	vadd.f32 v2, v0;
	_ =	sdelay $0x1  }
0x39c: {  	v0 =	vadd.f32 v3, v0;
	_ =	sdelay $0x1  }
0x39d: {  	v0 =	vadd.f32 v0, v1  }
0x39e: {  	s28 =	simm.s32 $0x10  }
0x39f: {  	s28 =	sand.u32 $0x1F0, s28;
	[tilespmem:s26+$0x0] =	vst v0  }
0x3a0: {  	s30 =	simm.s32 $0x20;
	s29 =	simm.s32 $0x3C10;
	v0 =	vld [tilespmem:s28+$0x3E00]  }
.LBB2_11:
0x3a1: {  	p2 =	sne.s32 s30, $0x1F0;
	v1 =	vld [tilespmem:s29+$0x0];
	_ =	sdelay $0x1  }
0x3a2: {  	v2 =	vld [tilespmem:s28+$0x4000];
	_ =	sdelay $0x1  }
0x3a3: {  	v3 =	vld [tilespmem:s28+$0x4200]  }
0x3a4: {  	v0 =	vadd.f32 v0, v1  }
0x3a5: {  	v1 =	vld [tilespmem:s28+$0x4400]  }
0x3a6: {  	v0 =	vadd.f32 v2, v0  }
0x3a7: {  	v2 =	vld [tilespmem:s28+$0x4600]  }
0x3a8: {  	v0 =	vadd.f32 v3, v0  }
0x3a9: {  	v3 =	vld [tilespmem:s28+$0x4800]  }
0x3aa: {  	v0 =	vadd.f32 v1, v0  }
0x3ab: {  	v1 =	vld [tilespmem:s28+$0x4A00]  }
0x3ac: {  	v0 =	vadd.f32 v2, v0  }
0x3ad: {  	v2 =	vld [tilespmem:s28+$0x4C00]  }
0x3ae: {  	v0 =	vadd.f32 v3, v0  }
0x3af: {  	v3 =	vld [tilespmem:s28+$0x4E00]  }
0x3b0: {  	s26 =	sadd.s32 $0x10, s26;
	v0 =	vadd.f32 v1, v0  }
0x3b1: {  	v1 =	vld [tilespmem:s26+$0x0]  }
0x3b2: {  	v0 =	vadd.f32 v2, v0;
	_ =	sdelay $0x1  }
0x3b3: {  	v0 =	vadd.f32 v3, v0  }
.Ltmp5:
0x3b4: {  	(pc) =	sbr.rel @p2 .LBB2_11-.Ltmp5, $3  }
0x3b5: {  	v0 =	vadd.f32 v0, v1;
	_ =	sdelay $0x1  }
0x3b6: {  	s28 =	sand.u32 $0x1F0, s30;
	[tilespmem:s26+$0x0] =	vst v0  }
0x3b7: {  	s29 =	sadd.s32 $0x10, s29;
	s30 =	sadd.s32 $0x10, s30;
	v0 =	vld [tilespmem:s28+$0x3E00]  }
0x3b8: {  	v1 =	vld [tilespmem:s29+$0x0];
	_ =	sdelay $0x1  }
0x3b9: {  	v2 =	vld [tilespmem:s28+$0x4000];
	_ =	sdelay $0x1  }
0x3ba: {  	v3 =	vld [tilespmem:s28+$0x4200]  }
0x3bb: {  	v0 =	vadd.f32 v0, v1  }
0x3bc: {  	v1 =	vld [tilespmem:s28+$0x4400]  }
0x3bd: {  	v0 =	vadd.f32 v2, v0  }
0x3be: {  	v2 =	vld [tilespmem:s28+$0x4600]  }
0x3bf: {  	v0 =	vadd.f32 v3, v0  }
0x3c0: {  	v3 =	vld [tilespmem:s28+$0x4800]  }
0x3c1: {  	v0 =	vadd.f32 v1, v0  }
0x3c2: {  	v1 =	vld [tilespmem:s28+$0x4A00]  }
0x3c3: {  	v0 =	vadd.f32 v2, v0  }
0x3c4: {  	v2 =	vld [tilespmem:s28+$0x4C00]  }
0x3c5: {  	v0 =	vadd.f32 v3, v0  }
0x3c6: {  	v3 =	vld [tilespmem:s28+$0x4E00]  }
0x3c7: {  	s26 =	sadd.s32 $0x10, s26;
	v0 =	vadd.f32 v1, v0  }
0x3c8: {  	v1 =	vld [tilespmem:s26+$0x0]  }
0x3c9: {  	v0 =	vadd.f32 v2, v0;
	_ =	sdelay $0x1  }
0x3ca: {  	v0 =	vadd.f32 v3, v0;
	_ =	sdelay $0x1  }
0x3cb: {  	v0 =	vadd.f32 v0, v1;
	_ =	sdelay $0x1  }
0x3cc: {  	[tilespmem:s26+$0x0] =	vst v0  }
0x3cd: {  	_ =	swait.ge [sflag:s23], $0x1400  }
0x3ce: {  	[sflag:s23] =	ssyncset.done $0x0  }
0x3cf: {  	[sflag:s23] =	ssyncadd.s32 $0xFFFFEC00  }
0x3d0: {  	_ =	swait.ge [sflag:s10], $0x200  }
0x3d1: {  	[sflag:s10] =	ssyncset.done $0x0  }
0x3d2: {  	[sflag:s10] =	ssyncadd.s32 $0xFFFFFE00  }
0x3d3: {  	_ =	swait.ge [sflag:s10], $0x200  }
0x3d4: {  	[sflag:s10] =	ssyncset.done $0x0  }
0x3d5: {  	[sflag:s10] =	ssyncadd.s32 $0xFFFFFE00  }
0x3d6: {  	_ =	swait.ge [sflag:s10], $0x200  }
0x3d7: {  	[sflag:s10] =	ssyncset.done $0x0  }
0x3d8: {  	[sflag:s10] =	ssyncadd.s32 $0xFFFFFE00  }
0x3d9: {  	_ =	swait.ge [sflag:s10], $0x200  }
0x3da: {  	[sflag:s10] =	ssyncset.done $0x0  }
0x3db: {  	[sflag:s10] =	ssyncadd.s32 $0xFFFFFE00  }
0x3dc: {  	_ =	swait.ge [sflag:s10], $0x200  }
0x3dd: {  	[sflag:s10] =	ssyncset.done $0x0  }
0x3de: {  	[sflag:s10] =	ssyncadd.s32 $0xFFFFFE00  }
0x3df: {  	_ =	swait.ge [sflag:s10], $0x200  }
0x3e0: {  	[sflag:s10] =	ssyncset.done $0x0  }
0x3e1: {  	[sflag:s10] =	ssyncadd.s32 $0xFFFFFE00  }
0x3e2: {  	_ =	swait.ge [sflag:s10], $0x200  }
0x3e3: {  	[sflag:s10] =	ssyncset.done $0x0  }
0x3e4: {  	[sflag:s10] =	ssyncadd.s32 $0xFFFFFE00  }
0x3e5: {  	_ =	swait.ge [sflag:s10], $0x200  }
0x3e6: {  	[sflag:s10] =	ssyncset.done $0x0  }
0x3e7: {  	[sflag:s10] =	ssyncadd.s32 $0xFFFFFE00  }
0x3e8: {  	_ =	swait.ge [sflag:s10], $0x200  }
0x3e9: {  	[sflag:s10] =	ssyncset.done $0x0  }
0x3ea: {  	[sflag:s10] =	ssyncadd.s32 $0xFFFFFE00  }
0x3eb: {  	_ =	swait.ge [sflag:s10], $0x200  }
0x3ec: {  	[sflag:s10] =	ssyncset.done $0x0  }
0x3ed: {  	s28 =	sld [smem:$0x7C7];
	[sflag:s10] =	ssyncadd.s32 $0xFFFFFE00  }
0x3ee: {  	[tilespmem:s24], [sflag:$0x2] =	stream.indirect.gather [spmem:s14], $0x1, s12, s12, $0xb8;
	[tilespmem:$0x146A8] =	vst v63  }
0x3ef: {  	s26 =	simm.s32 $0x0  }
0x3f0: {  	[tilespmem:s26], [sflag:$0x1] =	stream.linear.gather [hbm4b:s28+s26], $0x200, $0x38;
	[tilespmem:$0x146A8] =	vst v63  }
0x3f1: {  	s28 =	sld [smem:$0x7C8];
	_ =	sdelay $0x2  }
0x3f2: {  	[tilespmem:s31], [sflag:$0x1] =	stream.linear.gather [hbm4b:s28+s26], $0x200, $0x38;
	[tilespmem:$0x146A8] =	vst v63  }
0x3f3: {  	s28 =	sld [smem:$0x7C9];
	_ =	sdelay $0x2  }
0x3f4: {  	[tilespmem:s11], [sflag:$0x1] =	stream.linear.gather [hbm4b:s28+s26], $0x200, $0x38;
	[tilespmem:$0x146A8] =	vst v63  }
0x3f5: {  	s28 =	sld [smem:$0x7CA];
	_ =	sdelay $0x2  }
0x3f6: {  	[tilespmem:s0], [sflag:$0x1] =	stream.linear.gather [hbm4b:s28+s26], $0x200, $0x38;
	[tilespmem:$0x146A8] =	vst v63  }
0x3f7: {  	s28 =	sld [smem:$0x7CB];
	_ =	sdelay $0x2  }
0x3f8: {  	[tilespmem:s2], [sflag:$0x1] =	stream.linear.gather [hbm4b:s28+s26], $0x200, $0x38;
	[tilespmem:$0x146A8] =	vst v63  }
0x3f9: {  	s28 =	sld [smem:$0x7CC];
	_ =	sdelay $0x2  }
0x3fa: {  	[tilespmem:s3], [sflag:$0x1] =	stream.linear.gather [hbm4b:s28+s26], $0x200, $0x38;
	[tilespmem:$0x146A8] =	vst v63  }
0x3fb: {  	s28 =	sld [smem:$0x7CD];
	_ =	sdelay $0x2  }
0x3fc: {  	[tilespmem:s4], [sflag:$0x1] =	stream.linear.gather [hbm4b:s28+s26], $0x200, $0x38;
	[tilespmem:$0x146A8] =	vst v63  }
0x3fd: {  	s28 =	sld [smem:$0x7CE];
	_ =	sdelay $0x2  }
0x3fe: {  	[tilespmem:s5], [sflag:$0x1] =	stream.linear.gather [hbm4b:s28+s26], $0x200, $0x38;
	[tilespmem:$0x146A8] =	vst v63  }
0x3ff: {  	s28 =	sld [smem:$0x7CF];
	_ =	sdelay $0x2  }
0x400: {  	[tilespmem:s6], [sflag:$0x1] =	stream.linear.gather [hbm4b:s28+s26], $0x200, $0x38;
	[tilespmem:$0x146A8] =	vst v63  }
0x401: {  	s28 =	sld [smem:$0x7D0];
	_ =	sdelay $0x2  }
0x402: {  	[tilespmem:s7], [sflag:$0x1] =	stream.linear.gather [hbm4b:s28+s26], $0x200, $0x38;
	[tilespmem:$0x146A8] =	vst v63  }
0x403: {  	s26 =	sand.u32 $0x1F0, s26  }
0x404: {  	s28 =	simm.s32 $0x2800;
	v0 =	vld [tilespmem:s26+$0x2A00]  }
0x405: {  	v1 =	vld [tilespmem:s28+$0x0];
	_ =	sdelay $0x1  }
0x406: {  	v2 =	vld [tilespmem:s26+$0x2C00];
	_ =	sdelay $0x1  }
0x407: {  	v3 =	vld [tilespmem:s26+$0x2E00]  }
0x408: {  	v0 =	vadd.f32 v0, v1  }
0x409: {  	v1 =	vld [tilespmem:s26+$0x3000]  }
0x40a: {  	v0 =	vadd.f32 v2, v0  }
0x40b: {  	v2 =	vld [tilespmem:s26+$0x3200]  }
0x40c: {  	v0 =	vadd.f32 v3, v0  }
0x40d: {  	v3 =	vld [tilespmem:s26+$0x3400]  }
0x40e: {  	v0 =	vadd.f32 v1, v0  }
0x40f: {  	v1 =	vld [tilespmem:s26+$0x3600]  }
0x410: {  	v0 =	vadd.f32 v2, v0  }
0x411: {  	v2 =	vld [tilespmem:s26+$0x3800]  }
0x412: {  	v0 =	vadd.f32 v3, v0  }
0x413: {  	v3 =	vld [tilespmem:s26+$0x3A00]  }
0x414: {  	s26 =	simm.s32 $0x5000;
	v0 =	vadd.f32 v1, v0  }
0x415: {  	v1 =	vld [tilespmem:s26+$0x0]  }
0x416: {  	v0 =	vadd.f32 v2, v0;
	_ =	sdelay $0x1  }
0x417: {  	v0 =	vadd.f32 v3, v0;
	_ =	sdelay $0x1  }
0x418: {  	v0 =	vadd.f32 v0, v1  }
0x419: {  	s28 =	simm.s32 $0x10  }
0x41a: {  	s28 =	sand.u32 $0x1F0, s28;
	[tilespmem:s26+$0x0] =	vst v0  }
0x41b: {  	s30 =	simm.s32 $0x20;
	s29 =	simm.s32 $0x2810;
	v0 =	vld [tilespmem:s28+$0x2A00]  }
.LBB2_13:
0x41c: {  	p2 =	sne.s32 s30, $0x1F0;
	v1 =	vld [tilespmem:s29+$0x0];
	_ =	sdelay $0x1  }
0x41d: {  	v2 =	vld [tilespmem:s28+$0x2C00];
	_ =	sdelay $0x1  }
0x41e: {  	v3 =	vld [tilespmem:s28+$0x2E00]  }
0x41f: {  	v0 =	vadd.f32 v0, v1  }
0x420: {  	v1 =	vld [tilespmem:s28+$0x3000]  }
0x421: {  	v0 =	vadd.f32 v2, v0  }
0x422: {  	v2 =	vld [tilespmem:s28+$0x3200]  }
0x423: {  	v0 =	vadd.f32 v3, v0  }
0x424: {  	v3 =	vld [tilespmem:s28+$0x3400]  }
0x425: {  	v0 =	vadd.f32 v1, v0  }
0x426: {  	v1 =	vld [tilespmem:s28+$0x3600]  }
0x427: {  	v0 =	vadd.f32 v2, v0  }
0x428: {  	v2 =	vld [tilespmem:s28+$0x3800]  }
0x429: {  	v0 =	vadd.f32 v3, v0  }
0x42a: {  	v3 =	vld [tilespmem:s28+$0x3A00]  }
0x42b: {  	s26 =	sadd.s32 $0x10, s26;
	v0 =	vadd.f32 v1, v0  }
0x42c: {  	v1 =	vld [tilespmem:s26+$0x0]  }
0x42d: {  	v0 =	vadd.f32 v2, v0;
	_ =	sdelay $0x1  }
0x42e: {  	v0 =	vadd.f32 v3, v0  }
.Ltmp6:
0x42f: {  	(pc) =	sbr.rel @p2 .LBB2_13-.Ltmp6, $3  }
0x430: {  	v0 =	vadd.f32 v0, v1;
	_ =	sdelay $0x1  }
0x431: {  	s28 =	sand.u32 $0x1F0, s30;
	[tilespmem:s26+$0x0] =	vst v0  }
0x432: {  	s29 =	sadd.s32 $0x10, s29;
	s30 =	sadd.s32 $0x10, s30;
	v0 =	vld [tilespmem:s28+$0x2A00]  }
0x433: {  	v1 =	vld [tilespmem:s29+$0x0];
	_ =	sdelay $0x1  }
0x434: {  	v2 =	vld [tilespmem:s28+$0x2C00];
	_ =	sdelay $0x1  }
0x435: {  	v3 =	vld [tilespmem:s28+$0x2E00]  }
0x436: {  	v0 =	vadd.f32 v0, v1  }
0x437: {  	v1 =	vld [tilespmem:s28+$0x3000]  }
0x438: {  	v0 =	vadd.f32 v2, v0  }
0x439: {  	v2 =	vld [tilespmem:s28+$0x3200]  }
0x43a: {  	v0 =	vadd.f32 v3, v0  }
0x43b: {  	v3 =	vld [tilespmem:s28+$0x3400]  }
0x43c: {  	v0 =	vadd.f32 v1, v0  }
0x43d: {  	v1 =	vld [tilespmem:s28+$0x3600]  }
0x43e: {  	v0 =	vadd.f32 v2, v0  }
0x43f: {  	v2 =	vld [tilespmem:s28+$0x3800]  }
0x440: {  	v0 =	vadd.f32 v3, v0  }
0x441: {  	v3 =	vld [tilespmem:s28+$0x3A00]  }
0x442: {  	s26 =	sadd.s32 $0x10, s26;
	v0 =	vadd.f32 v1, v0  }
0x443: {  	v1 =	vld [tilespmem:s26+$0x0]  }
0x444: {  	v0 =	vadd.f32 v2, v0;
	_ =	sdelay $0x1  }
0x445: {  	v0 =	vadd.f32 v3, v0;
	_ =	sdelay $0x1  }
0x446: {  	v0 =	vadd.f32 v0, v1;
	_ =	sdelay $0x1  }
0x447: {  	[tilespmem:s26+$0x0] =	vst v0  }
0x448: {  	_ =	swait.ge [sflag:s23], $0x1400  }
0x449: {  	[sflag:s23] =	ssyncset.done $0x0  }
0x44a: {  	[sflag:s23] =	ssyncadd.s32 $0xFFFFEC00  }
0x44b: {  	_ =	swait.ge [sflag:s10], $0x200  }
0x44c: {  	[sflag:s10] =	ssyncset.done $0x0  }
0x44d: {  	[sflag:s10] =	ssyncadd.s32 $0xFFFFFE00  }
0x44e: {  	_ =	swait.ge [sflag:s10], $0x200  }
0x44f: {  	[sflag:s10] =	ssyncset.done $0x0  }
0x450: {  	[sflag:s10] =	ssyncadd.s32 $0xFFFFFE00  }
0x451: {  	_ =	swait.ge [sflag:s10], $0x200  }
0x452: {  	[sflag:s10] =	ssyncset.done $0x0  }
0x453: {  	[sflag:s10] =	ssyncadd.s32 $0xFFFFFE00  }
0x454: {  	_ =	swait.ge [sflag:s10], $0x200  }
0x455: {  	[sflag:s10] =	ssyncset.done $0x0  }
0x456: {  	[sflag:s10] =	ssyncadd.s32 $0xFFFFFE00  }
0x457: {  	_ =	swait.ge [sflag:s10], $0x200  }
0x458: {  	[sflag:s10] =	ssyncset.done $0x0  }
0x459: {  	[sflag:s10] =	ssyncadd.s32 $0xFFFFFE00  }
0x45a: {  	_ =	swait.ge [sflag:s10], $0x200  }
0x45b: {  	[sflag:s10] =	ssyncset.done $0x0  }
0x45c: {  	[sflag:s10] =	ssyncadd.s32 $0xFFFFFE00  }
0x45d: {  	_ =	swait.ge [sflag:s10], $0x200  }
0x45e: {  	[sflag:s10] =	ssyncset.done $0x0  }
0x45f: {  	[sflag:s10] =	ssyncadd.s32 $0xFFFFFE00  }
0x460: {  	_ =	swait.ge [sflag:s10], $0x200  }
0x461: {  	[sflag:s10] =	ssyncset.done $0x0  }
0x462: {  	[sflag:s10] =	ssyncadd.s32 $0xFFFFFE00  }
0x463: {  	_ =	swait.ge [sflag:s10], $0x200  }
0x464: {  	[sflag:s10] =	ssyncset.done $0x0  }
0x465: {  	[sflag:s10] =	ssyncadd.s32 $0xFFFFFE00  }
0x466: {  	_ =	swait.ge [sflag:s10], $0x200  }
0x467: {  	[sflag:s10] =	ssyncset.done $0x0  }
0x468: {  	s26 =	simm.s32 $0x0;
	s28 =	sld [smem:$0x7D1];
	[sflag:s10] =	ssyncadd.s32 $0xFFFFFE00  }
0x469: {  	[tilespmem:s8], [sflag:$0x2] =	stream.indirect.gather [spmem:s14], $0x1, s26, s12, $0xb8;
	[tilespmem:$0x146A8] =	vst v63  }
0x46a: {  	_ = 	snop  }
0x46b: {  	[tilespmem:s12], [sflag:$0x1] =	stream.linear.gather [hbm4b:s28+s26], $0x200, $0x38;
	[tilespmem:$0x146A8] =	vst v63  }
0x46c: {  	s28 =	sld [smem:$0x7D2];
	_ =	sdelay $0x2  }
0x46d: {  	[tilespmem:s13], [sflag:$0x1] =	stream.linear.gather [hbm4b:s28+s26], $0x200, $0x38;
	[tilespmem:$0x146A8] =	vst v63  }
0x46e: {  	s28 =	sld [smem:$0x7D3];
	_ =	sdelay $0x2  }
0x46f: {  	[tilespmem:s17], [sflag:$0x1] =	stream.linear.gather [hbm4b:s28+s26], $0x200, $0x38;
	[tilespmem:$0x146A8] =	vst v63  }
0x470: {  	s28 =	sld [smem:$0x7D4];
	_ =	sdelay $0x2  }
0x471: {  	[tilespmem:s15], [sflag:$0x1] =	stream.linear.gather [hbm4b:s28+s26], $0x200, $0x38;
	[tilespmem:$0x146A8] =	vst v63  }
0x472: {  	s28 =	sld [smem:$0x7D5];
	_ =	sdelay $0x2  }
0x473: {  	[tilespmem:s16], [sflag:$0x1] =	stream.linear.gather [hbm4b:s28+s26], $0x200, $0x38;
	[tilespmem:$0x146A8] =	vst v63  }
0x474: {  	s28 =	sld [smem:$0x7D6];
	_ =	sdelay $0x2  }
0x475: {  	[tilespmem:s18], [sflag:$0x1] =	stream.linear.gather [hbm4b:s28+s26], $0x200, $0x38;
	[tilespmem:$0x146A8] =	vst v63  }
0x476: {  	s28 =	sld [smem:$0x7D7];
	_ =	sdelay $0x2  }
0x477: {  	[tilespmem:s19], [sflag:$0x1] =	stream.linear.gather [hbm4b:s28+s26], $0x200, $0x38;
	[tilespmem:$0x146A8] =	vst v63  }
0x478: {  	s28 =	sld [smem:$0x7D8];
	_ =	sdelay $0x2  }
0x479: {  	[tilespmem:s20], [sflag:$0x1] =	stream.linear.gather [hbm4b:s28+s26], $0x200, $0x38;
	[tilespmem:$0x146A8] =	vst v63  }
0x47a: {  	s28 =	sld [smem:$0x7D9];
	_ =	sdelay $0x2  }
0x47b: {  	[tilespmem:s21], [sflag:$0x1] =	stream.linear.gather [hbm4b:s28+s26], $0x200, $0x38;
	[tilespmem:$0x146A8] =	vst v63  }
0x47c: {  	s28 =	sld [smem:$0x7DA];
	_ =	sdelay $0x2  }
0x47d: {  	[tilespmem:s22], [sflag:$0x1] =	stream.linear.gather [hbm4b:s28+s26], $0x200, $0x38;
	[tilespmem:$0x146A8] =	vst v63  }
0x47e: {  	s26 =	sand.u32 $0x1F0, s26  }
0x47f: {  	s28 =	simm.s32 $0x3C00;
	v0 =	vld [tilespmem:s26+$0x3E00]  }
0x480: {  	v1 =	vld [tilespmem:s28+$0x0];
	_ =	sdelay $0x1  }
0x481: {  	v2 =	vld [tilespmem:s26+$0x4000];
	_ =	sdelay $0x1  }
0x482: {  	v3 =	vld [tilespmem:s26+$0x4200]  }
0x483: {  	v0 =	vadd.f32 v0, v1  }
0x484: {  	v1 =	vld [tilespmem:s26+$0x4400]  }
0x485: {  	v0 =	vadd.f32 v2, v0  }
0x486: {  	v2 =	vld [tilespmem:s26+$0x4600]  }
0x487: {  	v0 =	vadd.f32 v3, v0  }
0x488: {  	v3 =	vld [tilespmem:s26+$0x4800]  }
0x489: {  	v0 =	vadd.f32 v1, v0  }
0x48a: {  	v1 =	vld [tilespmem:s26+$0x4A00]  }
0x48b: {  	v0 =	vadd.f32 v2, v0  }
0x48c: {  	v2 =	vld [tilespmem:s26+$0x4C00]  }
0x48d: {  	v0 =	vadd.f32 v3, v0  }
0x48e: {  	v3 =	vld [tilespmem:s26+$0x4E00]  }
0x48f: {  	s26 =	simm.s32 $0x5000;
	v0 =	vadd.f32 v1, v0  }
0x490: {  	v1 =	vld [tilespmem:s26+$0x0]  }
0x491: {  	v0 =	vadd.f32 v2, v0;
	_ =	sdelay $0x1  }
0x492: {  	v0 =	vadd.f32 v3, v0;
	_ =	sdelay $0x1  }
0x493: {  	v0 =	vadd.f32 v0, v1  }
0x494: {  	s28 =	simm.s32 $0x10  }
0x495: {  	s28 =	sand.u32 $0x1F0, s28;
	[tilespmem:s26+$0x0] =	vst v0  }
0x496: {  	s30 =	simm.s32 $0x20;
	s29 =	simm.s32 $0x3C10;
	v0 =	vld [tilespmem:s28+$0x3E00]  }
.LBB2_15:
0x497: {  	p2 =	sne.s32 s30, $0x1F0;
	v1 =	vld [tilespmem:s29+$0x0];
	_ =	sdelay $0x1  }
0x498: {  	v2 =	vld [tilespmem:s28+$0x4000];
	_ =	sdelay $0x1  }
0x499: {  	v3 =	vld [tilespmem:s28+$0x4200]  }
0x49a: {  	v0 =	vadd.f32 v0, v1  }
0x49b: {  	v1 =	vld [tilespmem:s28+$0x4400]  }
0x49c: {  	v0 =	vadd.f32 v2, v0  }
0x49d: {  	v2 =	vld [tilespmem:s28+$0x4600]  }
0x49e: {  	v0 =	vadd.f32 v3, v0  }
0x49f: {  	v3 =	vld [tilespmem:s28+$0x4800]  }
0x4a0: {  	v0 =	vadd.f32 v1, v0  }
0x4a1: {  	v1 =	vld [tilespmem:s28+$0x4A00]  }
0x4a2: {  	v0 =	vadd.f32 v2, v0  }
0x4a3: {  	v2 =	vld [tilespmem:s28+$0x4C00]  }
0x4a4: {  	v0 =	vadd.f32 v3, v0  }
0x4a5: {  	v3 =	vld [tilespmem:s28+$0x4E00]  }
0x4a6: {  	s26 =	sadd.s32 $0x10, s26;
	v0 =	vadd.f32 v1, v0  }
0x4a7: {  	v1 =	vld [tilespmem:s26+$0x0]  }
0x4a8: {  	v0 =	vadd.f32 v2, v0;
	_ =	sdelay $0x1  }
0x4a9: {  	v0 =	vadd.f32 v3, v0  }
.Ltmp7:
0x4aa: {  	(pc) =	sbr.rel @p2 .LBB2_15-.Ltmp7, $3  }
0x4ab: {  	v0 =	vadd.f32 v0, v1;
	_ =	sdelay $0x1  }
0x4ac: {  	s28 =	sand.u32 $0x1F0, s30;
	[tilespmem:s26+$0x0] =	vst v0  }
0x4ad: {  	s29 =	sadd.s32 $0x10, s29;
	s30 =	sadd.s32 $0x10, s30;
	v0 =	vld [tilespmem:s28+$0x3E00]  }
0x4ae: {  	v1 =	vld [tilespmem:s29+$0x0];
	_ =	sdelay $0x1  }
0x4af: {  	v2 =	vld [tilespmem:s28+$0x4000];
	_ =	sdelay $0x1  }
0x4b0: {  	v3 =	vld [tilespmem:s28+$0x4200]  }
0x4b1: {  	v0 =	vadd.f32 v0, v1  }
0x4b2: {  	v1 =	vld [tilespmem:s28+$0x4400]  }
0x4b3: {  	v0 =	vadd.f32 v2, v0  }
0x4b4: {  	v2 =	vld [tilespmem:s28+$0x4600]  }
0x4b5: {  	v0 =	vadd.f32 v3, v0  }
0x4b6: {  	v3 =	vld [tilespmem:s28+$0x4800]  }
0x4b7: {  	v0 =	vadd.f32 v1, v0  }
0x4b8: {  	v1 =	vld [tilespmem:s28+$0x4A00]  }
0x4b9: {  	v0 =	vadd.f32 v2, v0  }
0x4ba: {  	v2 =	vld [tilespmem:s28+$0x4C00]  }
0x4bb: {  	v0 =	vadd.f32 v3, v0  }
0x4bc: {  	v3 =	vld [tilespmem:s28+$0x4E00]  }
0x4bd: {  	s26 =	sadd.s32 $0x10, s26;
	v0 =	vadd.f32 v1, v0  }
0x4be: {  	v1 =	vld [tilespmem:s26+$0x0]  }
0x4bf: {  	v0 =	vadd.f32 v2, v0;
	_ =	sdelay $0x1  }
0x4c0: {  	v0 =	vadd.f32 v3, v0;
	_ =	sdelay $0x1  }
0x4c1: {  	v0 =	vadd.f32 v0, v1;
	_ =	sdelay $0x1  }
0x4c2: {  	[tilespmem:s26+$0x0] =	vst v0  }
0x4c3: {  	_ =	swait.ge [sflag:s23], $0x1400  }
0x4c4: {  	[sflag:s23] =	ssyncset.done $0x0  }
0x4c5: {  	[sflag:s23] =	ssyncadd.s32 $0xFFFFEC00  }
0x4c6: {  	_ =	swait.ge [sflag:s10], $0x200  }
0x4c7: {  	[sflag:s10] =	ssyncset.done $0x0  }
0x4c8: {  	[sflag:s10] =	ssyncadd.s32 $0xFFFFFE00  }
0x4c9: {  	_ =	swait.ge [sflag:s10], $0x200  }
0x4ca: {  	[sflag:s10] =	ssyncset.done $0x0  }
0x4cb: {  	[sflag:s10] =	ssyncadd.s32 $0xFFFFFE00  }
0x4cc: {  	_ =	swait.ge [sflag:s10], $0x200  }
0x4cd: {  	[sflag:s10] =	ssyncset.done $0x0  }
0x4ce: {  	[sflag:s10] =	ssyncadd.s32 $0xFFFFFE00  }
0x4cf: {  	_ =	swait.ge [sflag:s10], $0x200  }
0x4d0: {  	[sflag:s10] =	ssyncset.done $0x0  }
0x4d1: {  	[sflag:s10] =	ssyncadd.s32 $0xFFFFFE00  }
0x4d2: {  	_ =	swait.ge [sflag:s10], $0x200  }
0x4d3: {  	[sflag:s10] =	ssyncset.done $0x0  }
0x4d4: {  	[sflag:s10] =	ssyncadd.s32 $0xFFFFFE00  }
0x4d5: {  	_ =	swait.ge [sflag:s10], $0x200  }
0x4d6: {  	[sflag:s10] =	ssyncset.done $0x0  }
0x4d7: {  	[sflag:s10] =	ssyncadd.s32 $0xFFFFFE00  }
0x4d8: {  	_ =	swait.ge [sflag:s10], $0x200  }
0x4d9: {  	[sflag:s10] =	ssyncset.done $0x0  }
0x4da: {  	[sflag:s10] =	ssyncadd.s32 $0xFFFFFE00  }
0x4db: {  	_ =	swait.ge [sflag:s10], $0x200  }
0x4dc: {  	[sflag:s10] =	ssyncset.done $0x0  }
0x4dd: {  	[sflag:s10] =	ssyncadd.s32 $0xFFFFFE00  }
0x4de: {  	_ =	swait.ge [sflag:s10], $0x200  }
0x4df: {  	[sflag:s10] =	ssyncset.done $0x0  }
0x4e0: {  	[sflag:s10] =	ssyncadd.s32 $0xFFFFFE00  }
0x4e1: {  	_ =	swait.ge [sflag:s10], $0x200  }
0x4e2: {  	[sflag:s10] =	ssyncset.done $0x0  }
0x4e3: {  	s28 =	sld [smem:$0x7DB];
	[sflag:s10] =	ssyncadd.s32 $0xFFFFFE00  }
0x4e4: {  	[tilespmem:s24], [sflag:$0x2] =	stream.indirect.gather [spmem:s14], $0x1, s12, s12, $0xb8;
	[tilespmem:$0x146A8] =	vst v63  }
0x4e5: {  	s26 =	simm.s32 $0x0  }
0x4e6: {  	[tilespmem:s26], [sflag:$0x1] =	stream.linear.gather [hbm4b:s28+s26], $0x200, $0x38;
	[tilespmem:$0x146A8] =	vst v63  }
0x4e7: {  	s28 =	sld [smem:$0x7DC];
	_ =	sdelay $0x2  }
0x4e8: {  	[tilespmem:s31], [sflag:$0x1] =	stream.linear.gather [hbm4b:s28+s26], $0x200, $0x38;
	[tilespmem:$0x146A8] =	vst v63  }
0x4e9: {  	s28 =	sld [smem:$0x7DD];
	_ =	sdelay $0x2  }
0x4ea: {  	[tilespmem:s11], [sflag:$0x1] =	stream.linear.gather [hbm4b:s28+s26], $0x200, $0x38;
	[tilespmem:$0x146A8] =	vst v63  }
0x4eb: {  	s28 =	sld [smem:$0x7DE];
	_ =	sdelay $0x2  }
0x4ec: {  	[tilespmem:s0], [sflag:$0x1] =	stream.linear.gather [hbm4b:s28+s26], $0x200, $0x38;
	[tilespmem:$0x146A8] =	vst v63  }
0x4ed: {  	s28 =	sld [smem:$0x7DF];
	_ =	sdelay $0x2  }
0x4ee: {  	[tilespmem:s2], [sflag:$0x1] =	stream.linear.gather [hbm4b:s28+s26], $0x200, $0x38;
	[tilespmem:$0x146A8] =	vst v63  }
0x4ef: {  	s28 =	sld [smem:$0x7E0];
	_ =	sdelay $0x2  }
0x4f0: {  	[tilespmem:s3], [sflag:$0x1] =	stream.linear.gather [hbm4b:s28+s26], $0x200, $0x38;
	[tilespmem:$0x146A8] =	vst v63  }
0x4f1: {  	s28 =	sld [smem:$0x7E1];
	_ =	sdelay $0x2  }
0x4f2: {  	[tilespmem:s4], [sflag:$0x1] =	stream.linear.gather [hbm4b:s28+s26], $0x200, $0x38;
	[tilespmem:$0x146A8] =	vst v63  }
0x4f3: {  	s28 =	sld [smem:$0x7E2];
	_ =	sdelay $0x2  }
0x4f4: {  	[tilespmem:s5], [sflag:$0x1] =	stream.linear.gather [hbm4b:s28+s26], $0x200, $0x38;
	[tilespmem:$0x146A8] =	vst v63  }
0x4f5: {  	s28 =	sld [smem:$0x7E3];
	_ =	sdelay $0x2  }
0x4f6: {  	[tilespmem:s6], [sflag:$0x1] =	stream.linear.gather [hbm4b:s28+s26], $0x200, $0x38;
	[tilespmem:$0x146A8] =	vst v63  }
0x4f7: {  	s28 =	sld [smem:$0x7E4];
	_ =	sdelay $0x2  }
0x4f8: {  	[tilespmem:s7], [sflag:$0x1] =	stream.linear.gather [hbm4b:s28+s26], $0x200, $0x38;
	[tilespmem:$0x146A8] =	vst v63  }
0x4f9: {  	s26 =	sand.u32 $0x1F0, s26  }
0x4fa: {  	s28 =	simm.s32 $0x2800;
	v0 =	vld [tilespmem:s26+$0x2A00]  }
0x4fb: {  	v1 =	vld [tilespmem:s28+$0x0];
	_ =	sdelay $0x1  }
0x4fc: {  	v2 =	vld [tilespmem:s26+$0x2C00];
	_ =	sdelay $0x1  }
0x4fd: {  	v3 =	vld [tilespmem:s26+$0x2E00]  }
0x4fe: {  	v0 =	vadd.f32 v0, v1  }
0x4ff: {  	v1 =	vld [tilespmem:s26+$0x3000]  }
0x500: {  	v0 =	vadd.f32 v2, v0  }
0x501: {  	v2 =	vld [tilespmem:s26+$0x3200]  }
0x502: {  	v0 =	vadd.f32 v3, v0  }
0x503: {  	v3 =	vld [tilespmem:s26+$0x3400]  }
0x504: {  	v0 =	vadd.f32 v1, v0  }
0x505: {  	v1 =	vld [tilespmem:s26+$0x3600]  }
0x506: {  	v0 =	vadd.f32 v2, v0  }
0x507: {  	v2 =	vld [tilespmem:s26+$0x3800]  }
0x508: {  	v0 =	vadd.f32 v3, v0  }
0x509: {  	v3 =	vld [tilespmem:s26+$0x3A00]  }
0x50a: {  	s26 =	simm.s32 $0x5000;
	v0 =	vadd.f32 v1, v0  }
0x50b: {  	v1 =	vld [tilespmem:s26+$0x0]  }
0x50c: {  	v0 =	vadd.f32 v2, v0;
	_ =	sdelay $0x1  }
0x50d: {  	v0 =	vadd.f32 v3, v0;
	_ =	sdelay $0x1  }
0x50e: {  	v0 =	vadd.f32 v0, v1  }
0x50f: {  	s28 =	simm.s32 $0x10  }
0x510: {  	s28 =	sand.u32 $0x1F0, s28;
	[tilespmem:s26+$0x0] =	vst v0  }
0x511: {  	s30 =	simm.s32 $0x20;
	s29 =	simm.s32 $0x2810;
	v0 =	vld [tilespmem:s28+$0x2A00]  }
.LBB2_17:
0x512: {  	p2 =	sne.s32 s30, $0x1F0;
	v1 =	vld [tilespmem:s29+$0x0];
	_ =	sdelay $0x1  }
0x513: {  	v2 =	vld [tilespmem:s28+$0x2C00];
	_ =	sdelay $0x1  }
0x514: {  	v3 =	vld [tilespmem:s28+$0x2E00]  }
0x515: {  	v0 =	vadd.f32 v0, v1  }
0x516: {  	v1 =	vld [tilespmem:s28+$0x3000]  }
0x517: {  	v0 =	vadd.f32 v2, v0  }
0x518: {  	v2 =	vld [tilespmem:s28+$0x3200]  }
0x519: {  	v0 =	vadd.f32 v3, v0  }
0x51a: {  	v3 =	vld [tilespmem:s28+$0x3400]  }
0x51b: {  	v0 =	vadd.f32 v1, v0  }
0x51c: {  	v1 =	vld [tilespmem:s28+$0x3600]  }
0x51d: {  	v0 =	vadd.f32 v2, v0  }
0x51e: {  	v2 =	vld [tilespmem:s28+$0x3800]  }
0x51f: {  	v0 =	vadd.f32 v3, v0  }
0x520: {  	v3 =	vld [tilespmem:s28+$0x3A00]  }
0x521: {  	s26 =	sadd.s32 $0x10, s26;
	v0 =	vadd.f32 v1, v0  }
0x522: {  	v1 =	vld [tilespmem:s26+$0x0]  }
0x523: {  	v0 =	vadd.f32 v2, v0;
	_ =	sdelay $0x1  }
0x524: {  	v0 =	vadd.f32 v3, v0  }
.Ltmp8:
0x525: {  	(pc) =	sbr.rel @p2 .LBB2_17-.Ltmp8, $3  }
0x526: {  	v0 =	vadd.f32 v0, v1;
	_ =	sdelay $0x1  }
0x527: {  	s28 =	sand.u32 $0x1F0, s30;
	[tilespmem:s26+$0x0] =	vst v0  }
0x528: {  	s29 =	sadd.s32 $0x10, s29;
	s30 =	sadd.s32 $0x10, s30;
	v0 =	vld [tilespmem:s28+$0x2A00]  }
0x529: {  	v1 =	vld [tilespmem:s29+$0x0];
	_ =	sdelay $0x1  }
0x52a: {  	v2 =	vld [tilespmem:s28+$0x2C00];
	_ =	sdelay $0x1  }
0x52b: {  	v3 =	vld [tilespmem:s28+$0x2E00]  }
0x52c: {  	v0 =	vadd.f32 v0, v1  }
0x52d: {  	v1 =	vld [tilespmem:s28+$0x3000]  }
0x52e: {  	v0 =	vadd.f32 v2, v0  }
0x52f: {  	v2 =	vld [tilespmem:s28+$0x3200]  }
0x530: {  	v0 =	vadd.f32 v3, v0  }
0x531: {  	v3 =	vld [tilespmem:s28+$0x3400]  }
0x532: {  	v0 =	vadd.f32 v1, v0  }
0x533: {  	v1 =	vld [tilespmem:s28+$0x3600]  }
0x534: {  	v0 =	vadd.f32 v2, v0  }
0x535: {  	v2 =	vld [tilespmem:s28+$0x3800]  }
0x536: {  	v0 =	vadd.f32 v3, v0  }
0x537: {  	v3 =	vld [tilespmem:s28+$0x3A00]  }
0x538: {  	s26 =	sadd.s32 $0x10, s26;
	v0 =	vadd.f32 v1, v0  }
0x539: {  	v1 =	vld [tilespmem:s26+$0x0]  }
0x53a: {  	v0 =	vadd.f32 v2, v0;
	_ =	sdelay $0x1  }
0x53b: {  	v0 =	vadd.f32 v3, v0;
	_ =	sdelay $0x1  }
0x53c: {  	v0 =	vadd.f32 v0, v1;
	_ =	sdelay $0x1  }
0x53d: {  	[tilespmem:s26+$0x0] =	vst v0  }
0x53e: {  	_ =	swait.ge [sflag:s23], $0x1400  }
0x53f: {  	[sflag:s23] =	ssyncset.done $0x0  }
0x540: {  	[sflag:s23] =	ssyncadd.s32 $0xFFFFEC00  }
0x541: {  	_ =	swait.ge [sflag:s10], $0x200  }
0x542: {  	[sflag:s10] =	ssyncset.done $0x0  }
0x543: {  	[sflag:s10] =	ssyncadd.s32 $0xFFFFFE00  }
0x544: {  	_ =	swait.ge [sflag:s10], $0x200  }
0x545: {  	[sflag:s10] =	ssyncset.done $0x0  }
0x546: {  	[sflag:s10] =	ssyncadd.s32 $0xFFFFFE00  }
0x547: {  	_ =	swait.ge [sflag:s10], $0x200  }
0x548: {  	[sflag:s10] =	ssyncset.done $0x0  }
0x549: {  	[sflag:s10] =	ssyncadd.s32 $0xFFFFFE00  }
0x54a: {  	_ =	swait.ge [sflag:s10], $0x200  }
0x54b: {  	[sflag:s10] =	ssyncset.done $0x0  }
0x54c: {  	[sflag:s10] =	ssyncadd.s32 $0xFFFFFE00  }
0x54d: {  	_ =	swait.ge [sflag:s10], $0x200  }
0x54e: {  	[sflag:s10] =	ssyncset.done $0x0  }
0x54f: {  	[sflag:s10] =	ssyncadd.s32 $0xFFFFFE00  }
0x550: {  	_ =	swait.ge [sflag:s10], $0x200  }
0x551: {  	[sflag:s10] =	ssyncset.done $0x0  }
0x552: {  	[sflag:s10] =	ssyncadd.s32 $0xFFFFFE00  }
0x553: {  	_ =	swait.ge [sflag:s10], $0x200  }
0x554: {  	[sflag:s10] =	ssyncset.done $0x0  }
0x555: {  	[sflag:s10] =	ssyncadd.s32 $0xFFFFFE00  }
0x556: {  	_ =	swait.ge [sflag:s10], $0x200  }
0x557: {  	[sflag:s10] =	ssyncset.done $0x0  }
0x558: {  	[sflag:s10] =	ssyncadd.s32 $0xFFFFFE00  }
0x559: {  	_ =	swait.ge [sflag:s10], $0x200  }
0x55a: {  	[sflag:s10] =	ssyncset.done $0x0  }
0x55b: {  	[sflag:s10] =	ssyncadd.s32 $0xFFFFFE00  }
0x55c: {  	_ =	swait.ge [sflag:s10], $0x200  }
0x55d: {  	[sflag:s10] =	ssyncset.done $0x0  }
0x55e: {  	s26 =	simm.s32 $0x0;
	s28 =	sld [smem:$0x7E5];
	[sflag:s10] =	ssyncadd.s32 $0xFFFFFE00  }
0x55f: {  	[tilespmem:s8], [sflag:$0x2] =	stream.indirect.gather [spmem:s14], $0x1, s26, s12, $0xb8;
	[tilespmem:$0x146A8] =	vst v63  }
0x560: {  	_ = 	snop  }
0x561: {  	[tilespmem:s12], [sflag:$0x1] =	stream.linear.gather [hbm4b:s28+s26], $0x200, $0x38;
	[tilespmem:$0x146A8] =	vst v63  }
0x562: {  	s28 =	sld [smem:$0x7E6];
	_ =	sdelay $0x2  }
0x563: {  	[tilespmem:s13], [sflag:$0x1] =	stream.linear.gather [hbm4b:s28+s26], $0x200, $0x38;
	[tilespmem:$0x146A8] =	vst v63  }
0x564: {  	s28 =	sld [smem:$0x7E7];
	_ =	sdelay $0x2  }
0x565: {  	[tilespmem:s17], [sflag:$0x1] =	stream.linear.gather [hbm4b:s28+s26], $0x200, $0x38;
	[tilespmem:$0x146A8] =	vst v63  }
0x566: {  	s28 =	sld [smem:$0x7E8];
	_ =	sdelay $0x2  }
0x567: {  	[tilespmem:s15], [sflag:$0x1] =	stream.linear.gather [hbm4b:s28+s26], $0x200, $0x38;
	[tilespmem:$0x146A8] =	vst v63  }
0x568: {  	s28 =	sld [smem:$0x7E9];
	_ =	sdelay $0x2  }
0x569: {  	[tilespmem:s16], [sflag:$0x1] =	stream.linear.gather [hbm4b:s28+s26], $0x200, $0x38;
	[tilespmem:$0x146A8] =	vst v63  }
0x56a: {  	s28 =	sld [smem:$0x7EA];
	_ =	sdelay $0x2  }
0x56b: {  	[tilespmem:s18], [sflag:$0x1] =	stream.linear.gather [hbm4b:s28+s26], $0x200, $0x38;
	[tilespmem:$0x146A8] =	vst v63  }
0x56c: {  	s28 =	sld [smem:$0x7EB];
	_ =	sdelay $0x2  }
0x56d: {  	[tilespmem:s19], [sflag:$0x1] =	stream.linear.gather [hbm4b:s28+s26], $0x200, $0x38;
	[tilespmem:$0x146A8] =	vst v63  }
0x56e: {  	s28 =	sld [smem:$0x7EC];
	_ =	sdelay $0x2  }
0x56f: {  	[tilespmem:s20], [sflag:$0x1] =	stream.linear.gather [hbm4b:s28+s26], $0x200, $0x38;
	[tilespmem:$0x146A8] =	vst v63  }
0x570: {  	s28 =	sld [smem:$0x7ED];
	_ =	sdelay $0x2  }
0x571: {  	[tilespmem:s21], [sflag:$0x1] =	stream.linear.gather [hbm4b:s28+s26], $0x200, $0x38;
	[tilespmem:$0x146A8] =	vst v63  }
0x572: {  	s28 =	sld [smem:$0x7EE];
	_ =	sdelay $0x2  }
0x573: {  	[tilespmem:s22], [sflag:$0x1] =	stream.linear.gather [hbm4b:s28+s26], $0x200, $0x38;
	[tilespmem:$0x146A8] =	vst v63  }
0x574: {  	s26 =	sand.u32 $0x1F0, s26  }
0x575: {  	s28 =	simm.s32 $0x3C00;
	v0 =	vld [tilespmem:s26+$0x3E00]  }
0x576: {  	v1 =	vld [tilespmem:s28+$0x0];
	_ =	sdelay $0x1  }
0x577: {  	v2 =	vld [tilespmem:s26+$0x4000];
	_ =	sdelay $0x1  }
0x578: {  	v3 =	vld [tilespmem:s26+$0x4200]  }
0x579: {  	v0 =	vadd.f32 v0, v1  }
0x57a: {  	v1 =	vld [tilespmem:s26+$0x4400]  }
0x57b: {  	v0 =	vadd.f32 v2, v0  }
0x57c: {  	v2 =	vld [tilespmem:s26+$0x4600]  }
0x57d: {  	v0 =	vadd.f32 v3, v0  }
0x57e: {  	v3 =	vld [tilespmem:s26+$0x4800]  }
0x57f: {  	v0 =	vadd.f32 v1, v0  }
0x580: {  	v1 =	vld [tilespmem:s26+$0x4A00]  }
0x581: {  	v0 =	vadd.f32 v2, v0  }
0x582: {  	v2 =	vld [tilespmem:s26+$0x4C00]  }
0x583: {  	v0 =	vadd.f32 v3, v0  }
0x584: {  	v3 =	vld [tilespmem:s26+$0x4E00]  }
0x585: {  	s26 =	simm.s32 $0x5000;
	v0 =	vadd.f32 v1, v0  }
0x586: {  	v1 =	vld [tilespmem:s26+$0x0]  }
0x587: {  	v0 =	vadd.f32 v2, v0;
	_ =	sdelay $0x1  }
0x588: {  	v0 =	vadd.f32 v3, v0;
	_ =	sdelay $0x1  }
0x589: {  	v0 =	vadd.f32 v0, v1  }
0x58a: {  	s28 =	simm.s32 $0x10  }
0x58b: {  	s28 =	sand.u32 $0x1F0, s28;
	[tilespmem:s26+$0x0] =	vst v0  }
0x58c: {  	s30 =	simm.s32 $0x20;
	s29 =	simm.s32 $0x3C10;
	v0 =	vld [tilespmem:s28+$0x3E00]  }
.LBB2_19:
0x58d: {  	p2 =	sne.s32 s30, $0x1F0;
	v1 =	vld [tilespmem:s29+$0x0];
	_ =	sdelay $0x1  }
0x58e: {  	v2 =	vld [tilespmem:s28+$0x4000];
	_ =	sdelay $0x1  }
0x58f: {  	v3 =	vld [tilespmem:s28+$0x4200]  }
0x590: {  	v0 =	vadd.f32 v0, v1  }
0x591: {  	v1 =	vld [tilespmem:s28+$0x4400]  }
0x592: {  	v0 =	vadd.f32 v2, v0  }
0x593: {  	v2 =	vld [tilespmem:s28+$0x4600]  }
0x594: {  	v0 =	vadd.f32 v3, v0  }
0x595: {  	v3 =	vld [tilespmem:s28+$0x4800]  }
0x596: {  	v0 =	vadd.f32 v1, v0  }
0x597: {  	v1 =	vld [tilespmem:s28+$0x4A00]  }
0x598: {  	v0 =	vadd.f32 v2, v0  }
0x599: {  	v2 =	vld [tilespmem:s28+$0x4C00]  }
0x59a: {  	v0 =	vadd.f32 v3, v0  }
0x59b: {  	v3 =	vld [tilespmem:s28+$0x4E00]  }
0x59c: {  	s26 =	sadd.s32 $0x10, s26;
	v0 =	vadd.f32 v1, v0  }
0x59d: {  	v1 =	vld [tilespmem:s26+$0x0]  }
0x59e: {  	v0 =	vadd.f32 v2, v0;
	_ =	sdelay $0x1  }
0x59f: {  	v0 =	vadd.f32 v3, v0  }
.Ltmp9:
0x5a0: {  	(pc) =	sbr.rel @p2 .LBB2_19-.Ltmp9, $3  }
0x5a1: {  	v0 =	vadd.f32 v0, v1;
	_ =	sdelay $0x1  }
0x5a2: {  	s28 =	sand.u32 $0x1F0, s30;
	[tilespmem:s26+$0x0] =	vst v0  }
0x5a3: {  	s29 =	sadd.s32 $0x10, s29;
	s30 =	sadd.s32 $0x10, s30;
	v0 =	vld [tilespmem:s28+$0x3E00]  }
0x5a4: {  	v1 =	vld [tilespmem:s29+$0x0];
	_ =	sdelay $0x1  }
0x5a5: {  	v2 =	vld [tilespmem:s28+$0x4000];
	_ =	sdelay $0x1  }
0x5a6: {  	v3 =	vld [tilespmem:s28+$0x4200]  }
0x5a7: {  	v0 =	vadd.f32 v0, v1  }
0x5a8: {  	v1 =	vld [tilespmem:s28+$0x4400]  }
0x5a9: {  	v0 =	vadd.f32 v2, v0  }
0x5aa: {  	v2 =	vld [tilespmem:s28+$0x4600]  }
0x5ab: {  	v0 =	vadd.f32 v3, v0  }
0x5ac: {  	v3 =	vld [tilespmem:s28+$0x4800]  }
0x5ad: {  	v0 =	vadd.f32 v1, v0  }
0x5ae: {  	v1 =	vld [tilespmem:s28+$0x4A00]  }
0x5af: {  	v0 =	vadd.f32 v2, v0  }
0x5b0: {  	v2 =	vld [tilespmem:s28+$0x4C00]  }
0x5b1: {  	v0 =	vadd.f32 v3, v0  }
0x5b2: {  	v3 =	vld [tilespmem:s28+$0x4E00]  }
0x5b3: {  	s26 =	sadd.s32 $0x10, s26;
	v0 =	vadd.f32 v1, v0  }
0x5b4: {  	v1 =	vld [tilespmem:s26+$0x0]  }
0x5b5: {  	v0 =	vadd.f32 v2, v0;
	_ =	sdelay $0x1  }
0x5b6: {  	v0 =	vadd.f32 v3, v0;
	_ =	sdelay $0x1  }
0x5b7: {  	v0 =	vadd.f32 v0, v1;
	_ =	sdelay $0x1  }
0x5b8: {  	[tilespmem:s26+$0x0] =	vst v0  }
0x5b9: {  	_ =	swait.ge [sflag:s23], $0x1400  }
0x5ba: {  	[sflag:s23] =	ssyncset.done $0x0  }
0x5bb: {  	[sflag:s23] =	ssyncadd.s32 $0xFFFFEC00  }
0x5bc: {  	_ =	swait.ge [sflag:s10], $0x200  }
0x5bd: {  	[sflag:s10] =	ssyncset.done $0x0  }
0x5be: {  	[sflag:s10] =	ssyncadd.s32 $0xFFFFFE00  }
0x5bf: {  	_ =	swait.ge [sflag:s10], $0x200  }
0x5c0: {  	[sflag:s10] =	ssyncset.done $0x0  }
0x5c1: {  	[sflag:s10] =	ssyncadd.s32 $0xFFFFFE00  }
0x5c2: {  	_ =	swait.ge [sflag:s10], $0x200  }
0x5c3: {  	[sflag:s10] =	ssyncset.done $0x0  }
0x5c4: {  	[sflag:s10] =	ssyncadd.s32 $0xFFFFFE00  }
0x5c5: {  	_ =	swait.ge [sflag:s10], $0x200  }
0x5c6: {  	[sflag:s10] =	ssyncset.done $0x0  }
0x5c7: {  	[sflag:s10] =	ssyncadd.s32 $0xFFFFFE00  }
0x5c8: {  	_ =	swait.ge [sflag:s10], $0x200  }
0x5c9: {  	[sflag:s10] =	ssyncset.done $0x0  }
0x5ca: {  	[sflag:s10] =	ssyncadd.s32 $0xFFFFFE00  }
0x5cb: {  	_ =	swait.ge [sflag:s10], $0x200  }
0x5cc: {  	[sflag:s10] =	ssyncset.done $0x0  }
0x5cd: {  	[sflag:s10] =	ssyncadd.s32 $0xFFFFFE00  }
0x5ce: {  	_ =	swait.ge [sflag:s10], $0x200  }
0x5cf: {  	[sflag:s10] =	ssyncset.done $0x0  }
0x5d0: {  	[sflag:s10] =	ssyncadd.s32 $0xFFFFFE00  }
0x5d1: {  	_ =	swait.ge [sflag:s10], $0x200  }
0x5d2: {  	[sflag:s10] =	ssyncset.done $0x0  }
0x5d3: {  	[sflag:s10] =	ssyncadd.s32 $0xFFFFFE00  }
0x5d4: {  	_ =	swait.ge [sflag:s10], $0x200  }
0x5d5: {  	[sflag:s10] =	ssyncset.done $0x0  }
0x5d6: {  	[sflag:s10] =	ssyncadd.s32 $0xFFFFFE00  }
0x5d7: {  	_ =	swait.ge [sflag:s10], $0x200  }
0x5d8: {  	s26 =	simm.s32 $0x0;
	[sflag:s10] =	ssyncset.done $0x0  }
0x5d9: {  	s26 =	sand.u32 $0x1F0, s26;
	[sflag:s10] =	ssyncadd.s32 $0xFFFFFE00  }
0x5da: {  	[tilespmem:s24], [sflag:$0x2] =	stream.indirect.gather [spmem:s14], $0x1, s12, s12, $0xb8;
	[tilespmem:$0x146A8] =	vst v63  }
0x5db: {  	s28 =	simm.s32 $0x2800;
	v0 =	vld [tilespmem:s26+$0x2A00]  }
0x5dc: {  	v1 =	vld [tilespmem:s28+$0x0];
	_ =	sdelay $0x1  }
0x5dd: {  	v2 =	vld [tilespmem:s26+$0x2C00];
	_ =	sdelay $0x1  }
0x5de: {  	v3 =	vld [tilespmem:s26+$0x2E00]  }
0x5df: {  	v0 =	vadd.f32 v0, v1  }
0x5e0: {  	v1 =	vld [tilespmem:s26+$0x3000]  }
0x5e1: {  	v0 =	vadd.f32 v2, v0  }
0x5e2: {  	v2 =	vld [tilespmem:s26+$0x3200]  }
0x5e3: {  	v0 =	vadd.f32 v3, v0  }
0x5e4: {  	v3 =	vld [tilespmem:s26+$0x3400]  }
0x5e5: {  	v0 =	vadd.f32 v1, v0  }
0x5e6: {  	v1 =	vld [tilespmem:s26+$0x3600]  }
0x5e7: {  	v0 =	vadd.f32 v2, v0  }
0x5e8: {  	v2 =	vld [tilespmem:s26+$0x3800]  }
0x5e9: {  	v0 =	vadd.f32 v3, v0  }
0x5ea: {  	v3 =	vld [tilespmem:s26+$0x3A00]  }
0x5eb: {  	s26 =	simm.s32 $0x5000;
	v0 =	vadd.f32 v1, v0  }
0x5ec: {  	v1 =	vld [tilespmem:s26+$0x0]  }
0x5ed: {  	v0 =	vadd.f32 v2, v0;
	_ =	sdelay $0x1  }
0x5ee: {  	v0 =	vadd.f32 v3, v0;
	_ =	sdelay $0x1  }
0x5ef: {  	v0 =	vadd.f32 v0, v1  }
0x5f0: {  	s28 =	simm.s32 $0x10  }
0x5f1: {  	s28 =	sand.u32 $0x1F0, s28;
	[tilespmem:s26+$0x0] =	vst v0  }
0x5f2: {  	s30 =	simm.s32 $0x20;
	s29 =	simm.s32 $0x2810;
	v0 =	vld [tilespmem:s28+$0x2A00]  }
.LBB2_21:
0x5f3: {  	p2 =	sne.s32 s30, $0x1F0;
	v1 =	vld [tilespmem:s29+$0x0];
	_ =	sdelay $0x1  }
0x5f4: {  	v2 =	vld [tilespmem:s28+$0x2C00];
	_ =	sdelay $0x1  }
0x5f5: {  	v3 =	vld [tilespmem:s28+$0x2E00]  }
0x5f6: {  	v0 =	vadd.f32 v0, v1  }
0x5f7: {  	v1 =	vld [tilespmem:s28+$0x3000]  }
0x5f8: {  	v0 =	vadd.f32 v2, v0  }
0x5f9: {  	v2 =	vld [tilespmem:s28+$0x3200]  }
0x5fa: {  	v0 =	vadd.f32 v3, v0  }
0x5fb: {  	v3 =	vld [tilespmem:s28+$0x3400]  }
0x5fc: {  	v0 =	vadd.f32 v1, v0  }
0x5fd: {  	v1 =	vld [tilespmem:s28+$0x3600]  }
0x5fe: {  	v0 =	vadd.f32 v2, v0  }
0x5ff: {  	v2 =	vld [tilespmem:s28+$0x3800]  }
0x600: {  	v0 =	vadd.f32 v3, v0  }
0x601: {  	v3 =	vld [tilespmem:s28+$0x3A00]  }
0x602: {  	s26 =	sadd.s32 $0x10, s26;
	v0 =	vadd.f32 v1, v0  }
0x603: {  	v1 =	vld [tilespmem:s26+$0x0]  }
0x604: {  	v0 =	vadd.f32 v2, v0;
	_ =	sdelay $0x1  }
0x605: {  	v0 =	vadd.f32 v3, v0  }
.Ltmp10:
0x606: {  	(pc) =	sbr.rel @p2 .LBB2_21-.Ltmp10, $3  }
0x607: {  	v0 =	vadd.f32 v0, v1;
	_ =	sdelay $0x1  }
0x608: {  	s28 =	sand.u32 $0x1F0, s30;
	[tilespmem:s26+$0x0] =	vst v0  }
0x609: {  	s29 =	sadd.s32 $0x10, s29;
	s30 =	sadd.s32 $0x10, s30;
	v0 =	vld [tilespmem:s28+$0x2A00]  }
0x60a: {  	v1 =	vld [tilespmem:s29+$0x0];
	_ =	sdelay $0x1  }
0x60b: {  	v2 =	vld [tilespmem:s28+$0x2C00];
	_ =	sdelay $0x1  }
0x60c: {  	v3 =	vld [tilespmem:s28+$0x2E00]  }
0x60d: {  	v0 =	vadd.f32 v0, v1  }
0x60e: {  	v1 =	vld [tilespmem:s28+$0x3000]  }
0x60f: {  	v0 =	vadd.f32 v2, v0  }
0x610: {  	v2 =	vld [tilespmem:s28+$0x3200]  }
0x611: {  	v0 =	vadd.f32 v3, v0  }
0x612: {  	v3 =	vld [tilespmem:s28+$0x3400]  }
0x613: {  	v0 =	vadd.f32 v1, v0  }
0x614: {  	v1 =	vld [tilespmem:s28+$0x3600]  }
0x615: {  	v0 =	vadd.f32 v2, v0  }
0x616: {  	v2 =	vld [tilespmem:s28+$0x3800]  }
0x617: {  	v0 =	vadd.f32 v3, v0  }
0x618: {  	v3 =	vld [tilespmem:s28+$0x3A00]  }
0x619: {  	s26 =	sadd.s32 $0x10, s26;
	v0 =	vadd.f32 v1, v0  }
0x61a: {  	v1 =	vld [tilespmem:s26+$0x0]  }
0x61b: {  	v0 =	vadd.f32 v2, v0;
	_ =	sdelay $0x1  }
0x61c: {  	v0 =	vadd.f32 v3, v0;
	_ =	sdelay $0x1  }
0x61d: {  	v0 =	vadd.f32 v0, v1;
	_ =	sdelay $0x1  }
0x61e: {  	[tilespmem:s26+$0x0] =	vst v0  }
0x61f: {  	_ =	swait.ge [sflag:s23], $0x1400  }
0x620: {  	s26 =	simm.s32 $0x0;
	[sflag:s23] =	ssyncset.done $0x0  }
0x621: {  	s26 =	sand.u32 $0x1F0, s26;
	[sflag:s23] =	ssyncadd.s32 $0xFFFFEC00  }
0x622: {  	s28 =	simm.s32 $0x3C00;
	v0 =	vld [tilespmem:s26+$0x3E00]  }
0x623: {  	v1 =	vld [tilespmem:s28+$0x0];
	_ =	sdelay $0x1  }
0x624: {  	v2 =	vld [tilespmem:s26+$0x4000];
	_ =	sdelay $0x1  }
0x625: {  	v3 =	vld [tilespmem:s26+$0x4200]  }
0x626: {  	v0 =	vadd.f32 v0, v1  }
0x627: {  	v1 =	vld [tilespmem:s26+$0x4400]  }
0x628: {  	v0 =	vadd.f32 v2, v0  }
0x629: {  	v2 =	vld [tilespmem:s26+$0x4600]  }
0x62a: {  	v0 =	vadd.f32 v3, v0  }
0x62b: {  	v3 =	vld [tilespmem:s26+$0x4800]  }
0x62c: {  	v0 =	vadd.f32 v1, v0  }
0x62d: {  	v1 =	vld [tilespmem:s26+$0x4A00]  }
0x62e: {  	v0 =	vadd.f32 v2, v0  }
0x62f: {  	v2 =	vld [tilespmem:s26+$0x4C00]  }
0x630: {  	v0 =	vadd.f32 v3, v0  }
0x631: {  	v3 =	vld [tilespmem:s26+$0x4E00]  }
0x632: {  	s26 =	simm.s32 $0x5000;
	v0 =	vadd.f32 v1, v0  }
0x633: {  	v1 =	vld [tilespmem:s26+$0x0]  }
0x634: {  	v0 =	vadd.f32 v2, v0;
	_ =	sdelay $0x1  }
0x635: {  	v0 =	vadd.f32 v3, v0;
	_ =	sdelay $0x1  }
0x636: {  	v0 =	vadd.f32 v0, v1  }
0x637: {  	s28 =	simm.s32 $0x10  }
0x638: {  	s28 =	sand.u32 $0x1F0, s28;
	[tilespmem:s26+$0x0] =	vst v0  }
0x639: {  	s30 =	simm.s32 $0x20;
	s29 =	simm.s32 $0x3C10;
	v0 =	vld [tilespmem:s28+$0x3E00]  }
.LBB2_23:
0x63a: {  	p2 =	sne.s32 s30, $0x1F0;
	v1 =	vld [tilespmem:s29+$0x0];
	_ =	sdelay $0x1  }
0x63b: {  	v2 =	vld [tilespmem:s28+$0x4000];
	_ =	sdelay $0x1  }
0x63c: {  	v3 =	vld [tilespmem:s28+$0x4200]  }
0x63d: {  	v0 =	vadd.f32 v0, v1  }
0x63e: {  	v1 =	vld [tilespmem:s28+$0x4400]  }
0x63f: {  	v0 =	vadd.f32 v2, v0  }
0x640: {  	v2 =	vld [tilespmem:s28+$0x4600]  }
0x641: {  	v0 =	vadd.f32 v3, v0  }
0x642: {  	v3 =	vld [tilespmem:s28+$0x4800]  }
0x643: {  	v0 =	vadd.f32 v1, v0  }
0x644: {  	v1 =	vld [tilespmem:s28+$0x4A00]  }
0x645: {  	v0 =	vadd.f32 v2, v0  }
0x646: {  	v2 =	vld [tilespmem:s28+$0x4C00]  }
0x647: {  	v0 =	vadd.f32 v3, v0  }
0x648: {  	v3 =	vld [tilespmem:s28+$0x4E00]  }
0x649: {  	s26 =	sadd.s32 $0x10, s26;
	v0 =	vadd.f32 v1, v0  }
0x64a: {  	v1 =	vld [tilespmem:s26+$0x0]  }
0x64b: {  	v0 =	vadd.f32 v2, v0;
	_ =	sdelay $0x1  }
0x64c: {  	v0 =	vadd.f32 v3, v0  }
.Ltmp11:
0x64d: {  	(pc) =	sbr.rel @p2 .LBB2_23-.Ltmp11, $3  }
0x64e: {  	v0 =	vadd.f32 v0, v1;
	_ =	sdelay $0x1  }
0x64f: {  	s28 =	sand.u32 $0x1F0, s30;
	[tilespmem:s26+$0x0] =	vst v0  }
0x650: {  	s29 =	sadd.s32 $0x10, s29;
	s30 =	sadd.s32 $0x10, s30;
	v0 =	vld [tilespmem:s28+$0x3E00]  }
0x651: {  	v1 =	vld [tilespmem:s29+$0x0];
	_ =	sdelay $0x1  }
0x652: {  	v2 =	vld [tilespmem:s28+$0x4000];
	_ =	sdelay $0x1  }
0x653: {  	v3 =	vld [tilespmem:s28+$0x4200]  }
0x654: {  	v0 =	vadd.f32 v0, v1  }
0x655: {  	v57 =	vld [tilespmem:s28+$0x4400]  }
0x656: {  	v0 =	vadd.f32 v2, v0  }
0x657: {  	v58 =	vld [tilespmem:s28+$0x4600]  }
0x658: {  	v0 =	vadd.f32 v3, v0  }
0x659: {  	v59 =	vld [tilespmem:s28+$0x4800]  }
0x65a: {  	v0 =	vadd.f32 v57, v0  }
0x65b: {  	v60 =	vld [tilespmem:s28+$0x4A00]  }
0x65c: {  	v0 =	vadd.f32 v58, v0  }
0x65d: {  	v61 =	vld [tilespmem:s28+$0x4C00]  }
0x65e: {  	v0 =	vadd.f32 v59, v0  }
0x65f: {  	v62 =	vld [tilespmem:s28+$0x4E00]  }
0x660: {  	s26 =	sadd.s32 $0x10, s26;
	v0 =	vadd.f32 v60, v0  }
0x661: {  	v63 =	vld [tilespmem:s26+$0x0]  }
0x662: {  	v0 =	vadd.f32 v61, v0;
	_ =	sdelay $0x1  }
0x663: {  	v0 =	vadd.f32 v62, v0;
	_ =	sdelay $0x1  }
0x664: {  	v0 =	vadd.f32 v0, v63;
	_ =	sdelay $0x1  }
0x665: {  	s30 =	rddreg [dreg:$0x11];
	s29 =	simm.s32 $0x5000;
	[tilespmem:s26+$0x0] =	vst v0  }
0x666: {  	[hbm4b:s30+s1] =	stream.linear.scatter [tilespmem:s29], [sflag:$0x3], $0x200, $0x38;
	[tilespmem:$0x146A8] =	vst v63  }
0x667: {  	_ =	swait.ge [sflag:s9], $0x200  }
0x668: {  	s30 =	sld [smem:$0x7EF];
	_ =	sdelay $0x1  }
0x669: {  	s25 =	sadd.s32 $0x1, s25  }
0x66a: {  	p2 =	sne.s32 s25, s30  }
.Ltmp12:
0x66b: {  	_ = 	snop;
	(pc) =	sbr.rel @p2 .LBB2_1-.Ltmp12, $3  }
0x66c: {  	_ =	sdelay $0x1  }
0x66d: {  	[sflag:s9] =	ssyncset.done $0x0  }
0x66e: {  	[sflag:s9] =	ssyncadd.s32 $0xFFFFFE00  }
0x66f: {  	_ =	sfence.sel $0x180000  }
0x670: {  	[bflag:$0x0] =	sbarrier.arrive $0xFFFF  }
0x671: {  	_ =	strace $0x90000047  }
0x672: {  	s0 =	stileid.u32;
	[bflag:$0x2] =	sbarrier.arrive $0xFFFF  }
0x673: {  	p0 =	sne.s32 s0, $0x0;
	s0 =	rddreg [dreg:$0x3]  }
0x674: {  	s0 =	sadd.s32 @!p0 $0x100000, s0  }
0x675: {  	[sflag:s0] =	ssyncadd.tile.s32 @!p0 $0x1;
	_ =	shalt  }
.Lfunc_end2:
_tile_overlayer_lowered:
.L_overlay_start_2:
0x676: {  	(tag) =	ssettag $0x2  }
0x677: {  	s0 =	rddreg [dreg:$0x0];
	s2 =	stileid.u32  }
0x678: {  	s1 =	rddreg [dreg:$0x1];
	p0 =	sne.s32 s2, $0x0  }
0x679: {  	s3 =	rddreg [dreg:$0x2];
	[bflag:$0x3] =	sbarrier.arrive $0xFFFF;
	s2 =	simm.s32 @!p0 $0x1C03  }
0x67a: {  	[timem:s3], [sflag:s2] =	dma.local @!p0 [hbm:s0], s1  }
0x67b: {  	s0 =	simm.s32 @!p0 $0x3  }
0x67c: {  	_ =	swait.ge @!p0 [sflag:s0], s1  }
0x67d: {  	s1 =	ssub.s32 @!p0 $0x0, s1;
	[sflag:s0] =	ssyncset.done @!p0 $0x0  }
0x67e: {  	[sflag:s0] =	ssyncadd.s32 @!p0 s1  }
0x67f: {  	[bflag:$0x3] =	sbarrier.arrive $0xFFFF  }
0x680: {  	_ =	shalt  }

</sc_bundles>
